<compile_context>
chip_gen: v7x
topology: tpu7x:2x2x1
jax: 0.10.2.dev20260603
libtpu: 0.0.44.dev20260713+nightly
codegen_flags: <defaults>
</compile_context>

<pallas_src>
import functools

import jax
import jax.numpy as jnp
from jax import lax
from jax.experimental import pallas as pl
from jax.experimental.pallas import tpu as pltpu
from jax.experimental.pallas import tpu_sc as plsc

N = 10000
IN = 256
H = 512
L = 256
E = 160000

NC, NS = 2, 16
NW = NC * NS
EB = 128
EPT = 5120
BPT = EPT // EB
E_PAD = NW * EPT
EBP = 64
EPT_S = E_PAD // NS
BPT_S = EPT_S // EBP
NA = 10112
RPA = NA // NS
NP = 10240
RPT = NP // NS
BN = 640
GRID = NP // BN

def _mesh():
    return plsc.VectorSubcoreMesh(core_axis_name="c", subcore_axis_name="s",
                                  num_cores=NC, num_subcores=NS)



def _deg_body(dst2_hbm, ones_hbm, zeros_hbm, deg_hbm, idx_v, ones_v, acc_sh):
    c = lax.axis_index("c")
    s = lax.axis_index("s")
    wid = s * NC + c
    pltpu.sync_copy(ones_hbm, ones_v)
    pltpu.sync_copy(zeros_hbm.at[pl.ds(s * RPT, RPT)],
                    acc_sh.at[pl.ds(s * RPT, RPT)])
    pltpu.sync_copy(dst2_hbm.at[pl.ds(wid * BPT, BPT)], idx_v)
    plsc.subcore_barrier()

    def body(b, carry):
        pltpu.sync_copy(ones_v, acc_sh.at[idx_v.at[b]], add=True)
        return carry

    lax.fori_loop(0, BPT, body, 0)
    plsc.subcore_barrier()
    pltpu.sync_copy(acc_sh.at[pl.ds(s * RPT, RPT)],
                    deg_hbm.at[c].at[pl.ds(s * RPT, RPT)])


def _sc_degrees(dst2):
    ones = jnp.ones((EB, 128), jnp.float32)
    zeros = jnp.zeros((NP, 128), jnp.float32)
    return pl.kernel(
        _deg_body,
        out_type=jax.ShapeDtypeStruct((NC, NP, 128), jnp.float32),
        mesh=_mesh(),
        scratch_types=[
            pltpu.VMEM((BPT, EB), jnp.int32),
            pltpu.VMEM((EB, 128), jnp.float32),
            pltpu.VMEM_SHARED((NP, 128), jnp.float32),
        ],
    )(dst2, ones, zeros)


def _prop_body(nqh, u_hbm, src1_hbm, dst1_hbm, out_hbm,
               sidx_v, dia0, dia1, dia2, dia3, r0, r1, r2, r3, acc_sh,
               sg0, sg1, sg2, sg3, si0, si1, si2, si3):
    c = lax.axis_index("c")
    s = lax.axis_index("s")
    pltpu.sync_copy(src1_hbm.at[pl.ds(s * EPT_S, EPT_S)], sidx_v)
    dia = (dia0, dia1, dia2, dia3)
    rows = (r0, r1, r2, r3)
    sg = (sg0, sg1, sg2, sg3)
    si = (si0, si1, si2, si3)

    def gidx(b):
        return sidx_v.at[pl.ds(b * EBP, EBP)]

    for j in range(nqh):
        q = c * nqh + j
        uq = u_hbm.at[q]
        pltpu.sync_copy(uq.at[pl.ds(s * RPA, RPA)],
                        acc_sh.at[pl.ds(s * RPA, RPA)])
        plsc.subcore_barrier()

        for k in range(4):
            pltpu.async_copy(uq.at[gidx(k)], rows[k], sg[k])
            pltpu.async_copy(
                dst1_hbm.at[pl.ds(s * EPT_S + k * EBP, EBP)], dia[k], si[k])

        def body(i, carry):
            for k in range(4):
                b = i * 4 + k
                pltpu.make_async_copy(uq.at[gidx(b)], rows[k], sg[k]).wait()
                pltpu.make_async_copy(
                    dst1_hbm.at[pl.ds(0, EBP)], dia[k], si[k]).wait()
                pltpu.sync_copy(rows[k], acc_sh.at[dia[k]], add=True)

                @pl.when(b + 4 < BPT_S)
                def _():
                    pltpu.async_copy(uq.at[gidx(b + 4)], rows[k], sg[k])
                    pltpu.async_copy(
                        dst1_hbm.at[pl.ds(s * EPT_S + (b + 4) * EBP, EBP)],
                        dia[k], si[k])
            return carry

        lax.fori_loop(0, BPT_S // 4, body, 0)
        plsc.subcore_barrier()
        pltpu.sync_copy(acc_sh.at[pl.ds(s * RPA, RPA)],
                        out_hbm.at[q].at[pl.ds(s * RPA, RPA)])
        plsc.subcore_barrier()


def _sc_prop(u, src1, dst1):
    nq = u.shape[0]
    return pl.kernel(
        functools.partial(_prop_body, nq // NC),
        out_type=jax.ShapeDtypeStruct((nq, NP, 128), jnp.float32),
        mesh=_mesh(),
        scratch_types=[
            pltpu.VMEM((EPT_S,), jnp.int32),
            pltpu.VMEM((EBP,), jnp.int32),
            pltpu.VMEM((EBP,), jnp.int32),
            pltpu.VMEM((EBP,), jnp.int32),
            pltpu.VMEM((EBP,), jnp.int32),
            pltpu.VMEM((EBP, 128), jnp.float32),
            pltpu.VMEM((EBP, 128), jnp.float32),
            pltpu.VMEM((EBP, 128), jnp.float32),
            pltpu.VMEM((EBP, 128), jnp.float32),
            pltpu.VMEM_SHARED((NA, 128), jnp.float32),
        ] + [pltpu.SemaphoreType.DMA] * 8,
    )(u, src1, dst1)



def _row_spec(shape):
    nd = len(shape)
    if nd == 2:
        return pl.BlockSpec((BN, shape[1]), lambda i: (i, 0))
    return pl.BlockSpec((shape[0], BN, shape[2]), lambda i: (0, i, 0))


def _full_spec(shape):
    return pl.BlockSpec(shape, lambda i: tuple(0 for _ in shape))


def _bdot(a, w):
    return jnp.dot(a.astype(jnp.bfloat16), w.astype(jnp.bfloat16),
                   preferred_element_type=jnp.float32)


def _ln_relu(v, g, n):
    mu = jnp.mean(v, axis=-1, keepdims=True)
    var = jnp.mean((v - mu) * (v - mu), axis=-1, keepdims=True)
    h = (v - mu) * lax.rsqrt(var + 1e-5) * g + n
    return jnp.maximum(h, 0.0)


def _kin_body(tf_ref, x_ref, deg_ref, wt1_ref, bt1_ref, wt2_ref, bt2_ref,
              wc1_ref, u_ref, dinv_ref):
    d = deg_ref[0, :, 0] + deg_ref[1, :, 0]
    dinv = lax.rsqrt(1.0 + d)[:, None]
    dinv_ref[...] = dinv
    a = tf_ref[...] * wt1_ref[...] + bt1_ref[...]
    a = a * jax.nn.sigmoid(a)
    temb = _bdot(a, wt2_ref[...]) + bt2_ref[...]
    u = _bdot(x_ref[...], wc1_ref[0:IN, :]) + _bdot(temb, wc1_ref[IN:2 * IN, :])
    u = u * dinv
    for q in range(4):
        u_ref[q] = u[:, q * 128:(q + 1) * 128]


def _tc_in(tf, x, deg2, wt1, bt1, wt2, bt2, wc1):
    return pl.pallas_call(
        _kin_body,
        grid=(GRID,),
        in_specs=[_row_spec(tf.shape), _row_spec(x.shape), _row_spec(deg2.shape),
                  _full_spec(wt1.shape), _full_spec(bt1.shape),
                  _full_spec(wt2.shape), _full_spec(bt2.shape),
                  _full_spec(wc1.shape)],
        out_specs=[_row_spec((4, NP, 128)), _row_spec((NP, 1))],
        out_shape=[jax.ShapeDtypeStruct((4, NP, 128), jnp.float32),
                   jax.ShapeDtypeStruct((NP, 1), jnp.float32)],
    )(tf, x, deg2, wt1, bt1, wt2, bt2, wc1)


def _kmid_body(nq_in, nq_out, has_skip, emit_h, *refs):
    s_ref, dinv_ref, b_ref, g_ref, n_ref, w_ref = refs[:6]
    refs = refs[6:]
    if has_skip:
        skip_ref, refs = refs[0], refs[1:]
    u_ref = refs[0]
    v = jnp.concatenate([s_ref[q] for q in range(nq_in)], axis=-1)
    v = v * dinv_ref[...] + b_ref[...]
    h = _ln_relu(v, g_ref[...], n_ref[...])
    if has_skip:
        h = h + skip_ref[...]
    if emit_h:
        refs[1][...] = h
    u = _bdot(h, w_ref[...]) * dinv_ref[...]
    for q in range(nq_out):
        u_ref[q] = u[:, q * 128:(q + 1) * 128]


def _tc_mid(s, dinv, b, g, n, w, skip=None, emit_h=False):
    nq_in = s.shape[0]
    nq_out = w.shape[1] // 128
    din = nq_in * 128
    ins = [s, dinv, b, g, n, w]
    in_specs = [_row_spec(s.shape), _row_spec(dinv.shape),
                _full_spec(b.shape), _full_spec(g.shape), _full_spec(n.shape),
                _full_spec(w.shape)]
    if skip is not None:
        ins.append(skip)
        in_specs.append(_row_spec(skip.shape))
    out_specs = [_row_spec((nq_out, NP, 128))]
    out_shape = [jax.ShapeDtypeStruct((nq_out, NP, 128), jnp.float32)]
    if emit_h:
        out_specs.append(_row_spec((NP, din)))
        out_shape.append(jax.ShapeDtypeStruct((NP, din), jnp.float32))
    res = pl.pallas_call(
        functools.partial(_kmid_body, nq_in, nq_out, skip is not None, emit_h),
        grid=(GRID,),
        in_specs=in_specs,
        out_specs=out_specs,
        out_shape=out_shape,
    )(*ins)
    return res if emit_h else res[0]


def _kout_body(s_ref, dinv_ref, b_ref, g_ref, n_ref, wm1_ref, bm1_ref,
               wm2_ref, bm2_ref, o_ref):
    v = jnp.concatenate([s_ref[0], s_ref[1]], axis=-1)
    v = v * dinv_ref[...] + b_ref[...]
    h = _ln_relu(v, g_ref[...], n_ref[...])
    z = jnp.maximum(_bdot(h, wm1_ref[...]) + bm1_ref[...], 0.0)
    o_ref[...] = _bdot(z, wm2_ref[...]) + bm2_ref[...]


def _tc_out(s, dinv, b, g, n, wm1, bm1, wm2, bm2):
    return pl.pallas_call(
        _kout_body,
        grid=(GRID,),
        in_specs=[_row_spec(s.shape), _row_spec(dinv.shape),
                  _full_spec(b.shape), _full_spec(g.shape), _full_spec(n.shape),
                  _full_spec(wm1.shape), _full_spec(bm1.shape),
                  _full_spec(wm2.shape), _full_spec(bm2.shape)],
        out_specs=_row_spec((NP, IN)),
        out_shape=jax.ShapeDtypeStruct((NP, IN), jnp.float32),
    )(s, dinv, b, g, n, wm1, bm1, wm2, bm2)



def kernel(x, edge_index, t, Wt1, bt1, Wt2, bt2, Wc1, bc1, g1, n1, Wc2, bc2,
           g2, n2, Wd1, bd1, g3, n3, Wd2, bd2, g4, n4, Wm1, bm1, Wm2, bm2):
    src = edge_index[0]
    dst = edge_index[1]
    pad = E_PAD - E
    src1 = jnp.concatenate([src, jnp.zeros((pad,), src.dtype)])
    dst1 = jnp.concatenate([dst, jnp.full((pad,), N, dst.dtype)])
    dst2 = dst1.reshape(E_PAD // EB, EB)
    tf = jnp.pad(t.reshape(-1, 1).astype(jnp.float32), ((0, NP - N), (0, 0)))
    x = jnp.pad(x, ((0, NP - N), (0, 0)))

    r = lambda a: a.reshape(1, -1)

    deg2 = _sc_degrees(dst2)
    U1, dinv = _tc_in(tf, x, deg2, Wt1, r(bt1), Wt2, r(bt2), Wc1)
    S1 = _sc_prop(U1, src1, dst1)
    U2, h1 = _tc_mid(S1, dinv, r(bc1), r(g1), r(n1), Wc2, emit_h=True)
    S2 = _sc_prop(U2, src1, dst1)
    U3 = _tc_mid(S2, dinv, r(bc2), r(g2), r(n2), Wd1, skip=h1)
    S3 = _sc_prop(U3, src1, dst1)
    U4 = _tc_mid(S3, dinv, r(bd1), r(g3), r(n3), Wd2)
    S4 = _sc_prop(U4, src1, dst1)
    out = _tc_out(S4, dinv, r(bd2), r(g4), r(n4), Wm1, r(bm1), Wm2, r(bm2))
    return out[:N]

# --- scband reference (transcript-rebuilt; emitter-appended) ---
"""Pipeline reference for scband-ddmgraph-model-34385508171794 (READ-ONLY COPY).

The authoritative reference and input builder live on the scoring server;
editing this copy changes nothing except your own understanding.
"""

import jax, jax.numpy as jnp
import numpy as np

N = 10000
E = 160000
IN = 256
H = 512
L = 256
T_MAX = 500


def _ln(x, g, b):
    mu = jnp.mean(x, axis=-1, keepdims=True)
    var = jnp.var(x, axis=-1, keepdims=True)
    return (x - mu) / jnp.sqrt(var + 1e-5) * g + b


def _gcn(x, src, dst, W, b, n):
    # PyG GCNConv: x' = W x, add self loops, symmetric deg^{-1/2} norm, scatter-add at dst
    h = x @ W
    loop = jnp.arange(n, dtype=src.dtype)
    s = jnp.concatenate([src, loop])
    d = jnp.concatenate([dst, loop])
    deg = jax.ops.segment_sum(jnp.ones(s.shape[0], dtype=h.dtype), d, num_segments=n)
    dinv = jnp.where(deg > 0, 1.0 / jnp.sqrt(deg), 0.0)
    norm = dinv[s] * dinv[d]
    out = jax.ops.segment_sum(norm[:, None] * h[s], d, num_segments=n)
    return out + b


def setup_inputs(seed: int = 0):
    key = jax.random.key(seed)
    ks = jax.random.split(key, 16)

    def w(k, shape, fan_in):
        return jax.random.normal(k, shape, dtype=jnp.float32) * (1.0 / np.sqrt(fan_in))

    inp = {}
    inp['x'] = jax.random.normal(ks[0], (N, IN), dtype=jnp.float32)
    inp['edge_index'] = jax.random.randint(ks[1], (2, E), 0, N, dtype=jnp.int32)
    inp['t'] = jax.random.randint(ks[2], (N,), 0, T_MAX, dtype=jnp.int32)
    # time_embed: Linear(1,H) -> SiLU -> Linear(H,IN)
    inp['Wt1'] = w(ks[3], (1, H), 1)
    inp['bt1'] = jnp.zeros((H,), jnp.float32)
    inp['Wt2'] = w(ks[4], (H, IN), H)
    inp['bt2'] = jnp.zeros((IN,), jnp.float32)
    # encoder GCN layers
    inp['Wc1'] = w(ks[5], (2 * IN, H), 2 * IN)
    inp['bc1'] = jnp.zeros((H,), jnp.float32)
    inp['g1'] = jnp.ones((H,), jnp.float32)
    inp['n1'] = jnp.zeros((H,), jnp.float32)
    inp['Wc2'] = w(ks[6], (H, H), H)
    inp['bc2'] = jnp.zeros((H,), jnp.float32)
    inp['g2'] = jnp.ones((H,), jnp.float32)
    inp['n2'] = jnp.zeros((H,), jnp.float32)
    # decoder GCN layers
    inp['Wd1'] = w(ks[7], (H, H), H)
    inp['bd1'] = jnp.zeros((H,), jnp.float32)
    inp['g3'] = jnp.ones((H,), jnp.float32)
    inp['n3'] = jnp.zeros((H,), jnp.float32)
    inp['Wd2'] = w(ks[8], (H, L), H)
    inp['bd2'] = jnp.zeros((L,), jnp.float32)
    inp['g4'] = jnp.ones((L,), jnp.float32)
    inp['n4'] = jnp.zeros((L,), jnp.float32)
    # output mlp: Linear(L,H) -> ReLU -> Linear(H,IN)
    inp['Wm1'] = w(ks[9], (L, H), L)
    inp['bm1'] = jnp.zeros((H,), jnp.float32)
    inp['Wm2'] = w(ks[10], (H, IN), H)
    inp['bm2'] = jnp.zeros((IN,), jnp.float32)
    return inp


def reference(x, edge_index, t, Wt1, bt1, Wt2, bt2, Wc1, bc1, g1, n1, Wc2, bc2, g2, n2, Wd1, bd1, g3, n3, Wd2, bd2, g4, n4, Wm1, bm1, Wm2, bm2):
    tf = t.reshape(-1, 1).astype(jnp.float32)
    t_emb = jax.nn.silu(tf @ Wt1 + bt1) @ Wt2 + bt2
    h = jnp.concatenate([x, t_emb], axis=-1)
    src = edge_index[0]
    dst = edge_index[1]
    h = jax.nn.relu(_ln(_gcn(h, src, dst, Wc1, bc1, N), g1, n1))
    skip = h
    h = jax.nn.relu(_ln(_gcn(h, src, dst, Wc2, bc2, N), g2, n2))
    h = h + skip
    h = jax.nn.relu(_ln(_gcn(h, src, dst, Wd1, bd1, N), g3, n3))
    h = jax.nn.relu(_ln(_gcn(h, src, dst, Wd2, bd2, N), g4, n4))
    out = jax.nn.relu(h @ Wm1 + bm1) @ Wm2 + bm2
    return out

if __name__ == "__main__":
    import jax
    _d = setup_inputs()
    print(jax.jit(kernel)(*tuple(_d.values())))

</pallas_src>

<mosaic_0001>
#map = affine_map<(d0, d1) -> (0, 0)>
#map1 = affine_map<(d0, d1) -> (0, 0, 0)>
module attributes {stable_mosaic.version = 14 : i64} {
  func.func @_deg_body(%arg0: i32, %arg1: i32, %arg2: memref<1280x128xi32, #tpu.memory_space<hbm>>, %arg3: memref<128x128xf32, #tpu.memory_space<hbm>>, %arg4: memref<10240x128xf32, #tpu.memory_space<hbm>>, %arg5: memref<2x10240x128xf32, #tpu.memory_space<hbm>>, %arg6: memref<40x128xi32, #tpu.memory_space<vmem>>, %arg7: memref<128x128xf32, #tpu.memory_space<vmem>>, %arg8: memref<10240x128xf32, #tpu.memory_space<vmem_shared>>) attributes {dimension_semantics = [#tpu.dimension_semantics<core_parallel>, #tpu.dimension_semantics<subcore_parallel>], iteration_bounds = array<i64: 2, 16>, scalar_prefetch = 0 : i64, scratch_operands = 3 : i64, tpu.core_type = #tpu.core_type<sc_vector_subcore>, window_params = [{transform_indices = #map}, {transform_indices = #map}, {transform_indices = #map}, {transform_indices = #map1}]} {
    %mul3A = arith.constant 2 : i32
    %mul3A_0 = arith.muli %arg1, %mul3A : i32
    %add3A = arith.addi %mul3A_0, %arg0 : i32
    "tpu.region"() ({
      %run_scoped3A = tpu.sem_alloc : memref<!tpu.dma_semaphore, #tpu.memory_space<semaphore_mem>>
      tpu.enqueue_dma source(%arg3 : memref<128x128xf32, #tpu.memory_space<hbm>>) target(%arg7 : memref<128x128xf32, #tpu.memory_space<vmem>>) target_semaphore(%run_scoped3A : memref<!tpu.dma_semaphore, #tpu.memory_space<semaphore_mem>>)
      tpu.wait_dma2 semaphore(%run_scoped3A : memref<!tpu.dma_semaphore, #tpu.memory_space<semaphore_mem>>) src(%arg3 : memref<128x128xf32, #tpu.memory_space<hbm>>) dst(%arg7 : memref<128x128xf32, #tpu.memory_space<vmem>>)
      tpu.yield
    }) : () -> ()
    %mul3A_1 = arith.constant 640 : i32
    %mul3A_2 = arith.muli %arg1, %mul3A_1 : i32
    %mul3A_3 = arith.constant 640 : i32
    %mul3A_4 = arith.muli %arg1, %mul3A_3 : i32
    "tpu.region"() ({
      %run_scoped3A = tpu.sem_alloc : memref<!tpu.dma_semaphore, #tpu.memory_space<semaphore_mem>>
      %dma_start3A = arith.constant 0 : i32
      %dma_start3A_17 = tpu.memref_slice %arg8[%mul3A_4, %dma_start3A] : memref<10240x128xf32, #tpu.memory_space<vmem_shared>> -> memref<640x128xf32, #tpu.memory_space<vmem_shared>>
      %dma_start3A_18 = arith.constant 0 : i32
      %dma_start3A_19 = tpu.memref_slice %arg4[%mul3A_2, %dma_start3A_18] : memref<10240x128xf32, #tpu.memory_space<hbm>> -> memref<640x128xf32, #tpu.memory_space<hbm>>
      tpu.enqueue_dma source(%dma_start3A_19 : memref<640x128xf32, #tpu.memory_space<hbm>>) target(%dma_start3A_17 : memref<640x128xf32, #tpu.memory_space<vmem_shared>>) target_semaphore(%run_scoped3A : memref<!tpu.dma_semaphore, #tpu.memory_space<semaphore_mem>>)
      %dma_wait3A = arith.constant 0 : i32
      %dma_wait3A_20 = tpu.memref_slice %arg8[%mul3A_4, %dma_wait3A] : memref<10240x128xf32, #tpu.memory_space<vmem_shared>> -> memref<640x128xf32, #tpu.memory_space<vmem_shared>>
      %dma_wait3A_21 = arith.constant 0 : i32
      %dma_wait3A_22 = tpu.memref_slice %arg4[%mul3A_2, %dma_wait3A_21] : memref<10240x128xf32, #tpu.memory_space<hbm>> -> memref<640x128xf32, #tpu.memory_space<hbm>>
      tpu.wait_dma2 semaphore(%run_scoped3A : memref<!tpu.dma_semaphore, #tpu.memory_space<semaphore_mem>>) src(%dma_wait3A_22 : memref<640x128xf32, #tpu.memory_space<hbm>>) dst(%dma_wait3A_20 : memref<640x128xf32, #tpu.memory_space<vmem_shared>>)
      tpu.yield
    }) : () -> ()
    %mul3A_5 = arith.constant 40 : i32
    %mul3A_6 = arith.muli %add3A, %mul3A_5 : i32
    "tpu.region"() ({
      %run_scoped3A = tpu.sem_alloc : memref<!tpu.dma_semaphore, #tpu.memory_space<semaphore_mem>>
      %dma_start3A = arith.constant 0 : i32
      %dma_start3A_17 = tpu.memref_slice %arg2[%mul3A_6, %dma_start3A] : memref<1280x128xi32, #tpu.memory_space<hbm>> -> memref<40x128xi32, #tpu.memory_space<hbm>>
      %dma_start3A_18 = arith.constant 0 : i32
      %dma_start3A_19 = tpu.memref_slice %arg2[%mul3A_6, %dma_start3A_18] : memref<1280x128xi32, #tpu.memory_space<hbm>> -> memref<40x128xi32, #tpu.memory_space<hbm>>
      tpu.enqueue_dma source(%dma_start3A_19 : memref<40x128xi32, #tpu.memory_space<hbm>>) target(%arg6 : memref<40x128xi32, #tpu.memory_space<vmem>>) target_semaphore(%run_scoped3A : memref<!tpu.dma_semaphore, #tpu.memory_space<semaphore_mem>>)
      %dma_wait3A = arith.constant 0 : i32
      %dma_wait3A_20 = tpu.memref_slice %arg2[%mul3A_6, %dma_wait3A] : memref<1280x128xi32, #tpu.memory_space<hbm>> -> memref<40x128xi32, #tpu.memory_space<hbm>>
      %dma_wait3A_21 = arith.constant 0 : i32
      %dma_wait3A_22 = tpu.memref_slice %arg2[%mul3A_6, %dma_wait3A_21] : memref<1280x128xi32, #tpu.memory_space<hbm>> -> memref<40x128xi32, #tpu.memory_space<hbm>>
      tpu.wait_dma2 semaphore(%run_scoped3A : memref<!tpu.dma_semaphore, #tpu.memory_space<semaphore_mem>>) src(%dma_wait3A_22 : memref<40x128xi32, #tpu.memory_space<hbm>>) dst(%arg6 : memref<40x128xi32, #tpu.memory_space<vmem>>)
      tpu.yield
    }) : () -> ()
    %barrier3A = arith.constant 0 : index
    tpu.barrier barrier_id(%barrier3A)
    %scan3A = arith.constant 0 : i32
    %scan3A_7 = arith.constant 0 : i32
    %scan3A_8 = arith.constant 40 : i32
    %scan3A_9 = arith.addi %scan3A_7, %scan3A_8 : i32
    %scan3A_10 = arith.constant 1 : i32
    scf.for %scan3A_17 = %scan3A_7 to %scan3A_9 step %scan3A_10  : i32 {
      "tpu.region"() ({
        %run_scoped3A = tpu.sem_alloc : memref<!tpu.dma_semaphore, #tpu.memory_space<semaphore_mem>>
        %dma_start3A = arith.constant 0 : i32
        %dma_start3A_18 = tpu.memref_slice %arg6[%scan3A_17, %dma_start3A] : memref<40x128xi32, #tpu.memory_space<vmem>> -> memref<1x128xi32, #tpu.memory_space<vmem>>
        %dma_start3A_19 = tpu.memref_squeeze %dma_start3A_18 : memref<1x128xi32, #tpu.memory_space<vmem>> -> memref<128xi32, #tpu.memory_space<vmem>>
        %dma_start3A_20 = arith.constant 0 : i32
        %dma_start3A_21 = arith.constant 0 : i32
        %dma_start3A_22 = tpu.memref_slice %arg8[%dma_start3A_20, %dma_start3A_21] : memref<10240x128xf32, #tpu.memory_space<vmem_shared>> -> memref<10240x128xf32, #tpu.memory_space<vmem_shared>>
        tpu.enqueue_indirect_dma source(%arg7 : memref<128x128xf32, #tpu.memory_space<vmem>>) target(%dma_start3A_22 : memref<10240x128xf32, #tpu.memory_space<vmem_shared>>) offsets(%dma_start3A_19 : memref<128xi32, #tpu.memory_space<vmem>>) semaphore(%run_scoped3A : memref<!tpu.dma_semaphore, #tpu.memory_space<semaphore_mem>>) {add = true}
        %dma_wait3A = arith.constant 0 : i32
        %dma_wait3A_23 = tpu.memref_slice %arg6[%scan3A_17, %dma_wait3A] : memref<40x128xi32, #tpu.memory_space<vmem>> -> memref<1x128xi32, #tpu.memory_space<vmem>>
        %dma_wait3A_24 = tpu.memref_squeeze %dma_wait3A_23 : memref<1x128xi32, #tpu.memory_space<vmem>> -> memref<128xi32, #tpu.memory_space<vmem>>
        %dma_wait3A_25 = arith.constant 0 : i32
        %dma_wait3A_26 = arith.constant 0 : i32
        %dma_wait3A_27 = tpu.memref_slice %arg8[%dma_wait3A_25, %dma_wait3A_26] : memref<10240x128xf32, #tpu.memory_space<vmem_shared>> -> memref<10240x128xf32, #tpu.memory_space<vmem_shared>>
        tpu.wait_indirect_dma semaphore(%run_scoped3A : memref<!tpu.dma_semaphore, #tpu.memory_space<semaphore_mem>>) src(%arg7 : memref<128x128xf32, #tpu.memory_space<vmem>>) dst(%dma_wait3A_27 : memref<10240x128xf32, #tpu.memory_space<vmem_shared>>)
        tpu.yield
      }) : () -> ()
    }
    %scan3A_11 = arith.constant 40 : i32
    %barrier3A_12 = arith.constant 0 : index
    tpu.barrier barrier_id(%barrier3A_12)
    %mul3A_13 = arith.constant 640 : i32
    %mul3A_14 = arith.muli %arg1, %mul3A_13 : i32
    %mul3A_15 = arith.constant 640 : i32
    %mul3A_16 = arith.muli %arg1, %mul3A_15 : i32
    "tpu.region"() ({
      %run_scoped3A = tpu.sem_alloc : memref<!tpu.dma_semaphore, #tpu.memory_space<semaphore_mem>>
      %dma_start3A = arith.constant 0 : i32
      %dma_start3A_17 = arith.constant 0 : i32
      %dma_start3A_18 = tpu.memref_slice %arg5[%arg0, %dma_start3A, %dma_start3A_17] : memref<2x10240x128xf32, #tpu.memory_space<hbm>> -> memref<1x10240x128xf32, #tpu.memory_space<hbm>>
      %dma_start3A_19 = tpu.memref_squeeze %dma_start3A_18 : memref<1x10240x128xf32, #tpu.memory_space<hbm>> -> memref<10240x128xf32, #tpu.memory_space<hbm>>
      %dma_start3A_20 = arith.constant 0 : i32
      %dma_start3A_21 = tpu.memref_slice %dma_start3A_19[%mul3A_16, %dma_start3A_20] : memref<10240x128xf32, #tpu.memory_space<hbm>> -> memref<640x128xf32, #tpu.memory_space<hbm>>
      %dma_start3A_22 = arith.constant 0 : i32
      %dma_start3A_23 = tpu.memref_slice %arg8[%mul3A_14, %dma_start3A_22] : memref<10240x128xf32, #tpu.memory_space<vmem_shared>> -> memref<640x128xf32, #tpu.memory_space<vmem_shared>>
      tpu.enqueue_dma source(%dma_start3A_23 : memref<640x128xf32, #tpu.memory_space<vmem_shared>>) target(%dma_start3A_21 : memref<640x128xf32, #tpu.memory_space<hbm>>) target_semaphore(%run_scoped3A : memref<!tpu.dma_semaphore, #tpu.memory_space<semaphore_mem>>)
      %dma_wait3A = arith.constant 0 : i32
      %dma_wait3A_24 = arith.constant 0 : i32
      %dma_wait3A_25 = tpu.memref_slice %arg5[%arg0, %dma_wait3A, %dma_wait3A_24] : memref<2x10240x128xf32, #tpu.memory_space<hbm>> -> memref<1x10240x128xf32, #tpu.memory_space<hbm>>
      %dma_wait3A_26 = tpu.memref_squeeze %dma_wait3A_25 : memref<1x10240x128xf32, #tpu.memory_space<hbm>> -> memref<10240x128xf32, #tpu.memory_space<hbm>>
      %dma_wait3A_27 = arith.constant 0 : i32
      %dma_wait3A_28 = tpu.memref_slice %dma_wait3A_26[%mul3A_16, %dma_wait3A_27] : memref<10240x128xf32, #tpu.memory_space<hbm>> -> memref<640x128xf32, #tpu.memory_space<hbm>>
      %dma_wait3A_29 = arith.constant 0 : i32
      %dma_wait3A_30 = tpu.memref_slice %arg8[%mul3A_14, %dma_wait3A_29] : memref<10240x128xf32, #tpu.memory_space<vmem_shared>> -> memref<640x128xf32, #tpu.memory_space<vmem_shared>>
      tpu.wait_dma2 semaphore(%run_scoped3A : memref<!tpu.dma_semaphore, #tpu.memory_space<semaphore_mem>>) src(%dma_wait3A_30 : memref<640x128xf32, #tpu.memory_space<vmem_shared>>) dst(%dma_wait3A_28 : memref<640x128xf32, #tpu.memory_space<hbm>>)
      tpu.yield
    }) : () -> ()
    return
  }
}

#map = affine_map<(d0, d1) -> (0, 0, 0)>
#map1 = affine_map<(d0, d1) -> (0)>
module attributes {stable_mosaic.version = 14 : i64} {
  func.func @_prop_body(%arg0: i32, %arg1: i32, %arg2: memref<4x10240x128xf32, #tpu.memory_space<hbm>>, %arg3: memref<163840xi32, #tpu.memory_space<hbm>>, %arg4: memref<163840xi32, #tpu.memory_space<hbm>>, %arg5: memref<4x10240x128xf32, #tpu.memory_space<hbm>>, %arg6: memref<10240xi32, #tpu.memory_space<vmem>>, %arg7: memref<64xi32, #tpu.memory_space<vmem>>, %arg8: memref<64xi32, #tpu.memory_space<vmem>>, %arg9: memref<64xi32, #tpu.memory_space<vmem>>, %arg10: memref<64xi32, #tpu.memory_space<vmem>>, %arg11: memref<64x128xf32, #tpu.memory_space<vmem>>, %arg12: memref<64x128xf32, #tpu.memory_space<vmem>>, %arg13: memref<64x128xf32, #tpu.memory_space<vmem>>, %arg14: memref<64x128xf32, #tpu.memory_space<vmem>>, %arg15: memref<10112x128xf32, #tpu.memory_space<vmem_shared>>, %arg16: memref<!tpu.dma_semaphore, #tpu.memory_space<semaphore_mem>>, %arg17: memref<!tpu.dma_semaphore, #tpu.memory_space<semaphore_mem>>, %arg18: memref<!tpu.dma_semaphore, #tpu.memory_space<semaphore_mem>>, %arg19: memref<!tpu.dma_semaphore, #tpu.memory_space<semaphore_mem>>, %arg20: memref<!tpu.dma_semaphore, #tpu.memory_space<semaphore_mem>>, %arg21: memref<!tpu.dma_semaphore, #tpu.memory_space<semaphore_mem>>, %arg22: memref<!tpu.dma_semaphore, #tpu.memory_space<semaphore_mem>>, %arg23: memref<!tpu.dma_semaphore, #tpu.memory_space<semaphore_mem>>) attributes {dimension_semantics = [#tpu.dimension_semantics<core_parallel>, #tpu.dimension_semantics<subcore_parallel>], iteration_bounds = array<i64: 2, 16>, scalar_prefetch = 0 : i64, scratch_operands = 18 : i64, tpu.core_type = #tpu.core_type<sc_vector_subcore>, window_params = [{transform_indices = #map}, {transform_indices = #map1}, {transform_indices = #map1}, {transform_indices = #map}]} {
    %mul3A = arith.constant 10240 : i32
    %mul3A_0 = arith.muli %arg1, %mul3A : i32
    "tpu.region"() ({
      %run_scoped3A = tpu.sem_alloc : memref<!tpu.dma_semaphore, #tpu.memory_space<semaphore_mem>>
      %dma_start3A_159 = tpu.memref_slice %arg3[%mul3A_0] : memref<163840xi32, #tpu.memory_space<hbm>> -> memref<10240xi32, #tpu.memory_space<hbm>>
      %dma_start3A_160 = tpu.memref_slice %arg3[%mul3A_0] : memref<163840xi32, #tpu.memory_space<hbm>> -> memref<10240xi32, #tpu.memory_space<hbm>>
      tpu.enqueue_dma source(%dma_start3A_160 : memref<10240xi32, #tpu.memory_space<hbm>>) target(%arg6 : memref<10240xi32, #tpu.memory_space<vmem>>) target_semaphore(%run_scoped3A : memref<!tpu.dma_semaphore, #tpu.memory_space<semaphore_mem>>)
      %dma_wait3A = tpu.memref_slice %arg3[%mul3A_0] : memref<163840xi32, #tpu.memory_space<hbm>> -> memref<10240xi32, #tpu.memory_space<hbm>>
      %dma_wait3A_161 = tpu.memref_slice %arg3[%mul3A_0] : memref<163840xi32, #tpu.memory_space<hbm>> -> memref<10240xi32, #tpu.memory_space<hbm>>
      tpu.wait_dma2 semaphore(%run_scoped3A : memref<!tpu.dma_semaphore, #tpu.memory_space<semaphore_mem>>) src(%dma_wait3A_161 : memref<10240xi32, #tpu.memory_space<hbm>>) dst(%arg6 : memref<10240xi32, #tpu.memory_space<vmem>>)
      tpu.yield
    }) : () -> ()
    %mul3A_1 = arith.constant 2 : i32
    %mul3A_2 = arith.muli %arg0, %mul3A_1 : i32
    %add3A = arith.constant 0 : i32
    %add3A_3 = arith.addi %mul3A_2, %add3A : i32
    %mul3A_4 = arith.constant 632 : i32
    %mul3A_5 = arith.muli %arg1, %mul3A_4 : i32
    %mul3A_6 = arith.constant 632 : i32
    %mul3A_7 = arith.muli %arg1, %mul3A_6 : i32
    "tpu.region"() ({
      %run_scoped3A = tpu.sem_alloc : memref<!tpu.dma_semaphore, #tpu.memory_space<semaphore_mem>>
      %dma_start3A_159 = arith.constant 0 : i32
      %dma_start3A_160 = tpu.memref_slice %arg15[%mul3A_7, %dma_start3A_159] : memref<10112x128xf32, #tpu.memory_space<vmem_shared>> -> memref<632x128xf32, #tpu.memory_space<vmem_shared>>
      %dma_start3A_161 = arith.constant 0 : i32
      %dma_start3A_162 = arith.constant 0 : i32
      %dma_start3A_163 = tpu.memref_slice %arg2[%add3A_3, %dma_start3A_161, %dma_start3A_162] : memref<4x10240x128xf32, #tpu.memory_space<hbm>> -> memref<1x10240x128xf32, #tpu.memory_space<hbm>>
      %dma_start3A_164 = tpu.memref_squeeze %dma_start3A_163 : memref<1x10240x128xf32, #tpu.memory_space<hbm>> -> memref<10240x128xf32, #tpu.memory_space<hbm>>
      %dma_start3A_165 = arith.constant 0 : i32
      %dma_start3A_166 = tpu.memref_slice %dma_start3A_164[%mul3A_5, %dma_start3A_165] : memref<10240x128xf32, #tpu.memory_space<hbm>> -> memref<632x128xf32, #tpu.memory_space<hbm>>
      tpu.enqueue_dma source(%dma_start3A_166 : memref<632x128xf32, #tpu.memory_space<hbm>>) target(%dma_start3A_160 : memref<632x128xf32, #tpu.memory_space<vmem_shared>>) target_semaphore(%run_scoped3A : memref<!tpu.dma_semaphore, #tpu.memory_space<semaphore_mem>>)
      %dma_wait3A = arith.constant 0 : i32
      %dma_wait3A_167 = tpu.memref_slice %arg15[%mul3A_7, %dma_wait3A] : memref<10112x128xf32, #tpu.memory_space<vmem_shared>> -> memref<632x128xf32, #tpu.memory_space<vmem_shared>>
      %dma_wait3A_168 = arith.constant 0 : i32
      %dma_wait3A_169 = arith.constant 0 : i32
      %dma_wait3A_170 = tpu.memref_slice %arg2[%add3A_3, %dma_wait3A_168, %dma_wait3A_169] : memref<4x10240x128xf32, #tpu.memory_space<hbm>> -> memref<1x10240x128xf32, #tpu.memory_space<hbm>>
      %dma_wait3A_171 = tpu.memref_squeeze %dma_wait3A_170 : memref<1x10240x128xf32, #tpu.memory_space<hbm>> -> memref<10240x128xf32, #tpu.memory_space<hbm>>
      %dma_wait3A_172 = arith.constant 0 : i32
      %dma_wait3A_173 = tpu.memref_slice %dma_wait3A_171[%mul3A_5, %dma_wait3A_172] : memref<10240x128xf32, #tpu.memory_space<hbm>> -> memref<632x128xf32, #tpu.memory_space<hbm>>
      tpu.wait_dma2 semaphore(%run_scoped3A : memref<!tpu.dma_semaphore, #tpu.memory_space<semaphore_mem>>) src(%dma_wait3A_173 : memref<632x128xf32, #tpu.memory_space<hbm>>) dst(%dma_wait3A_167 : memref<632x128xf32, #tpu.memory_space<vmem_shared>>)
      tpu.yield
    }) : () -> ()
    %barrier3A = arith.constant 0 : index
    tpu.barrier barrier_id(%barrier3A)
    %dma_start3A = arith.constant 0 : i32
    %dma_start3A_8 = tpu.memref_slice %arg6[%dma_start3A] : memref<10240xi32, #tpu.memory_space<vmem>> -> memref<64xi32, #tpu.memory_space<vmem>>
    %dma_start3A_9 = arith.constant 0 : i32
    %dma_start3A_10 = arith.constant 0 : i32
    %dma_start3A_11 = tpu.memref_slice %arg2[%add3A_3, %dma_start3A_9, %dma_start3A_10] : memref<4x10240x128xf32, #tpu.memory_space<hbm>> -> memref<1x10240x128xf32, #tpu.memory_space<hbm>>
    %dma_start3A_12 = tpu.memref_squeeze %dma_start3A_11 : memref<1x10240x128xf32, #tpu.memory_space<hbm>> -> memref<10240x128xf32, #tpu.memory_space<hbm>>
    %dma_start3A_13 = arith.constant 0 : i32
    %dma_start3A_14 = arith.constant 0 : i32
    %dma_start3A_15 = tpu.memref_slice %dma_start3A_12[%dma_start3A_13, %dma_start3A_14] : memref<10240x128xf32, #tpu.memory_space<hbm>> -> memref<10240x128xf32, #tpu.memory_space<hbm>>
    tpu.enqueue_indirect_dma source(%dma_start3A_15 : memref<10240x128xf32, #tpu.memory_space<hbm>>) target(%arg11 : memref<64x128xf32, #tpu.memory_space<vmem>>) offsets(%dma_start3A_8 : memref<64xi32, #tpu.memory_space<vmem>>) semaphore(%arg16 : memref<!tpu.dma_semaphore, #tpu.memory_space<semaphore_mem>>)
    %mul3A_16 = arith.constant 10240 : i32
    %mul3A_17 = arith.muli %arg1, %mul3A_16 : i32
    %add3A_18 = arith.constant 0 : i32
    %add3A_19 = arith.addi %mul3A_17, %add3A_18 : i32
    %dma_start3A_20 = tpu.memref_slice %arg4[%add3A_19] : memref<163840xi32, #tpu.memory_space<hbm>> -> memref<64xi32, #tpu.memory_space<hbm>>
    %dma_start3A_21 = tpu.memref_slice %arg4[%add3A_19] : memref<163840xi32, #tpu.memory_space<hbm>> -> memref<64xi32, #tpu.memory_space<hbm>>
    tpu.enqueue_dma source(%dma_start3A_21 : memref<64xi32, #tpu.memory_space<hbm>>) target(%arg7 : memref<64xi32, #tpu.memory_space<vmem>>) target_semaphore(%arg20 : memref<!tpu.dma_semaphore, #tpu.memory_space<semaphore_mem>>)
    %dma_start3A_22 = arith.constant 64 : i32
    %dma_start3A_23 = tpu.memref_slice %arg6[%dma_start3A_22] : memref<10240xi32, #tpu.memory_space<vmem>> -> memref<64xi32, #tpu.memory_space<vmem>>
    %dma_start3A_24 = arith.constant 0 : i32
    %dma_start3A_25 = arith.constant 0 : i32
    %dma_start3A_26 = tpu.memref_slice %arg2[%add3A_3, %dma_start3A_24, %dma_start3A_25] : memref<4x10240x128xf32, #tpu.memory_space<hbm>> -> memref<1x10240x128xf32, #tpu.memory_space<hbm>>
    %dma_start3A_27 = tpu.memref_squeeze %dma_start3A_26 : memref<1x10240x128xf32, #tpu.memory_space<hbm>> -> memref<10240x128xf32, #tpu.memory_space<hbm>>
    %dma_start3A_28 = arith.constant 0 : i32
    %dma_start3A_29 = arith.constant 0 : i32
    %dma_start3A_30 = tpu.memref_slice %dma_start3A_27[%dma_start3A_28, %dma_start3A_29] : memref<10240x128xf32, #tpu.memory_space<hbm>> -> memref<10240x128xf32, #tpu.memory_space<hbm>>
    tpu.enqueue_indirect_dma source(%dma_start3A_30 : memref<10240x128xf32, #tpu.memory_space<hbm>>) target(%arg12 : memref<64x128xf32, #tpu.memory_space<vmem>>) offsets(%dma_start3A_23 : memref<64xi32, #tpu.memory_space<vmem>>) semaphore(%arg17 : memref<!tpu.dma_semaphore, #tpu.memory_space<semaphore_mem>>)
    %mul3A_31 = arith.constant 10240 : i32
    %mul3A_32 = arith.muli %arg1, %mul3A_31 : i32
    %add3A_33 = arith.constant 64 : i32
    %add3A_34 = arith.addi %mul3A_32, %add3A_33 : i32
    %dma_start3A_35 = tpu.memref_slice %arg4[%add3A_34] : memref<163840xi32, #tpu.memory_space<hbm>> -> memref<64xi32, #tpu.memory_space<hbm>>
    %dma_start3A_36 = tpu.memref_slice %arg4[%add3A_34] : memref<163840xi32, #tpu.memory_space<hbm>> -> memref<64xi32, #tpu.memory_space<hbm>>
    tpu.enqueue_dma source(%dma_start3A_36 : memref<64xi32, #tpu.memory_space<hbm>>) target(%arg8 : memref<64xi32, #tpu.memory_space<vmem>>) target_semaphore(%arg21 : memref<!tpu.dma_semaphore, #tpu.memory_space<semaphore_mem>>)
    %dma_start3A_37 = arith.constant 128 : i32
    %dma_start3A_38 = tpu.memref_slice %arg6[%dma_start3A_37] : memref<10240xi32, #tpu.memory_space<vmem>> -> memref<64xi32, #tpu.memory_space<vmem>>
    %dma_start3A_39 = arith.constant 0 : i32
    %dma_start3A_40 = arith.constant 0 : i32
    %dma_start3A_41 = tpu.memref_slice %arg2[%add3A_3, %dma_start3A_39, %dma_start3A_40] : memref<4x10240x128xf32, #tpu.memory_space<hbm>> -> memref<1x10240x128xf32, #tpu.memory_space<hbm>>
    %dma_start3A_42 = tpu.memref_squeeze %dma_start3A_41 : memref<1x10240x128xf32, #tpu.memory_space<hbm>> -> memref<10240x128xf32, #tpu.memory_space<hbm>>
    %dma_start3A_43 = arith.constant 0 : i32
    %dma_start3A_44 = arith.constant 0 : i32
    %dma_start3A_45 = tpu.memref_slice %dma_start3A_42[%dma_start3A_43, %dma_start3A_44] : memref<10240x128xf32, #tpu.memory_space<hbm>> -> memref<10240x128xf32, #tpu.memory_space<hbm>>
    tpu.enqueue_indirect_dma source(%dma_start3A_45 : memref<10240x128xf32, #tpu.memory_space<hbm>>) target(%arg13 : memref<64x128xf32, #tpu.memory_space<vmem>>) offsets(%dma_start3A_38 : memref<64xi32, #tpu.memory_space<vmem>>) semaphore(%arg18 : memref<!tpu.dma_semaphore, #tpu.memory_space<semaphore_mem>>)
    %mul3A_46 = arith.constant 10240 : i32
    %mul3A_47 = arith.muli %arg1, %mul3A_46 : i32
    %add3A_48 = arith.constant 128 : i32
    %add3A_49 = arith.addi %mul3A_47, %add3A_48 : i32
    %dma_start3A_50 = tpu.memref_slice %arg4[%add3A_49] : memref<163840xi32, #tpu.memory_space<hbm>> -> memref<64xi32, #tpu.memory_space<hbm>>
    %dma_start3A_51 = tpu.memref_slice %arg4[%add3A_49] : memref<163840xi32, #tpu.memory_space<hbm>> -> memref<64xi32, #tpu.memory_space<hbm>>
    tpu.enqueue_dma source(%dma_start3A_51 : memref<64xi32, #tpu.memory_space<hbm>>) target(%arg9 : memref<64xi32, #tpu.memory_space<vmem>>) target_semaphore(%arg22 : memref<!tpu.dma_semaphore, #tpu.memory_space<semaphore_mem>>)
    %dma_start3A_52 = arith.constant 192 : i32
    %dma_start3A_53 = tpu.memref_slice %arg6[%dma_start3A_52] : memref<10240xi32, #tpu.memory_space<vmem>> -> memref<64xi32, #tpu.memory_space<vmem>>
    %dma_start3A_54 = arith.constant 0 : i32
    %dma_start3A_55 = arith.constant 0 : i32
    %dma_start3A_56 = tpu.memref_slice %arg2[%add3A_3, %dma_start3A_54, %dma_start3A_55] : memref<4x10240x128xf32, #tpu.memory_space<hbm>> -> memref<1x10240x128xf32, #tpu.memory_space<hbm>>
    %dma_start3A_57 = tpu.memref_squeeze %dma_start3A_56 : memref<1x10240x128xf32, #tpu.memory_space<hbm>> -> memref<10240x128xf32, #tpu.memory_space<hbm>>
    %dma_start3A_58 = arith.constant 0 : i32
    %dma_start3A_59 = arith.constant 0 : i32
    %dma_start3A_60 = tpu.memref_slice %dma_start3A_57[%dma_start3A_58, %dma_start3A_59] : memref<10240x128xf32, #tpu.memory_space<hbm>> -> memref<10240x128xf32, #tpu.memory_space<hbm>>
    tpu.enqueue_indirect_dma source(%dma_start3A_60 : memref<10240x128xf32, #tpu.memory_space<hbm>>) target(%arg14 : memref<64x128xf32, #tpu.memory_space<vmem>>) offsets(%dma_start3A_53 : memref<64xi32, #tpu.memory_space<vmem>>) semaphore(%arg19 : memref<!tpu.dma_semaphore, #tpu.memory_space<semaphore_mem>>)
    %mul3A_61 = arith.constant 10240 : i32
    %mul3A_62 = arith.muli %arg1, %mul3A_61 : i32
    %add3A_63 = arith.constant 192 : i32
    %add3A_64 = arith.addi %mul3A_62, %add3A_63 : i32
    %dma_start3A_65 = tpu.memref_slice %arg4[%add3A_64] : memref<163840xi32, #tpu.memory_space<hbm>> -> memref<64xi32, #tpu.memory_space<hbm>>
    %dma_start3A_66 = tpu.memref_slice %arg4[%add3A_64] : memref<163840xi32, #tpu.memory_space<hbm>> -> memref<64xi32, #tpu.memory_space<hbm>>
    tpu.enqueue_dma source(%dma_start3A_66 : memref<64xi32, #tpu.memory_space<hbm>>) target(%arg10 : memref<64xi32, #tpu.memory_space<vmem>>) target_semaphore(%arg23 : memref<!tpu.dma_semaphore, #tpu.memory_space<semaphore_mem>>)
    %scan3A = arith.constant 0 : i32
    %scan3A_67 = arith.constant 0 : i32
    %scan3A_68 = arith.constant 40 : i32
    %scan3A_69 = arith.addi %scan3A_67, %scan3A_68 : i32
    %scan3A_70 = arith.constant 1 : i32
    scf.for %scan3A_159 = %scan3A_67 to %scan3A_69 step %scan3A_70  : i32 {
      %mul3A_160 = arith.constant 4 : i32
      %mul3A_161 = arith.muli %scan3A_159, %mul3A_160 : i32
      %add3A_162 = arith.constant 0 : i32
      %add3A_163 = arith.addi %mul3A_161, %add3A_162 : i32
      %mul3A_164 = arith.constant 64 : i32
      %mul3A_165 = arith.muli %add3A_163, %mul3A_164 : i32
      %dma_wait3A = tpu.memref_slice %arg6[%mul3A_165] : memref<10240xi32, #tpu.memory_space<vmem>> -> memref<64xi32, #tpu.memory_space<vmem>>
      %dma_wait3A_166 = arith.constant 0 : i32
      %dma_wait3A_167 = arith.constant 0 : i32
      %dma_wait3A_168 = tpu.memref_slice %arg2[%add3A_3, %dma_wait3A_166, %dma_wait3A_167] : memref<4x10240x128xf32, #tpu.memory_space<hbm>> -> memref<1x10240x128xf32, #tpu.memory_space<hbm>>
      %dma_wait3A_169 = tpu.memref_squeeze %dma_wait3A_168 : memref<1x10240x128xf32, #tpu.memory_space<hbm>> -> memref<10240x128xf32, #tpu.memory_space<hbm>>
      %dma_wait3A_170 = arith.constant 0 : i32
      %dma_wait3A_171 = arith.constant 0 : i32
      %dma_wait3A_172 = tpu.memref_slice %dma_wait3A_169[%dma_wait3A_170, %dma_wait3A_171] : memref<10240x128xf32, #tpu.memory_space<hbm>> -> memref<10240x128xf32, #tpu.memory_space<hbm>>
      tpu.wait_indirect_dma semaphore(%arg16 : memref<!tpu.dma_semaphore, #tpu.memory_space<semaphore_mem>>) src(%dma_wait3A_172 : memref<10240x128xf32, #tpu.memory_space<hbm>>) dst(%arg11 : memref<64x128xf32, #tpu.memory_space<vmem>>)
      %dma_wait3A_173 = arith.constant 0 : i32
      %dma_wait3A_174 = tpu.memref_slice %arg4[%dma_wait3A_173] : memref<163840xi32, #tpu.memory_space<hbm>> -> memref<64xi32, #tpu.memory_space<hbm>>
      %dma_wait3A_175 = arith.constant 0 : i32
      %dma_wait3A_176 = tpu.memref_slice %arg4[%dma_wait3A_175] : memref<163840xi32, #tpu.memory_space<hbm>> -> memref<64xi32, #tpu.memory_space<hbm>>
      tpu.wait_dma2 semaphore(%arg20 : memref<!tpu.dma_semaphore, #tpu.memory_space<semaphore_mem>>) src(%dma_wait3A_176 : memref<64xi32, #tpu.memory_space<hbm>>) dst(%arg7 : memref<64xi32, #tpu.memory_space<vmem>>)
      "tpu.region"() ({
        %run_scoped3A = tpu.sem_alloc : memref<!tpu.dma_semaphore, #tpu.memory_space<semaphore_mem>>
        %dma_start3A_256 = arith.constant 0 : i32
        %dma_start3A_257 = arith.constant 0 : i32
        %dma_start3A_258 = tpu.memref_slice %arg15[%dma_start3A_256, %dma_start3A_257] : memref<10112x128xf32, #tpu.memory_space<vmem_shared>> -> memref<10112x128xf32, #tpu.memory_space<vmem_shared>>
        tpu.enqueue_indirect_dma source(%arg11 : memref<64x128xf32, #tpu.memory_space<vmem>>) target(%dma_start3A_258 : memref<10112x128xf32, #tpu.memory_space<vmem_shared>>) offsets(%arg7 : memref<64xi32, #tpu.memory_space<vmem>>) semaphore(%run_scoped3A : memref<!tpu.dma_semaphore, #tpu.memory_space<semaphore_mem>>) {add = true}
        %dma_wait3A_259 = arith.constant 0 : i32
        %dma_wait3A_260 = arith.constant 0 : i32
        %dma_wait3A_261 = tpu.memref_slice %arg15[%dma_wait3A_259, %dma_wait3A_260] : memref<10112x128xf32, #tpu.memory_space<vmem_shared>> -> memref<10112x128xf32, #tpu.memory_space<vmem_shared>>
        tpu.wait_indirect_dma semaphore(%run_scoped3A : memref<!tpu.dma_semaphore, #tpu.memory_space<semaphore_mem>>) src(%arg11 : memref<64x128xf32, #tpu.memory_space<vmem>>) dst(%dma_wait3A_261 : memref<10112x128xf32, #tpu.memory_space<vmem_shared>>)
        tpu.yield
      }) : () -> ()
      %add3A_177 = arith.constant 4 : i32
      %add3A_178 = arith.addi %add3A_163, %add3A_177 : i32
      %lt3A = arith.constant 160 : i32
      %lt3A_179 = arith.cmpi slt, %add3A_178, %lt3A : i32
      %convert_element_type3A = arith.extui %lt3A_179 : i1 to i32
      %cond3A = arith.constant 0 : i32
      %cond3A_180 = arith.cmpi ne, %convert_element_type3A, %cond3A : i32
      scf.if %cond3A_180 {
        %add3A_256 = arith.constant 4 : i32
        %add3A_257 = arith.addi %add3A_163, %add3A_256 : i32
        %mul3A_258 = arith.constant 64 : i32
        %mul3A_259 = arith.muli %add3A_257, %mul3A_258 : i32
        %dma_start3A_260 = tpu.memref_slice %arg6[%mul3A_259] : memref<10240xi32, #tpu.memory_space<vmem>> -> memref<64xi32, #tpu.memory_space<vmem>>
        %dma_start3A_261 = arith.constant 0 : i32
        %dma_start3A_262 = arith.constant 0 : i32
        %dma_start3A_263 = tpu.memref_slice %arg2[%add3A_3, %dma_start3A_261, %dma_start3A_262] : memref<4x10240x128xf32, #tpu.memory_space<hbm>> -> memref<1x10240x128xf32, #tpu.memory_space<hbm>>
        %dma_start3A_264 = tpu.memref_squeeze %dma_start3A_263 : memref<1x10240x128xf32, #tpu.memory_space<hbm>> -> memref<10240x128xf32, #tpu.memory_space<hbm>>
        %dma_start3A_265 = arith.constant 0 : i32
        %dma_start3A_266 = arith.constant 0 : i32
        %dma_start3A_267 = tpu.memref_slice %dma_start3A_264[%dma_start3A_265, %dma_start3A_266] : memref<10240x128xf32, #tpu.memory_space<hbm>> -> memref<10240x128xf32, #tpu.memory_space<hbm>>
        tpu.enqueue_indirect_dma source(%dma_start3A_267 : memref<10240x128xf32, #tpu.memory_space<hbm>>) target(%arg11 : memref<64x128xf32, #tpu.memory_space<vmem>>) offsets(%dma_start3A_260 : memref<64xi32, #tpu.memory_space<vmem>>) semaphore(%arg16 : memref<!tpu.dma_semaphore, #tpu.memory_space<semaphore_mem>>)
        %mul3A_268 = arith.constant 10240 : i32
        %mul3A_269 = arith.muli %arg1, %mul3A_268 : i32
        %add3A_270 = arith.constant 4 : i32
        %add3A_271 = arith.addi %add3A_163, %add3A_270 : i32
        %mul3A_272 = arith.constant 64 : i32
        %mul3A_273 = arith.muli %add3A_271, %mul3A_272 : i32
        %add3A_274 = arith.addi %mul3A_269, %mul3A_273 : i32
        %dma_start3A_275 = tpu.memref_slice %arg4[%add3A_274] : memref<163840xi32, #tpu.memory_space<hbm>> -> memref<64xi32, #tpu.memory_space<hbm>>
        %dma_start3A_276 = tpu.memref_slice %arg4[%add3A_274] : memref<163840xi32, #tpu.memory_space<hbm>> -> memref<64xi32, #tpu.memory_space<hbm>>
        tpu.enqueue_dma source(%dma_start3A_276 : memref<64xi32, #tpu.memory_space<hbm>>) target(%arg7 : memref<64xi32, #tpu.memory_space<vmem>>) target_semaphore(%arg20 : memref<!tpu.dma_semaphore, #tpu.memory_space<semaphore_mem>>)
      } else {
      }
      %mul3A_181 = arith.constant 4 : i32
      %mul3A_182 = arith.muli %scan3A_159, %mul3A_181 : i32
      %add3A_183 = arith.constant 1 : i32
      %add3A_184 = arith.addi %mul3A_182, %add3A_183 : i32
      %mul3A_185 = arith.constant 64 : i32
      %mul3A_186 = arith.muli %add3A_184, %mul3A_185 : i32
      %dma_wait3A_187 = tpu.memref_slice %arg6[%mul3A_186] : memref<10240xi32, #tpu.memory_space<vmem>> -> memref<64xi32, #tpu.memory_space<vmem>>
      %dma_wait3A_188 = arith.constant 0 : i32
      %dma_wait3A_189 = arith.constant 0 : i32
      %dma_wait3A_190 = tpu.memref_slice %arg2[%add3A_3, %dma_wait3A_188, %dma_wait3A_189] : memref<4x10240x128xf32, #tpu.memory_space<hbm>> -> memref<1x10240x128xf32, #tpu.memory_space<hbm>>
      %dma_wait3A_191 = tpu.memref_squeeze %dma_wait3A_190 : memref<1x10240x128xf32, #tpu.memory_space<hbm>> -> memref<10240x128xf32, #tpu.memory_space<hbm>>
      %dma_wait3A_192 = arith.constant 0 : i32
      %dma_wait3A_193 = arith.constant 0 : i32
      %dma_wait3A_194 = tpu.memref_slice %dma_wait3A_191[%dma_wait3A_192, %dma_wait3A_193] : memref<10240x128xf32, #tpu.memory_space<hbm>> -> memref<10240x128xf32, #tpu.memory_space<hbm>>
      tpu.wait_indirect_dma semaphore(%arg17 : memref<!tpu.dma_semaphore, #tpu.memory_space<semaphore_mem>>) src(%dma_wait3A_194 : memref<10240x128xf32, #tpu.memory_space<hbm>>) dst(%arg12 : memref<64x128xf32, #tpu.memory_space<vmem>>)
      %dma_wait3A_195 = arith.constant 0 : i32
      %dma_wait3A_196 = tpu.memref_slice %arg4[%dma_wait3A_195] : memref<163840xi32, #tpu.memory_space<hbm>> -> memref<64xi32, #tpu.memory_space<hbm>>
      %dma_wait3A_197 = arith.constant 0 : i32
      %dma_wait3A_198 = tpu.memref_slice %arg4[%dma_wait3A_197] : memref<163840xi32, #tpu.memory_space<hbm>> -> memref<64xi32, #tpu.memory_space<hbm>>
      tpu.wait_dma2 semaphore(%arg21 : memref<!tpu.dma_semaphore, #tpu.memory_space<semaphore_mem>>) src(%dma_wait3A_198 : memref<64xi32, #tpu.memory_space<hbm>>) dst(%arg8 : memref<64xi32, #tpu.memory_space<vmem>>)
      "tpu.region"() ({
        %run_scoped3A = tpu.sem_alloc : memref<!tpu.dma_semaphore, #tpu.memory_space<semaphore_mem>>
        %dma_start3A_256 = arith.constant 0 : i32
        %dma_start3A_257 = arith.constant 0 : i32
        %dma_start3A_258 = tpu.memref_slice %arg15[%dma_start3A_256, %dma_start3A_257] : memref<10112x128xf32, #tpu.memory_space<vmem_shared>> -> memref<10112x128xf32, #tpu.memory_space<vmem_shared>>
        tpu.enqueue_indirect_dma source(%arg12 : memref<64x128xf32, #tpu.memory_space<vmem>>) target(%dma_start3A_258 : memref<10112x128xf32, #tpu.memory_space<vmem_shared>>) offsets(%arg8 : memref<64xi32, #tpu.memory_space<vmem>>) semaphore(%run_scoped3A : memref<!tpu.dma_semaphore, #tpu.memory_space<semaphore_mem>>) {add = true}
        %dma_wait3A_259 = arith.constant 0 : i32
        %dma_wait3A_260 = arith.constant 0 : i32
        %dma_wait3A_261 = tpu.memref_slice %arg15[%dma_wait3A_259, %dma_wait3A_260] : memref<10112x128xf32, #tpu.memory_space<vmem_shared>> -> memref<10112x128xf32, #tpu.memory_space<vmem_shared>>
        tpu.wait_indirect_dma semaphore(%run_scoped3A : memref<!tpu.dma_semaphore, #tpu.memory_space<semaphore_mem>>) src(%arg12 : memref<64x128xf32, #tpu.memory_space<vmem>>) dst(%dma_wait3A_261 : memref<10112x128xf32, #tpu.memory_space<vmem_shared>>)
        tpu.yield
      }) : () -> ()
      %add3A_199 = arith.constant 4 : i32
      %add3A_200 = arith.addi %add3A_184, %add3A_199 : i32
      %lt3A_201 = arith.constant 160 : i32
      %lt3A_202 = arith.cmpi slt, %add3A_200, %lt3A_201 : i32
      %convert_element_type3A_203 = arith.extui %lt3A_202 : i1 to i32
      %cond3A_204 = arith.constant 0 : i32
      %cond3A_205 = arith.cmpi ne, %convert_element_type3A_203, %cond3A_204 : i32
      scf.if %cond3A_205 {
        %add3A_256 = arith.constant 4 : i32
        %add3A_257 = arith.addi %add3A_184, %add3A_256 : i32
        %mul3A_258 = arith.constant 64 : i32
        %mul3A_259 = arith.muli %add3A_257, %mul3A_258 : i32
        %dma_start3A_260 = tpu.memref_slice %arg6[%mul3A_259] : memref<10240xi32, #tpu.memory_space<vmem>> -> memref<64xi32, #tpu.memory_space<vmem>>
        %dma_start3A_261 = arith.constant 0 : i32
        %dma_start3A_262 = arith.constant 0 : i32
        %dma_start3A_263 = tpu.memref_slice %arg2[%add3A_3, %dma_start3A_261, %dma_start3A_262] : memref<4x10240x128xf32, #tpu.memory_space<hbm>> -> memref<1x10240x128xf32, #tpu.memory_space<hbm>>
        %dma_start3A_264 = tpu.memref_squeeze %dma_start3A_263 : memref<1x10240x128xf32, #tpu.memory_space<hbm>> -> memref<10240x128xf32, #tpu.memory_space<hbm>>
        %dma_start3A_265 = arith.constant 0 : i32
        %dma_start3A_266 = arith.constant 0 : i32
        %dma_start3A_267 = tpu.memref_slice %dma_start3A_264[%dma_start3A_265, %dma_start3A_266] : memref<10240x128xf32, #tpu.memory_space<hbm>> -> memref<10240x128xf32, #tpu.memory_space<hbm>>
        tpu.enqueue_indirect_dma source(%dma_start3A_267 : memref<10240x128xf32, #tpu.memory_space<hbm>>) target(%arg12 : memref<64x128xf32, #tpu.memory_space<vmem>>) offsets(%dma_start3A_260 : memref<64xi32, #tpu.memory_space<vmem>>) semaphore(%arg17 : memref<!tpu.dma_semaphore, #tpu.memory_space<semaphore_mem>>)
        %mul3A_268 = arith.constant 10240 : i32
        %mul3A_269 = arith.muli %arg1, %mul3A_268 : i32
        %add3A_270 = arith.constant 4 : i32
        %add3A_271 = arith.addi %add3A_184, %add3A_270 : i32
        %mul3A_272 = arith.constant 64 : i32
        %mul3A_273 = arith.muli %add3A_271, %mul3A_272 : i32
        %add3A_274 = arith.addi %mul3A_269, %mul3A_273 : i32
        %dma_start3A_275 = tpu.memref_slice %arg4[%add3A_274] : memref<163840xi32, #tpu.memory_space<hbm>> -> memref<64xi32, #tpu.memory_space<hbm>>
        %dma_start3A_276 = tpu.memref_slice %arg4[%add3A_274] : memref<163840xi32, #tpu.memory_space<hbm>> -> memref<64xi32, #tpu.memory_space<hbm>>
        tpu.enqueue_dma source(%dma_start3A_276 : memref<64xi32, #tpu.memory_space<hbm>>) target(%arg8 : memref<64xi32, #tpu.memory_space<vmem>>) target_semaphore(%arg21 : memref<!tpu.dma_semaphore, #tpu.memory_space<semaphore_mem>>)
      } else {
      }
      %mul3A_206 = arith.constant 4 : i32
      %mul3A_207 = arith.muli %scan3A_159, %mul3A_206 : i32
      %add3A_208 = arith.constant 2 : i32
      %add3A_209 = arith.addi %mul3A_207, %add3A_208 : i32
      %mul3A_210 = arith.constant 64 : i32
      %mul3A_211 = arith.muli %add3A_209, %mul3A_210 : i32
      %dma_wait3A_212 = tpu.memref_slice %arg6[%mul3A_211] : memref<10240xi32, #tpu.memory_space<vmem>> -> memref<64xi32, #tpu.memory_space<vmem>>
      %dma_wait3A_213 = arith.constant 0 : i32
      %dma_wait3A_214 = arith.constant 0 : i32
      %dma_wait3A_215 = tpu.memref_slice %arg2[%add3A_3, %dma_wait3A_213, %dma_wait3A_214] : memref<4x10240x128xf32, #tpu.memory_space<hbm>> -> memref<1x10240x128xf32, #tpu.memory_space<hbm>>
      %dma_wait3A_216 = tpu.memref_squeeze %dma_wait3A_215 : memref<1x10240x128xf32, #tpu.memory_space<hbm>> -> memref<10240x128xf32, #tpu.memory_space<hbm>>
      %dma_wait3A_217 = arith.constant 0 : i32
      %dma_wait3A_218 = arith.constant 0 : i32
      %dma_wait3A_219 = tpu.memref_slice %dma_wait3A_216[%dma_wait3A_217, %dma_wait3A_218] : memref<10240x128xf32, #tpu.memory_space<hbm>> -> memref<10240x128xf32, #tpu.memory_space<hbm>>
      tpu.wait_indirect_dma semaphore(%arg18 : memref<!tpu.dma_semaphore, #tpu.memory_space<semaphore_mem>>) src(%dma_wait3A_219 : memref<10240x128xf32, #tpu.memory_space<hbm>>) dst(%arg13 : memref<64x128xf32, #tpu.memory_space<vmem>>)
      %dma_wait3A_220 = arith.constant 0 : i32
      %dma_wait3A_221 = tpu.memref_slice %arg4[%dma_wait3A_220] : memref<163840xi32, #tpu.memory_space<hbm>> -> memref<64xi32, #tpu.memory_space<hbm>>
      %dma_wait3A_222 = arith.constant 0 : i32
      %dma_wait3A_223 = tpu.memref_slice %arg4[%dma_wait3A_222] : memref<163840xi32, #tpu.memory_space<hbm>> -> memref<64xi32, #tpu.memory_space<hbm>>
      tpu.wait_dma2 semaphore(%arg22 : memref<!tpu.dma_semaphore, #tpu.memory_space<semaphore_mem>>) src(%dma_wait3A_223 : memref<64xi32, #tpu.memory_space<hbm>>) dst(%arg9 : memref<64xi32, #tpu.memory_space<vmem>>)
      "tpu.region"() ({
        %run_scoped3A = tpu.sem_alloc : memref<!tpu.dma_semaphore, #tpu.memory_space<semaphore_mem>>
        %dma_start3A_256 = arith.constant 0 : i32
        %dma_start3A_257 = arith.constant 0 : i32
        %dma_start3A_258 = tpu.memref_slice %arg15[%dma_start3A_256, %dma_start3A_257] : memref<10112x128xf32, #tpu.memory_space<vmem_shared>> -> memref<10112x128xf32, #tpu.memory_space<vmem_shared>>
        tpu.enqueue_indirect_dma source(%arg13 : memref<64x128xf32, #tpu.memory_space<vmem>>) target(%dma_start3A_258 : memref<10112x128xf32, #tpu.memory_space<vmem_shared>>) offsets(%arg9 : memref<64xi32, #tpu.memory_space<vmem>>) semaphore(%run_scoped3A : memref<!tpu.dma_semaphore, #tpu.memory_space<semaphore_mem>>) {add = true}
        %dma_wait3A_259 = arith.constant 0 : i32
        %dma_wait3A_260 = arith.constant 0 : i32
        %dma_wait3A_261 = tpu.memref_slice %arg15[%dma_wait3A_259, %dma_wait3A_260] : memref<10112x128xf32, #tpu.memory_space<vmem_shared>> -> memref<10112x128xf32, #tpu.memory_space<vmem_shared>>
        tpu.wait_indirect_dma semaphore(%run_scoped3A : memref<!tpu.dma_semaphore, #tpu.memory_space<semaphore_mem>>) src(%arg13 : memref<64x128xf32, #tpu.memory_space<vmem>>) dst(%dma_wait3A_261 : memref<10112x128xf32, #tpu.memory_space<vmem_shared>>)
        tpu.yield
      }) : () -> ()
      %add3A_224 = arith.constant 4 : i32
      %add3A_225 = arith.addi %add3A_209, %add3A_224 : i32
      %lt3A_226 = arith.constant 160 : i32
      %lt3A_227 = arith.cmpi slt, %add3A_225, %lt3A_226 : i32
      %convert_element_type3A_228 = arith.extui %lt3A_227 : i1 to i32
      %cond3A_229 = arith.constant 0 : i32
      %cond3A_230 = arith.cmpi ne, %convert_element_type3A_228, %cond3A_229 : i32
      scf.if %cond3A_230 {
        %add3A_256 = arith.constant 4 : i32
        %add3A_257 = arith.addi %add3A_209, %add3A_256 : i32
        %mul3A_258 = arith.constant 64 : i32
        %mul3A_259 = arith.muli %add3A_257, %mul3A_258 : i32
        %dma_start3A_260 = tpu.memref_slice %arg6[%mul3A_259] : memref<10240xi32, #tpu.memory_space<vmem>> -> memref<64xi32, #tpu.memory_space<vmem>>
        %dma_start3A_261 = arith.constant 0 : i32
        %dma_start3A_262 = arith.constant 0 : i32
        %dma_start3A_263 = tpu.memref_slice %arg2[%add3A_3, %dma_start3A_261, %dma_start3A_262] : memref<4x10240x128xf32, #tpu.memory_space<hbm>> -> memref<1x10240x128xf32, #tpu.memory_space<hbm>>
        %dma_start3A_264 = tpu.memref_squeeze %dma_start3A_263 : memref<1x10240x128xf32, #tpu.memory_space<hbm>> -> memref<10240x128xf32, #tpu.memory_space<hbm>>
        %dma_start3A_265 = arith.constant 0 : i32
        %dma_start3A_266 = arith.constant 0 : i32
        %dma_start3A_267 = tpu.memref_slice %dma_start3A_264[%dma_start3A_265, %dma_start3A_266] : memref<10240x128xf32, #tpu.memory_space<hbm>> -> memref<10240x128xf32, #tpu.memory_space<hbm>>
        tpu.enqueue_indirect_dma source(%dma_start3A_267 : memref<10240x128xf32, #tpu.memory_space<hbm>>) target(%arg13 : memref<64x128xf32, #tpu.memory_space<vmem>>) offsets(%dma_start3A_260 : memref<64xi32, #tpu.memory_space<vmem>>) semaphore(%arg18 : memref<!tpu.dma_semaphore, #tpu.memory_space<semaphore_mem>>)
        %mul3A_268 = arith.constant 10240 : i32
        %mul3A_269 = arith.muli %arg1, %mul3A_268 : i32
        %add3A_270 = arith.constant 4 : i32
        %add3A_271 = arith.addi %add3A_209, %add3A_270 : i32
        %mul3A_272 = arith.constant 64 : i32
        %mul3A_273 = arith.muli %add3A_271, %mul3A_272 : i32
        %add3A_274 = arith.addi %mul3A_269, %mul3A_273 : i32
        %dma_start3A_275 = tpu.memref_slice %arg4[%add3A_274] : memref<163840xi32, #tpu.memory_space<hbm>> -> memref<64xi32, #tpu.memory_space<hbm>>
        %dma_start3A_276 = tpu.memref_slice %arg4[%add3A_274] : memref<163840xi32, #tpu.memory_space<hbm>> -> memref<64xi32, #tpu.memory_space<hbm>>
        tpu.enqueue_dma source(%dma_start3A_276 : memref<64xi32, #tpu.memory_space<hbm>>) target(%arg9 : memref<64xi32, #tpu.memory_space<vmem>>) target_semaphore(%arg22 : memref<!tpu.dma_semaphore, #tpu.memory_space<semaphore_mem>>)
      } else {
      }
      %mul3A_231 = arith.constant 4 : i32
      %mul3A_232 = arith.muli %scan3A_159, %mul3A_231 : i32
      %add3A_233 = arith.constant 3 : i32
      %add3A_234 = arith.addi %mul3A_232, %add3A_233 : i32
      %mul3A_235 = arith.constant 64 : i32
      %mul3A_236 = arith.muli %add3A_234, %mul3A_235 : i32
      %dma_wait3A_237 = tpu.memref_slice %arg6[%mul3A_236] : memref<10240xi32, #tpu.memory_space<vmem>> -> memref<64xi32, #tpu.memory_space<vmem>>
      %dma_wait3A_238 = arith.constant 0 : i32
      %dma_wait3A_239 = arith.constant 0 : i32
      %dma_wait3A_240 = tpu.memref_slice %arg2[%add3A_3, %dma_wait3A_238, %dma_wait3A_239] : memref<4x10240x128xf32, #tpu.memory_space<hbm>> -> memref<1x10240x128xf32, #tpu.memory_space<hbm>>
      %dma_wait3A_241 = tpu.memref_squeeze %dma_wait3A_240 : memref<1x10240x128xf32, #tpu.memory_space<hbm>> -> memref<10240x128xf32, #tpu.memory_space<hbm>>
      %dma_wait3A_242 = arith.constant 0 : i32
      %dma_wait3A_243 = arith.constant 0 : i32
      %dma_wait3A_244 = tpu.memref_slice %dma_wait3A_241[%dma_wait3A_242, %dma_wait3A_243] : memref<10240x128xf32, #tpu.memory_space<hbm>> -> memref<10240x128xf32, #tpu.memory_space<hbm>>
      tpu.wait_indirect_dma semaphore(%arg19 : memref<!tpu.dma_semaphore, #tpu.memory_space<semaphore_mem>>) src(%dma_wait3A_244 : memref<10240x128xf32, #tpu.memory_space<hbm>>) dst(%arg14 : memref<64x128xf32, #tpu.memory_space<vmem>>)
      %dma_wait3A_245 = arith.constant 0 : i32
      %dma_wait3A_246 = tpu.memref_slice %arg4[%dma_wait3A_245] : memref<163840xi32, #tpu.memory_space<hbm>> -> memref<64xi32, #tpu.memory_space<hbm>>
      %dma_wait3A_247 = arith.constant 0 : i32
      %dma_wait3A_248 = tpu.memref_slice %arg4[%dma_wait3A_247] : memref<163840xi32, #tpu.memory_space<hbm>> -> memref<64xi32, #tpu.memory_space<hbm>>
      tpu.wait_dma2 semaphore(%arg23 : memref<!tpu.dma_semaphore, #tpu.memory_space<semaphore_mem>>) src(%dma_wait3A_248 : memref<64xi32, #tpu.memory_space<hbm>>) dst(%arg10 : memref<64xi32, #tpu.memory_space<vmem>>)
      "tpu.region"() ({
        %run_scoped3A = tpu.sem_alloc : memref<!tpu.dma_semaphore, #tpu.memory_space<semaphore_mem>>
        %dma_start3A_256 = arith.constant 0 : i32
        %dma_start3A_257 = arith.constant 0 : i32
        %dma_start3A_258 = tpu.memref_slice %arg15[%dma_start3A_256, %dma_start3A_257] : memref<10112x128xf32, #tpu.memory_space<vmem_shared>> -> memref<10112x128xf32, #tpu.memory_space<vmem_shared>>
        tpu.enqueue_indirect_dma source(%arg14 : memref<64x128xf32, #tpu.memory_space<vmem>>) target(%dma_start3A_258 : memref<10112x128xf32, #tpu.memory_space<vmem_shared>>) offsets(%arg10 : memref<64xi32, #tpu.memory_space<vmem>>) semaphore(%run_scoped3A : memref<!tpu.dma_semaphore, #tpu.memory_space<semaphore_mem>>) {add = true}
        %dma_wait3A_259 = arith.constant 0 : i32
        %dma_wait3A_260 = arith.constant 0 : i32
        %dma_wait3A_261 = tpu.memref_slice %arg15[%dma_wait3A_259, %dma_wait3A_260] : memref<10112x128xf32, #tpu.memory_space<vmem_shared>> -> memref<10112x128xf32, #tpu.memory_space<vmem_shared>>
        tpu.wait_indirect_dma semaphore(%run_scoped3A : memref<!tpu.dma_semaphore, #tpu.memory_space<semaphore_mem>>) src(%arg14 : memref<64x128xf32, #tpu.memory_space<vmem>>) dst(%dma_wait3A_261 : memref<10112x128xf32, #tpu.memory_space<vmem_shared>>)
        tpu.yield
      }) : () -> ()
      %add3A_249 = arith.constant 4 : i32
      %add3A_250 = arith.addi %add3A_234, %add3A_249 : i32
      %lt3A_251 = arith.constant 160 : i32
      %lt3A_252 = arith.cmpi slt, %add3A_250, %lt3A_251 : i32
      %convert_element_type3A_253 = arith.extui %lt3A_252 : i1 to i32
      %cond3A_254 = arith.constant 0 : i32
      %cond3A_255 = arith.cmpi ne, %convert_element_type3A_253, %cond3A_254 : i32
      scf.if %cond3A_255 {
        %add3A_256 = arith.constant 4 : i32
        %add3A_257 = arith.addi %add3A_234, %add3A_256 : i32
        %mul3A_258 = arith.constant 64 : i32
        %mul3A_259 = arith.muli %add3A_257, %mul3A_258 : i32
        %dma_start3A_260 = tpu.memref_slice %arg6[%mul3A_259] : memref<10240xi32, #tpu.memory_space<vmem>> -> memref<64xi32, #tpu.memory_space<vmem>>
        %dma_start3A_261 = arith.constant 0 : i32
        %dma_start3A_262 = arith.constant 0 : i32
        %dma_start3A_263 = tpu.memref_slice %arg2[%add3A_3, %dma_start3A_261, %dma_start3A_262] : memref<4x10240x128xf32, #tpu.memory_space<hbm>> -> memref<1x10240x128xf32, #tpu.memory_space<hbm>>
        %dma_start3A_264 = tpu.memref_squeeze %dma_start3A_263 : memref<1x10240x128xf32, #tpu.memory_space<hbm>> -> memref<10240x128xf32, #tpu.memory_space<hbm>>
        %dma_start3A_265 = arith.constant 0 : i32
        %dma_start3A_266 = arith.constant 0 : i32
        %dma_start3A_267 = tpu.memref_slice %dma_start3A_264[%dma_start3A_265, %dma_start3A_266] : memref<10240x128xf32, #tpu.memory_space<hbm>> -> memref<10240x128xf32, #tpu.memory_space<hbm>>
        tpu.enqueue_indirect_dma source(%dma_start3A_267 : memref<10240x128xf32, #tpu.memory_space<hbm>>) target(%arg14 : memref<64x128xf32, #tpu.memory_space<vmem>>) offsets(%dma_start3A_260 : memref<64xi32, #tpu.memory_space<vmem>>) semaphore(%arg19 : memref<!tpu.dma_semaphore, #tpu.memory_space<semaphore_mem>>)
        %mul3A_268 = arith.constant 10240 : i32
        %mul3A_269 = arith.muli %arg1, %mul3A_268 : i32
        %add3A_270 = arith.constant 4 : i32
        %add3A_271 = arith.addi %add3A_234, %add3A_270 : i32
        %mul3A_272 = arith.constant 64 : i32
        %mul3A_273 = arith.muli %add3A_271, %mul3A_272 : i32
        %add3A_274 = arith.addi %mul3A_269, %mul3A_273 : i32
        %dma_start3A_275 = tpu.memref_slice %arg4[%add3A_274] : memref<163840xi32, #tpu.memory_space<hbm>> -> memref<64xi32, #tpu.memory_space<hbm>>
        %dma_start3A_276 = tpu.memref_slice %arg4[%add3A_274] : memref<163840xi32, #tpu.memory_space<hbm>> -> memref<64xi32, #tpu.memory_space<hbm>>
        tpu.enqueue_dma source(%dma_start3A_276 : memref<64xi32, #tpu.memory_space<hbm>>) target(%arg10 : memref<64xi32, #tpu.memory_space<vmem>>) target_semaphore(%arg23 : memref<!tpu.dma_semaphore, #tpu.memory_space<semaphore_mem>>)
      } else {
      }
    }
    %scan3A_71 = arith.constant 40 : i32
    %barrier3A_72 = arith.constant 0 : index
    tpu.barrier barrier_id(%barrier3A_72)
    %mul3A_73 = arith.constant 632 : i32
    %mul3A_74 = arith.muli %arg1, %mul3A_73 : i32
    %mul3A_75 = arith.constant 632 : i32
    %mul3A_76 = arith.muli %arg1, %mul3A_75 : i32
    "tpu.region"() ({
      %run_scoped3A = tpu.sem_alloc : memref<!tpu.dma_semaphore, #tpu.memory_space<semaphore_mem>>
      %dma_start3A_159 = arith.constant 0 : i32
      %dma_start3A_160 = arith.constant 0 : i32
      %dma_start3A_161 = tpu.memref_slice %arg5[%add3A_3, %dma_start3A_159, %dma_start3A_160] : memref<4x10240x128xf32, #tpu.memory_space<hbm>> -> memref<1x10240x128xf32, #tpu.memory_space<hbm>>
      %dma_start3A_162 = tpu.memref_squeeze %dma_start3A_161 : memref<1x10240x128xf32, #tpu.memory_space<hbm>> -> memref<10240x128xf32, #tpu.memory_space<hbm>>
      %dma_start3A_163 = arith.constant 0 : i32
      %dma_start3A_164 = tpu.memref_slice %dma_start3A_162[%mul3A_76, %dma_start3A_163] : memref<10240x128xf32, #tpu.memory_space<hbm>> -> memref<632x128xf32, #tpu.memory_space<hbm>>
      %dma_start3A_165 = arith.constant 0 : i32
      %dma_start3A_166 = tpu.memref_slice %arg15[%mul3A_74, %dma_start3A_165] : memref<10112x128xf32, #tpu.memory_space<vmem_shared>> -> memref<632x128xf32, #tpu.memory_space<vmem_shared>>
      tpu.enqueue_dma source(%dma_start3A_166 : memref<632x128xf32, #tpu.memory_space<vmem_shared>>) target(%dma_start3A_164 : memref<632x128xf32, #tpu.memory_space<hbm>>) target_semaphore(%run_scoped3A : memref<!tpu.dma_semaphore, #tpu.memory_space<semaphore_mem>>)
      %dma_wait3A = arith.constant 0 : i32
      %dma_wait3A_167 = arith.constant 0 : i32
      %dma_wait3A_168 = tpu.memref_slice %arg5[%add3A_3, %dma_wait3A, %dma_wait3A_167] : memref<4x10240x128xf32, #tpu.memory_space<hbm>> -> memref<1x10240x128xf32, #tpu.memory_space<hbm>>
      %dma_wait3A_169 = tpu.memref_squeeze %dma_wait3A_168 : memref<1x10240x128xf32, #tpu.memory_space<hbm>> -> memref<10240x128xf32, #tpu.memory_space<hbm>>
      %dma_wait3A_170 = arith.constant 0 : i32
      %dma_wait3A_171 = tpu.memref_slice %dma_wait3A_169[%mul3A_76, %dma_wait3A_170] : memref<10240x128xf32, #tpu.memory_space<hbm>> -> memref<632x128xf32, #tpu.memory_space<hbm>>
      %dma_wait3A_172 = arith.constant 0 : i32
      %dma_wait3A_173 = tpu.memref_slice %arg15[%mul3A_74, %dma_wait3A_172] : memref<10112x128xf32, #tpu.memory_space<vmem_shared>> -> memref<632x128xf32, #tpu.memory_space<vmem_shared>>
      tpu.wait_dma2 semaphore(%run_scoped3A : memref<!tpu.dma_semaphore, #tpu.memory_space<semaphore_mem>>) src(%dma_wait3A_173 : memref<632x128xf32, #tpu.memory_space<vmem_shared>>) dst(%dma_wait3A_171 : memref<632x128xf32, #tpu.memory_space<hbm>>)
      tpu.yield
    }) : () -> ()
    %barrier3A_77 = arith.constant 0 : index
    tpu.barrier barrier_id(%barrier3A_77)
    %mul3A_78 = arith.constant 2 : i32
    %mul3A_79 = arith.muli %arg0, %mul3A_78 : i32
    %add3A_80 = arith.constant 1 : i32
    %add3A_81 = arith.addi %mul3A_79, %add3A_80 : i32
    %mul3A_82 = arith.constant 632 : i32
    %mul3A_83 = arith.muli %arg1, %mul3A_82 : i32
    %mul3A_84 = arith.constant 632 : i32
    %mul3A_85 = arith.muli %arg1, %mul3A_84 : i32
    "tpu.region"() ({
      %run_scoped3A = tpu.sem_alloc : memref<!tpu.dma_semaphore, #tpu.memory_space<semaphore_mem>>
      %dma_start3A_159 = arith.constant 0 : i32
      %dma_start3A_160 = tpu.memref_slice %arg15[%mul3A_85, %dma_start3A_159] : memref<10112x128xf32, #tpu.memory_space<vmem_shared>> -> memref<632x128xf32, #tpu.memory_space<vmem_shared>>
      %dma_start3A_161 = arith.constant 0 : i32
      %dma_start3A_162 = arith.constant 0 : i32
      %dma_start3A_163 = tpu.memref_slice %arg2[%add3A_81, %dma_start3A_161, %dma_start3A_162] : memref<4x10240x128xf32, #tpu.memory_space<hbm>> -> memref<1x10240x128xf32, #tpu.memory_space<hbm>>
      %dma_start3A_164 = tpu.memref_squeeze %dma_start3A_163 : memref<1x10240x128xf32, #tpu.memory_space<hbm>> -> memref<10240x128xf32, #tpu.memory_space<hbm>>
      %dma_start3A_165 = arith.constant 0 : i32
      %dma_start3A_166 = tpu.memref_slice %dma_start3A_164[%mul3A_83, %dma_start3A_165] : memref<10240x128xf32, #tpu.memory_space<hbm>> -> memref<632x128xf32, #tpu.memory_space<hbm>>
      tpu.enqueue_dma source(%dma_start3A_166 : memref<632x128xf32, #tpu.memory_space<hbm>>) target(%dma_start3A_160 : memref<632x128xf32, #tpu.memory_space<vmem_shared>>) target_semaphore(%run_scoped3A : memref<!tpu.dma_semaphore, #tpu.memory_space<semaphore_mem>>)
      %dma_wait3A = arith.constant 0 : i32
      %dma_wait3A_167 = tpu.memref_slice %arg15[%mul3A_85, %dma_wait3A] : memref<10112x128xf32, #tpu.memory_space<vmem_shared>> -> memref<632x128xf32, #tpu.memory_space<vmem_shared>>
      %dma_wait3A_168 = arith.constant 0 : i32
      %dma_wait3A_169 = arith.constant 0 : i32
      %dma_wait3A_170 = tpu.memref_slice %arg2[%add3A_81, %dma_wait3A_168, %dma_wait3A_169] : memref<4x10240x128xf32, #tpu.memory_space<hbm>> -> memref<1x10240x128xf32, #tpu.memory_space<hbm>>
      %dma_wait3A_171 = tpu.memref_squeeze %dma_wait3A_170 : memref<1x10240x128xf32, #tpu.memory_space<hbm>> -> memref<10240x128xf32, #tpu.memory_space<hbm>>
      %dma_wait3A_172 = arith.constant 0 : i32
      %dma_wait3A_173 = tpu.memref_slice %dma_wait3A_171[%mul3A_83, %dma_wait3A_172] : memref<10240x128xf32, #tpu.memory_space<hbm>> -> memref<632x128xf32, #tpu.memory_space<hbm>>
      tpu.wait_dma2 semaphore(%run_scoped3A : memref<!tpu.dma_semaphore, #tpu.memory_space<semaphore_mem>>) src(%dma_wait3A_173 : memref<632x128xf32, #tpu.memory_space<hbm>>) dst(%dma_wait3A_167 : memref<632x128xf32, #tpu.memory_space<vmem_shared>>)
      tpu.yield
    }) : () -> ()
    %barrier3A_86 = arith.constant 0 : index
    tpu.barrier barrier_id(%barrier3A_86)
    %dma_start3A_87 = arith.constant 0 : i32
    %dma_start3A_88 = tpu.memref_slice %arg6[%dma_start3A_87] : memref<10240xi32, #tpu.memory_space<vmem>> -> memref<64xi32, #tpu.memory_space<vmem>>
    %dma_start3A_89 = arith.constant 0 : i32
    %dma_start3A_90 = arith.constant 0 : i32
    %dma_start3A_91 = tpu.memref_slice %arg2[%add3A_81, %dma_start3A_89, %dma_start3A_90] : memref<4x10240x128xf32, #tpu.memory_space<hbm>> -> memref<1x10240x128xf32, #tpu.memory_space<hbm>>
    %dma_start3A_92 = tpu.memref_squeeze %dma_start3A_91 : memref<1x10240x128xf32, #tpu.memory_space<hbm>> -> memref<10240x128xf32, #tpu.memory_space<hbm>>
    %dma_start3A_93 = arith.constant 0 : i32
    %dma_start3A_94 = arith.constant 0 : i32
    %dma_start3A_95 = tpu.memref_slice %dma_start3A_92[%dma_start3A_93, %dma_start3A_94] : memref<10240x128xf32, #tpu.memory_space<hbm>> -> memref<10240x128xf32, #tpu.memory_space<hbm>>
    tpu.enqueue_indirect_dma source(%dma_start3A_95 : memref<10240x128xf32, #tpu.memory_space<hbm>>) target(%arg11 : memref<64x128xf32, #tpu.memory_space<vmem>>) offsets(%dma_start3A_88 : memref<64xi32, #tpu.memory_space<vmem>>) semaphore(%arg16 : memref<!tpu.dma_semaphore, #tpu.memory_space<semaphore_mem>>)
    %mul3A_96 = arith.constant 10240 : i32
    %mul3A_97 = arith.muli %arg1, %mul3A_96 : i32
    %add3A_98 = arith.constant 0 : i32
    %add3A_99 = arith.addi %mul3A_97, %add3A_98 : i32
    %dma_start3A_100 = tpu.memref_slice %arg4[%add3A_99] : memref<163840xi32, #tpu.memory_space<hbm>> -> memref<64xi32, #tpu.memory_space<hbm>>
    %dma_start3A_101 = tpu.memref_slice %arg4[%add3A_99] : memref<163840xi32, #tpu.memory_space<hbm>> -> memref<64xi32, #tpu.memory_space<hbm>>
    tpu.enqueue_dma source(%dma_start3A_101 : memref<64xi32, #tpu.memory_space<hbm>>) target(%arg7 : memref<64xi32, #tpu.memory_space<vmem>>) target_semaphore(%arg20 : memref<!tpu.dma_semaphore, #tpu.memory_space<semaphore_mem>>)
    %dma_start3A_102 = arith.constant 64 : i32
    %dma_start3A_103 = tpu.memref_slice %arg6[%dma_start3A_102] : memref<10240xi32, #tpu.memory_space<vmem>> -> memref<64xi32, #tpu.memory_space<vmem>>
    %dma_start3A_104 = arith.constant 0 : i32
    %dma_start3A_105 = arith.constant 0 : i32
    %dma_start3A_106 = tpu.memref_slice %arg2[%add3A_81, %dma_start3A_104, %dma_start3A_105] : memref<4x10240x128xf32, #tpu.memory_space<hbm>> -> memref<1x10240x128xf32, #tpu.memory_space<hbm>>
    %dma_start3A_107 = tpu.memref_squeeze %dma_start3A_106 : memref<1x10240x128xf32, #tpu.memory_space<hbm>> -> memref<10240x128xf32, #tpu.memory_space<hbm>>
    %dma_start3A_108 = arith.constant 0 : i32
    %dma_start3A_109 = arith.constant 0 : i32
    %dma_start3A_110 = tpu.memref_slice %dma_start3A_107[%dma_start3A_108, %dma_start3A_109] : memref<10240x128xf32, #tpu.memory_space<hbm>> -> memref<10240x128xf32, #tpu.memory_space<hbm>>
    tpu.enqueue_indirect_dma source(%dma_start3A_110 : memref<10240x128xf32, #tpu.memory_space<hbm>>) target(%arg12 : memref<64x128xf32, #tpu.memory_space<vmem>>) offsets(%dma_start3A_103 : memref<64xi32, #tpu.memory_space<vmem>>) semaphore(%arg17 : memref<!tpu.dma_semaphore, #tpu.memory_space<semaphore_mem>>)
    %mul3A_111 = arith.constant 10240 : i32
    %mul3A_112 = arith.muli %arg1, %mul3A_111 : i32
    %add3A_113 = arith.constant 64 : i32
    %add3A_114 = arith.addi %mul3A_112, %add3A_113 : i32
    %dma_start3A_115 = tpu.memref_slice %arg4[%add3A_114] : memref<163840xi32, #tpu.memory_space<hbm>> -> memref<64xi32, #tpu.memory_space<hbm>>
    %dma_start3A_116 = tpu.memref_slice %arg4[%add3A_114] : memref<163840xi32, #tpu.memory_space<hbm>> -> memref<64xi32, #tpu.memory_space<hbm>>
    tpu.enqueue_dma source(%dma_start3A_116 : memref<64xi32, #tpu.memory_space<hbm>>) target(%arg8 : memref<64xi32, #tpu.memory_space<vmem>>) target_semaphore(%arg21 : memref<!tpu.dma_semaphore, #tpu.memory_space<semaphore_mem>>)
    %dma_start3A_117 = arith.constant 128 : i32
    %dma_start3A_118 = tpu.memref_slice %arg6[%dma_start3A_117] : memref<10240xi32, #tpu.memory_space<vmem>> -> memref<64xi32, #tpu.memory_space<vmem>>
    %dma_start3A_119 = arith.constant 0 : i32
    %dma_start3A_120 = arith.constant 0 : i32
    %dma_start3A_121 = tpu.memref_slice %arg2[%add3A_81, %dma_start3A_119, %dma_start3A_120] : memref<4x10240x128xf32, #tpu.memory_space<hbm>> -> memref<1x10240x128xf32, #tpu.memory_space<hbm>>
    %dma_start3A_122 = tpu.memref_squeeze %dma_start3A_121 : memref<1x10240x128xf32, #tpu.memory_space<hbm>> -> memref<10240x128xf32, #tpu.memory_space<hbm>>
    %dma_start3A_123 = arith.constant 0 : i32
    %dma_start3A_124 = arith.constant 0 : i32
    %dma_start3A_125 = tpu.memref_slice %dma_start3A_122[%dma_start3A_123, %dma_start3A_124] : memref<10240x128xf32, #tpu.memory_space<hbm>> -> memref<10240x128xf32, #tpu.memory_space<hbm>>
    tpu.enqueue_indirect_dma source(%dma_start3A_125 : memref<10240x128xf32, #tpu.memory_space<hbm>>) target(%arg13 : memref<64x128xf32, #tpu.memory_space<vmem>>) offsets(%dma_start3A_118 : memref<64xi32, #tpu.memory_space<vmem>>) semaphore(%arg18 : memref<!tpu.dma_semaphore, #tpu.memory_space<semaphore_mem>>)
    %mul3A_126 = arith.constant 10240 : i32
    %mul3A_127 = arith.muli %arg1, %mul3A_126 : i32
    %add3A_128 = arith.constant 128 : i32
    %add3A_129 = arith.addi %mul3A_127, %add3A_128 : i32
    %dma_start3A_130 = tpu.memref_slice %arg4[%add3A_129] : memref<163840xi32, #tpu.memory_space<hbm>> -> memref<64xi32, #tpu.memory_space<hbm>>
    %dma_start3A_131 = tpu.memref_slice %arg4[%add3A_129] : memref<163840xi32, #tpu.memory_space<hbm>> -> memref<64xi32, #tpu.memory_space<hbm>>
    tpu.enqueue_dma source(%dma_start3A_131 : memref<64xi32, #tpu.memory_space<hbm>>) target(%arg9 : memref<64xi32, #tpu.memory_space<vmem>>) target_semaphore(%arg22 : memref<!tpu.dma_semaphore, #tpu.memory_space<semaphore_mem>>)
    %dma_start3A_132 = arith.constant 192 : i32
    %dma_start3A_133 = tpu.memref_slice %arg6[%dma_start3A_132] : memref<10240xi32, #tpu.memory_space<vmem>> -> memref<64xi32, #tpu.memory_space<vmem>>
    %dma_start3A_134 = arith.constant 0 : i32
    %dma_start3A_135 = arith.constant 0 : i32
    %dma_start3A_136 = tpu.memref_slice %arg2[%add3A_81, %dma_start3A_134, %dma_start3A_135] : memref<4x10240x128xf32, #tpu.memory_space<hbm>> -> memref<1x10240x128xf32, #tpu.memory_space<hbm>>
    %dma_start3A_137 = tpu.memref_squeeze %dma_start3A_136 : memref<1x10240x128xf32, #tpu.memory_space<hbm>> -> memref<10240x128xf32, #tpu.memory_space<hbm>>
    %dma_start3A_138 = arith.constant 0 : i32
    %dma_start3A_139 = arith.constant 0 : i32
    %dma_start3A_140 = tpu.memref_slice %dma_start3A_137[%dma_start3A_138, %dma_start3A_139] : memref<10240x128xf32, #tpu.memory_space<hbm>> -> memref<10240x128xf32, #tpu.memory_space<hbm>>
    tpu.enqueue_indirect_dma source(%dma_start3A_140 : memref<10240x128xf32, #tpu.memory_space<hbm>>) target(%arg14 : memref<64x128xf32, #tpu.memory_space<vmem>>) offsets(%dma_start3A_133 : memref<64xi32, #tpu.memory_space<vmem>>) semaphore(%arg19 : memref<!tpu.dma_semaphore, #tpu.memory_space<semaphore_mem>>)
    %mul3A_141 = arith.constant 10240 : i32
    %mul3A_142 = arith.muli %arg1, %mul3A_141 : i32
    %add3A_143 = arith.constant 192 : i32
    %add3A_144 = arith.addi %mul3A_142, %add3A_143 : i32
    %dma_start3A_145 = tpu.memref_slice %arg4[%add3A_144] : memref<163840xi32, #tpu.memory_space<hbm>> -> memref<64xi32, #tpu.memory_space<hbm>>
    %dma_start3A_146 = tpu.memref_slice %arg4[%add3A_144] : memref<163840xi32, #tpu.memory_space<hbm>> -> memref<64xi32, #tpu.memory_space<hbm>>
    tpu.enqueue_dma source(%dma_start3A_146 : memref<64xi32, #tpu.memory_space<hbm>>) target(%arg10 : memref<64xi32, #tpu.memory_space<vmem>>) target_semaphore(%arg23 : memref<!tpu.dma_semaphore, #tpu.memory_space<semaphore_mem>>)
    %scan3A_147 = arith.constant 0 : i32
    %scan3A_148 = arith.constant 0 : i32
    %scan3A_149 = arith.constant 40 : i32
    %scan3A_150 = arith.addi %scan3A_148, %scan3A_149 : i32
    %scan3A_151 = arith.constant 1 : i32
    scf.for %scan3A_159 = %scan3A_148 to %scan3A_150 step %scan3A_151  : i32 {
      %mul3A_160 = arith.constant 4 : i32
      %mul3A_161 = arith.muli %scan3A_159, %mul3A_160 : i32
      %add3A_162 = arith.constant 0 : i32
      %add3A_163 = arith.addi %mul3A_161, %add3A_162 : i32
      %mul3A_164 = arith.constant 64 : i32
      %mul3A_165 = arith.muli %add3A_163, %mul3A_164 : i32
      %dma_wait3A = tpu.memref_slice %arg6[%mul3A_165] : memref<10240xi32, #tpu.memory_space<vmem>> -> memref<64xi32, #tpu.memory_space<vmem>>
      %dma_wait3A_166 = arith.constant 0 : i32
      %dma_wait3A_167 = arith.constant 0 : i32
      %dma_wait3A_168 = tpu.memref_slice %arg2[%add3A_81, %dma_wait3A_166, %dma_wait3A_167] : memref<4x10240x128xf32, #tpu.memory_space<hbm>> -> memref<1x10240x128xf32, #tpu.memory_space<hbm>>
      %dma_wait3A_169 = tpu.memref_squeeze %dma_wait3A_168 : memref<1x10240x128xf32, #tpu.memory_space<hbm>> -> memref<10240x128xf32, #tpu.memory_space<hbm>>
      %dma_wait3A_170 = arith.constant 0 : i32
      %dma_wait3A_171 = arith.constant 0 : i32
      %dma_wait3A_172 = tpu.memref_slice %dma_wait3A_169[%dma_wait3A_170, %dma_wait3A_171] : memref<10240x128xf32, #tpu.memory_space<hbm>> -> memref<10240x128xf32, #tpu.memory_space<hbm>>
      tpu.wait_indirect_dma semaphore(%arg16 : memref<!tpu.dma_semaphore, #tpu.memory_space<semaphore_mem>>) src(%dma_wait3A_172 : memref<10240x128xf32, #tpu.memory_space<hbm>>) dst(%arg11 : memref<64x128xf32, #tpu.memory_space<vmem>>)
      %dma_wait3A_173 = arith.constant 0 : i32
      %dma_wait3A_174 = tpu.memref_slice %arg4[%dma_wait3A_173] : memref<163840xi32, #tpu.memory_space<hbm>> -> memref<64xi32, #tpu.memory_space<hbm>>
      %dma_wait3A_175 = arith.constant 0 : i32
      %dma_wait3A_176 = tpu.memref_slice %arg4[%dma_wait3A_175] : memref<163840xi32, #tpu.memory_space<hbm>> -> memref<64xi32, #tpu.memory_space<hbm>>
      tpu.wait_dma2 semaphore(%arg20 : memref<!tpu.dma_semaphore, #tpu.memory_space<semaphore_mem>>) src(%dma_wait3A_176 : memref<64xi32, #tpu.memory_space<hbm>>) dst(%arg7 : memref<64xi32, #tpu.memory_space<vmem>>)
      "tpu.region"() ({
        %run_scoped3A = tpu.sem_alloc : memref<!tpu.dma_semaphore, #tpu.memory_space<semaphore_mem>>
        %dma_start3A_256 = arith.constant 0 : i32
        %dma_start3A_257 = arith.constant 0 : i32
        %dma_start3A_258 = tpu.memref_slice %arg15[%dma_start3A_256, %dma_start3A_257] : memref<10112x128xf32, #tpu.memory_space<vmem_shared>> -> memref<10112x128xf32, #tpu.memory_space<vmem_shared>>
        tpu.enqueue_indirect_dma source(%arg11 : memref<64x128xf32, #tpu.memory_space<vmem>>) target(%dma_start3A_258 : memref<10112x128xf32, #tpu.memory_space<vmem_shared>>) offsets(%arg7 : memref<64xi32, #tpu.memory_space<vmem>>) semaphore(%run_scoped3A : memref<!tpu.dma_semaphore, #tpu.memory_space<semaphore_mem>>) {add = true}
        %dma_wait3A_259 = arith.constant 0 : i32
        %dma_wait3A_260 = arith.constant 0 : i32
        %dma_wait3A_261 = tpu.memref_slice %arg15[%dma_wait3A_259, %dma_wait3A_260] : memref<10112x128xf32, #tpu.memory_space<vmem_shared>> -> memref<10112x128xf32, #tpu.memory_space<vmem_shared>>
        tpu.wait_indirect_dma semaphore(%run_scoped3A : memref<!tpu.dma_semaphore, #tpu.memory_space<semaphore_mem>>) src(%arg11 : memref<64x128xf32, #tpu.memory_space<vmem>>) dst(%dma_wait3A_261 : memref<10112x128xf32, #tpu.memory_space<vmem_shared>>)
        tpu.yield
      }) : () -> ()
      %add3A_177 = arith.constant 4 : i32
      %add3A_178 = arith.addi %add3A_163, %add3A_177 : i32
      %lt3A = arith.constant 160 : i32
      %lt3A_179 = arith.cmpi slt, %add3A_178, %lt3A : i32
      %convert_element_type3A = arith.extui %lt3A_179 : i1 to i32
      %cond3A = arith.constant 0 : i32
      %cond3A_180 = arith.cmpi ne, %convert_element_type3A, %cond3A : i32
      scf.if %cond3A_180 {
        %add3A_256 = arith.constant 4 : i32
        %add3A_257 = arith.addi %add3A_163, %add3A_256 : i32
        %mul3A_258 = arith.constant 64 : i32
        %mul3A_259 = arith.muli %add3A_257, %mul3A_258 : i32
        %dma_start3A_260 = tpu.memref_slice %arg6[%mul3A_259] : memref<10240xi32, #tpu.memory_space<vmem>> -> memref<64xi32, #tpu.memory_space<vmem>>
        %dma_start3A_261 = arith.constant 0 : i32
        %dma_start3A_262 = arith.constant 0 : i32
        %dma_start3A_263 = tpu.memref_slice %arg2[%add3A_81, %dma_start3A_261, %dma_start3A_262] : memref<4x10240x128xf32, #tpu.memory_space<hbm>> -> memref<1x10240x128xf32, #tpu.memory_space<hbm>>
        %dma_start3A_264 = tpu.memref_squeeze %dma_start3A_263 : memref<1x10240x128xf32, #tpu.memory_space<hbm>> -> memref<10240x128xf32, #tpu.memory_space<hbm>>
        %dma_start3A_265 = arith.constant 0 : i32
        %dma_start3A_266 = arith.constant 0 : i32
        %dma_start3A_267 = tpu.memref_slice %dma_start3A_264[%dma_start3A_265, %dma_start3A_266] : memref<10240x128xf32, #tpu.memory_space<hbm>> -> memref<10240x128xf32, #tpu.memory_space<hbm>>
        tpu.enqueue_indirect_dma source(%dma_start3A_267 : memref<10240x128xf32, #tpu.memory_space<hbm>>) target(%arg11 : memref<64x128xf32, #tpu.memory_space<vmem>>) offsets(%dma_start3A_260 : memref<64xi32, #tpu.memory_space<vmem>>) semaphore(%arg16 : memref<!tpu.dma_semaphore, #tpu.memory_space<semaphore_mem>>)
        %mul3A_268 = arith.constant 10240 : i32
        %mul3A_269 = arith.muli %arg1, %mul3A_268 : i32
        %add3A_270 = arith.constant 4 : i32
        %add3A_271 = arith.addi %add3A_163, %add3A_270 : i32
        %mul3A_272 = arith.constant 64 : i32
        %mul3A_273 = arith.muli %add3A_271, %mul3A_272 : i32
        %add3A_274 = arith.addi %mul3A_269, %mul3A_273 : i32
        %dma_start3A_275 = tpu.memref_slice %arg4[%add3A_274] : memref<163840xi32, #tpu.memory_space<hbm>> -> memref<64xi32, #tpu.memory_space<hbm>>
        %dma_start3A_276 = tpu.memref_slice %arg4[%add3A_274] : memref<163840xi32, #tpu.memory_space<hbm>> -> memref<64xi32, #tpu.memory_space<hbm>>
        tpu.enqueue_dma source(%dma_start3A_276 : memref<64xi32, #tpu.memory_space<hbm>>) target(%arg7 : memref<64xi32, #tpu.memory_space<vmem>>) target_semaphore(%arg20 : memref<!tpu.dma_semaphore, #tpu.memory_space<semaphore_mem>>)
      } else {
      }
      %mul3A_181 = arith.constant 4 : i32
      %mul3A_182 = arith.muli %scan3A_159, %mul3A_181 : i32
      %add3A_183 = arith.constant 1 : i32
      %add3A_184 = arith.addi %mul3A_182, %add3A_183 : i32
      %mul3A_185 = arith.constant 64 : i32
      %mul3A_186 = arith.muli %add3A_184, %mul3A_185 : i32
      %dma_wait3A_187 = tpu.memref_slice %arg6[%mul3A_186] : memref<10240xi32, #tpu.memory_space<vmem>> -> memref<64xi32, #tpu.memory_space<vmem>>
      %dma_wait3A_188 = arith.constant 0 : i32
      %dma_wait3A_189 = arith.constant 0 : i32
      %dma_wait3A_190 = tpu.memref_slice %arg2[%add3A_81, %dma_wait3A_188, %dma_wait3A_189] : memref<4x10240x128xf32, #tpu.memory_space<hbm>> -> memref<1x10240x128xf32, #tpu.memory_space<hbm>>
      %dma_wait3A_191 = tpu.memref_squeeze %dma_wait3A_190 : memref<1x10240x128xf32, #tpu.memory_space<hbm>> -> memref<10240x128xf32, #tpu.memory_space<hbm>>
      %dma_wait3A_192 = arith.constant 0 : i32
      %dma_wait3A_193 = arith.constant 0 : i32
      %dma_wait3A_194 = tpu.memref_slice %dma_wait3A_191[%dma_wait3A_192, %dma_wait3A_193] : memref<10240x128xf32, #tpu.memory_space<hbm>> -> memref<10240x128xf32, #tpu.memory_space<hbm>>
      tpu.wait_indirect_dma semaphore(%arg17 : memref<!tpu.dma_semaphore, #tpu.memory_space<semaphore_mem>>) src(%dma_wait3A_194 : memref<10240x128xf32, #tpu.memory_space<hbm>>) dst(%arg12 : memref<64x128xf32, #tpu.memory_space<vmem>>)
      %dma_wait3A_195 = arith.constant 0 : i32
      %dma_wait3A_196 = tpu.memref_slice %arg4[%dma_wait3A_195] : memref<163840xi32, #tpu.memory_space<hbm>> -> memref<64xi32, #tpu.memory_space<hbm>>
      %dma_wait3A_197 = arith.constant 0 : i32
      %dma_wait3A_198 = tpu.memref_slice %arg4[%dma_wait3A_197] : memref<163840xi32, #tpu.memory_space<hbm>> -> memref<64xi32, #tpu.memory_space<hbm>>
      tpu.wait_dma2 semaphore(%arg21 : memref<!tpu.dma_semaphore, #tpu.memory_space<semaphore_mem>>) src(%dma_wait3A_198 : memref<64xi32, #tpu.memory_space<hbm>>) dst(%arg8 : memref<64xi32, #tpu.memory_space<vmem>>)
      "tpu.region"() ({
        %run_scoped3A = tpu.sem_alloc : memref<!tpu.dma_semaphore, #tpu.memory_space<semaphore_mem>>
        %dma_start3A_256 = arith.constant 0 : i32
        %dma_start3A_257 = arith.constant 0 : i32
        %dma_start3A_258 = tpu.memref_slice %arg15[%dma_start3A_256, %dma_start3A_257] : memref<10112x128xf32, #tpu.memory_space<vmem_shared>> -> memref<10112x128xf32, #tpu.memory_space<vmem_shared>>
        tpu.enqueue_indirect_dma source(%arg12 : memref<64x128xf32, #tpu.memory_space<vmem>>) target(%dma_start3A_258 : memref<10112x128xf32, #tpu.memory_space<vmem_shared>>) offsets(%arg8 : memref<64xi32, #tpu.memory_space<vmem>>) semaphore(%run_scoped3A : memref<!tpu.dma_semaphore, #tpu.memory_space<semaphore_mem>>) {add = true}
        %dma_wait3A_259 = arith.constant 0 : i32
        %dma_wait3A_260 = arith.constant 0 : i32
        %dma_wait3A_261 = tpu.memref_slice %arg15[%dma_wait3A_259, %dma_wait3A_260] : memref<10112x128xf32, #tpu.memory_space<vmem_shared>> -> memref<10112x128xf32, #tpu.memory_space<vmem_shared>>
        tpu.wait_indirect_dma semaphore(%run_scoped3A : memref<!tpu.dma_semaphore, #tpu.memory_space<semaphore_mem>>) src(%arg12 : memref<64x128xf32, #tpu.memory_space<vmem>>) dst(%dma_wait3A_261 : memref<10112x128xf32, #tpu.memory_space<vmem_shared>>)
        tpu.yield
      }) : () -> ()
      %add3A_199 = arith.constant 4 : i32
      %add3A_200 = arith.addi %add3A_184, %add3A_199 : i32
      %lt3A_201 = arith.constant 160 : i32
      %lt3A_202 = arith.cmpi slt, %add3A_200, %lt3A_201 : i32
      %convert_element_type3A_203 = arith.extui %lt3A_202 : i1 to i32
      %cond3A_204 = arith.constant 0 : i32
      %cond3A_205 = arith.cmpi ne, %convert_element_type3A_203, %cond3A_204 : i32
      scf.if %cond3A_205 {
        %add3A_256 = arith.constant 4 : i32
        %add3A_257 = arith.addi %add3A_184, %add3A_256 : i32
        %mul3A_258 = arith.constant 64 : i32
        %mul3A_259 = arith.muli %add3A_257, %mul3A_258 : i32
        %dma_start3A_260 = tpu.memref_slice %arg6[%mul3A_259] : memref<10240xi32, #tpu.memory_space<vmem>> -> memref<64xi32, #tpu.memory_space<vmem>>
        %dma_start3A_261 = arith.constant 0 : i32
        %dma_start3A_262 = arith.constant 0 : i32
        %dma_start3A_263 = tpu.memref_slice %arg2[%add3A_81, %dma_start3A_261, %dma_start3A_262] : memref<4x10240x128xf32, #tpu.memory_space<hbm>> -> memref<1x10240x128xf32, #tpu.memory_space<hbm>>
        %dma_start3A_264 = tpu.memref_squeeze %dma_start3A_263 : memref<1x10240x128xf32, #tpu.memory_space<hbm>> -> memref<10240x128xf32, #tpu.memory_space<hbm>>
        %dma_start3A_265 = arith.constant 0 : i32
        %dma_start3A_266 = arith.constant 0 : i32
        %dma_start3A_267 = tpu.memref_slice %dma_start3A_264[%dma_start3A_265, %dma_start3A_266] : memref<10240x128xf32, #tpu.memory_space<hbm>> -> memref<10240x128xf32, #tpu.memory_space<hbm>>
        tpu.enqueue_indirect_dma source(%dma_start3A_267 : memref<10240x128xf32, #tpu.memory_space<hbm>>) target(%arg12 : memref<64x128xf32, #tpu.memory_space<vmem>>) offsets(%dma_start3A_260 : memref<64xi32, #tpu.memory_space<vmem>>) semaphore(%arg17 : memref<!tpu.dma_semaphore, #tpu.memory_space<semaphore_mem>>)
        %mul3A_268 = arith.constant 10240 : i32
        %mul3A_269 = arith.muli %arg1, %mul3A_268 : i32
        %add3A_270 = arith.constant 4 : i32
        %add3A_271 = arith.addi %add3A_184, %add3A_270 : i32
        %mul3A_272 = arith.constant 64 : i32
        %mul3A_273 = arith.muli %add3A_271, %mul3A_272 : i32
        %add3A_274 = arith.addi %mul3A_269, %mul3A_273 : i32
        %dma_start3A_275 = tpu.memref_slice %arg4[%add3A_274] : memref<163840xi32, #tpu.memory_space<hbm>> -> memref<64xi32, #tpu.memory_space<hbm>>
        %dma_start3A_276 = tpu.memref_slice %arg4[%add3A_274] : memref<163840xi32, #tpu.memory_space<hbm>> -> memref<64xi32, #tpu.memory_space<hbm>>
        tpu.enqueue_dma source(%dma_start3A_276 : memref<64xi32, #tpu.memory_space<hbm>>) target(%arg8 : memref<64xi32, #tpu.memory_space<vmem>>) target_semaphore(%arg21 : memref<!tpu.dma_semaphore, #tpu.memory_space<semaphore_mem>>)
      } else {
      }
      %mul3A_206 = arith.constant 4 : i32
      %mul3A_207 = arith.muli %scan3A_159, %mul3A_206 : i32
      %add3A_208 = arith.constant 2 : i32
      %add3A_209 = arith.addi %mul3A_207, %add3A_208 : i32
      %mul3A_210 = arith.constant 64 : i32
      %mul3A_211 = arith.muli %add3A_209, %mul3A_210 : i32
      %dma_wait3A_212 = tpu.memref_slice %arg6[%mul3A_211] : memref<10240xi32, #tpu.memory_space<vmem>> -> memref<64xi32, #tpu.memory_space<vmem>>
      %dma_wait3A_213 = arith.constant 0 : i32
      %dma_wait3A_214 = arith.constant 0 : i32
      %dma_wait3A_215 = tpu.memref_slice %arg2[%add3A_81, %dma_wait3A_213, %dma_wait3A_214] : memref<4x10240x128xf32, #tpu.memory_space<hbm>> -> memref<1x10240x128xf32, #tpu.memory_space<hbm>>
      %dma_wait3A_216 = tpu.memref_squeeze %dma_wait3A_215 : memref<1x10240x128xf32, #tpu.memory_space<hbm>> -> memref<10240x128xf32, #tpu.memory_space<hbm>>
      %dma_wait3A_217 = arith.constant 0 : i32
      %dma_wait3A_218 = arith.constant 0 : i32
      %dma_wait3A_219 = tpu.memref_slice %dma_wait3A_216[%dma_wait3A_217, %dma_wait3A_218] : memref<10240x128xf32, #tpu.memory_space<hbm>> -> memref<10240x128xf32, #tpu.memory_space<hbm>>
      tpu.wait_indirect_dma semaphore(%arg18 : memref<!tpu.dma_semaphore, #tpu.memory_space<semaphore_mem>>) src(%dma_wait3A_219 : memref<10240x128xf32, #tpu.memory_space<hbm>>) dst(%arg13 : memref<64x128xf32, #tpu.memory_space<vmem>>)
      %dma_wait3A_220 = arith.constant 0 : i32
      %dma_wait3A_221 = tpu.memref_slice %arg4[%dma_wait3A_220] : memref<163840xi32, #tpu.memory_space<hbm>> -> memref<64xi32, #tpu.memory_space<hbm>>
      %dma_wait3A_222 = arith.constant 0 : i32
      %dma_wait3A_223 = tpu.memref_slice %arg4[%dma_wait3A_222] : memref<163840xi32, #tpu.memory_space<hbm>> -> memref<64xi32, #tpu.memory_space<hbm>>
      tpu.wait_dma2 semaphore(%arg22 : memref<!tpu.dma_semaphore, #tpu.memory_space<semaphore_mem>>) src(%dma_wait3A_223 : memref<64xi32, #tpu.memory_space<hbm>>) dst(%arg9 : memref<64xi32, #tpu.memory_space<vmem>>)
      "tpu.region"() ({
        %run_scoped3A = tpu.sem_alloc : memref<!tpu.dma_semaphore, #tpu.memory_space<semaphore_mem>>
        %dma_start3A_256 = arith.constant 0 : i32
        %dma_start3A_257 = arith.constant 0 : i32
        %dma_start3A_258 = tpu.memref_slice %arg15[%dma_start3A_256, %dma_start3A_257] : memref<10112x128xf32, #tpu.memory_space<vmem_shared>> -> memref<10112x128xf32, #tpu.memory_space<vmem_shared>>
        tpu.enqueue_indirect_dma source(%arg13 : memref<64x128xf32, #tpu.memory_space<vmem>>) target(%dma_start3A_258 : memref<10112x128xf32, #tpu.memory_space<vmem_shared>>) offsets(%arg9 : memref<64xi32, #tpu.memory_space<vmem>>) semaphore(%run_scoped3A : memref<!tpu.dma_semaphore, #tpu.memory_space<semaphore_mem>>) {add = true}
        %dma_wait3A_259 = arith.constant 0 : i32
        %dma_wait3A_260 = arith.constant 0 : i32
        %dma_wait3A_261 = tpu.memref_slice %arg15[%dma_wait3A_259, %dma_wait3A_260] : memref<10112x128xf32, #tpu.memory_space<vmem_shared>> -> memref<10112x128xf32, #tpu.memory_space<vmem_shared>>
        tpu.wait_indirect_dma semaphore(%run_scoped3A : memref<!tpu.dma_semaphore, #tpu.memory_space<semaphore_mem>>) src(%arg13 : memref<64x128xf32, #tpu.memory_space<vmem>>) dst(%dma_wait3A_261 : memref<10112x128xf32, #tpu.memory_space<vmem_shared>>)
        tpu.yield
      }) : () -> ()
      %add3A_224 = arith.constant 4 : i32
      %add3A_225 = arith.addi %add3A_209, %add3A_224 : i32
      %lt3A_226 = arith.constant 160 : i32
      %lt3A_227 = arith.cmpi slt, %add3A_225, %lt3A_226 : i32
      %convert_element_type3A_228 = arith.extui %lt3A_227 : i1 to i32
      %cond3A_229 = arith.constant 0 : i32
      %cond3A_230 = arith.cmpi ne, %convert_element_type3A_228, %cond3A_229 : i32
      scf.if %cond3A_230 {
        %add3A_256 = arith.constant 4 : i32
        %add3A_257 = arith.addi %add3A_209, %add3A_256 : i32
        %mul3A_258 = arith.constant 64 : i32
        %mul3A_259 = arith.muli %add3A_257, %mul3A_258 : i32
        %dma_start3A_260 = tpu.memref_slice %arg6[%mul3A_259] : memref<10240xi32, #tpu.memory_space<vmem>> -> memref<64xi32, #tpu.memory_space<vmem>>
        %dma_start3A_261 = arith.constant 0 : i32
        %dma_start3A_262 = arith.constant 0 : i32
        %dma_start3A_263 = tpu.memref_slice %arg2[%add3A_81, %dma_start3A_261, %dma_start3A_262] : memref<4x10240x128xf32, #tpu.memory_space<hbm>> -> memref<1x10240x128xf32, #tpu.memory_space<hbm>>
        %dma_start3A_264 = tpu.memref_squeeze %dma_start3A_263 : memref<1x10240x128xf32, #tpu.memory_space<hbm>> -> memref<10240x128xf32, #tpu.memory_space<hbm>>
        %dma_start3A_265 = arith.constant 0 : i32
        %dma_start3A_266 = arith.constant 0 : i32
        %dma_start3A_267 = tpu.memref_slice %dma_start3A_264[%dma_start3A_265, %dma_start3A_266] : memref<10240x128xf32, #tpu.memory_space<hbm>> -> memref<10240x128xf32, #tpu.memory_space<hbm>>
        tpu.enqueue_indirect_dma source(%dma_start3A_267 : memref<10240x128xf32, #tpu.memory_space<hbm>>) target(%arg13 : memref<64x128xf32, #tpu.memory_space<vmem>>) offsets(%dma_start3A_260 : memref<64xi32, #tpu.memory_space<vmem>>) semaphore(%arg18 : memref<!tpu.dma_semaphore, #tpu.memory_space<semaphore_mem>>)
        %mul3A_268 = arith.constant 10240 : i32
        %mul3A_269 = arith.muli %arg1, %mul3A_268 : i32
        %add3A_270 = arith.constant 4 : i32
        %add3A_271 = arith.addi %add3A_209, %add3A_270 : i32
        %mul3A_272 = arith.constant 64 : i32
        %mul3A_273 = arith.muli %add3A_271, %mul3A_272 : i32
        %add3A_274 = arith.addi %mul3A_269, %mul3A_273 : i32
        %dma_start3A_275 = tpu.memref_slice %arg4[%add3A_274] : memref<163840xi32, #tpu.memory_space<hbm>> -> memref<64xi32, #tpu.memory_space<hbm>>
        %dma_start3A_276 = tpu.memref_slice %arg4[%add3A_274] : memref<163840xi32, #tpu.memory_space<hbm>> -> memref<64xi32, #tpu.memory_space<hbm>>
        tpu.enqueue_dma source(%dma_start3A_276 : memref<64xi32, #tpu.memory_space<hbm>>) target(%arg9 : memref<64xi32, #tpu.memory_space<vmem>>) target_semaphore(%arg22 : memref<!tpu.dma_semaphore, #tpu.memory_space<semaphore_mem>>)
      } else {
      }
      %mul3A_231 = arith.constant 4 : i32
      %mul3A_232 = arith.muli %scan3A_159, %mul3A_231 : i32
      %add3A_233 = arith.constant 3 : i32
      %add3A_234 = arith.addi %mul3A_232, %add3A_233 : i32
      %mul3A_235 = arith.constant 64 : i32
      %mul3A_236 = arith.muli %add3A_234, %mul3A_235 : i32
      %dma_wait3A_237 = tpu.memref_slice %arg6[%mul3A_236] : memref<10240xi32, #tpu.memory_space<vmem>> -> memref<64xi32, #tpu.memory_space<vmem>>
      %dma_wait3A_238 = arith.constant 0 : i32
      %dma_wait3A_239 = arith.constant 0 : i32
      %dma_wait3A_240 = tpu.memref_slice %arg2[%add3A_81, %dma_wait3A_238, %dma_wait3A_239] : memref<4x10240x128xf32, #tpu.memory_space<hbm>> -> memref<1x10240x128xf32, #tpu.memory_space<hbm>>
      %dma_wait3A_241 = tpu.memref_squeeze %dma_wait3A_240 : memref<1x10240x128xf32, #tpu.memory_space<hbm>> -> memref<10240x128xf32, #tpu.memory_space<hbm>>
      %dma_wait3A_242 = arith.constant 0 : i32
      %dma_wait3A_243 = arith.constant 0 : i32
      %dma_wait3A_244 = tpu.memref_slice %dma_wait3A_241[%dma_wait3A_242, %dma_wait3A_243] : memref<10240x128xf32, #tpu.memory_space<hbm>> -> memref<10240x128xf32, #tpu.memory_space<hbm>>
      tpu.wait_indirect_dma semaphore(%arg19 : memref<!tpu.dma_semaphore, #tpu.memory_space<semaphore_mem>>) src(%dma_wait3A_244 : memref<10240x128xf32, #tpu.memory_space<hbm>>) dst(%arg14 : memref<64x128xf32, #tpu.memory_space<vmem>>)
      %dma_wait3A_245 = arith.constant 0 : i32
      %dma_wait3A_246 = tpu.memref_slice %arg4[%dma_wait3A_245] : memref<163840xi32, #tpu.memory_space<hbm>> -> memref<64xi32, #tpu.memory_space<hbm>>
      %dma_wait3A_247 = arith.constant 0 : i32
      %dma_wait3A_248 = tpu.memref_slice %arg4[%dma_wait3A_247] : memref<163840xi32, #tpu.memory_space<hbm>> -> memref<64xi32, #tpu.memory_space<hbm>>
      tpu.wait_dma2 semaphore(%arg23 : memref<!tpu.dma_semaphore, #tpu.memory_space<semaphore_mem>>) src(%dma_wait3A_248 : memref<64xi32, #tpu.memory_space<hbm>>) dst(%arg10 : memref<64xi32, #tpu.memory_space<vmem>>)
      "tpu.region"() ({
        %run_scoped3A = tpu.sem_alloc : memref<!tpu.dma_semaphore, #tpu.memory_space<semaphore_mem>>
        %dma_start3A_256 = arith.constant 0 : i32
        %dma_start3A_257 = arith.constant 0 : i32
        %dma_start3A_258 = tpu.memref_slice %arg15[%dma_start3A_256, %dma_start3A_257] : memref<10112x128xf32, #tpu.memory_space<vmem_shared>> -> memref<10112x128xf32, #tpu.memory_space<vmem_shared>>
        tpu.enqueue_indirect_dma source(%arg14 : memref<64x128xf32, #tpu.memory_space<vmem>>) target(%dma_start3A_258 : memref<10112x128xf32, #tpu.memory_space<vmem_shared>>) offsets(%arg10 : memref<64xi32, #tpu.memory_space<vmem>>) semaphore(%run_scoped3A : memref<!tpu.dma_semaphore, #tpu.memory_space<semaphore_mem>>) {add = true}
        %dma_wait3A_259 = arith.constant 0 : i32
        %dma_wait3A_260 = arith.constant 0 : i32
        %dma_wait3A_261 = tpu.memref_slice %arg15[%dma_wait3A_259, %dma_wait3A_260] : memref<10112x128xf32, #tpu.memory_space<vmem_shared>> -> memref<10112x128xf32, #tpu.memory_space<vmem_shared>>
        tpu.wait_indirect_dma semaphore(%run_scoped3A : memref<!tpu.dma_semaphore, #tpu.memory_space<semaphore_mem>>) src(%arg14 : memref<64x128xf32, #tpu.memory_space<vmem>>) dst(%dma_wait3A_261 : memref<10112x128xf32, #tpu.memory_space<vmem_shared>>)
        tpu.yield
      }) : () -> ()
      %add3A_249 = arith.constant 4 : i32
      %add3A_250 = arith.addi %add3A_234, %add3A_249 : i32
      %lt3A_251 = arith.constant 160 : i32
      %lt3A_252 = arith.cmpi slt, %add3A_250, %lt3A_251 : i32
      %convert_element_type3A_253 = arith.extui %lt3A_252 : i1 to i32
      %cond3A_254 = arith.constant 0 : i32
      %cond3A_255 = arith.cmpi ne, %convert_element_type3A_253, %cond3A_254 : i32
      scf.if %cond3A_255 {
        %add3A_256 = arith.constant 4 : i32
        %add3A_257 = arith.addi %add3A_234, %add3A_256 : i32
        %mul3A_258 = arith.constant 64 : i32
        %mul3A_259 = arith.muli %add3A_257, %mul3A_258 : i32
        %dma_start3A_260 = tpu.memref_slice %arg6[%mul3A_259] : memref<10240xi32, #tpu.memory_space<vmem>> -> memref<64xi32, #tpu.memory_space<vmem>>
        %dma_start3A_261 = arith.constant 0 : i32
        %dma_start3A_262 = arith.constant 0 : i32
        %dma_start3A_263 = tpu.memref_slice %arg2[%add3A_81, %dma_start3A_261, %dma_start3A_262] : memref<4x10240x128xf32, #tpu.memory_space<hbm>> -> memref<1x10240x128xf32, #tpu.memory_space<hbm>>
        %dma_start3A_264 = tpu.memref_squeeze %dma_start3A_263 : memref<1x10240x128xf32, #tpu.memory_space<hbm>> -> memref<10240x128xf32, #tpu.memory_space<hbm>>
        %dma_start3A_265 = arith.constant 0 : i32
        %dma_start3A_266 = arith.constant 0 : i32
        %dma_start3A_267 = tpu.memref_slice %dma_start3A_264[%dma_start3A_265, %dma_start3A_266] : memref<10240x128xf32, #tpu.memory_space<hbm>> -> memref<10240x128xf32, #tpu.memory_space<hbm>>
        tpu.enqueue_indirect_dma source(%dma_start3A_267 : memref<10240x128xf32, #tpu.memory_space<hbm>>) target(%arg14 : memref<64x128xf32, #tpu.memory_space<vmem>>) offsets(%dma_start3A_260 : memref<64xi32, #tpu.memory_space<vmem>>) semaphore(%arg19 : memref<!tpu.dma_semaphore, #tpu.memory_space<semaphore_mem>>)
        %mul3A_268 = arith.constant 10240 : i32
        %mul3A_269 = arith.muli %arg1, %mul3A_268 : i32
        %add3A_270 = arith.constant 4 : i32
        %add3A_271 = arith.addi %add3A_234, %add3A_270 : i32
        %mul3A_272 = arith.constant 64 : i32
        %mul3A_273 = arith.muli %add3A_271, %mul3A_272 : i32
        %add3A_274 = arith.addi %mul3A_269, %mul3A_273 : i32
        %dma_start3A_275 = tpu.memref_slice %arg4[%add3A_274] : memref<163840xi32, #tpu.memory_space<hbm>> -> memref<64xi32, #tpu.memory_space<hbm>>
        %dma_start3A_276 = tpu.memref_slice %arg4[%add3A_274] : memref<163840xi32, #tpu.memory_space<hbm>> -> memref<64xi32, #tpu.memory_space<hbm>>
        tpu.enqueue_dma source(%dma_start3A_276 : memref<64xi32, #tpu.memory_space<hbm>>) target(%arg10 : memref<64xi32, #tpu.memory_space<vmem>>) target_semaphore(%arg23 : memref<!tpu.dma_semaphore, #tpu.memory_space<semaphore_mem>>)
      } else {
      }
    }
    %scan3A_152 = arith.constant 40 : i32
    %barrier3A_153 = arith.constant 0 : index
    tpu.barrier barrier_id(%barrier3A_153)
    %mul3A_154 = arith.constant 632 : i32
    %mul3A_155 = arith.muli %arg1, %mul3A_154 : i32
    %mul3A_156 = arith.constant 632 : i32
    %mul3A_157 = arith.muli %arg1, %mul3A_156 : i32
    "tpu.region"() ({
      %run_scoped3A = tpu.sem_alloc : memref<!tpu.dma_semaphore, #tpu.memory_space<semaphore_mem>>
      %dma_start3A_159 = arith.constant 0 : i32
      %dma_start3A_160 = arith.constant 0 : i32
      %dma_start3A_161 = tpu.memref_slice %arg5[%add3A_81, %dma_start3A_159, %dma_start3A_160] : memref<4x10240x128xf32, #tpu.memory_space<hbm>> -> memref<1x10240x128xf32, #tpu.memory_space<hbm>>
      %dma_start3A_162 = tpu.memref_squeeze %dma_start3A_161 : memref<1x10240x128xf32, #tpu.memory_space<hbm>> -> memref<10240x128xf32, #tpu.memory_space<hbm>>
      %dma_start3A_163 = arith.constant 0 : i32
      %dma_start3A_164 = tpu.memref_slice %dma_start3A_162[%mul3A_157, %dma_start3A_163] : memref<10240x128xf32, #tpu.memory_space<hbm>> -> memref<632x128xf32, #tpu.memory_space<hbm>>
      %dma_start3A_165 = arith.constant 0 : i32
      %dma_start3A_166 = tpu.memref_slice %arg15[%mul3A_155, %dma_start3A_165] : memref<10112x128xf32, #tpu.memory_space<vmem_shared>> -> memref<632x128xf32, #tpu.memory_space<vmem_shared>>
      tpu.enqueue_dma source(%dma_start3A_166 : memref<632x128xf32, #tpu.memory_space<vmem_shared>>) target(%dma_start3A_164 : memref<632x128xf32, #tpu.memory_space<hbm>>) target_semaphore(%run_scoped3A : memref<!tpu.dma_semaphore, #tpu.memory_space<semaphore_mem>>)
      %dma_wait3A = arith.constant 0 : i32
      %dma_wait3A_167 = arith.constant 0 : i32
      %dma_wait3A_168 = tpu.memref_slice %arg5[%add3A_81, %dma_wait3A, %dma_wait3A_167] : memref<4x10240x128xf32, #tpu.memory_space<hbm>> -> memref<1x10240x128xf32, #tpu.memory_space<hbm>>
      %dma_wait3A_169 = tpu.memref_squeeze %dma_wait3A_168 : memref<1x10240x128xf32, #tpu.memory_space<hbm>> -> memref<10240x128xf32, #tpu.memory_space<hbm>>
      %dma_wait3A_170 = arith.constant 0 : i32
      %dma_wait3A_171 = tpu.memref_slice %dma_wait3A_169[%mul3A_157, %dma_wait3A_170] : memref<10240x128xf32, #tpu.memory_space<hbm>> -> memref<632x128xf32, #tpu.memory_space<hbm>>
      %dma_wait3A_172 = arith.constant 0 : i32
      %dma_wait3A_173 = tpu.memref_slice %arg15[%mul3A_155, %dma_wait3A_172] : memref<10112x128xf32, #tpu.memory_space<vmem_shared>> -> memref<632x128xf32, #tpu.memory_space<vmem_shared>>
      tpu.wait_dma2 semaphore(%run_scoped3A : memref<!tpu.dma_semaphore, #tpu.memory_space<semaphore_mem>>) src(%dma_wait3A_173 : memref<632x128xf32, #tpu.memory_space<vmem_shared>>) dst(%dma_wait3A_171 : memref<632x128xf32, #tpu.memory_space<hbm>>)
      tpu.yield
    }) : () -> ()
    %barrier3A_158 = arith.constant 0 : index
    tpu.barrier barrier_id(%barrier3A_158)
    return
  }
}

#map = affine_map<(d0, d1) -> (0, 0, 0)>
#map1 = affine_map<(d0, d1) -> (0)>
module attributes {stable_mosaic.version = 14 : i64} {
  func.func @_prop_body(%arg0: i32, %arg1: i32, %arg2: memref<4x10240x128xf32, #tpu.memory_space<hbm>>, %arg3: memref<163840xi32, #tpu.memory_space<hbm>>, %arg4: memref<163840xi32, #tpu.memory_space<hbm>>, %arg5: memref<4x10240x128xf32, #tpu.memory_space<hbm>>, %arg6: memref<10240xi32, #tpu.memory_space<vmem>>, %arg7: memref<64xi32, #tpu.memory_space<vmem>>, %arg8: memref<64xi32, #tpu.memory_space<vmem>>, %arg9: memref<64xi32, #tpu.memory_space<vmem>>, %arg10: memref<64xi32, #tpu.memory_space<vmem>>, %arg11: memref<64x128xf32, #tpu.memory_space<vmem>>, %arg12: memref<64x128xf32, #tpu.memory_space<vmem>>, %arg13: memref<64x128xf32, #tpu.memory_space<vmem>>, %arg14: memref<64x128xf32, #tpu.memory_space<vmem>>, %arg15: memref<10112x128xf32, #tpu.memory_space<vmem_shared>>, %arg16: memref<!tpu.dma_semaphore, #tpu.memory_space<semaphore_mem>>, %arg17: memref<!tpu.dma_semaphore, #tpu.memory_space<semaphore_mem>>, %arg18: memref<!tpu.dma_semaphore, #tpu.memory_space<semaphore_mem>>, %arg19: memref<!tpu.dma_semaphore, #tpu.memory_space<semaphore_mem>>, %arg20: memref<!tpu.dma_semaphore, #tpu.memory_space<semaphore_mem>>, %arg21: memref<!tpu.dma_semaphore, #tpu.memory_space<semaphore_mem>>, %arg22: memref<!tpu.dma_semaphore, #tpu.memory_space<semaphore_mem>>, %arg23: memref<!tpu.dma_semaphore, #tpu.memory_space<semaphore_mem>>) attributes {dimension_semantics = [#tpu.dimension_semantics<core_parallel>, #tpu.dimension_semantics<subcore_parallel>], iteration_bounds = array<i64: 2, 16>, scalar_prefetch = 0 : i64, scratch_operands = 18 : i64, tpu.core_type = #tpu.core_type<sc_vector_subcore>, window_params = [{transform_indices = #map}, {transform_indices = #map1}, {transform_indices = #map1}, {transform_indices = #map}]} {
    %mul3A = arith.constant 10240 : i32
    %mul3A_0 = arith.muli %arg1, %mul3A : i32
    "tpu.region"() ({
      %run_scoped3A = tpu.sem_alloc : memref<!tpu.dma_semaphore, #tpu.memory_space<semaphore_mem>>
      %dma_start3A_159 = tpu.memref_slice %arg3[%mul3A_0] : memref<163840xi32, #tpu.memory_space<hbm>> -> memref<10240xi32, #tpu.memory_space<hbm>>
      %dma_start3A_160 = tpu.memref_slice %arg3[%mul3A_0] : memref<163840xi32, #tpu.memory_space<hbm>> -> memref<10240xi32, #tpu.memory_space<hbm>>
      tpu.enqueue_dma source(%dma_start3A_160 : memref<10240xi32, #tpu.memory_space<hbm>>) target(%arg6 : memref<10240xi32, #tpu.memory_space<vmem>>) target_semaphore(%run_scoped3A : memref<!tpu.dma_semaphore, #tpu.memory_space<semaphore_mem>>)
      %dma_wait3A = tpu.memref_slice %arg3[%mul3A_0] : memref<163840xi32, #tpu.memory_space<hbm>> -> memref<10240xi32, #tpu.memory_space<hbm>>
      %dma_wait3A_161 = tpu.memref_slice %arg3[%mul3A_0] : memref<163840xi32, #tpu.memory_space<hbm>> -> memref<10240xi32, #tpu.memory_space<hbm>>
      tpu.wait_dma2 semaphore(%run_scoped3A : memref<!tpu.dma_semaphore, #tpu.memory_space<semaphore_mem>>) src(%dma_wait3A_161 : memref<10240xi32, #tpu.memory_space<hbm>>) dst(%arg6 : memref<10240xi32, #tpu.memory_space<vmem>>)
      tpu.yield
    }) : () -> ()
    %mul3A_1 = arith.constant 2 : i32
    %mul3A_2 = arith.muli %arg0, %mul3A_1 : i32
    %add3A = arith.constant 0 : i32
    %add3A_3 = arith.addi %mul3A_2, %add3A : i32
    %mul3A_4 = arith.constant 632 : i32
    %mul3A_5 = arith.muli %arg1, %mul3A_4 : i32
    %mul3A_6 = arith.constant 632 : i32
    %mul3A_7 = arith.muli %arg1, %mul3A_6 : i32
    "tpu.region"() ({
      %run_scoped3A = tpu.sem_alloc : memref<!tpu.dma_semaphore, #tpu.memory_space<semaphore_mem>>
      %dma_start3A_159 = arith.constant 0 : i32
      %dma_start3A_160 = tpu.memref_slice %arg15[%mul3A_7, %dma_start3A_159] : memref<10112x128xf32, #tpu.memory_space<vmem_shared>> -> memref<632x128xf32, #tpu.memory_space<vmem_shared>>
      %dma_start3A_161 = arith.constant 0 : i32
      %dma_start3A_162 = arith.constant 0 : i32
      %dma_start3A_163 = tpu.memref_slice %arg2[%add3A_3, %dma_start3A_161, %dma_start3A_162] : memref<4x10240x128xf32, #tpu.memory_space<hbm>> -> memref<1x10240x128xf32, #tpu.memory_space<hbm>>
      %dma_start3A_164 = tpu.memref_squeeze %dma_start3A_163 : memref<1x10240x128xf32, #tpu.memory_space<hbm>> -> memref<10240x128xf32, #tpu.memory_space<hbm>>
      %dma_start3A_165 = arith.constant 0 : i32
      %dma_start3A_166 = tpu.memref_slice %dma_start3A_164[%mul3A_5, %dma_start3A_165] : memref<10240x128xf32, #tpu.memory_space<hbm>> -> memref<632x128xf32, #tpu.memory_space<hbm>>
      tpu.enqueue_dma source(%dma_start3A_166 : memref<632x128xf32, #tpu.memory_space<hbm>>) target(%dma_start3A_160 : memref<632x128xf32, #tpu.memory_space<vmem_shared>>) target_semaphore(%run_scoped3A : memref<!tpu.dma_semaphore, #tpu.memory_space<semaphore_mem>>)
      %dma_wait3A = arith.constant 0 : i32
      %dma_wait3A_167 = tpu.memref_slice %arg15[%mul3A_7, %dma_wait3A] : memref<10112x128xf32, #tpu.memory_space<vmem_shared>> -> memref<632x128xf32, #tpu.memory_space<vmem_shared>>
      %dma_wait3A_168 = arith.constant 0 : i32
      %dma_wait3A_169 = arith.constant 0 : i32
      %dma_wait3A_170 = tpu.memref_slice %arg2[%add3A_3, %dma_wait3A_168, %dma_wait3A_169] : memref<4x10240x128xf32, #tpu.memory_space<hbm>> -> memref<1x10240x128xf32, #tpu.memory_space<hbm>>
      %dma_wait3A_171 = tpu.memref_squeeze %dma_wait3A_170 : memref<1x10240x128xf32, #tpu.memory_space<hbm>> -> memref<10240x128xf32, #tpu.memory_space<hbm>>
      %dma_wait3A_172 = arith.constant 0 : i32
      %dma_wait3A_173 = tpu.memref_slice %dma_wait3A_171[%mul3A_5, %dma_wait3A_172] : memref<10240x128xf32, #tpu.memory_space<hbm>> -> memref<632x128xf32, #tpu.memory_space<hbm>>
      tpu.wait_dma2 semaphore(%run_scoped3A : memref<!tpu.dma_semaphore, #tpu.memory_space<semaphore_mem>>) src(%dma_wait3A_173 : memref<632x128xf32, #tpu.memory_space<hbm>>) dst(%dma_wait3A_167 : memref<632x128xf32, #tpu.memory_space<vmem_shared>>)
      tpu.yield
    }) : () -> ()
    %barrier3A = arith.constant 0 : index
    tpu.barrier barrier_id(%barrier3A)
    %dma_start3A = arith.constant 0 : i32
    %dma_start3A_8 = tpu.memref_slice %arg6[%dma_start3A] : memref<10240xi32, #tpu.memory_space<vmem>> -> memref<64xi32, #tpu.memory_space<vmem>>
    %dma_start3A_9 = arith.constant 0 : i32
    %dma_start3A_10 = arith.constant 0 : i32
    %dma_start3A_11 = tpu.memref_slice %arg2[%add3A_3, %dma_start3A_9, %dma_start3A_10] : memref<4x10240x128xf32, #tpu.memory_space<hbm>> -> memref<1x10240x128xf32, #tpu.memory_space<hbm>>
    %dma_start3A_12 = tpu.memref_squeeze %dma_start3A_11 : memref<1x10240x128xf32, #tpu.memory_space<hbm>> -> memref<10240x128xf32, #tpu.memory_space<hbm>>
    %dma_start3A_13 = arith.constant 0 : i32
    %dma_start3A_14 = arith.constant 0 : i32
    %dma_start3A_15 = tpu.memref_slice %dma_start3A_12[%dma_start3A_13, %dma_start3A_14] : memref<10240x128xf32, #tpu.memory_space<hbm>> -> memref<10240x128xf32, #tpu.memory_space<hbm>>
    tpu.enqueue_indirect_dma source(%dma_start3A_15 : memref<10240x128xf32, #tpu.memory_space<hbm>>) target(%arg11 : memref<64x128xf32, #tpu.memory_space<vmem>>) offsets(%dma_start3A_8 : memref<64xi32, #tpu.memory_space<vmem>>) semaphore(%arg16 : memref<!tpu.dma_semaphore, #tpu.memory_space<semaphore_mem>>)
    %mul3A_16 = arith.constant 10240 : i32
    %mul3A_17 = arith.muli %arg1, %mul3A_16 : i32
    %add3A_18 = arith.constant 0 : i32
    %add3A_19 = arith.addi %mul3A_17, %add3A_18 : i32
    %dma_start3A_20 = tpu.memref_slice %arg4[%add3A_19] : memref<163840xi32, #tpu.memory_space<hbm>> -> memref<64xi32, #tpu.memory_space<hbm>>
    %dma_start3A_21 = tpu.memref_slice %arg4[%add3A_19] : memref<163840xi32, #tpu.memory_space<hbm>> -> memref<64xi32, #tpu.memory_space<hbm>>
    tpu.enqueue_dma source(%dma_start3A_21 : memref<64xi32, #tpu.memory_space<hbm>>) target(%arg7 : memref<64xi32, #tpu.memory_space<vmem>>) target_semaphore(%arg20 : memref<!tpu.dma_semaphore, #tpu.memory_space<semaphore_mem>>)
    %dma_start3A_22 = arith.constant 64 : i32
    %dma_start3A_23 = tpu.memref_slice %arg6[%dma_start3A_22] : memref<10240xi32, #tpu.memory_space<vmem>> -> memref<64xi32, #tpu.memory_space<vmem>>
    %dma_start3A_24 = arith.constant 0 : i32
    %dma_start3A_25 = arith.constant 0 : i32
    %dma_start3A_26 = tpu.memref_slice %arg2[%add3A_3, %dma_start3A_24, %dma_start3A_25] : memref<4x10240x128xf32, #tpu.memory_space<hbm>> -> memref<1x10240x128xf32, #tpu.memory_space<hbm>>
    %dma_start3A_27 = tpu.memref_squeeze %dma_start3A_26 : memref<1x10240x128xf32, #tpu.memory_space<hbm>> -> memref<10240x128xf32, #tpu.memory_space<hbm>>
    %dma_start3A_28 = arith.constant 0 : i32
    %dma_start3A_29 = arith.constant 0 : i32
    %dma_start3A_30 = tpu.memref_slice %dma_start3A_27[%dma_start3A_28, %dma_start3A_29] : memref<10240x128xf32, #tpu.memory_space<hbm>> -> memref<10240x128xf32, #tpu.memory_space<hbm>>
    tpu.enqueue_indirect_dma source(%dma_start3A_30 : memref<10240x128xf32, #tpu.memory_space<hbm>>) target(%arg12 : memref<64x128xf32, #tpu.memory_space<vmem>>) offsets(%dma_start3A_23 : memref<64xi32, #tpu.memory_space<vmem>>) semaphore(%arg17 : memref<!tpu.dma_semaphore, #tpu.memory_space<semaphore_mem>>)
    %mul3A_31 = arith.constant 10240 : i32
    %mul3A_32 = arith.muli %arg1, %mul3A_31 : i32
    %add3A_33 = arith.constant 64 : i32
    %add3A_34 = arith.addi %mul3A_32, %add3A_33 : i32
    %dma_start3A_35 = tpu.memref_slice %arg4[%add3A_34] : memref<163840xi32, #tpu.memory_space<hbm>> -> memref<64xi32, #tpu.memory_space<hbm>>
    %dma_start3A_36 = tpu.memref_slice %arg4[%add3A_34] : memref<163840xi32, #tpu.memory_space<hbm>> -> memref<64xi32, #tpu.memory_space<hbm>>
    tpu.enqueue_dma source(%dma_start3A_36 : memref<64xi32, #tpu.memory_space<hbm>>) target(%arg8 : memref<64xi32, #tpu.memory_space<vmem>>) target_semaphore(%arg21 : memref<!tpu.dma_semaphore, #tpu.memory_space<semaphore_mem>>)
    %dma_start3A_37 = arith.constant 128 : i32
    %dma_start3A_38 = tpu.memref_slice %arg6[%dma_start3A_37] : memref<10240xi32, #tpu.memory_space<vmem>> -> memref<64xi32, #tpu.memory_space<vmem>>
    %dma_start3A_39 = arith.constant 0 : i32
    %dma_start3A_40 = arith.constant 0 : i32
    %dma_start3A_41 = tpu.memref_slice %arg2[%add3A_3, %dma_start3A_39, %dma_start3A_40] : memref<4x10240x128xf32, #tpu.memory_space<hbm>> -> memref<1x10240x128xf32, #tpu.memory_space<hbm>>
    %dma_start3A_42 = tpu.memref_squeeze %dma_start3A_41 : memref<1x10240x128xf32, #tpu.memory_space<hbm>> -> memref<10240x128xf32, #tpu.memory_space<hbm>>
    %dma_start3A_43 = arith.constant 0 : i32
    %dma_start3A_44 = arith.constant 0 : i32
    %dma_start3A_45 = tpu.memref_slice %dma_start3A_42[%dma_start3A_43, %dma_start3A_44] : memref<10240x128xf32, #tpu.memory_space<hbm>> -> memref<10240x128xf32, #tpu.memory_space<hbm>>
    tpu.enqueue_indirect_dma source(%dma_start3A_45 : memref<10240x128xf32, #tpu.memory_space<hbm>>) target(%arg13 : memref<64x128xf32, #tpu.memory_space<vmem>>) offsets(%dma_start3A_38 : memref<64xi32, #tpu.memory_space<vmem>>) semaphore(%arg18 : memref<!tpu.dma_semaphore, #tpu.memory_space<semaphore_mem>>)
    %mul3A_46 = arith.constant 10240 : i32
    %mul3A_47 = arith.muli %arg1, %mul3A_46 : i32
    %add3A_48 = arith.constant 128 : i32
    %add3A_49 = arith.addi %mul3A_47, %add3A_48 : i32
    %dma_start3A_50 = tpu.memref_slice %arg4[%add3A_49] : memref<163840xi32, #tpu.memory_space<hbm>> -> memref<64xi32, #tpu.memory_space<hbm>>
    %dma_start3A_51 = tpu.memref_slice %arg4[%add3A_49] : memref<163840xi32, #tpu.memory_space<hbm>> -> memref<64xi32, #tpu.memory_space<hbm>>
    tpu.enqueue_dma source(%dma_start3A_51 : memref<64xi32, #tpu.memory_space<hbm>>) target(%arg9 : memref<64xi32, #tpu.memory_space<vmem>>) target_semaphore(%arg22 : memref<!tpu.dma_semaphore, #tpu.memory_space<semaphore_mem>>)
    %dma_start3A_52 = arith.constant 192 : i32
    %dma_start3A_53 = tpu.memref_slice %arg6[%dma_start3A_52] : memref<10240xi32, #tpu.memory_space<vmem>> -> memref<64xi32, #tpu.memory_space<vmem>>
    %dma_start3A_54 = arith.constant 0 : i32
    %dma_start3A_55 = arith.constant 0 : i32
    %dma_start3A_56 = tpu.memref_slice %arg2[%add3A_3, %dma_start3A_54, %dma_start3A_55] : memref<4x10240x128xf32, #tpu.memory_space<hbm>> -> memref<1x10240x128xf32, #tpu.memory_space<hbm>>
    %dma_start3A_57 = tpu.memref_squeeze %dma_start3A_56 : memref<1x10240x128xf32, #tpu.memory_space<hbm>> -> memref<10240x128xf32, #tpu.memory_space<hbm>>
    %dma_start3A_58 = arith.constant 0 : i32
    %dma_start3A_59 = arith.constant 0 : i32
    %dma_start3A_60 = tpu.memref_slice %dma_start3A_57[%dma_start3A_58, %dma_start3A_59] : memref<10240x128xf32, #tpu.memory_space<hbm>> -> memref<10240x128xf32, #tpu.memory_space<hbm>>
    tpu.enqueue_indirect_dma source(%dma_start3A_60 : memref<10240x128xf32, #tpu.memory_space<hbm>>) target(%arg14 : memref<64x128xf32, #tpu.memory_space<vmem>>) offsets(%dma_start3A_53 : memref<64xi32, #tpu.memory_space<vmem>>) semaphore(%arg19 : memref<!tpu.dma_semaphore, #tpu.memory_space<semaphore_mem>>)
    %mul3A_61 = arith.constant 10240 : i32
    %mul3A_62 = arith.muli %arg1, %mul3A_61 : i32
    %add3A_63 = arith.constant 192 : i32
    %add3A_64 = arith.addi %mul3A_62, %add3A_63 : i32
    %dma_start3A_65 = tpu.memref_slice %arg4[%add3A_64] : memref<163840xi32, #tpu.memory_space<hbm>> -> memref<64xi32, #tpu.memory_space<hbm>>
    %dma_start3A_66 = tpu.memref_slice %arg4[%add3A_64] : memref<163840xi32, #tpu.memory_space<hbm>> -> memref<64xi32, #tpu.memory_space<hbm>>
    tpu.enqueue_dma source(%dma_start3A_66 : memref<64xi32, #tpu.memory_space<hbm>>) target(%arg10 : memref<64xi32, #tpu.memory_space<vmem>>) target_semaphore(%arg23 : memref<!tpu.dma_semaphore, #tpu.memory_space<semaphore_mem>>)
    %scan3A = arith.constant 0 : i32
    %scan3A_67 = arith.constant 0 : i32
    %scan3A_68 = arith.constant 40 : i32
    %scan3A_69 = arith.addi %scan3A_67, %scan3A_68 : i32
    %scan3A_70 = arith.constant 1 : i32
    scf.for %scan3A_159 = %scan3A_67 to %scan3A_69 step %scan3A_70  : i32 {
      %mul3A_160 = arith.constant 4 : i32
      %mul3A_161 = arith.muli %scan3A_159, %mul3A_160 : i32
      %add3A_162 = arith.constant 0 : i32
      %add3A_163 = arith.addi %mul3A_161, %add3A_162 : i32
      %mul3A_164 = arith.constant 64 : i32
      %mul3A_165 = arith.muli %add3A_163, %mul3A_164 : i32
      %dma_wait3A = tpu.memref_slice %arg6[%mul3A_165] : memref<10240xi32, #tpu.memory_space<vmem>> -> memref<64xi32, #tpu.memory_space<vmem>>
      %dma_wait3A_166 = arith.constant 0 : i32
      %dma_wait3A_167 = arith.constant 0 : i32
      %dma_wait3A_168 = tpu.memref_slice %arg2[%add3A_3, %dma_wait3A_166, %dma_wait3A_167] : memref<4x10240x128xf32, #tpu.memory_space<hbm>> -> memref<1x10240x128xf32, #tpu.memory_space<hbm>>
      %dma_wait3A_169 = tpu.memref_squeeze %dma_wait3A_168 : memref<1x10240x128xf32, #tpu.memory_space<hbm>> -> memref<10240x128xf32, #tpu.memory_space<hbm>>
      %dma_wait3A_170 = arith.constant 0 : i32
      %dma_wait3A_171 = arith.constant 0 : i32
      %dma_wait3A_172 = tpu.memref_slice %dma_wait3A_169[%dma_wait3A_170, %dma_wait3A_171] : memref<10240x128xf32, #tpu.memory_space<hbm>> -> memref<10240x128xf32, #tpu.memory_space<hbm>>
      tpu.wait_indirect_dma semaphore(%arg16 : memref<!tpu.dma_semaphore, #tpu.memory_space<semaphore_mem>>) src(%dma_wait3A_172 : memref<10240x128xf32, #tpu.memory_space<hbm>>) dst(%arg11 : memref<64x128xf32, #tpu.memory_space<vmem>>)
      %dma_wait3A_173 = arith.constant 0 : i32
      %dma_wait3A_174 = tpu.memref_slice %arg4[%dma_wait3A_173] : memref<163840xi32, #tpu.memory_space<hbm>> -> memref<64xi32, #tpu.memory_space<hbm>>
      %dma_wait3A_175 = arith.constant 0 : i32
      %dma_wait3A_176 = tpu.memref_slice %arg4[%dma_wait3A_175] : memref<163840xi32, #tpu.memory_space<hbm>> -> memref<64xi32, #tpu.memory_space<hbm>>
      tpu.wait_dma2 semaphore(%arg20 : memref<!tpu.dma_semaphore, #tpu.memory_space<semaphore_mem>>) src(%dma_wait3A_176 : memref<64xi32, #tpu.memory_space<hbm>>) dst(%arg7 : memref<64xi32, #tpu.memory_space<vmem>>)
      "tpu.region"() ({
        %run_scoped3A = tpu.sem_alloc : memref<!tpu.dma_semaphore, #tpu.memory_space<semaphore_mem>>
        %dma_start3A_256 = arith.constant 0 : i32
        %dma_start3A_257 = arith.constant 0 : i32
        %dma_start3A_258 = tpu.memref_slice %arg15[%dma_start3A_256, %dma_start3A_257] : memref<10112x128xf32, #tpu.memory_space<vmem_shared>> -> memref<10112x128xf32, #tpu.memory_space<vmem_shared>>
        tpu.enqueue_indirect_dma source(%arg11 : memref<64x128xf32, #tpu.memory_space<vmem>>) target(%dma_start3A_258 : memref<10112x128xf32, #tpu.memory_space<vmem_shared>>) offsets(%arg7 : memref<64xi32, #tpu.memory_space<vmem>>) semaphore(%run_scoped3A : memref<!tpu.dma_semaphore, #tpu.memory_space<semaphore_mem>>) {add = true}
        %dma_wait3A_259 = arith.constant 0 : i32
        %dma_wait3A_260 = arith.constant 0 : i32
        %dma_wait3A_261 = tpu.memref_slice %arg15[%dma_wait3A_259, %dma_wait3A_260] : memref<10112x128xf32, #tpu.memory_space<vmem_shared>> -> memref<10112x128xf32, #tpu.memory_space<vmem_shared>>
        tpu.wait_indirect_dma semaphore(%run_scoped3A : memref<!tpu.dma_semaphore, #tpu.memory_space<semaphore_mem>>) src(%arg11 : memref<64x128xf32, #tpu.memory_space<vmem>>) dst(%dma_wait3A_261 : memref<10112x128xf32, #tpu.memory_space<vmem_shared>>)
        tpu.yield
      }) : () -> ()
      %add3A_177 = arith.constant 4 : i32
      %add3A_178 = arith.addi %add3A_163, %add3A_177 : i32
      %lt3A = arith.constant 160 : i32
      %lt3A_179 = arith.cmpi slt, %add3A_178, %lt3A : i32
      %convert_element_type3A = arith.extui %lt3A_179 : i1 to i32
      %cond3A = arith.constant 0 : i32
      %cond3A_180 = arith.cmpi ne, %convert_element_type3A, %cond3A : i32
      scf.if %cond3A_180 {
        %add3A_256 = arith.constant 4 : i32
        %add3A_257 = arith.addi %add3A_163, %add3A_256 : i32
        %mul3A_258 = arith.constant 64 : i32
        %mul3A_259 = arith.muli %add3A_257, %mul3A_258 : i32
        %dma_start3A_260 = tpu.memref_slice %arg6[%mul3A_259] : memref<10240xi32, #tpu.memory_space<vmem>> -> memref<64xi32, #tpu.memory_space<vmem>>
        %dma_start3A_261 = arith.constant 0 : i32
        %dma_start3A_262 = arith.constant 0 : i32
        %dma_start3A_263 = tpu.memref_slice %arg2[%add3A_3, %dma_start3A_261, %dma_start3A_262] : memref<4x10240x128xf32, #tpu.memory_space<hbm>> -> memref<1x10240x128xf32, #tpu.memory_space<hbm>>
        %dma_start3A_264 = tpu.memref_squeeze %dma_start3A_263 : memref<1x10240x128xf32, #tpu.memory_space<hbm>> -> memref<10240x128xf32, #tpu.memory_space<hbm>>
        %dma_start3A_265 = arith.constant 0 : i32
        %dma_start3A_266 = arith.constant 0 : i32
        %dma_start3A_267 = tpu.memref_slice %dma_start3A_264[%dma_start3A_265, %dma_start3A_266] : memref<10240x128xf32, #tpu.memory_space<hbm>> -> memref<10240x128xf32, #tpu.memory_space<hbm>>
        tpu.enqueue_indirect_dma source(%dma_start3A_267 : memref<10240x128xf32, #tpu.memory_space<hbm>>) target(%arg11 : memref<64x128xf32, #tpu.memory_space<vmem>>) offsets(%dma_start3A_260 : memref<64xi32, #tpu.memory_space<vmem>>) semaphore(%arg16 : memref<!tpu.dma_semaphore, #tpu.memory_space<semaphore_mem>>)
        %mul3A_268 = arith.constant 10240 : i32
        %mul3A_269 = arith.muli %arg1, %mul3A_268 : i32
        %add3A_270 = arith.constant 4 : i32
        %add3A_271 = arith.addi %add3A_163, %add3A_270 : i32
        %mul3A_272 = arith.constant 64 : i32
        %mul3A_273 = arith.muli %add3A_271, %mul3A_272 : i32
        %add3A_274 = arith.addi %mul3A_269, %mul3A_273 : i32
        %dma_start3A_275 = tpu.memref_slice %arg4[%add3A_274] : memref<163840xi32, #tpu.memory_space<hbm>> -> memref<64xi32, #tpu.memory_space<hbm>>
        %dma_start3A_276 = tpu.memref_slice %arg4[%add3A_274] : memref<163840xi32, #tpu.memory_space<hbm>> -> memref<64xi32, #tpu.memory_space<hbm>>
        tpu.enqueue_dma source(%dma_start3A_276 : memref<64xi32, #tpu.memory_space<hbm>>) target(%arg7 : memref<64xi32, #tpu.memory_space<vmem>>) target_semaphore(%arg20 : memref<!tpu.dma_semaphore, #tpu.memory_space<semaphore_mem>>)
      } else {
      }
      %mul3A_181 = arith.constant 4 : i32
      %mul3A_182 = arith.muli %scan3A_159, %mul3A_181 : i32
      %add3A_183 = arith.constant 1 : i32
      %add3A_184 = arith.addi %mul3A_182, %add3A_183 : i32
      %mul3A_185 = arith.constant 64 : i32
      %mul3A_186 = arith.muli %add3A_184, %mul3A_185 : i32
      %dma_wait3A_187 = tpu.memref_slice %arg6[%mul3A_186] : memref<10240xi32, #tpu.memory_space<vmem>> -> memref<64xi32, #tpu.memory_space<vmem>>
      %dma_wait3A_188 = arith.constant 0 : i32
      %dma_wait3A_189 = arith.constant 0 : i32
      %dma_wait3A_190 = tpu.memref_slice %arg2[%add3A_3, %dma_wait3A_188, %dma_wait3A_189] : memref<4x10240x128xf32, #tpu.memory_space<hbm>> -> memref<1x10240x128xf32, #tpu.memory_space<hbm>>
      %dma_wait3A_191 = tpu.memref_squeeze %dma_wait3A_190 : memref<1x10240x128xf32, #tpu.memory_space<hbm>> -> memref<10240x128xf32, #tpu.memory_space<hbm>>
      %dma_wait3A_192 = arith.constant 0 : i32
      %dma_wait3A_193 = arith.constant 0 : i32
      %dma_wait3A_194 = tpu.memref_slice %dma_wait3A_191[%dma_wait3A_192, %dma_wait3A_193] : memref<10240x128xf32, #tpu.memory_space<hbm>> -> memref<10240x128xf32, #tpu.memory_space<hbm>>
      tpu.wait_indirect_dma semaphore(%arg17 : memref<!tpu.dma_semaphore, #tpu.memory_space<semaphore_mem>>) src(%dma_wait3A_194 : memref<10240x128xf32, #tpu.memory_space<hbm>>) dst(%arg12 : memref<64x128xf32, #tpu.memory_space<vmem>>)
      %dma_wait3A_195 = arith.constant 0 : i32
      %dma_wait3A_196 = tpu.memref_slice %arg4[%dma_wait3A_195] : memref<163840xi32, #tpu.memory_space<hbm>> -> memref<64xi32, #tpu.memory_space<hbm>>
      %dma_wait3A_197 = arith.constant 0 : i32
      %dma_wait3A_198 = tpu.memref_slice %arg4[%dma_wait3A_197] : memref<163840xi32, #tpu.memory_space<hbm>> -> memref<64xi32, #tpu.memory_space<hbm>>
      tpu.wait_dma2 semaphore(%arg21 : memref<!tpu.dma_semaphore, #tpu.memory_space<semaphore_mem>>) src(%dma_wait3A_198 : memref<64xi32, #tpu.memory_space<hbm>>) dst(%arg8 : memref<64xi32, #tpu.memory_space<vmem>>)
      "tpu.region"() ({
        %run_scoped3A = tpu.sem_alloc : memref<!tpu.dma_semaphore, #tpu.memory_space<semaphore_mem>>
        %dma_start3A_256 = arith.constant 0 : i32
        %dma_start3A_257 = arith.constant 0 : i32
        %dma_start3A_258 = tpu.memref_slice %arg15[%dma_start3A_256, %dma_start3A_257] : memref<10112x128xf32, #tpu.memory_space<vmem_shared>> -> memref<10112x128xf32, #tpu.memory_space<vmem_shared>>
        tpu.enqueue_indirect_dma source(%arg12 : memref<64x128xf32, #tpu.memory_space<vmem>>) target(%dma_start3A_258 : memref<10112x128xf32, #tpu.memory_space<vmem_shared>>) offsets(%arg8 : memref<64xi32, #tpu.memory_space<vmem>>) semaphore(%run_scoped3A : memref<!tpu.dma_semaphore, #tpu.memory_space<semaphore_mem>>) {add = true}
        %dma_wait3A_259 = arith.constant 0 : i32
        %dma_wait3A_260 = arith.constant 0 : i32
        %dma_wait3A_261 = tpu.memref_slice %arg15[%dma_wait3A_259, %dma_wait3A_260] : memref<10112x128xf32, #tpu.memory_space<vmem_shared>> -> memref<10112x128xf32, #tpu.memory_space<vmem_shared>>
        tpu.wait_indirect_dma semaphore(%run_scoped3A : memref<!tpu.dma_semaphore, #tpu.memory_space<semaphore_mem>>) src(%arg12 : memref<64x128xf32, #tpu.memory_space<vmem>>) dst(%dma_wait3A_261 : memref<10112x128xf32, #tpu.memory_space<vmem_shared>>)
        tpu.yield
      }) : () -> ()
      %add3A_199 = arith.constant 4 : i32
      %add3A_200 = arith.addi %add3A_184, %add3A_199 : i32
      %lt3A_201 = arith.constant 160 : i32
      %lt3A_202 = arith.cmpi slt, %add3A_200, %lt3A_201 : i32
      %convert_element_type3A_203 = arith.extui %lt3A_202 : i1 to i32
      %cond3A_204 = arith.constant 0 : i32
      %cond3A_205 = arith.cmpi ne, %convert_element_type3A_203, %cond3A_204 : i32
      scf.if %cond3A_205 {
        %add3A_256 = arith.constant 4 : i32
        %add3A_257 = arith.addi %add3A_184, %add3A_256 : i32
        %mul3A_258 = arith.constant 64 : i32
        %mul3A_259 = arith.muli %add3A_257, %mul3A_258 : i32
        %dma_start3A_260 = tpu.memref_slice %arg6[%mul3A_259] : memref<10240xi32, #tpu.memory_space<vmem>> -> memref<64xi32, #tpu.memory_space<vmem>>
        %dma_start3A_261 = arith.constant 0 : i32
        %dma_start3A_262 = arith.constant 0 : i32
        %dma_start3A_263 = tpu.memref_slice %arg2[%add3A_3, %dma_start3A_261, %dma_start3A_262] : memref<4x10240x128xf32, #tpu.memory_space<hbm>> -> memref<1x10240x128xf32, #tpu.memory_space<hbm>>
        %dma_start3A_264 = tpu.memref_squeeze %dma_start3A_263 : memref<1x10240x128xf32, #tpu.memory_space<hbm>> -> memref<10240x128xf32, #tpu.memory_space<hbm>>
        %dma_start3A_265 = arith.constant 0 : i32
        %dma_start3A_266 = arith.constant 0 : i32
        %dma_start3A_267 = tpu.memref_slice %dma_start3A_264[%dma_start3A_265, %dma_start3A_266] : memref<10240x128xf32, #tpu.memory_space<hbm>> -> memref<10240x128xf32, #tpu.memory_space<hbm>>
        tpu.enqueue_indirect_dma source(%dma_start3A_267 : memref<10240x128xf32, #tpu.memory_space<hbm>>) target(%arg12 : memref<64x128xf32, #tpu.memory_space<vmem>>) offsets(%dma_start3A_260 : memref<64xi32, #tpu.memory_space<vmem>>) semaphore(%arg17 : memref<!tpu.dma_semaphore, #tpu.memory_space<semaphore_mem>>)
        %mul3A_268 = arith.constant 10240 : i32
        %mul3A_269 = arith.muli %arg1, %mul3A_268 : i32
        %add3A_270 = arith.constant 4 : i32
        %add3A_271 = arith.addi %add3A_184, %add3A_270 : i32
        %mul3A_272 = arith.constant 64 : i32
        %mul3A_273 = arith.muli %add3A_271, %mul3A_272 : i32
        %add3A_274 = arith.addi %mul3A_269, %mul3A_273 : i32
        %dma_start3A_275 = tpu.memref_slice %arg4[%add3A_274] : memref<163840xi32, #tpu.memory_space<hbm>> -> memref<64xi32, #tpu.memory_space<hbm>>
        %dma_start3A_276 = tpu.memref_slice %arg4[%add3A_274] : memref<163840xi32, #tpu.memory_space<hbm>> -> memref<64xi32, #tpu.memory_space<hbm>>
        tpu.enqueue_dma source(%dma_start3A_276 : memref<64xi32, #tpu.memory_space<hbm>>) target(%arg8 : memref<64xi32, #tpu.memory_space<vmem>>) target_semaphore(%arg21 : memref<!tpu.dma_semaphore, #tpu.memory_space<semaphore_mem>>)
      } else {
      }
      %mul3A_206 = arith.constant 4 : i32
      %mul3A_207 = arith.muli %scan3A_159, %mul3A_206 : i32
      %add3A_208 = arith.constant 2 : i32
      %add3A_209 = arith.addi %mul3A_207, %add3A_208 : i32
      %mul3A_210 = arith.constant 64 : i32
      %mul3A_211 = arith.muli %add3A_209, %mul3A_210 : i32
      %dma_wait3A_212 = tpu.memref_slice %arg6[%mul3A_211] : memref<10240xi32, #tpu.memory_space<vmem>> -> memref<64xi32, #tpu.memory_space<vmem>>
      %dma_wait3A_213 = arith.constant 0 : i32
      %dma_wait3A_214 = arith.constant 0 : i32
      %dma_wait3A_215 = tpu.memref_slice %arg2[%add3A_3, %dma_wait3A_213, %dma_wait3A_214] : memref<4x10240x128xf32, #tpu.memory_space<hbm>> -> memref<1x10240x128xf32, #tpu.memory_space<hbm>>
      %dma_wait3A_216 = tpu.memref_squeeze %dma_wait3A_215 : memref<1x10240x128xf32, #tpu.memory_space<hbm>> -> memref<10240x128xf32, #tpu.memory_space<hbm>>
      %dma_wait3A_217 = arith.constant 0 : i32
      %dma_wait3A_218 = arith.constant 0 : i32
      %dma_wait3A_219 = tpu.memref_slice %dma_wait3A_216[%dma_wait3A_217, %dma_wait3A_218] : memref<10240x128xf32, #tpu.memory_space<hbm>> -> memref<10240x128xf32, #tpu.memory_space<hbm>>
      tpu.wait_indirect_dma semaphore(%arg18 : memref<!tpu.dma_semaphore, #tpu.memory_space<semaphore_mem>>) src(%dma_wait3A_219 : memref<10240x128xf32, #tpu.memory_space<hbm>>) dst(%arg13 : memref<64x128xf32, #tpu.memory_space<vmem>>)
      %dma_wait3A_220 = arith.constant 0 : i32
      %dma_wait3A_221 = tpu.memref_slice %arg4[%dma_wait3A_220] : memref<163840xi32, #tpu.memory_space<hbm>> -> memref<64xi32, #tpu.memory_space<hbm>>
      %dma_wait3A_222 = arith.constant 0 : i32
      %dma_wait3A_223 = tpu.memref_slice %arg4[%dma_wait3A_222] : memref<163840xi32, #tpu.memory_space<hbm>> -> memref<64xi32, #tpu.memory_space<hbm>>
      tpu.wait_dma2 semaphore(%arg22 : memref<!tpu.dma_semaphore, #tpu.memory_space<semaphore_mem>>) src(%dma_wait3A_223 : memref<64xi32, #tpu.memory_space<hbm>>) dst(%arg9 : memref<64xi32, #tpu.memory_space<vmem>>)
      "tpu.region"() ({
        %run_scoped3A = tpu.sem_alloc : memref<!tpu.dma_semaphore, #tpu.memory_space<semaphore_mem>>
        %dma_start3A_256 = arith.constant 0 : i32
        %dma_start3A_257 = arith.constant 0 : i32
        %dma_start3A_258 = tpu.memref_slice %arg15[%dma_start3A_256, %dma_start3A_257] : memref<10112x128xf32, #tpu.memory_space<vmem_shared>> -> memref<10112x128xf32, #tpu.memory_space<vmem_shared>>
        tpu.enqueue_indirect_dma source(%arg13 : memref<64x128xf32, #tpu.memory_space<vmem>>) target(%dma_start3A_258 : memref<10112x128xf32, #tpu.memory_space<vmem_shared>>) offsets(%arg9 : memref<64xi32, #tpu.memory_space<vmem>>) semaphore(%run_scoped3A : memref<!tpu.dma_semaphore, #tpu.memory_space<semaphore_mem>>) {add = true}
        %dma_wait3A_259 = arith.constant 0 : i32
        %dma_wait3A_260 = arith.constant 0 : i32
        %dma_wait3A_261 = tpu.memref_slice %arg15[%dma_wait3A_259, %dma_wait3A_260] : memref<10112x128xf32, #tpu.memory_space<vmem_shared>> -> memref<10112x128xf32, #tpu.memory_space<vmem_shared>>
        tpu.wait_indirect_dma semaphore(%run_scoped3A : memref<!tpu.dma_semaphore, #tpu.memory_space<semaphore_mem>>) src(%arg13 : memref<64x128xf32, #tpu.memory_space<vmem>>) dst(%dma_wait3A_261 : memref<10112x128xf32, #tpu.memory_space<vmem_shared>>)
        tpu.yield
      }) : () -> ()
      %add3A_224 = arith.constant 4 : i32
      %add3A_225 = arith.addi %add3A_209, %add3A_224 : i32
      %lt3A_226 = arith.constant 160 : i32
      %lt3A_227 = arith.cmpi slt, %add3A_225, %lt3A_226 : i32
      %convert_element_type3A_228 = arith.extui %lt3A_227 : i1 to i32
      %cond3A_229 = arith.constant 0 : i32
      %cond3A_230 = arith.cmpi ne, %convert_element_type3A_228, %cond3A_229 : i32
      scf.if %cond3A_230 {
        %add3A_256 = arith.constant 4 : i32
        %add3A_257 = arith.addi %add3A_209, %add3A_256 : i32
        %mul3A_258 = arith.constant 64 : i32
        %mul3A_259 = arith.muli %add3A_257, %mul3A_258 : i32
        %dma_start3A_260 = tpu.memref_slice %arg6[%mul3A_259] : memref<10240xi32, #tpu.memory_space<vmem>> -> memref<64xi32, #tpu.memory_space<vmem>>
        %dma_start3A_261 = arith.constant 0 : i32
        %dma_start3A_262 = arith.constant 0 : i32
        %dma_start3A_263 = tpu.memref_slice %arg2[%add3A_3, %dma_start3A_261, %dma_start3A_262] : memref<4x10240x128xf32, #tpu.memory_space<hbm>> -> memref<1x10240x128xf32, #tpu.memory_space<hbm>>
        %dma_start3A_264 = tpu.memref_squeeze %dma_start3A_263 : memref<1x10240x128xf32, #tpu.memory_space<hbm>> -> memref<10240x128xf32, #tpu.memory_space<hbm>>
        %dma_start3A_265 = arith.constant 0 : i32
        %dma_start3A_266 = arith.constant 0 : i32
        %dma_start3A_267 = tpu.memref_slice %dma_start3A_264[%dma_start3A_265, %dma_start3A_266] : memref<10240x128xf32, #tpu.memory_space<hbm>> -> memref<10240x128xf32, #tpu.memory_space<hbm>>
        tpu.enqueue_indirect_dma source(%dma_start3A_267 : memref<10240x128xf32, #tpu.memory_space<hbm>>) target(%arg13 : memref<64x128xf32, #tpu.memory_space<vmem>>) offsets(%dma_start3A_260 : memref<64xi32, #tpu.memory_space<vmem>>) semaphore(%arg18 : memref<!tpu.dma_semaphore, #tpu.memory_space<semaphore_mem>>)
        %mul3A_268 = arith.constant 10240 : i32
        %mul3A_269 = arith.muli %arg1, %mul3A_268 : i32
        %add3A_270 = arith.constant 4 : i32
        %add3A_271 = arith.addi %add3A_209, %add3A_270 : i32
        %mul3A_272 = arith.constant 64 : i32
        %mul3A_273 = arith.muli %add3A_271, %mul3A_272 : i32
        %add3A_274 = arith.addi %mul3A_269, %mul3A_273 : i32
        %dma_start3A_275 = tpu.memref_slice %arg4[%add3A_274] : memref<163840xi32, #tpu.memory_space<hbm>> -> memref<64xi32, #tpu.memory_space<hbm>>
        %dma_start3A_276 = tpu.memref_slice %arg4[%add3A_274] : memref<163840xi32, #tpu.memory_space<hbm>> -> memref<64xi32, #tpu.memory_space<hbm>>
        tpu.enqueue_dma source(%dma_start3A_276 : memref<64xi32, #tpu.memory_space<hbm>>) target(%arg9 : memref<64xi32, #tpu.memory_space<vmem>>) target_semaphore(%arg22 : memref<!tpu.dma_semaphore, #tpu.memory_space<semaphore_mem>>)
      } else {
      }
      %mul3A_231 = arith.constant 4 : i32
      %mul3A_232 = arith.muli %scan3A_159, %mul3A_231 : i32
      %add3A_233 = arith.constant 3 : i32
      %add3A_234 = arith.addi %mul3A_232, %add3A_233 : i32
      %mul3A_235 = arith.constant 64 : i32
      %mul3A_236 = arith.muli %add3A_234, %mul3A_235 : i32
      %dma_wait3A_237 = tpu.memref_slice %arg6[%mul3A_236] : memref<10240xi32, #tpu.memory_space<vmem>> -> memref<64xi32, #tpu.memory_space<vmem>>
      %dma_wait3A_238 = arith.constant 0 : i32
      %dma_wait3A_239 = arith.constant 0 : i32
      %dma_wait3A_240 = tpu.memref_slice %arg2[%add3A_3, %dma_wait3A_238, %dma_wait3A_239] : memref<4x10240x128xf32, #tpu.memory_space<hbm>> -> memref<1x10240x128xf32, #tpu.memory_space<hbm>>
      %dma_wait3A_241 = tpu.memref_squeeze %dma_wait3A_240 : memref<1x10240x128xf32, #tpu.memory_space<hbm>> -> memref<10240x128xf32, #tpu.memory_space<hbm>>
      %dma_wait3A_242 = arith.constant 0 : i32
      %dma_wait3A_243 = arith.constant 0 : i32
      %dma_wait3A_244 = tpu.memref_slice %dma_wait3A_241[%dma_wait3A_242, %dma_wait3A_243] : memref<10240x128xf32, #tpu.memory_space<hbm>> -> memref<10240x128xf32, #tpu.memory_space<hbm>>
      tpu.wait_indirect_dma semaphore(%arg19 : memref<!tpu.dma_semaphore, #tpu.memory_space<semaphore_mem>>) src(%dma_wait3A_244 : memref<10240x128xf32, #tpu.memory_space<hbm>>) dst(%arg14 : memref<64x128xf32, #tpu.memory_space<vmem>>)
      %dma_wait3A_245 = arith.constant 0 : i32
      %dma_wait3A_246 = tpu.memref_slice %arg4[%dma_wait3A_245] : memref<163840xi32, #tpu.memory_space<hbm>> -> memref<64xi32, #tpu.memory_space<hbm>>
      %dma_wait3A_247 = arith.constant 0 : i32
      %dma_wait3A_248 = tpu.memref_slice %arg4[%dma_wait3A_247] : memref<163840xi32, #tpu.memory_space<hbm>> -> memref<64xi32, #tpu.memory_space<hbm>>
      tpu.wait_dma2 semaphore(%arg23 : memref<!tpu.dma_semaphore, #tpu.memory_space<semaphore_mem>>) src(%dma_wait3A_248 : memref<64xi32, #tpu.memory_space<hbm>>) dst(%arg10 : memref<64xi32, #tpu.memory_space<vmem>>)
      "tpu.region"() ({
        %run_scoped3A = tpu.sem_alloc : memref<!tpu.dma_semaphore, #tpu.memory_space<semaphore_mem>>
        %dma_start3A_256 = arith.constant 0 : i32
        %dma_start3A_257 = arith.constant 0 : i32
        %dma_start3A_258 = tpu.memref_slice %arg15[%dma_start3A_256, %dma_start3A_257] : memref<10112x128xf32, #tpu.memory_space<vmem_shared>> -> memref<10112x128xf32, #tpu.memory_space<vmem_shared>>
        tpu.enqueue_indirect_dma source(%arg14 : memref<64x128xf32, #tpu.memory_space<vmem>>) target(%dma_start3A_258 : memref<10112x128xf32, #tpu.memory_space<vmem_shared>>) offsets(%arg10 : memref<64xi32, #tpu.memory_space<vmem>>) semaphore(%run_scoped3A : memref<!tpu.dma_semaphore, #tpu.memory_space<semaphore_mem>>) {add = true}
        %dma_wait3A_259 = arith.constant 0 : i32
        %dma_wait3A_260 = arith.constant 0 : i32
        %dma_wait3A_261 = tpu.memref_slice %arg15[%dma_wait3A_259, %dma_wait3A_260] : memref<10112x128xf32, #tpu.memory_space<vmem_shared>> -> memref<10112x128xf32, #tpu.memory_space<vmem_shared>>
        tpu.wait_indirect_dma semaphore(%run_scoped3A : memref<!tpu.dma_semaphore, #tpu.memory_space<semaphore_mem>>) src(%arg14 : memref<64x128xf32, #tpu.memory_space<vmem>>) dst(%dma_wait3A_261 : memref<10112x128xf32, #tpu.memory_space<vmem_shared>>)
        tpu.yield
      }) : () -> ()
      %add3A_249 = arith.constant 4 : i32
      %add3A_250 = arith.addi %add3A_234, %add3A_249 : i32
      %lt3A_251 = arith.constant 160 : i32
      %lt3A_252 = arith.cmpi slt, %add3A_250, %lt3A_251 : i32
      %convert_element_type3A_253 = arith.extui %lt3A_252 : i1 to i32
      %cond3A_254 = arith.constant 0 : i32
      %cond3A_255 = arith.cmpi ne, %convert_element_type3A_253, %cond3A_254 : i32
      scf.if %cond3A_255 {
        %add3A_256 = arith.constant 4 : i32
        %add3A_257 = arith.addi %add3A_234, %add3A_256 : i32
        %mul3A_258 = arith.constant 64 : i32
        %mul3A_259 = arith.muli %add3A_257, %mul3A_258 : i32
        %dma_start3A_260 = tpu.memref_slice %arg6[%mul3A_259] : memref<10240xi32, #tpu.memory_space<vmem>> -> memref<64xi32, #tpu.memory_space<vmem>>
        %dma_start3A_261 = arith.constant 0 : i32
        %dma_start3A_262 = arith.constant 0 : i32
        %dma_start3A_263 = tpu.memref_slice %arg2[%add3A_3, %dma_start3A_261, %dma_start3A_262] : memref<4x10240x128xf32, #tpu.memory_space<hbm>> -> memref<1x10240x128xf32, #tpu.memory_space<hbm>>
        %dma_start3A_264 = tpu.memref_squeeze %dma_start3A_263 : memref<1x10240x128xf32, #tpu.memory_space<hbm>> -> memref<10240x128xf32, #tpu.memory_space<hbm>>
        %dma_start3A_265 = arith.constant 0 : i32
        %dma_start3A_266 = arith.constant 0 : i32
        %dma_start3A_267 = tpu.memref_slice %dma_start3A_264[%dma_start3A_265, %dma_start3A_266] : memref<10240x128xf32, #tpu.memory_space<hbm>> -> memref<10240x128xf32, #tpu.memory_space<hbm>>
        tpu.enqueue_indirect_dma source(%dma_start3A_267 : memref<10240x128xf32, #tpu.memory_space<hbm>>) target(%arg14 : memref<64x128xf32, #tpu.memory_space<vmem>>) offsets(%dma_start3A_260 : memref<64xi32, #tpu.memory_space<vmem>>) semaphore(%arg19 : memref<!tpu.dma_semaphore, #tpu.memory_space<semaphore_mem>>)
        %mul3A_268 = arith.constant 10240 : i32
        %mul3A_269 = arith.muli %arg1, %mul3A_268 : i32
        %add3A_270 = arith.constant 4 : i32
        %add3A_271 = arith.addi %add3A_234, %add3A_270 : i32
        %mul3A_272 = arith.constant 64 : i32
        %mul3A_273 = arith.muli %add3A_271, %mul3A_272 : i32
        %add3A_274 = arith.addi %mul3A_269, %mul3A_273 : i32
        %dma_start3A_275 = tpu.memref_slice %arg4[%add3A_274] : memref<163840xi32, #tpu.memory_space<hbm>> -> memref<64xi32, #tpu.memory_space<hbm>>
        %dma_start3A_276 = tpu.memref_slice %arg4[%add3A_274] : memref<163840xi32, #tpu.memory_space<hbm>> -> memref<64xi32, #tpu.memory_space<hbm>>
        tpu.enqueue_dma source(%dma_start3A_276 : memref<64xi32, #tpu.memory_space<hbm>>) target(%arg10 : memref<64xi32, #tpu.memory_space<vmem>>) target_semaphore(%arg23 : memref<!tpu.dma_semaphore, #tpu.memory_space<semaphore_mem>>)
      } else {
      }
    }
    %scan3A_71 = arith.constant 40 : i32
    %barrier3A_72 = arith.constant 0 : index
    tpu.barrier barrier_id(%barrier3A_72)
    %mul3A_73 = arith.constant 632 : i32
    %mul3A_74 = arith.muli %arg1, %mul3A_73 : i32
    %mul3A_75 = arith.constant 632 : i32
    %mul3A_76 = arith.muli %arg1, %mul3A_75 : i32
    "tpu.region"() ({
      %run_scoped3A = tpu.sem_alloc : memref<!tpu.dma_semaphore, #tpu.memory_space<semaphore_mem>>
      %dma_start3A_159 = arith.constant 0 : i32
      %dma_start3A_160 = arith.constant 0 : i32
      %dma_start3A_161 = tpu.memref_slice %arg5[%add3A_3, %dma_start3A_159, %dma_start3A_160] : memref<4x10240x128xf32, #tpu.memory_space<hbm>> -> memref<1x10240x128xf32, #tpu.memory_space<hbm>>
      %dma_start3A_162 = tpu.memref_squeeze %dma_start3A_161 : memref<1x10240x128xf32, #tpu.memory_space<hbm>> -> memref<10240x128xf32, #tpu.memory_space<hbm>>
      %dma_start3A_163 = arith.constant 0 : i32
      %dma_start3A_164 = tpu.memref_slice %dma_start3A_162[%mul3A_76, %dma_start3A_163] : memref<10240x128xf32, #tpu.memory_space<hbm>> -> memref<632x128xf32, #tpu.memory_space<hbm>>
      %dma_start3A_165 = arith.constant 0 : i32
      %dma_start3A_166 = tpu.memref_slice %arg15[%mul3A_74, %dma_start3A_165] : memref<10112x128xf32, #tpu.memory_space<vmem_shared>> -> memref<632x128xf32, #tpu.memory_space<vmem_shared>>
      tpu.enqueue_dma source(%dma_start3A_166 : memref<632x128xf32, #tpu.memory_space<vmem_shared>>) target(%dma_start3A_164 : memref<632x128xf32, #tpu.memory_space<hbm>>) target_semaphore(%run_scoped3A : memref<!tpu.dma_semaphore, #tpu.memory_space<semaphore_mem>>)
      %dma_wait3A = arith.constant 0 : i32
      %dma_wait3A_167 = arith.constant 0 : i32
      %dma_wait3A_168 = tpu.memref_slice %arg5[%add3A_3, %dma_wait3A, %dma_wait3A_167] : memref<4x10240x128xf32, #tpu.memory_space<hbm>> -> memref<1x10240x128xf32, #tpu.memory_space<hbm>>
      %dma_wait3A_169 = tpu.memref_squeeze %dma_wait3A_168 : memref<1x10240x128xf32, #tpu.memory_space<hbm>> -> memref<10240x128xf32, #tpu.memory_space<hbm>>
      %dma_wait3A_170 = arith.constant 0 : i32
      %dma_wait3A_171 = tpu.memref_slice %dma_wait3A_169[%mul3A_76, %dma_wait3A_170] : memref<10240x128xf32, #tpu.memory_space<hbm>> -> memref<632x128xf32, #tpu.memory_space<hbm>>
      %dma_wait3A_172 = arith.constant 0 : i32
      %dma_wait3A_173 = tpu.memref_slice %arg15[%mul3A_74, %dma_wait3A_172] : memref<10112x128xf32, #tpu.memory_space<vmem_shared>> -> memref<632x128xf32, #tpu.memory_space<vmem_shared>>
      tpu.wait_dma2 semaphore(%run_scoped3A : memref<!tpu.dma_semaphore, #tpu.memory_space<semaphore_mem>>) src(%dma_wait3A_173 : memref<632x128xf32, #tpu.memory_space<vmem_shared>>) dst(%dma_wait3A_171 : memref<632x128xf32, #tpu.memory_space<hbm>>)
      tpu.yield
    }) : () -> ()
    %barrier3A_77 = arith.constant 0 : index
    tpu.barrier barrier_id(%barrier3A_77)
    %mul3A_78 = arith.constant 2 : i32
    %mul3A_79 = arith.muli %arg0, %mul3A_78 : i32
    %add3A_80 = arith.constant 1 : i32
    %add3A_81 = arith.addi %mul3A_79, %add3A_80 : i32
    %mul3A_82 = arith.constant 632 : i32
    %mul3A_83 = arith.muli %arg1, %mul3A_82 : i32
    %mul3A_84 = arith.constant 632 : i32
    %mul3A_85 = arith.muli %arg1, %mul3A_84 : i32
    "tpu.region"() ({
      %run_scoped3A = tpu.sem_alloc : memref<!tpu.dma_semaphore, #tpu.memory_space<semaphore_mem>>
      %dma_start3A_159 = arith.constant 0 : i32
      %dma_start3A_160 = tpu.memref_slice %arg15[%mul3A_85, %dma_start3A_159] : memref<10112x128xf32, #tpu.memory_space<vmem_shared>> -> memref<632x128xf32, #tpu.memory_space<vmem_shared>>
      %dma_start3A_161 = arith.constant 0 : i32
      %dma_start3A_162 = arith.constant 0 : i32
      %dma_start3A_163 = tpu.memref_slice %arg2[%add3A_81, %dma_start3A_161, %dma_start3A_162] : memref<4x10240x128xf32, #tpu.memory_space<hbm>> -> memref<1x10240x128xf32, #tpu.memory_space<hbm>>
      %dma_start3A_164 = tpu.memref_squeeze %dma_start3A_163 : memref<1x10240x128xf32, #tpu.memory_space<hbm>> -> memref<10240x128xf32, #tpu.memory_space<hbm>>
      %dma_start3A_165 = arith.constant 0 : i32
      %dma_start3A_166 = tpu.memref_slice %dma_start3A_164[%mul3A_83, %dma_start3A_165] : memref<10240x128xf32, #tpu.memory_space<hbm>> -> memref<632x128xf32, #tpu.memory_space<hbm>>
      tpu.enqueue_dma source(%dma_start3A_166 : memref<632x128xf32, #tpu.memory_space<hbm>>) target(%dma_start3A_160 : memref<632x128xf32, #tpu.memory_space<vmem_shared>>) target_semaphore(%run_scoped3A : memref<!tpu.dma_semaphore, #tpu.memory_space<semaphore_mem>>)
      %dma_wait3A = arith.constant 0 : i32
      %dma_wait3A_167 = tpu.memref_slice %arg15[%mul3A_85, %dma_wait3A] : memref<10112x128xf32, #tpu.memory_space<vmem_shared>> -> memref<632x128xf32, #tpu.memory_space<vmem_shared>>
      %dma_wait3A_168 = arith.constant 0 : i32
      %dma_wait3A_169 = arith.constant 0 : i32
      %dma_wait3A_170 = tpu.memref_slice %arg2[%add3A_81, %dma_wait3A_168, %dma_wait3A_169] : memref<4x10240x128xf32, #tpu.memory_space<hbm>> -> memref<1x10240x128xf32, #tpu.memory_space<hbm>>
      %dma_wait3A_171 = tpu.memref_squeeze %dma_wait3A_170 : memref<1x10240x128xf32, #tpu.memory_space<hbm>> -> memref<10240x128xf32, #tpu.memory_space<hbm>>
      %dma_wait3A_172 = arith.constant 0 : i32
      %dma_wait3A_173 = tpu.memref_slice %dma_wait3A_171[%mul3A_83, %dma_wait3A_172] : memref<10240x128xf32, #tpu.memory_space<hbm>> -> memref<632x128xf32, #tpu.memory_space<hbm>>
      tpu.wait_dma2 semaphore(%run_scoped3A : memref<!tpu.dma_semaphore, #tpu.memory_space<semaphore_mem>>) src(%dma_wait3A_173 : memref<632x128xf32, #tpu.memory_space<hbm>>) dst(%dma_wait3A_167 : memref<632x128xf32, #tpu.memory_space<vmem_shared>>)
      tpu.yield
    }) : () -> ()
    %barrier3A_86 = arith.constant 0 : index
    tpu.barrier barrier_id(%barrier3A_86)
    %dma_start3A_87 = arith.constant 0 : i32
    %dma_start3A_88 = tpu.memref_slice %arg6[%dma_start3A_87] : memref<10240xi32, #tpu.memory_space<vmem>> -> memref<64xi32, #tpu.memory_space<vmem>>
    %dma_start3A_89 = arith.constant 0 : i32
    %dma_start3A_90 = arith.constant 0 : i32
    %dma_start3A_91 = tpu.memref_slice %arg2[%add3A_81, %dma_start3A_89, %dma_start3A_90] : memref<4x10240x128xf32, #tpu.memory_space<hbm>> -> memref<1x10240x128xf32, #tpu.memory_space<hbm>>
    %dma_start3A_92 = tpu.memref_squeeze %dma_start3A_91 : memref<1x10240x128xf32, #tpu.memory_space<hbm>> -> memref<10240x128xf32, #tpu.memory_space<hbm>>
    %dma_start3A_93 = arith.constant 0 : i32
    %dma_start3A_94 = arith.constant 0 : i32
    %dma_start3A_95 = tpu.memref_slice %dma_start3A_92[%dma_start3A_93, %dma_start3A_94] : memref<10240x128xf32, #tpu.memory_space<hbm>> -> memref<10240x128xf32, #tpu.memory_space<hbm>>
    tpu.enqueue_indirect_dma source(%dma_start3A_95 : memref<10240x128xf32, #tpu.memory_space<hbm>>) target(%arg11 : memref<64x128xf32, #tpu.memory_space<vmem>>) offsets(%dma_start3A_88 : memref<64xi32, #tpu.memory_space<vmem>>) semaphore(%arg16 : memref<!tpu.dma_semaphore, #tpu.memory_space<semaphore_mem>>)
    %mul3A_96 = arith.constant 10240 : i32
    %mul3A_97 = arith.muli %arg1, %mul3A_96 : i32
    %add3A_98 = arith.constant 0 : i32
    %add3A_99 = arith.addi %mul3A_97, %add3A_98 : i32
    %dma_start3A_100 = tpu.memref_slice %arg4[%add3A_99] : memref<163840xi32, #tpu.memory_space<hbm>> -> memref<64xi32, #tpu.memory_space<hbm>>
    %dma_start3A_101 = tpu.memref_slice %arg4[%add3A_99] : memref<163840xi32, #tpu.memory_space<hbm>> -> memref<64xi32, #tpu.memory_space<hbm>>
    tpu.enqueue_dma source(%dma_start3A_101 : memref<64xi32, #tpu.memory_space<hbm>>) target(%arg7 : memref<64xi32, #tpu.memory_space<vmem>>) target_semaphore(%arg20 : memref<!tpu.dma_semaphore, #tpu.memory_space<semaphore_mem>>)
    %dma_start3A_102 = arith.constant 64 : i32
    %dma_start3A_103 = tpu.memref_slice %arg6[%dma_start3A_102] : memref<10240xi32, #tpu.memory_space<vmem>> -> memref<64xi32, #tpu.memory_space<vmem>>
    %dma_start3A_104 = arith.constant 0 : i32
    %dma_start3A_105 = arith.constant 0 : i32
    %dma_start3A_106 = tpu.memref_slice %arg2[%add3A_81, %dma_start3A_104, %dma_start3A_105] : memref<4x10240x128xf32, #tpu.memory_space<hbm>> -> memref<1x10240x128xf32, #tpu.memory_space<hbm>>
    %dma_start3A_107 = tpu.memref_squeeze %dma_start3A_106 : memref<1x10240x128xf32, #tpu.memory_space<hbm>> -> memref<10240x128xf32, #tpu.memory_space<hbm>>
    %dma_start3A_108 = arith.constant 0 : i32
    %dma_start3A_109 = arith.constant 0 : i32
    %dma_start3A_110 = tpu.memref_slice %dma_start3A_107[%dma_start3A_108, %dma_start3A_109] : memref<10240x128xf32, #tpu.memory_space<hbm>> -> memref<10240x128xf32, #tpu.memory_space<hbm>>
    tpu.enqueue_indirect_dma source(%dma_start3A_110 : memref<10240x128xf32, #tpu.memory_space<hbm>>) target(%arg12 : memref<64x128xf32, #tpu.memory_space<vmem>>) offsets(%dma_start3A_103 : memref<64xi32, #tpu.memory_space<vmem>>) semaphore(%arg17 : memref<!tpu.dma_semaphore, #tpu.memory_space<semaphore_mem>>)
    %mul3A_111 = arith.constant 10240 : i32
    %mul3A_112 = arith.muli %arg1, %mul3A_111 : i32
    %add3A_113 = arith.constant 64 : i32
    %add3A_114 = arith.addi %mul3A_112, %add3A_113 : i32
    %dma_start3A_115 = tpu.memref_slice %arg4[%add3A_114] : memref<163840xi32, #tpu.memory_space<hbm>> -> memref<64xi32, #tpu.memory_space<hbm>>
    %dma_start3A_116 = tpu.memref_slice %arg4[%add3A_114] : memref<163840xi32, #tpu.memory_space<hbm>> -> memref<64xi32, #tpu.memory_space<hbm>>
    tpu.enqueue_dma source(%dma_start3A_116 : memref<64xi32, #tpu.memory_space<hbm>>) target(%arg8 : memref<64xi32, #tpu.memory_space<vmem>>) target_semaphore(%arg21 : memref<!tpu.dma_semaphore, #tpu.memory_space<semaphore_mem>>)
    %dma_start3A_117 = arith.constant 128 : i32
    %dma_start3A_118 = tpu.memref_slice %arg6[%dma_start3A_117] : memref<10240xi32, #tpu.memory_space<vmem>> -> memref<64xi32, #tpu.memory_space<vmem>>
    %dma_start3A_119 = arith.constant 0 : i32
    %dma_start3A_120 = arith.constant 0 : i32
    %dma_start3A_121 = tpu.memref_slice %arg2[%add3A_81, %dma_start3A_119, %dma_start3A_120] : memref<4x10240x128xf32, #tpu.memory_space<hbm>> -> memref<1x10240x128xf32, #tpu.memory_space<hbm>>
    %dma_start3A_122 = tpu.memref_squeeze %dma_start3A_121 : memref<1x10240x128xf32, #tpu.memory_space<hbm>> -> memref<10240x128xf32, #tpu.memory_space<hbm>>
    %dma_start3A_123 = arith.constant 0 : i32
    %dma_start3A_124 = arith.constant 0 : i32
    %dma_start3A_125 = tpu.memref_slice %dma_start3A_122[%dma_start3A_123, %dma_start3A_124] : memref<10240x128xf32, #tpu.memory_space<hbm>> -> memref<10240x128xf32, #tpu.memory_space<hbm>>
    tpu.enqueue_indirect_dma source(%dma_start3A_125 : memref<10240x128xf32, #tpu.memory_space<hbm>>) target(%arg13 : memref<64x128xf32, #tpu.memory_space<vmem>>) offsets(%dma_start3A_118 : memref<64xi32, #tpu.memory_space<vmem>>) semaphore(%arg18 : memref<!tpu.dma_semaphore, #tpu.memory_space<semaphore_mem>>)
    %mul3A_126 = arith.constant 10240 : i32
    %mul3A_127 = arith.muli %arg1, %mul3A_126 : i32
    %add3A_128 = arith.constant 128 : i32
    %add3A_129 = arith.addi %mul3A_127, %add3A_128 : i32
    %dma_start3A_130 = tpu.memref_slice %arg4[%add3A_129] : memref<163840xi32, #tpu.memory_space<hbm>> -> memref<64xi32, #tpu.memory_space<hbm>>
    %dma_start3A_131 = tpu.memref_slice %arg4[%add3A_129] : memref<163840xi32, #tpu.memory_space<hbm>> -> memref<64xi32, #tpu.memory_space<hbm>>
    tpu.enqueue_dma source(%dma_start3A_131 : memref<64xi32, #tpu.memory_space<hbm>>) target(%arg9 : memref<64xi32, #tpu.memory_space<vmem>>) target_semaphore(%arg22 : memref<!tpu.dma_semaphore, #tpu.memory_space<semaphore_mem>>)
    %dma_start3A_132 = arith.constant 192 : i32
    %dma_start3A_133 = tpu.memref_slice %arg6[%dma_start3A_132] : memref<10240xi32, #tpu.memory_space<vmem>> -> memref<64xi32, #tpu.memory_space<vmem>>
    %dma_start3A_134 = arith.constant 0 : i32
    %dma_start3A_135 = arith.constant 0 : i32
    %dma_start3A_136 = tpu.memref_slice %arg2[%add3A_81, %dma_start3A_134, %dma_start3A_135] : memref<4x10240x128xf32, #tpu.memory_space<hbm>> -> memref<1x10240x128xf32, #tpu.memory_space<hbm>>
    %dma_start3A_137 = tpu.memref_squeeze %dma_start3A_136 : memref<1x10240x128xf32, #tpu.memory_space<hbm>> -> memref<10240x128xf32, #tpu.memory_space<hbm>>
    %dma_start3A_138 = arith.constant 0 : i32
    %dma_start3A_139 = arith.constant 0 : i32
    %dma_start3A_140 = tpu.memref_slice %dma_start3A_137[%dma_start3A_138, %dma_start3A_139] : memref<10240x128xf32, #tpu.memory_space<hbm>> -> memref<10240x128xf32, #tpu.memory_space<hbm>>
    tpu.enqueue_indirect_dma source(%dma_start3A_140 : memref<10240x128xf32, #tpu.memory_space<hbm>>) target(%arg14 : memref<64x128xf32, #tpu.memory_space<vmem>>) offsets(%dma_start3A_133 : memref<64xi32, #tpu.memory_space<vmem>>) semaphore(%arg19 : memref<!tpu.dma_semaphore, #tpu.memory_space<semaphore_mem>>)
    %mul3A_141 = arith.constant 10240 : i32
    %mul3A_142 = arith.muli %arg1, %mul3A_141 : i32
    %add3A_143 = arith.constant 192 : i32
    %add3A_144 = arith.addi %mul3A_142, %add3A_143 : i32
    %dma_start3A_145 = tpu.memref_slice %arg4[%add3A_144] : memref<163840xi32, #tpu.memory_space<hbm>> -> memref<64xi32, #tpu.memory_space<hbm>>
    %dma_start3A_146 = tpu.memref_slice %arg4[%add3A_144] : memref<163840xi32, #tpu.memory_space<hbm>> -> memref<64xi32, #tpu.memory_space<hbm>>
    tpu.enqueue_dma source(%dma_start3A_146 : memref<64xi32, #tpu.memory_space<hbm>>) target(%arg10 : memref<64xi32, #tpu.memory_space<vmem>>) target_semaphore(%arg23 : memref<!tpu.dma_semaphore, #tpu.memory_space<semaphore_mem>>)
    %scan3A_147 = arith.constant 0 : i32
    %scan3A_148 = arith.constant 0 : i32
    %scan3A_149 = arith.constant 40 : i32
    %scan3A_150 = arith.addi %scan3A_148, %scan3A_149 : i32
    %scan3A_151 = arith.constant 1 : i32
    scf.for %scan3A_159 = %scan3A_148 to %scan3A_150 step %scan3A_151  : i32 {
      %mul3A_160 = arith.constant 4 : i32
      %mul3A_161 = arith.muli %scan3A_159, %mul3A_160 : i32
      %add3A_162 = arith.constant 0 : i32
      %add3A_163 = arith.addi %mul3A_161, %add3A_162 : i32
      %mul3A_164 = arith.constant 64 : i32
      %mul3A_165 = arith.muli %add3A_163, %mul3A_164 : i32
      %dma_wait3A = tpu.memref_slice %arg6[%mul3A_165] : memref<10240xi32, #tpu.memory_space<vmem>> -> memref<64xi32, #tpu.memory_space<vmem>>
      %dma_wait3A_166 = arith.constant 0 : i32
      %dma_wait3A_167 = arith.constant 0 : i32
      %dma_wait3A_168 = tpu.memref_slice %arg2[%add3A_81, %dma_wait3A_166, %dma_wait3A_167] : memref<4x10240x128xf32, #tpu.memory_space<hbm>> -> memref<1x10240x128xf32, #tpu.memory_space<hbm>>
      %dma_wait3A_169 = tpu.memref_squeeze %dma_wait3A_168 : memref<1x10240x128xf32, #tpu.memory_space<hbm>> -> memref<10240x128xf32, #tpu.memory_space<hbm>>
      %dma_wait3A_170 = arith.constant 0 : i32
      %dma_wait3A_171 = arith.constant 0 : i32
      %dma_wait3A_172 = tpu.memref_slice %dma_wait3A_169[%dma_wait3A_170, %dma_wait3A_171] : memref<10240x128xf32, #tpu.memory_space<hbm>> -> memref<10240x128xf32, #tpu.memory_space<hbm>>
      tpu.wait_indirect_dma semaphore(%arg16 : memref<!tpu.dma_semaphore, #tpu.memory_space<semaphore_mem>>) src(%dma_wait3A_172 : memref<10240x128xf32, #tpu.memory_space<hbm>>) dst(%arg11 : memref<64x128xf32, #tpu.memory_space<vmem>>)
      %dma_wait3A_173 = arith.constant 0 : i32
      %dma_wait3A_174 = tpu.memref_slice %arg4[%dma_wait3A_173] : memref<163840xi32, #tpu.memory_space<hbm>> -> memref<64xi32, #tpu.memory_space<hbm>>
      %dma_wait3A_175 = arith.constant 0 : i32
      %dma_wait3A_176 = tpu.memref_slice %arg4[%dma_wait3A_175] : memref<163840xi32, #tpu.memory_space<hbm>> -> memref<64xi32, #tpu.memory_space<hbm>>
      tpu.wait_dma2 semaphore(%arg20 : memref<!tpu.dma_semaphore, #tpu.memory_space<semaphore_mem>>) src(%dma_wait3A_176 : memref<64xi32, #tpu.memory_space<hbm>>) dst(%arg7 : memref<64xi32, #tpu.memory_space<vmem>>)
      "tpu.region"() ({
        %run_scoped3A = tpu.sem_alloc : memref<!tpu.dma_semaphore, #tpu.memory_space<semaphore_mem>>
        %dma_start3A_256 = arith.constant 0 : i32
        %dma_start3A_257 = arith.constant 0 : i32
        %dma_start3A_258 = tpu.memref_slice %arg15[%dma_start3A_256, %dma_start3A_257] : memref<10112x128xf32, #tpu.memory_space<vmem_shared>> -> memref<10112x128xf32, #tpu.memory_space<vmem_shared>>
        tpu.enqueue_indirect_dma source(%arg11 : memref<64x128xf32, #tpu.memory_space<vmem>>) target(%dma_start3A_258 : memref<10112x128xf32, #tpu.memory_space<vmem_shared>>) offsets(%arg7 : memref<64xi32, #tpu.memory_space<vmem>>) semaphore(%run_scoped3A : memref<!tpu.dma_semaphore, #tpu.memory_space<semaphore_mem>>) {add = true}
        %dma_wait3A_259 = arith.constant 0 : i32
        %dma_wait3A_260 = arith.constant 0 : i32
        %dma_wait3A_261 = tpu.memref_slice %arg15[%dma_wait3A_259, %dma_wait3A_260] : memref<10112x128xf32, #tpu.memory_space<vmem_shared>> -> memref<10112x128xf32, #tpu.memory_space<vmem_shared>>
        tpu.wait_indirect_dma semaphore(%run_scoped3A : memref<!tpu.dma_semaphore, #tpu.memory_space<semaphore_mem>>) src(%arg11 : memref<64x128xf32, #tpu.memory_space<vmem>>) dst(%dma_wait3A_261 : memref<10112x128xf32, #tpu.memory_space<vmem_shared>>)
        tpu.yield
      }) : () -> ()
      %add3A_177 = arith.constant 4 : i32
      %add3A_178 = arith.addi %add3A_163, %add3A_177 : i32
      %lt3A = arith.constant 160 : i32
      %lt3A_179 = arith.cmpi slt, %add3A_178, %lt3A : i32
      %convert_element_type3A = arith.extui %lt3A_179 : i1 to i32
      %cond3A = arith.constant 0 : i32
      %cond3A_180 = arith.cmpi ne, %convert_element_type3A, %cond3A : i32
      scf.if %cond3A_180 {
        %add3A_256 = arith.constant 4 : i32
        %add3A_257 = arith.addi %add3A_163, %add3A_256 : i32
        %mul3A_258 = arith.constant 64 : i32
        %mul3A_259 = arith.muli %add3A_257, %mul3A_258 : i32
        %dma_start3A_260 = tpu.memref_slice %arg6[%mul3A_259] : memref<10240xi32, #tpu.memory_space<vmem>> -> memref<64xi32, #tpu.memory_space<vmem>>
        %dma_start3A_261 = arith.constant 0 : i32
        %dma_start3A_262 = arith.constant 0 : i32
        %dma_start3A_263 = tpu.memref_slice %arg2[%add3A_81, %dma_start3A_261, %dma_start3A_262] : memref<4x10240x128xf32, #tpu.memory_space<hbm>> -> memref<1x10240x128xf32, #tpu.memory_space<hbm>>
        %dma_start3A_264 = tpu.memref_squeeze %dma_start3A_263 : memref<1x10240x128xf32, #tpu.memory_space<hbm>> -> memref<10240x128xf32, #tpu.memory_space<hbm>>
        %dma_start3A_265 = arith.constant 0 : i32
        %dma_start3A_266 = arith.constant 0 : i32
        %dma_start3A_267 = tpu.memref_slice %dma_start3A_264[%dma_start3A_265, %dma_start3A_266] : memref<10240x128xf32, #tpu.memory_space<hbm>> -> memref<10240x128xf32, #tpu.memory_space<hbm>>
        tpu.enqueue_indirect_dma source(%dma_start3A_267 : memref<10240x128xf32, #tpu.memory_space<hbm>>) target(%arg11 : memref<64x128xf32, #tpu.memory_space<vmem>>) offsets(%dma_start3A_260 : memref<64xi32, #tpu.memory_space<vmem>>) semaphore(%arg16 : memref<!tpu.dma_semaphore, #tpu.memory_space<semaphore_mem>>)
        %mul3A_268 = arith.constant 10240 : i32
        %mul3A_269 = arith.muli %arg1, %mul3A_268 : i32
        %add3A_270 = arith.constant 4 : i32
        %add3A_271 = arith.addi %add3A_163, %add3A_270 : i32
        %mul3A_272 = arith.constant 64 : i32
        %mul3A_273 = arith.muli %add3A_271, %mul3A_272 : i32
        %add3A_274 = arith.addi %mul3A_269, %mul3A_273 : i32
        %dma_start3A_275 = tpu.memref_slice %arg4[%add3A_274] : memref<163840xi32, #tpu.memory_space<hbm>> -> memref<64xi32, #tpu.memory_space<hbm>>
        %dma_start3A_276 = tpu.memref_slice %arg4[%add3A_274] : memref<163840xi32, #tpu.memory_space<hbm>> -> memref<64xi32, #tpu.memory_space<hbm>>
        tpu.enqueue_dma source(%dma_start3A_276 : memref<64xi32, #tpu.memory_space<hbm>>) target(%arg7 : memref<64xi32, #tpu.memory_space<vmem>>) target_semaphore(%arg20 : memref<!tpu.dma_semaphore, #tpu.memory_space<semaphore_mem>>)
      } else {
      }
      %mul3A_181 = arith.constant 4 : i32
      %mul3A_182 = arith.muli %scan3A_159, %mul3A_181 : i32
      %add3A_183 = arith.constant 1 : i32
      %add3A_184 = arith.addi %mul3A_182, %add3A_183 : i32
      %mul3A_185 = arith.constant 64 : i32
      %mul3A_186 = arith.muli %add3A_184, %mul3A_185 : i32
      %dma_wait3A_187 = tpu.memref_slice %arg6[%mul3A_186] : memref<10240xi32, #tpu.memory_space<vmem>> -> memref<64xi32, #tpu.memory_space<vmem>>
      %dma_wait3A_188 = arith.constant 0 : i32
      %dma_wait3A_189 = arith.constant 0 : i32
      %dma_wait3A_190 = tpu.memref_slice %arg2[%add3A_81, %dma_wait3A_188, %dma_wait3A_189] : memref<4x10240x128xf32, #tpu.memory_space<hbm>> -> memref<1x10240x128xf32, #tpu.memory_space<hbm>>
      %dma_wait3A_191 = tpu.memref_squeeze %dma_wait3A_190 : memref<1x10240x128xf32, #tpu.memory_space<hbm>> -> memref<10240x128xf32, #tpu.memory_space<hbm>>
      %dma_wait3A_192 = arith.constant 0 : i32
      %dma_wait3A_193 = arith.constant 0 : i32
      %dma_wait3A_194 = tpu.memref_slice %dma_wait3A_191[%dma_wait3A_192, %dma_wait3A_193] : memref<10240x128xf32, #tpu.memory_space<hbm>> -> memref<10240x128xf32, #tpu.memory_space<hbm>>
      tpu.wait_indirect_dma semaphore(%arg17 : memref<!tpu.dma_semaphore, #tpu.memory_space<semaphore_mem>>) src(%dma_wait3A_194 : memref<10240x128xf32, #tpu.memory_space<hbm>>) dst(%arg12 : memref<64x128xf32, #tpu.memory_space<vmem>>)
      %dma_wait3A_195 = arith.constant 0 : i32
      %dma_wait3A_196 = tpu.memref_slice %arg4[%dma_wait3A_195] : memref<163840xi32, #tpu.memory_space<hbm>> -> memref<64xi32, #tpu.memory_space<hbm>>
      %dma_wait3A_197 = arith.constant 0 : i32
      %dma_wait3A_198 = tpu.memref_slice %arg4[%dma_wait3A_197] : memref<163840xi32, #tpu.memory_space<hbm>> -> memref<64xi32, #tpu.memory_space<hbm>>
      tpu.wait_dma2 semaphore(%arg21 : memref<!tpu.dma_semaphore, #tpu.memory_space<semaphore_mem>>) src(%dma_wait3A_198 : memref<64xi32, #tpu.memory_space<hbm>>) dst(%arg8 : memref<64xi32, #tpu.memory_space<vmem>>)
      "tpu.region"() ({
        %run_scoped3A = tpu.sem_alloc : memref<!tpu.dma_semaphore, #tpu.memory_space<semaphore_mem>>
        %dma_start3A_256 = arith.constant 0 : i32
        %dma_start3A_257 = arith.constant 0 : i32
        %dma_start3A_258 = tpu.memref_slice %arg15[%dma_start3A_256, %dma_start3A_257] : memref<10112x128xf32, #tpu.memory_space<vmem_shared>> -> memref<10112x128xf32, #tpu.memory_space<vmem_shared>>
        tpu.enqueue_indirect_dma source(%arg12 : memref<64x128xf32, #tpu.memory_space<vmem>>) target(%dma_start3A_258 : memref<10112x128xf32, #tpu.memory_space<vmem_shared>>) offsets(%arg8 : memref<64xi32, #tpu.memory_space<vmem>>) semaphore(%run_scoped3A : memref<!tpu.dma_semaphore, #tpu.memory_space<semaphore_mem>>) {add = true}
        %dma_wait3A_259 = arith.constant 0 : i32
        %dma_wait3A_260 = arith.constant 0 : i32
        %dma_wait3A_261 = tpu.memref_slice %arg15[%dma_wait3A_259, %dma_wait3A_260] : memref<10112x128xf32, #tpu.memory_space<vmem_shared>> -> memref<10112x128xf32, #tpu.memory_space<vmem_shared>>
        tpu.wait_indirect_dma semaphore(%run_scoped3A : memref<!tpu.dma_semaphore, #tpu.memory_space<semaphore_mem>>) src(%arg12 : memref<64x128xf32, #tpu.memory_space<vmem>>) dst(%dma_wait3A_261 : memref<10112x128xf32, #tpu.memory_space<vmem_shared>>)
        tpu.yield
      }) : () -> ()
      %add3A_199 = arith.constant 4 : i32
      %add3A_200 = arith.addi %add3A_184, %add3A_199 : i32
      %lt3A_201 = arith.constant 160 : i32
      %lt3A_202 = arith.cmpi slt, %add3A_200, %lt3A_201 : i32
      %convert_element_type3A_203 = arith.extui %lt3A_202 : i1 to i32
      %cond3A_204 = arith.constant 0 : i32
      %cond3A_205 = arith.cmpi ne, %convert_element_type3A_203, %cond3A_204 : i32
      scf.if %cond3A_205 {
        %add3A_256 = arith.constant 4 : i32
        %add3A_257 = arith.addi %add3A_184, %add3A_256 : i32
        %mul3A_258 = arith.constant 64 : i32
        %mul3A_259 = arith.muli %add3A_257, %mul3A_258 : i32
        %dma_start3A_260 = tpu.memref_slice %arg6[%mul3A_259] : memref<10240xi32, #tpu.memory_space<vmem>> -> memref<64xi32, #tpu.memory_space<vmem>>
        %dma_start3A_261 = arith.constant 0 : i32
        %dma_start3A_262 = arith.constant 0 : i32
        %dma_start3A_263 = tpu.memref_slice %arg2[%add3A_81, %dma_start3A_261, %dma_start3A_262] : memref<4x10240x128xf32, #tpu.memory_space<hbm>> -> memref<1x10240x128xf32, #tpu.memory_space<hbm>>
        %dma_start3A_264 = tpu.memref_squeeze %dma_start3A_263 : memref<1x10240x128xf32, #tpu.memory_space<hbm>> -> memref<10240x128xf32, #tpu.memory_space<hbm>>
        %dma_start3A_265 = arith.constant 0 : i32
        %dma_start3A_266 = arith.constant 0 : i32
        %dma_start3A_267 = tpu.memref_slice %dma_start3A_264[%dma_start3A_265, %dma_start3A_266] : memref<10240x128xf32, #tpu.memory_space<hbm>> -> memref<10240x128xf32, #tpu.memory_space<hbm>>
        tpu.enqueue_indirect_dma source(%dma_start3A_267 : memref<10240x128xf32, #tpu.memory_space<hbm>>) target(%arg12 : memref<64x128xf32, #tpu.memory_space<vmem>>) offsets(%dma_start3A_260 : memref<64xi32, #tpu.memory_space<vmem>>) semaphore(%arg17 : memref<!tpu.dma_semaphore, #tpu.memory_space<semaphore_mem>>)
        %mul3A_268 = arith.constant 10240 : i32
        %mul3A_269 = arith.muli %arg1, %mul3A_268 : i32
        %add3A_270 = arith.constant 4 : i32
        %add3A_271 = arith.addi %add3A_184, %add3A_270 : i32
        %mul3A_272 = arith.constant 64 : i32
        %mul3A_273 = arith.muli %add3A_271, %mul3A_272 : i32
        %add3A_274 = arith.addi %mul3A_269, %mul3A_273 : i32
        %dma_start3A_275 = tpu.memref_slice %arg4[%add3A_274] : memref<163840xi32, #tpu.memory_space<hbm>> -> memref<64xi32, #tpu.memory_space<hbm>>
        %dma_start3A_276 = tpu.memref_slice %arg4[%add3A_274] : memref<163840xi32, #tpu.memory_space<hbm>> -> memref<64xi32, #tpu.memory_space<hbm>>
        tpu.enqueue_dma source(%dma_start3A_276 : memref<64xi32, #tpu.memory_space<hbm>>) target(%arg8 : memref<64xi32, #tpu.memory_space<vmem>>) target_semaphore(%arg21 : memref<!tpu.dma_semaphore, #tpu.memory_space<semaphore_mem>>)
      } else {
      }
      %mul3A_206 = arith.constant 4 : i32
      %mul3A_207 = arith.muli %scan3A_159, %mul3A_206 : i32
      %add3A_208 = arith.constant 2 : i32
      %add3A_209 = arith.addi %mul3A_207, %add3A_208 : i32
      %mul3A_210 = arith.constant 64 : i32
      %mul3A_211 = arith.muli %add3A_209, %mul3A_210 : i32
      %dma_wait3A_212 = tpu.memref_slice %arg6[%mul3A_211] : memref<10240xi32, #tpu.memory_space<vmem>> -> memref<64xi32, #tpu.memory_space<vmem>>
      %dma_wait3A_213 = arith.constant 0 : i32
      %dma_wait3A_214 = arith.constant 0 : i32
      %dma_wait3A_215 = tpu.memref_slice %arg2[%add3A_81, %dma_wait3A_213, %dma_wait3A_214] : memref<4x10240x128xf32, #tpu.memory_space<hbm>> -> memref<1x10240x128xf32, #tpu.memory_space<hbm>>
      %dma_wait3A_216 = tpu.memref_squeeze %dma_wait3A_215 : memref<1x10240x128xf32, #tpu.memory_space<hbm>> -> memref<10240x128xf32, #tpu.memory_space<hbm>>
      %dma_wait3A_217 = arith.constant 0 : i32
      %dma_wait3A_218 = arith.constant 0 : i32
      %dma_wait3A_219 = tpu.memref_slice %dma_wait3A_216[%dma_wait3A_217, %dma_wait3A_218] : memref<10240x128xf32, #tpu.memory_space<hbm>> -> memref<10240x128xf32, #tpu.memory_space<hbm>>
      tpu.wait_indirect_dma semaphore(%arg18 : memref<!tpu.dma_semaphore, #tpu.memory_space<semaphore_mem>>) src(%dma_wait3A_219 : memref<10240x128xf32, #tpu.memory_space<hbm>>) dst(%arg13 : memref<64x128xf32, #tpu.memory_space<vmem>>)
      %dma_wait3A_220 = arith.constant 0 : i32
      %dma_wait3A_221 = tpu.memref_slice %arg4[%dma_wait3A_220] : memref<163840xi32, #tpu.memory_space<hbm>> -> memref<64xi32, #tpu.memory_space<hbm>>
      %dma_wait3A_222 = arith.constant 0 : i32
      %dma_wait3A_223 = tpu.memref_slice %arg4[%dma_wait3A_222] : memref<163840xi32, #tpu.memory_space<hbm>> -> memref<64xi32, #tpu.memory_space<hbm>>
      tpu.wait_dma2 semaphore(%arg22 : memref<!tpu.dma_semaphore, #tpu.memory_space<semaphore_mem>>) src(%dma_wait3A_223 : memref<64xi32, #tpu.memory_space<hbm>>) dst(%arg9 : memref<64xi32, #tpu.memory_space<vmem>>)
      "tpu.region"() ({
        %run_scoped3A = tpu.sem_alloc : memref<!tpu.dma_semaphore, #tpu.memory_space<semaphore_mem>>
        %dma_start3A_256 = arith.constant 0 : i32
        %dma_start3A_257 = arith.constant 0 : i32
        %dma_start3A_258 = tpu.memref_slice %arg15[%dma_start3A_256, %dma_start3A_257] : memref<10112x128xf32, #tpu.memory_space<vmem_shared>> -> memref<10112x128xf32, #tpu.memory_space<vmem_shared>>
        tpu.enqueue_indirect_dma source(%arg13 : memref<64x128xf32, #tpu.memory_space<vmem>>) target(%dma_start3A_258 : memref<10112x128xf32, #tpu.memory_space<vmem_shared>>) offsets(%arg9 : memref<64xi32, #tpu.memory_space<vmem>>) semaphore(%run_scoped3A : memref<!tpu.dma_semaphore, #tpu.memory_space<semaphore_mem>>) {add = true}
        %dma_wait3A_259 = arith.constant 0 : i32
        %dma_wait3A_260 = arith.constant 0 : i32
        %dma_wait3A_261 = tpu.memref_slice %arg15[%dma_wait3A_259, %dma_wait3A_260] : memref<10112x128xf32, #tpu.memory_space<vmem_shared>> -> memref<10112x128xf32, #tpu.memory_space<vmem_shared>>
        tpu.wait_indirect_dma semaphore(%run_scoped3A : memref<!tpu.dma_semaphore, #tpu.memory_space<semaphore_mem>>) src(%arg13 : memref<64x128xf32, #tpu.memory_space<vmem>>) dst(%dma_wait3A_261 : memref<10112x128xf32, #tpu.memory_space<vmem_shared>>)
        tpu.yield
      }) : () -> ()
      %add3A_224 = arith.constant 4 : i32
      %add3A_225 = arith.addi %add3A_209, %add3A_224 : i32
      %lt3A_226 = arith.constant 160 : i32
      %lt3A_227 = arith.cmpi slt, %add3A_225, %lt3A_226 : i32
      %convert_element_type3A_228 = arith.extui %lt3A_227 : i1 to i32
      %cond3A_229 = arith.constant 0 : i32
      %cond3A_230 = arith.cmpi ne, %convert_element_type3A_228, %cond3A_229 : i32
      scf.if %cond3A_230 {
        %add3A_256 = arith.constant 4 : i32
        %add3A_257 = arith.addi %add3A_209, %add3A_256 : i32
        %mul3A_258 = arith.constant 64 : i32
        %mul3A_259 = arith.muli %add3A_257, %mul3A_258 : i32
        %dma_start3A_260 = tpu.memref_slice %arg6[%mul3A_259] : memref<10240xi32, #tpu.memory_space<vmem>> -> memref<64xi32, #tpu.memory_space<vmem>>
        %dma_start3A_261 = arith.constant 0 : i32
        %dma_start3A_262 = arith.constant 0 : i32
        %dma_start3A_263 = tpu.memref_slice %arg2[%add3A_81, %dma_start3A_261, %dma_start3A_262] : memref<4x10240x128xf32, #tpu.memory_space<hbm>> -> memref<1x10240x128xf32, #tpu.memory_space<hbm>>
        %dma_start3A_264 = tpu.memref_squeeze %dma_start3A_263 : memref<1x10240x128xf32, #tpu.memory_space<hbm>> -> memref<10240x128xf32, #tpu.memory_space<hbm>>
        %dma_start3A_265 = arith.constant 0 : i32
        %dma_start3A_266 = arith.constant 0 : i32
        %dma_start3A_267 = tpu.memref_slice %dma_start3A_264[%dma_start3A_265, %dma_start3A_266] : memref<10240x128xf32, #tpu.memory_space<hbm>> -> memref<10240x128xf32, #tpu.memory_space<hbm>>
        tpu.enqueue_indirect_dma source(%dma_start3A_267 : memref<10240x128xf32, #tpu.memory_space<hbm>>) target(%arg13 : memref<64x128xf32, #tpu.memory_space<vmem>>) offsets(%dma_start3A_260 : memref<64xi32, #tpu.memory_space<vmem>>) semaphore(%arg18 : memref<!tpu.dma_semaphore, #tpu.memory_space<semaphore_mem>>)
        %mul3A_268 = arith.constant 10240 : i32
        %mul3A_269 = arith.muli %arg1, %mul3A_268 : i32
        %add3A_270 = arith.constant 4 : i32
        %add3A_271 = arith.addi %add3A_209, %add3A_270 : i32
        %mul3A_272 = arith.constant 64 : i32
        %mul3A_273 = arith.muli %add3A_271, %mul3A_272 : i32
        %add3A_274 = arith.addi %mul3A_269, %mul3A_273 : i32
        %dma_start3A_275 = tpu.memref_slice %arg4[%add3A_274] : memref<163840xi32, #tpu.memory_space<hbm>> -> memref<64xi32, #tpu.memory_space<hbm>>
        %dma_start3A_276 = tpu.memref_slice %arg4[%add3A_274] : memref<163840xi32, #tpu.memory_space<hbm>> -> memref<64xi32, #tpu.memory_space<hbm>>
        tpu.enqueue_dma source(%dma_start3A_276 : memref<64xi32, #tpu.memory_space<hbm>>) target(%arg9 : memref<64xi32, #tpu.memory_space<vmem>>) target_semaphore(%arg22 : memref<!tpu.dma_semaphore, #tpu.memory_space<semaphore_mem>>)
      } else {
      }
      %mul3A_231 = arith.constant 4 : i32
      %mul3A_232 = arith.muli %scan3A_159, %mul3A_231 : i32
      %add3A_233 = arith.constant 3 : i32
      %add3A_234 = arith.addi %mul3A_232, %add3A_233 : i32
      %mul3A_235 = arith.constant 64 : i32
      %mul3A_236 = arith.muli %add3A_234, %mul3A_235 : i32
      %dma_wait3A_237 = tpu.memref_slice %arg6[%mul3A_236] : memref<10240xi32, #tpu.memory_space<vmem>> -> memref<64xi32, #tpu.memory_space<vmem>>
      %dma_wait3A_238 = arith.constant 0 : i32
      %dma_wait3A_239 = arith.constant 0 : i32
      %dma_wait3A_240 = tpu.memref_slice %arg2[%add3A_81, %dma_wait3A_238, %dma_wait3A_239] : memref<4x10240x128xf32, #tpu.memory_space<hbm>> -> memref<1x10240x128xf32, #tpu.memory_space<hbm>>
      %dma_wait3A_241 = tpu.memref_squeeze %dma_wait3A_240 : memref<1x10240x128xf32, #tpu.memory_space<hbm>> -> memref<10240x128xf32, #tpu.memory_space<hbm>>
      %dma_wait3A_242 = arith.constant 0 : i32
      %dma_wait3A_243 = arith.constant 0 : i32
      %dma_wait3A_244 = tpu.memref_slice %dma_wait3A_241[%dma_wait3A_242, %dma_wait3A_243] : memref<10240x128xf32, #tpu.memory_space<hbm>> -> memref<10240x128xf32, #tpu.memory_space<hbm>>
      tpu.wait_indirect_dma semaphore(%arg19 : memref<!tpu.dma_semaphore, #tpu.memory_space<semaphore_mem>>) src(%dma_wait3A_244 : memref<10240x128xf32, #tpu.memory_space<hbm>>) dst(%arg14 : memref<64x128xf32, #tpu.memory_space<vmem>>)
      %dma_wait3A_245 = arith.constant 0 : i32
      %dma_wait3A_246 = tpu.memref_slice %arg4[%dma_wait3A_245] : memref<163840xi32, #tpu.memory_space<hbm>> -> memref<64xi32, #tpu.memory_space<hbm>>
      %dma_wait3A_247 = arith.constant 0 : i32
      %dma_wait3A_248 = tpu.memref_slice %arg4[%dma_wait3A_247] : memref<163840xi32, #tpu.memory_space<hbm>> -> memref<64xi32, #tpu.memory_space<hbm>>
      tpu.wait_dma2 semaphore(%arg23 : memref<!tpu.dma_semaphore, #tpu.memory_space<semaphore_mem>>) src(%dma_wait3A_248 : memref<64xi32, #tpu.memory_space<hbm>>) dst(%arg10 : memref<64xi32, #tpu.memory_space<vmem>>)
      "tpu.region"() ({
        %run_scoped3A = tpu.sem_alloc : memref<!tpu.dma_semaphore, #tpu.memory_space<semaphore_mem>>
        %dma_start3A_256 = arith.constant 0 : i32
        %dma_start3A_257 = arith.constant 0 : i32
        %dma_start3A_258 = tpu.memref_slice %arg15[%dma_start3A_256, %dma_start3A_257] : memref<10112x128xf32, #tpu.memory_space<vmem_shared>> -> memref<10112x128xf32, #tpu.memory_space<vmem_shared>>
        tpu.enqueue_indirect_dma source(%arg14 : memref<64x128xf32, #tpu.memory_space<vmem>>) target(%dma_start3A_258 : memref<10112x128xf32, #tpu.memory_space<vmem_shared>>) offsets(%arg10 : memref<64xi32, #tpu.memory_space<vmem>>) semaphore(%run_scoped3A : memref<!tpu.dma_semaphore, #tpu.memory_space<semaphore_mem>>) {add = true}
        %dma_wait3A_259 = arith.constant 0 : i32
        %dma_wait3A_260 = arith.constant 0 : i32
        %dma_wait3A_261 = tpu.memref_slice %arg15[%dma_wait3A_259, %dma_wait3A_260] : memref<10112x128xf32, #tpu.memory_space<vmem_shared>> -> memref<10112x128xf32, #tpu.memory_space<vmem_shared>>
        tpu.wait_indirect_dma semaphore(%run_scoped3A : memref<!tpu.dma_semaphore, #tpu.memory_space<semaphore_mem>>) src(%arg14 : memref<64x128xf32, #tpu.memory_space<vmem>>) dst(%dma_wait3A_261 : memref<10112x128xf32, #tpu.memory_space<vmem_shared>>)
        tpu.yield
      }) : () -> ()
      %add3A_249 = arith.constant 4 : i32
      %add3A_250 = arith.addi %add3A_234, %add3A_249 : i32
      %lt3A_251 = arith.constant 160 : i32
      %lt3A_252 = arith.cmpi slt, %add3A_250, %lt3A_251 : i32
      %convert_element_type3A_253 = arith.extui %lt3A_252 : i1 to i32
      %cond3A_254 = arith.constant 0 : i32
      %cond3A_255 = arith.cmpi ne, %convert_element_type3A_253, %cond3A_254 : i32
      scf.if %cond3A_255 {
        %add3A_256 = arith.constant 4 : i32
        %add3A_257 = arith.addi %add3A_234, %add3A_256 : i32
        %mul3A_258 = arith.constant 64 : i32
        %mul3A_259 = arith.muli %add3A_257, %mul3A_258 : i32
        %dma_start3A_260 = tpu.memref_slice %arg6[%mul3A_259] : memref<10240xi32, #tpu.memory_space<vmem>> -> memref<64xi32, #tpu.memory_space<vmem>>
        %dma_start3A_261 = arith.constant 0 : i32
        %dma_start3A_262 = arith.constant 0 : i32
        %dma_start3A_263 = tpu.memref_slice %arg2[%add3A_81, %dma_start3A_261, %dma_start3A_262] : memref<4x10240x128xf32, #tpu.memory_space<hbm>> -> memref<1x10240x128xf32, #tpu.memory_space<hbm>>
        %dma_start3A_264 = tpu.memref_squeeze %dma_start3A_263 : memref<1x10240x128xf32, #tpu.memory_space<hbm>> -> memref<10240x128xf32, #tpu.memory_space<hbm>>
        %dma_start3A_265 = arith.constant 0 : i32
        %dma_start3A_266 = arith.constant 0 : i32
        %dma_start3A_267 = tpu.memref_slice %dma_start3A_264[%dma_start3A_265, %dma_start3A_266] : memref<10240x128xf32, #tpu.memory_space<hbm>> -> memref<10240x128xf32, #tpu.memory_space<hbm>>
        tpu.enqueue_indirect_dma source(%dma_start3A_267 : memref<10240x128xf32, #tpu.memory_space<hbm>>) target(%arg14 : memref<64x128xf32, #tpu.memory_space<vmem>>) offsets(%dma_start3A_260 : memref<64xi32, #tpu.memory_space<vmem>>) semaphore(%arg19 : memref<!tpu.dma_semaphore, #tpu.memory_space<semaphore_mem>>)
        %mul3A_268 = arith.constant 10240 : i32
        %mul3A_269 = arith.muli %arg1, %mul3A_268 : i32
        %add3A_270 = arith.constant 4 : i32
        %add3A_271 = arith.addi %add3A_234, %add3A_270 : i32
        %mul3A_272 = arith.constant 64 : i32
        %mul3A_273 = arith.muli %add3A_271, %mul3A_272 : i32
        %add3A_274 = arith.addi %mul3A_269, %mul3A_273 : i32
        %dma_start3A_275 = tpu.memref_slice %arg4[%add3A_274] : memref<163840xi32, #tpu.memory_space<hbm>> -> memref<64xi32, #tpu.memory_space<hbm>>
        %dma_start3A_276 = tpu.memref_slice %arg4[%add3A_274] : memref<163840xi32, #tpu.memory_space<hbm>> -> memref<64xi32, #tpu.memory_space<hbm>>
        tpu.enqueue_dma source(%dma_start3A_276 : memref<64xi32, #tpu.memory_space<hbm>>) target(%arg10 : memref<64xi32, #tpu.memory_space<vmem>>) target_semaphore(%arg23 : memref<!tpu.dma_semaphore, #tpu.memory_space<semaphore_mem>>)
      } else {
      }
    }
    %scan3A_152 = arith.constant 40 : i32
    %barrier3A_153 = arith.constant 0 : index
    tpu.barrier barrier_id(%barrier3A_153)
    %mul3A_154 = arith.constant 632 : i32
    %mul3A_155 = arith.muli %arg1, %mul3A_154 : i32
    %mul3A_156 = arith.constant 632 : i32
    %mul3A_157 = arith.muli %arg1, %mul3A_156 : i32
    "tpu.region"() ({
      %run_scoped3A = tpu.sem_alloc : memref<!tpu.dma_semaphore, #tpu.memory_space<semaphore_mem>>
      %dma_start3A_159 = arith.constant 0 : i32
      %dma_start3A_160 = arith.constant 0 : i32
      %dma_start3A_161 = tpu.memref_slice %arg5[%add3A_81, %dma_start3A_159, %dma_start3A_160] : memref<4x10240x128xf32, #tpu.memory_space<hbm>> -> memref<1x10240x128xf32, #tpu.memory_space<hbm>>
      %dma_start3A_162 = tpu.memref_squeeze %dma_start3A_161 : memref<1x10240x128xf32, #tpu.memory_space<hbm>> -> memref<10240x128xf32, #tpu.memory_space<hbm>>
      %dma_start3A_163 = arith.constant 0 : i32
      %dma_start3A_164 = tpu.memref_slice %dma_start3A_162[%mul3A_157, %dma_start3A_163] : memref<10240x128xf32, #tpu.memory_space<hbm>> -> memref<632x128xf32, #tpu.memory_space<hbm>>
      %dma_start3A_165 = arith.constant 0 : i32
      %dma_start3A_166 = tpu.memref_slice %arg15[%mul3A_155, %dma_start3A_165] : memref<10112x128xf32, #tpu.memory_space<vmem_shared>> -> memref<632x128xf32, #tpu.memory_space<vmem_shared>>
      tpu.enqueue_dma source(%dma_start3A_166 : memref<632x128xf32, #tpu.memory_space<vmem_shared>>) target(%dma_start3A_164 : memref<632x128xf32, #tpu.memory_space<hbm>>) target_semaphore(%run_scoped3A : memref<!tpu.dma_semaphore, #tpu.memory_space<semaphore_mem>>)
      %dma_wait3A = arith.constant 0 : i32
      %dma_wait3A_167 = arith.constant 0 : i32
      %dma_wait3A_168 = tpu.memref_slice %arg5[%add3A_81, %dma_wait3A, %dma_wait3A_167] : memref<4x10240x128xf32, #tpu.memory_space<hbm>> -> memref<1x10240x128xf32, #tpu.memory_space<hbm>>
      %dma_wait3A_169 = tpu.memref_squeeze %dma_wait3A_168 : memref<1x10240x128xf32, #tpu.memory_space<hbm>> -> memref<10240x128xf32, #tpu.memory_space<hbm>>
      %dma_wait3A_170 = arith.constant 0 : i32
      %dma_wait3A_171 = tpu.memref_slice %dma_wait3A_169[%mul3A_157, %dma_wait3A_170] : memref<10240x128xf32, #tpu.memory_space<hbm>> -> memref<632x128xf32, #tpu.memory_space<hbm>>
      %dma_wait3A_172 = arith.constant 0 : i32
      %dma_wait3A_173 = tpu.memref_slice %arg15[%mul3A_155, %dma_wait3A_172] : memref<10112x128xf32, #tpu.memory_space<vmem_shared>> -> memref<632x128xf32, #tpu.memory_space<vmem_shared>>
      tpu.wait_dma2 semaphore(%run_scoped3A : memref<!tpu.dma_semaphore, #tpu.memory_space<semaphore_mem>>) src(%dma_wait3A_173 : memref<632x128xf32, #tpu.memory_space<vmem_shared>>) dst(%dma_wait3A_171 : memref<632x128xf32, #tpu.memory_space<hbm>>)
      tpu.yield
    }) : () -> ()
    %barrier3A_158 = arith.constant 0 : index
    tpu.barrier barrier_id(%barrier3A_158)
    return
  }
}

#map = affine_map<(d0, d1) -> (0, 0, 0)>
#map1 = affine_map<(d0, d1) -> (0)>
module attributes {stable_mosaic.version = 14 : i64} {
  func.func @_prop_body(%arg0: i32, %arg1: i32, %arg2: memref<4x10240x128xf32, #tpu.memory_space<hbm>>, %arg3: memref<163840xi32, #tpu.memory_space<hbm>>, %arg4: memref<163840xi32, #tpu.memory_space<hbm>>, %arg5: memref<4x10240x128xf32, #tpu.memory_space<hbm>>, %arg6: memref<10240xi32, #tpu.memory_space<vmem>>, %arg7: memref<64xi32, #tpu.memory_space<vmem>>, %arg8: memref<64xi32, #tpu.memory_space<vmem>>, %arg9: memref<64xi32, #tpu.memory_space<vmem>>, %arg10: memref<64xi32, #tpu.memory_space<vmem>>, %arg11: memref<64x128xf32, #tpu.memory_space<vmem>>, %arg12: memref<64x128xf32, #tpu.memory_space<vmem>>, %arg13: memref<64x128xf32, #tpu.memory_space<vmem>>, %arg14: memref<64x128xf32, #tpu.memory_space<vmem>>, %arg15: memref<10112x128xf32, #tpu.memory_space<vmem_shared>>, %arg16: memref<!tpu.dma_semaphore, #tpu.memory_space<semaphore_mem>>, %arg17: memref<!tpu.dma_semaphore, #tpu.memory_space<semaphore_mem>>, %arg18: memref<!tpu.dma_semaphore, #tpu.memory_space<semaphore_mem>>, %arg19: memref<!tpu.dma_semaphore, #tpu.memory_space<semaphore_mem>>, %arg20: memref<!tpu.dma_semaphore, #tpu.memory_space<semaphore_mem>>, %arg21: memref<!tpu.dma_semaphore, #tpu.memory_space<semaphore_mem>>, %arg22: memref<!tpu.dma_semaphore, #tpu.memory_space<semaphore_mem>>, %arg23: memref<!tpu.dma_semaphore, #tpu.memory_space<semaphore_mem>>) attributes {dimension_semantics = [#tpu.dimension_semantics<core_parallel>, #tpu.dimension_semantics<subcore_parallel>], iteration_bounds = array<i64: 2, 16>, scalar_prefetch = 0 : i64, scratch_operands = 18 : i64, tpu.core_type = #tpu.core_type<sc_vector_subcore>, window_params = [{transform_indices = #map}, {transform_indices = #map1}, {transform_indices = #map1}, {transform_indices = #map}]} {
    %mul3A = arith.constant 10240 : i32
    %mul3A_0 = arith.muli %arg1, %mul3A : i32
    "tpu.region"() ({
      %run_scoped3A = tpu.sem_alloc : memref<!tpu.dma_semaphore, #tpu.memory_space<semaphore_mem>>
      %dma_start3A_159 = tpu.memref_slice %arg3[%mul3A_0] : memref<163840xi32, #tpu.memory_space<hbm>> -> memref<10240xi32, #tpu.memory_space<hbm>>
      %dma_start3A_160 = tpu.memref_slice %arg3[%mul3A_0] : memref<163840xi32, #tpu.memory_space<hbm>> -> memref<10240xi32, #tpu.memory_space<hbm>>
      tpu.enqueue_dma source(%dma_start3A_160 : memref<10240xi32, #tpu.memory_space<hbm>>) target(%arg6 : memref<10240xi32, #tpu.memory_space<vmem>>) target_semaphore(%run_scoped3A : memref<!tpu.dma_semaphore, #tpu.memory_space<semaphore_mem>>)
      %dma_wait3A = tpu.memref_slice %arg3[%mul3A_0] : memref<163840xi32, #tpu.memory_space<hbm>> -> memref<10240xi32, #tpu.memory_space<hbm>>
      %dma_wait3A_161 = tpu.memref_slice %arg3[%mul3A_0] : memref<163840xi32, #tpu.memory_space<hbm>> -> memref<10240xi32, #tpu.memory_space<hbm>>
      tpu.wait_dma2 semaphore(%run_scoped3A : memref<!tpu.dma_semaphore, #tpu.memory_space<semaphore_mem>>) src(%dma_wait3A_161 : memref<10240xi32, #tpu.memory_space<hbm>>) dst(%arg6 : memref<10240xi32, #tpu.memory_space<vmem>>)
      tpu.yield
    }) : () -> ()
    %mul3A_1 = arith.constant 2 : i32
    %mul3A_2 = arith.muli %arg0, %mul3A_1 : i32
    %add3A = arith.constant 0 : i32
    %add3A_3 = arith.addi %mul3A_2, %add3A : i32
    %mul3A_4 = arith.constant 632 : i32
    %mul3A_5 = arith.muli %arg1, %mul3A_4 : i32
    %mul3A_6 = arith.constant 632 : i32
    %mul3A_7 = arith.muli %arg1, %mul3A_6 : i32
    "tpu.region"() ({
      %run_scoped3A = tpu.sem_alloc : memref<!tpu.dma_semaphore, #tpu.memory_space<semaphore_mem>>
      %dma_start3A_159 = arith.constant 0 : i32
      %dma_start3A_160 = tpu.memref_slice %arg15[%mul3A_7, %dma_start3A_159] : memref<10112x128xf32, #tpu.memory_space<vmem_shared>> -> memref<632x128xf32, #tpu.memory_space<vmem_shared>>
      %dma_start3A_161 = arith.constant 0 : i32
      %dma_start3A_162 = arith.constant 0 : i32
      %dma_start3A_163 = tpu.memref_slice %arg2[%add3A_3, %dma_start3A_161, %dma_start3A_162] : memref<4x10240x128xf32, #tpu.memory_space<hbm>> -> memref<1x10240x128xf32, #tpu.memory_space<hbm>>
      %dma_start3A_164 = tpu.memref_squeeze %dma_start3A_163 : memref<1x10240x128xf32, #tpu.memory_space<hbm>> -> memref<10240x128xf32, #tpu.memory_space<hbm>>
      %dma_start3A_165 = arith.constant 0 : i32
      %dma_start3A_166 = tpu.memref_slice %dma_start3A_164[%mul3A_5, %dma_start3A_165] : memref<10240x128xf32, #tpu.memory_space<hbm>> -> memref<632x128xf32, #tpu.memory_space<hbm>>
      tpu.enqueue_dma source(%dma_start3A_166 : memref<632x128xf32, #tpu.memory_space<hbm>>) target(%dma_start3A_160 : memref<632x128xf32, #tpu.memory_space<vmem_shared>>) target_semaphore(%run_scoped3A : memref<!tpu.dma_semaphore, #tpu.memory_space<semaphore_mem>>)
      %dma_wait3A = arith.constant 0 : i32
      %dma_wait3A_167 = tpu.memref_slice %arg15[%mul3A_7, %dma_wait3A] : memref<10112x128xf32, #tpu.memory_space<vmem_shared>> -> memref<632x128xf32, #tpu.memory_space<vmem_shared>>
      %dma_wait3A_168 = arith.constant 0 : i32
      %dma_wait3A_169 = arith.constant 0 : i32
      %dma_wait3A_170 = tpu.memref_slice %arg2[%add3A_3, %dma_wait3A_168, %dma_wait3A_169] : memref<4x10240x128xf32, #tpu.memory_space<hbm>> -> memref<1x10240x128xf32, #tpu.memory_space<hbm>>
      %dma_wait3A_171 = tpu.memref_squeeze %dma_wait3A_170 : memref<1x10240x128xf32, #tpu.memory_space<hbm>> -> memref<10240x128xf32, #tpu.memory_space<hbm>>
      %dma_wait3A_172 = arith.constant 0 : i32
      %dma_wait3A_173 = tpu.memref_slice %dma_wait3A_171[%mul3A_5, %dma_wait3A_172] : memref<10240x128xf32, #tpu.memory_space<hbm>> -> memref<632x128xf32, #tpu.memory_space<hbm>>
      tpu.wait_dma2 semaphore(%run_scoped3A : memref<!tpu.dma_semaphore, #tpu.memory_space<semaphore_mem>>) src(%dma_wait3A_173 : memref<632x128xf32, #tpu.memory_space<hbm>>) dst(%dma_wait3A_167 : memref<632x128xf32, #tpu.memory_space<vmem_shared>>)
      tpu.yield
    }) : () -> ()
    %barrier3A = arith.constant 0 : index
    tpu.barrier barrier_id(%barrier3A)
    %dma_start3A = arith.constant 0 : i32
    %dma_start3A_8 = tpu.memref_slice %arg6[%dma_start3A] : memref<10240xi32, #tpu.memory_space<vmem>> -> memref<64xi32, #tpu.memory_space<vmem>>
    %dma_start3A_9 = arith.constant 0 : i32
    %dma_start3A_10 = arith.constant 0 : i32
    %dma_start3A_11 = tpu.memref_slice %arg2[%add3A_3, %dma_start3A_9, %dma_start3A_10] : memref<4x10240x128xf32, #tpu.memory_space<hbm>> -> memref<1x10240x128xf32, #tpu.memory_space<hbm>>
    %dma_start3A_12 = tpu.memref_squeeze %dma_start3A_11 : memref<1x10240x128xf32, #tpu.memory_space<hbm>> -> memref<10240x128xf32, #tpu.memory_space<hbm>>
    %dma_start3A_13 = arith.constant 0 : i32
    %dma_start3A_14 = arith.constant 0 : i32
    %dma_start3A_15 = tpu.memref_slice %dma_start3A_12[%dma_start3A_13, %dma_start3A_14] : memref<10240x128xf32, #tpu.memory_space<hbm>> -> memref<10240x128xf32, #tpu.memory_space<hbm>>
    tpu.enqueue_indirect_dma source(%dma_start3A_15 : memref<10240x128xf32, #tpu.memory_space<hbm>>) target(%arg11 : memref<64x128xf32, #tpu.memory_space<vmem>>) offsets(%dma_start3A_8 : memref<64xi32, #tpu.memory_space<vmem>>) semaphore(%arg16 : memref<!tpu.dma_semaphore, #tpu.memory_space<semaphore_mem>>)
    %mul3A_16 = arith.constant 10240 : i32
    %mul3A_17 = arith.muli %arg1, %mul3A_16 : i32
    %add3A_18 = arith.constant 0 : i32
    %add3A_19 = arith.addi %mul3A_17, %add3A_18 : i32
    %dma_start3A_20 = tpu.memref_slice %arg4[%add3A_19] : memref<163840xi32, #tpu.memory_space<hbm>> -> memref<64xi32, #tpu.memory_space<hbm>>
    %dma_start3A_21 = tpu.memref_slice %arg4[%add3A_19] : memref<163840xi32, #tpu.memory_space<hbm>> -> memref<64xi32, #tpu.memory_space<hbm>>
    tpu.enqueue_dma source(%dma_start3A_21 : memref<64xi32, #tpu.memory_space<hbm>>) target(%arg7 : memref<64xi32, #tpu.memory_space<vmem>>) target_semaphore(%arg20 : memref<!tpu.dma_semaphore, #tpu.memory_space<semaphore_mem>>)
    %dma_start3A_22 = arith.constant 64 : i32
    %dma_start3A_23 = tpu.memref_slice %arg6[%dma_start3A_22] : memref<10240xi32, #tpu.memory_space<vmem>> -> memref<64xi32, #tpu.memory_space<vmem>>
    %dma_start3A_24 = arith.constant 0 : i32
    %dma_start3A_25 = arith.constant 0 : i32
    %dma_start3A_26 = tpu.memref_slice %arg2[%add3A_3, %dma_start3A_24, %dma_start3A_25] : memref<4x10240x128xf32, #tpu.memory_space<hbm>> -> memref<1x10240x128xf32, #tpu.memory_space<hbm>>
    %dma_start3A_27 = tpu.memref_squeeze %dma_start3A_26 : memref<1x10240x128xf32, #tpu.memory_space<hbm>> -> memref<10240x128xf32, #tpu.memory_space<hbm>>
    %dma_start3A_28 = arith.constant 0 : i32
    %dma_start3A_29 = arith.constant 0 : i32
    %dma_start3A_30 = tpu.memref_slice %dma_start3A_27[%dma_start3A_28, %dma_start3A_29] : memref<10240x128xf32, #tpu.memory_space<hbm>> -> memref<10240x128xf32, #tpu.memory_space<hbm>>
    tpu.enqueue_indirect_dma source(%dma_start3A_30 : memref<10240x128xf32, #tpu.memory_space<hbm>>) target(%arg12 : memref<64x128xf32, #tpu.memory_space<vmem>>) offsets(%dma_start3A_23 : memref<64xi32, #tpu.memory_space<vmem>>) semaphore(%arg17 : memref<!tpu.dma_semaphore, #tpu.memory_space<semaphore_mem>>)
    %mul3A_31 = arith.constant 10240 : i32
    %mul3A_32 = arith.muli %arg1, %mul3A_31 : i32
    %add3A_33 = arith.constant 64 : i32
    %add3A_34 = arith.addi %mul3A_32, %add3A_33 : i32
    %dma_start3A_35 = tpu.memref_slice %arg4[%add3A_34] : memref<163840xi32, #tpu.memory_space<hbm>> -> memref<64xi32, #tpu.memory_space<hbm>>
    %dma_start3A_36 = tpu.memref_slice %arg4[%add3A_34] : memref<163840xi32, #tpu.memory_space<hbm>> -> memref<64xi32, #tpu.memory_space<hbm>>
    tpu.enqueue_dma source(%dma_start3A_36 : memref<64xi32, #tpu.memory_space<hbm>>) target(%arg8 : memref<64xi32, #tpu.memory_space<vmem>>) target_semaphore(%arg21 : memref<!tpu.dma_semaphore, #tpu.memory_space<semaphore_mem>>)
    %dma_start3A_37 = arith.constant 128 : i32
    %dma_start3A_38 = tpu.memref_slice %arg6[%dma_start3A_37] : memref<10240xi32, #tpu.memory_space<vmem>> -> memref<64xi32, #tpu.memory_space<vmem>>
    %dma_start3A_39 = arith.constant 0 : i32
    %dma_start3A_40 = arith.constant 0 : i32
    %dma_start3A_41 = tpu.memref_slice %arg2[%add3A_3, %dma_start3A_39, %dma_start3A_40] : memref<4x10240x128xf32, #tpu.memory_space<hbm>> -> memref<1x10240x128xf32, #tpu.memory_space<hbm>>
    %dma_start3A_42 = tpu.memref_squeeze %dma_start3A_41 : memref<1x10240x128xf32, #tpu.memory_space<hbm>> -> memref<10240x128xf32, #tpu.memory_space<hbm>>
    %dma_start3A_43 = arith.constant 0 : i32
    %dma_start3A_44 = arith.constant 0 : i32
    %dma_start3A_45 = tpu.memref_slice %dma_start3A_42[%dma_start3A_43, %dma_start3A_44] : memref<10240x128xf32, #tpu.memory_space<hbm>> -> memref<10240x128xf32, #tpu.memory_space<hbm>>
    tpu.enqueue_indirect_dma source(%dma_start3A_45 : memref<10240x128xf32, #tpu.memory_space<hbm>>) target(%arg13 : memref<64x128xf32, #tpu.memory_space<vmem>>) offsets(%dma_start3A_38 : memref<64xi32, #tpu.memory_space<vmem>>) semaphore(%arg18 : memref<!tpu.dma_semaphore, #tpu.memory_space<semaphore_mem>>)
    %mul3A_46 = arith.constant 10240 : i32
    %mul3A_47 = arith.muli %arg1, %mul3A_46 : i32
    %add3A_48 = arith.constant 128 : i32
    %add3A_49 = arith.addi %mul3A_47, %add3A_48 : i32
    %dma_start3A_50 = tpu.memref_slice %arg4[%add3A_49] : memref<163840xi32, #tpu.memory_space<hbm>> -> memref<64xi32, #tpu.memory_space<hbm>>
    %dma_start3A_51 = tpu.memref_slice %arg4[%add3A_49] : memref<163840xi32, #tpu.memory_space<hbm>> -> memref<64xi32, #tpu.memory_space<hbm>>
    tpu.enqueue_dma source(%dma_start3A_51 : memref<64xi32, #tpu.memory_space<hbm>>) target(%arg9 : memref<64xi32, #tpu.memory_space<vmem>>) target_semaphore(%arg22 : memref<!tpu.dma_semaphore, #tpu.memory_space<semaphore_mem>>)
    %dma_start3A_52 = arith.constant 192 : i32
    %dma_start3A_53 = tpu.memref_slice %arg6[%dma_start3A_52] : memref<10240xi32, #tpu.memory_space<vmem>> -> memref<64xi32, #tpu.memory_space<vmem>>
    %dma_start3A_54 = arith.constant 0 : i32
    %dma_start3A_55 = arith.constant 0 : i32
    %dma_start3A_56 = tpu.memref_slice %arg2[%add3A_3, %dma_start3A_54, %dma_start3A_55] : memref<4x10240x128xf32, #tpu.memory_space<hbm>> -> memref<1x10240x128xf32, #tpu.memory_space<hbm>>
    %dma_start3A_57 = tpu.memref_squeeze %dma_start3A_56 : memref<1x10240x128xf32, #tpu.memory_space<hbm>> -> memref<10240x128xf32, #tpu.memory_space<hbm>>
    %dma_start3A_58 = arith.constant 0 : i32
    %dma_start3A_59 = arith.constant 0 : i32
    %dma_start3A_60 = tpu.memref_slice %dma_start3A_57[%dma_start3A_58, %dma_start3A_59] : memref<10240x128xf32, #tpu.memory_space<hbm>> -> memref<10240x128xf32, #tpu.memory_space<hbm>>
    tpu.enqueue_indirect_dma source(%dma_start3A_60 : memref<10240x128xf32, #tpu.memory_space<hbm>>) target(%arg14 : memref<64x128xf32, #tpu.memory_space<vmem>>) offsets(%dma_start3A_53 : memref<64xi32, #tpu.memory_space<vmem>>) semaphore(%arg19 : memref<!tpu.dma_semaphore, #tpu.memory_space<semaphore_mem>>)
    %mul3A_61 = arith.constant 10240 : i32
    %mul3A_62 = arith.muli %arg1, %mul3A_61 : i32
    %add3A_63 = arith.constant 192 : i32
    %add3A_64 = arith.addi %mul3A_62, %add3A_63 : i32
    %dma_start3A_65 = tpu.memref_slice %arg4[%add3A_64] : memref<163840xi32, #tpu.memory_space<hbm>> -> memref<64xi32, #tpu.memory_space<hbm>>
    %dma_start3A_66 = tpu.memref_slice %arg4[%add3A_64] : memref<163840xi32, #tpu.memory_space<hbm>> -> memref<64xi32, #tpu.memory_space<hbm>>
    tpu.enqueue_dma source(%dma_start3A_66 : memref<64xi32, #tpu.memory_space<hbm>>) target(%arg10 : memref<64xi32, #tpu.memory_space<vmem>>) target_semaphore(%arg23 : memref<!tpu.dma_semaphore, #tpu.memory_space<semaphore_mem>>)
    %scan3A = arith.constant 0 : i32
    %scan3A_67 = arith.constant 0 : i32
    %scan3A_68 = arith.constant 40 : i32
    %scan3A_69 = arith.addi %scan3A_67, %scan3A_68 : i32
    %scan3A_70 = arith.constant 1 : i32
    scf.for %scan3A_159 = %scan3A_67 to %scan3A_69 step %scan3A_70  : i32 {
      %mul3A_160 = arith.constant 4 : i32
      %mul3A_161 = arith.muli %scan3A_159, %mul3A_160 : i32
      %add3A_162 = arith.constant 0 : i32
      %add3A_163 = arith.addi %mul3A_161, %add3A_162 : i32
      %mul3A_164 = arith.constant 64 : i32
      %mul3A_165 = arith.muli %add3A_163, %mul3A_164 : i32
      %dma_wait3A = tpu.memref_slice %arg6[%mul3A_165] : memref<10240xi32, #tpu.memory_space<vmem>> -> memref<64xi32, #tpu.memory_space<vmem>>
      %dma_wait3A_166 = arith.constant 0 : i32
      %dma_wait3A_167 = arith.constant 0 : i32
      %dma_wait3A_168 = tpu.memref_slice %arg2[%add3A_3, %dma_wait3A_166, %dma_wait3A_167] : memref<4x10240x128xf32, #tpu.memory_space<hbm>> -> memref<1x10240x128xf32, #tpu.memory_space<hbm>>
      %dma_wait3A_169 = tpu.memref_squeeze %dma_wait3A_168 : memref<1x10240x128xf32, #tpu.memory_space<hbm>> -> memref<10240x128xf32, #tpu.memory_space<hbm>>
      %dma_wait3A_170 = arith.constant 0 : i32
      %dma_wait3A_171 = arith.constant 0 : i32
      %dma_wait3A_172 = tpu.memref_slice %dma_wait3A_169[%dma_wait3A_170, %dma_wait3A_171] : memref<10240x128xf32, #tpu.memory_space<hbm>> -> memref<10240x128xf32, #tpu.memory_space<hbm>>
      tpu.wait_indirect_dma semaphore(%arg16 : memref<!tpu.dma_semaphore, #tpu.memory_space<semaphore_mem>>) src(%dma_wait3A_172 : memref<10240x128xf32, #tpu.memory_space<hbm>>) dst(%arg11 : memref<64x128xf32, #tpu.memory_space<vmem>>)
      %dma_wait3A_173 = arith.constant 0 : i32
      %dma_wait3A_174 = tpu.memref_slice %arg4[%dma_wait3A_173] : memref<163840xi32, #tpu.memory_space<hbm>> -> memref<64xi32, #tpu.memory_space<hbm>>
      %dma_wait3A_175 = arith.constant 0 : i32
      %dma_wait3A_176 = tpu.memref_slice %arg4[%dma_wait3A_175] : memref<163840xi32, #tpu.memory_space<hbm>> -> memref<64xi32, #tpu.memory_space<hbm>>
      tpu.wait_dma2 semaphore(%arg20 : memref<!tpu.dma_semaphore, #tpu.memory_space<semaphore_mem>>) src(%dma_wait3A_176 : memref<64xi32, #tpu.memory_space<hbm>>) dst(%arg7 : memref<64xi32, #tpu.memory_space<vmem>>)
      "tpu.region"() ({
        %run_scoped3A = tpu.sem_alloc : memref<!tpu.dma_semaphore, #tpu.memory_space<semaphore_mem>>
        %dma_start3A_256 = arith.constant 0 : i32
        %dma_start3A_257 = arith.constant 0 : i32
        %dma_start3A_258 = tpu.memref_slice %arg15[%dma_start3A_256, %dma_start3A_257] : memref<10112x128xf32, #tpu.memory_space<vmem_shared>> -> memref<10112x128xf32, #tpu.memory_space<vmem_shared>>
        tpu.enqueue_indirect_dma source(%arg11 : memref<64x128xf32, #tpu.memory_space<vmem>>) target(%dma_start3A_258 : memref<10112x128xf32, #tpu.memory_space<vmem_shared>>) offsets(%arg7 : memref<64xi32, #tpu.memory_space<vmem>>) semaphore(%run_scoped3A : memref<!tpu.dma_semaphore, #tpu.memory_space<semaphore_mem>>) {add = true}
        %dma_wait3A_259 = arith.constant 0 : i32
        %dma_wait3A_260 = arith.constant 0 : i32
        %dma_wait3A_261 = tpu.memref_slice %arg15[%dma_wait3A_259, %dma_wait3A_260] : memref<10112x128xf32, #tpu.memory_space<vmem_shared>> -> memref<10112x128xf32, #tpu.memory_space<vmem_shared>>
        tpu.wait_indirect_dma semaphore(%run_scoped3A : memref<!tpu.dma_semaphore, #tpu.memory_space<semaphore_mem>>) src(%arg11 : memref<64x128xf32, #tpu.memory_space<vmem>>) dst(%dma_wait3A_261 : memref<10112x128xf32, #tpu.memory_space<vmem_shared>>)
        tpu.yield
      }) : () -> ()
      %add3A_177 = arith.constant 4 : i32
      %add3A_178 = arith.addi %add3A_163, %add3A_177 : i32
      %lt3A = arith.constant 160 : i32
      %lt3A_179 = arith.cmpi slt, %add3A_178, %lt3A : i32
      %convert_element_type3A = arith.extui %lt3A_179 : i1 to i32
      %cond3A = arith.constant 0 : i32
      %cond3A_180 = arith.cmpi ne, %convert_element_type3A, %cond3A : i32
      scf.if %cond3A_180 {
        %add3A_256 = arith.constant 4 : i32
        %add3A_257 = arith.addi %add3A_163, %add3A_256 : i32
        %mul3A_258 = arith.constant 64 : i32
        %mul3A_259 = arith.muli %add3A_257, %mul3A_258 : i32
        %dma_start3A_260 = tpu.memref_slice %arg6[%mul3A_259] : memref<10240xi32, #tpu.memory_space<vmem>> -> memref<64xi32, #tpu.memory_space<vmem>>
        %dma_start3A_261 = arith.constant 0 : i32
        %dma_start3A_262 = arith.constant 0 : i32
        %dma_start3A_263 = tpu.memref_slice %arg2[%add3A_3, %dma_start3A_261, %dma_start3A_262] : memref<4x10240x128xf32, #tpu.memory_space<hbm>> -> memref<1x10240x128xf32, #tpu.memory_space<hbm>>
        %dma_start3A_264 = tpu.memref_squeeze %dma_start3A_263 : memref<1x10240x128xf32, #tpu.memory_space<hbm>> -> memref<10240x128xf32, #tpu.memory_space<hbm>>
        %dma_start3A_265 = arith.constant 0 : i32
        %dma_start3A_266 = arith.constant 0 : i32
        %dma_start3A_267 = tpu.memref_slice %dma_start3A_264[%dma_start3A_265, %dma_start3A_266] : memref<10240x128xf32, #tpu.memory_space<hbm>> -> memref<10240x128xf32, #tpu.memory_space<hbm>>
        tpu.enqueue_indirect_dma source(%dma_start3A_267 : memref<10240x128xf32, #tpu.memory_space<hbm>>) target(%arg11 : memref<64x128xf32, #tpu.memory_space<vmem>>) offsets(%dma_start3A_260 : memref<64xi32, #tpu.memory_space<vmem>>) semaphore(%arg16 : memref<!tpu.dma_semaphore, #tpu.memory_space<semaphore_mem>>)
        %mul3A_268 = arith.constant 10240 : i32
        %mul3A_269 = arith.muli %arg1, %mul3A_268 : i32
        %add3A_270 = arith.constant 4 : i32
        %add3A_271 = arith.addi %add3A_163, %add3A_270 : i32
        %mul3A_272 = arith.constant 64 : i32
        %mul3A_273 = arith.muli %add3A_271, %mul3A_272 : i32
        %add3A_274 = arith.addi %mul3A_269, %mul3A_273 : i32
        %dma_start3A_275 = tpu.memref_slice %arg4[%add3A_274] : memref<163840xi32, #tpu.memory_space<hbm>> -> memref<64xi32, #tpu.memory_space<hbm>>
        %dma_start3A_276 = tpu.memref_slice %arg4[%add3A_274] : memref<163840xi32, #tpu.memory_space<hbm>> -> memref<64xi32, #tpu.memory_space<hbm>>
        tpu.enqueue_dma source(%dma_start3A_276 : memref<64xi32, #tpu.memory_space<hbm>>) target(%arg7 : memref<64xi32, #tpu.memory_space<vmem>>) target_semaphore(%arg20 : memref<!tpu.dma_semaphore, #tpu.memory_space<semaphore_mem>>)
      } else {
      }
      %mul3A_181 = arith.constant 4 : i32
      %mul3A_182 = arith.muli %scan3A_159, %mul3A_181 : i32
      %add3A_183 = arith.constant 1 : i32
      %add3A_184 = arith.addi %mul3A_182, %add3A_183 : i32
      %mul3A_185 = arith.constant 64 : i32
      %mul3A_186 = arith.muli %add3A_184, %mul3A_185 : i32
      %dma_wait3A_187 = tpu.memref_slice %arg6[%mul3A_186] : memref<10240xi32, #tpu.memory_space<vmem>> -> memref<64xi32, #tpu.memory_space<vmem>>
      %dma_wait3A_188 = arith.constant 0 : i32
      %dma_wait3A_189 = arith.constant 0 : i32
      %dma_wait3A_190 = tpu.memref_slice %arg2[%add3A_3, %dma_wait3A_188, %dma_wait3A_189] : memref<4x10240x128xf32, #tpu.memory_space<hbm>> -> memref<1x10240x128xf32, #tpu.memory_space<hbm>>
      %dma_wait3A_191 = tpu.memref_squeeze %dma_wait3A_190 : memref<1x10240x128xf32, #tpu.memory_space<hbm>> -> memref<10240x128xf32, #tpu.memory_space<hbm>>
      %dma_wait3A_192 = arith.constant 0 : i32
      %dma_wait3A_193 = arith.constant 0 : i32
      %dma_wait3A_194 = tpu.memref_slice %dma_wait3A_191[%dma_wait3A_192, %dma_wait3A_193] : memref<10240x128xf32, #tpu.memory_space<hbm>> -> memref<10240x128xf32, #tpu.memory_space<hbm>>
      tpu.wait_indirect_dma semaphore(%arg17 : memref<!tpu.dma_semaphore, #tpu.memory_space<semaphore_mem>>) src(%dma_wait3A_194 : memref<10240x128xf32, #tpu.memory_space<hbm>>) dst(%arg12 : memref<64x128xf32, #tpu.memory_space<vmem>>)
      %dma_wait3A_195 = arith.constant 0 : i32
      %dma_wait3A_196 = tpu.memref_slice %arg4[%dma_wait3A_195] : memref<163840xi32, #tpu.memory_space<hbm>> -> memref<64xi32, #tpu.memory_space<hbm>>
      %dma_wait3A_197 = arith.constant 0 : i32
      %dma_wait3A_198 = tpu.memref_slice %arg4[%dma_wait3A_197] : memref<163840xi32, #tpu.memory_space<hbm>> -> memref<64xi32, #tpu.memory_space<hbm>>
      tpu.wait_dma2 semaphore(%arg21 : memref<!tpu.dma_semaphore, #tpu.memory_space<semaphore_mem>>) src(%dma_wait3A_198 : memref<64xi32, #tpu.memory_space<hbm>>) dst(%arg8 : memref<64xi32, #tpu.memory_space<vmem>>)
      "tpu.region"() ({
        %run_scoped3A = tpu.sem_alloc : memref<!tpu.dma_semaphore, #tpu.memory_space<semaphore_mem>>
        %dma_start3A_256 = arith.constant 0 : i32
        %dma_start3A_257 = arith.constant 0 : i32
        %dma_start3A_258 = tpu.memref_slice %arg15[%dma_start3A_256, %dma_start3A_257] : memref<10112x128xf32, #tpu.memory_space<vmem_shared>> -> memref<10112x128xf32, #tpu.memory_space<vmem_shared>>
        tpu.enqueue_indirect_dma source(%arg12 : memref<64x128xf32, #tpu.memory_space<vmem>>) target(%dma_start3A_258 : memref<10112x128xf32, #tpu.memory_space<vmem_shared>>) offsets(%arg8 : memref<64xi32, #tpu.memory_space<vmem>>) semaphore(%run_scoped3A : memref<!tpu.dma_semaphore, #tpu.memory_space<semaphore_mem>>) {add = true}
        %dma_wait3A_259 = arith.constant 0 : i32
        %dma_wait3A_260 = arith.constant 0 : i32
        %dma_wait3A_261 = tpu.memref_slice %arg15[%dma_wait3A_259, %dma_wait3A_260] : memref<10112x128xf32, #tpu.memory_space<vmem_shared>> -> memref<10112x128xf32, #tpu.memory_space<vmem_shared>>
        tpu.wait_indirect_dma semaphore(%run_scoped3A : memref<!tpu.dma_semaphore, #tpu.memory_space<semaphore_mem>>) src(%arg12 : memref<64x128xf32, #tpu.memory_space<vmem>>) dst(%dma_wait3A_261 : memref<10112x128xf32, #tpu.memory_space<vmem_shared>>)
        tpu.yield
      }) : () -> ()
      %add3A_199 = arith.constant 4 : i32
      %add3A_200 = arith.addi %add3A_184, %add3A_199 : i32
      %lt3A_201 = arith.constant 160 : i32
      %lt3A_202 = arith.cmpi slt, %add3A_200, %lt3A_201 : i32
      %convert_element_type3A_203 = arith.extui %lt3A_202 : i1 to i32
      %cond3A_204 = arith.constant 0 : i32
      %cond3A_205 = arith.cmpi ne, %convert_element_type3A_203, %cond3A_204 : i32
      scf.if %cond3A_205 {
        %add3A_256 = arith.constant 4 : i32
        %add3A_257 = arith.addi %add3A_184, %add3A_256 : i32
        %mul3A_258 = arith.constant 64 : i32
        %mul3A_259 = arith.muli %add3A_257, %mul3A_258 : i32
        %dma_start3A_260 = tpu.memref_slice %arg6[%mul3A_259] : memref<10240xi32, #tpu.memory_space<vmem>> -> memref<64xi32, #tpu.memory_space<vmem>>
        %dma_start3A_261 = arith.constant 0 : i32
        %dma_start3A_262 = arith.constant 0 : i32
        %dma_start3A_263 = tpu.memref_slice %arg2[%add3A_3, %dma_start3A_261, %dma_start3A_262] : memref<4x10240x128xf32, #tpu.memory_space<hbm>> -> memref<1x10240x128xf32, #tpu.memory_space<hbm>>
        %dma_start3A_264 = tpu.memref_squeeze %dma_start3A_263 : memref<1x10240x128xf32, #tpu.memory_space<hbm>> -> memref<10240x128xf32, #tpu.memory_space<hbm>>
        %dma_start3A_265 = arith.constant 0 : i32
        %dma_start3A_266 = arith.constant 0 : i32
        %dma_start3A_267 = tpu.memref_slice %dma_start3A_264[%dma_start3A_265, %dma_start3A_266] : memref<10240x128xf32, #tpu.memory_space<hbm>> -> memref<10240x128xf32, #tpu.memory_space<hbm>>
        tpu.enqueue_indirect_dma source(%dma_start3A_267 : memref<10240x128xf32, #tpu.memory_space<hbm>>) target(%arg12 : memref<64x128xf32, #tpu.memory_space<vmem>>) offsets(%dma_start3A_260 : memref<64xi32, #tpu.memory_space<vmem>>) semaphore(%arg17 : memref<!tpu.dma_semaphore, #tpu.memory_space<semaphore_mem>>)
        %mul3A_268 = arith.constant 10240 : i32
        %mul3A_269 = arith.muli %arg1, %mul3A_268 : i32
        %add3A_270 = arith.constant 4 : i32
        %add3A_271 = arith.addi %add3A_184, %add3A_270 : i32
        %mul3A_272 = arith.constant 64 : i32
        %mul3A_273 = arith.muli %add3A_271, %mul3A_272 : i32
        %add3A_274 = arith.addi %mul3A_269, %mul3A_273 : i32
        %dma_start3A_275 = tpu.memref_slice %arg4[%add3A_274] : memref<163840xi32, #tpu.memory_space<hbm>> -> memref<64xi32, #tpu.memory_space<hbm>>
        %dma_start3A_276 = tpu.memref_slice %arg4[%add3A_274] : memref<163840xi32, #tpu.memory_space<hbm>> -> memref<64xi32, #tpu.memory_space<hbm>>
        tpu.enqueue_dma source(%dma_start3A_276 : memref<64xi32, #tpu.memory_space<hbm>>) target(%arg8 : memref<64xi32, #tpu.memory_space<vmem>>) target_semaphore(%arg21 : memref<!tpu.dma_semaphore, #tpu.memory_space<semaphore_mem>>)
      } else {
      }
      %mul3A_206 = arith.constant 4 : i32
      %mul3A_207 = arith.muli %scan3A_159, %mul3A_206 : i32
      %add3A_208 = arith.constant 2 : i32
      %add3A_209 = arith.addi %mul3A_207, %add3A_208 : i32
      %mul3A_210 = arith.constant 64 : i32
      %mul3A_211 = arith.muli %add3A_209, %mul3A_210 : i32
      %dma_wait3A_212 = tpu.memref_slice %arg6[%mul3A_211] : memref<10240xi32, #tpu.memory_space<vmem>> -> memref<64xi32, #tpu.memory_space<vmem>>
      %dma_wait3A_213 = arith.constant 0 : i32
      %dma_wait3A_214 = arith.constant 0 : i32
      %dma_wait3A_215 = tpu.memref_slice %arg2[%add3A_3, %dma_wait3A_213, %dma_wait3A_214] : memref<4x10240x128xf32, #tpu.memory_space<hbm>> -> memref<1x10240x128xf32, #tpu.memory_space<hbm>>
      %dma_wait3A_216 = tpu.memref_squeeze %dma_wait3A_215 : memref<1x10240x128xf32, #tpu.memory_space<hbm>> -> memref<10240x128xf32, #tpu.memory_space<hbm>>
      %dma_wait3A_217 = arith.constant 0 : i32
      %dma_wait3A_218 = arith.constant 0 : i32
      %dma_wait3A_219 = tpu.memref_slice %dma_wait3A_216[%dma_wait3A_217, %dma_wait3A_218] : memref<10240x128xf32, #tpu.memory_space<hbm>> -> memref<10240x128xf32, #tpu.memory_space<hbm>>
      tpu.wait_indirect_dma semaphore(%arg18 : memref<!tpu.dma_semaphore, #tpu.memory_space<semaphore_mem>>) src(%dma_wait3A_219 : memref<10240x128xf32, #tpu.memory_space<hbm>>) dst(%arg13 : memref<64x128xf32, #tpu.memory_space<vmem>>)
      %dma_wait3A_220 = arith.constant 0 : i32
      %dma_wait3A_221 = tpu.memref_slice %arg4[%dma_wait3A_220] : memref<163840xi32, #tpu.memory_space<hbm>> -> memref<64xi32, #tpu.memory_space<hbm>>
      %dma_wait3A_222 = arith.constant 0 : i32
      %dma_wait3A_223 = tpu.memref_slice %arg4[%dma_wait3A_222] : memref<163840xi32, #tpu.memory_space<hbm>> -> memref<64xi32, #tpu.memory_space<hbm>>
      tpu.wait_dma2 semaphore(%arg22 : memref<!tpu.dma_semaphore, #tpu.memory_space<semaphore_mem>>) src(%dma_wait3A_223 : memref<64xi32, #tpu.memory_space<hbm>>) dst(%arg9 : memref<64xi32, #tpu.memory_space<vmem>>)
      "tpu.region"() ({
        %run_scoped3A = tpu.sem_alloc : memref<!tpu.dma_semaphore, #tpu.memory_space<semaphore_mem>>
        %dma_start3A_256 = arith.constant 0 : i32
        %dma_start3A_257 = arith.constant 0 : i32
        %dma_start3A_258 = tpu.memref_slice %arg15[%dma_start3A_256, %dma_start3A_257] : memref<10112x128xf32, #tpu.memory_space<vmem_shared>> -> memref<10112x128xf32, #tpu.memory_space<vmem_shared>>
        tpu.enqueue_indirect_dma source(%arg13 : memref<64x128xf32, #tpu.memory_space<vmem>>) target(%dma_start3A_258 : memref<10112x128xf32, #tpu.memory_space<vmem_shared>>) offsets(%arg9 : memref<64xi32, #tpu.memory_space<vmem>>) semaphore(%run_scoped3A : memref<!tpu.dma_semaphore, #tpu.memory_space<semaphore_mem>>) {add = true}
        %dma_wait3A_259 = arith.constant 0 : i32
        %dma_wait3A_260 = arith.constant 0 : i32
        %dma_wait3A_261 = tpu.memref_slice %arg15[%dma_wait3A_259, %dma_wait3A_260] : memref<10112x128xf32, #tpu.memory_space<vmem_shared>> -> memref<10112x128xf32, #tpu.memory_space<vmem_shared>>
        tpu.wait_indirect_dma semaphore(%run_scoped3A : memref<!tpu.dma_semaphore, #tpu.memory_space<semaphore_mem>>) src(%arg13 : memref<64x128xf32, #tpu.memory_space<vmem>>) dst(%dma_wait3A_261 : memref<10112x128xf32, #tpu.memory_space<vmem_shared>>)
        tpu.yield
      }) : () -> ()
      %add3A_224 = arith.constant 4 : i32
      %add3A_225 = arith.addi %add3A_209, %add3A_224 : i32
      %lt3A_226 = arith.constant 160 : i32
      %lt3A_227 = arith.cmpi slt, %add3A_225, %lt3A_226 : i32
      %convert_element_type3A_228 = arith.extui %lt3A_227 : i1 to i32
      %cond3A_229 = arith.constant 0 : i32
      %cond3A_230 = arith.cmpi ne, %convert_element_type3A_228, %cond3A_229 : i32
      scf.if %cond3A_230 {
        %add3A_256 = arith.constant 4 : i32
        %add3A_257 = arith.addi %add3A_209, %add3A_256 : i32
        %mul3A_258 = arith.constant 64 : i32
        %mul3A_259 = arith.muli %add3A_257, %mul3A_258 : i32
        %dma_start3A_260 = tpu.memref_slice %arg6[%mul3A_259] : memref<10240xi32, #tpu.memory_space<vmem>> -> memref<64xi32, #tpu.memory_space<vmem>>
        %dma_start3A_261 = arith.constant 0 : i32
        %dma_start3A_262 = arith.constant 0 : i32
        %dma_start3A_263 = tpu.memref_slice %arg2[%add3A_3, %dma_start3A_261, %dma_start3A_262] : memref<4x10240x128xf32, #tpu.memory_space<hbm>> -> memref<1x10240x128xf32, #tpu.memory_space<hbm>>
        %dma_start3A_264 = tpu.memref_squeeze %dma_start3A_263 : memref<1x10240x128xf32, #tpu.memory_space<hbm>> -> memref<10240x128xf32, #tpu.memory_space<hbm>>
        %dma_start3A_265 = arith.constant 0 : i32
        %dma_start3A_266 = arith.constant 0 : i32
        %dma_start3A_267 = tpu.memref_slice %dma_start3A_264[%dma_start3A_265, %dma_start3A_266] : memref<10240x128xf32, #tpu.memory_space<hbm>> -> memref<10240x128xf32, #tpu.memory_space<hbm>>
        tpu.enqueue_indirect_dma source(%dma_start3A_267 : memref<10240x128xf32, #tpu.memory_space<hbm>>) target(%arg13 : memref<64x128xf32, #tpu.memory_space<vmem>>) offsets(%dma_start3A_260 : memref<64xi32, #tpu.memory_space<vmem>>) semaphore(%arg18 : memref<!tpu.dma_semaphore, #tpu.memory_space<semaphore_mem>>)
        %mul3A_268 = arith.constant 10240 : i32
        %mul3A_269 = arith.muli %arg1, %mul3A_268 : i32
        %add3A_270 = arith.constant 4 : i32
        %add3A_271 = arith.addi %add3A_209, %add3A_270 : i32
        %mul3A_272 = arith.constant 64 : i32
        %mul3A_273 = arith.muli %add3A_271, %mul3A_272 : i32
        %add3A_274 = arith.addi %mul3A_269, %mul3A_273 : i32
        %dma_start3A_275 = tpu.memref_slice %arg4[%add3A_274] : memref<163840xi32, #tpu.memory_space<hbm>> -> memref<64xi32, #tpu.memory_space<hbm>>
        %dma_start3A_276 = tpu.memref_slice %arg4[%add3A_274] : memref<163840xi32, #tpu.memory_space<hbm>> -> memref<64xi32, #tpu.memory_space<hbm>>
        tpu.enqueue_dma source(%dma_start3A_276 : memref<64xi32, #tpu.memory_space<hbm>>) target(%arg9 : memref<64xi32, #tpu.memory_space<vmem>>) target_semaphore(%arg22 : memref<!tpu.dma_semaphore, #tpu.memory_space<semaphore_mem>>)
      } else {
      }
      %mul3A_231 = arith.constant 4 : i32
      %mul3A_232 = arith.muli %scan3A_159, %mul3A_231 : i32
      %add3A_233 = arith.constant 3 : i32
      %add3A_234 = arith.addi %mul3A_232, %add3A_233 : i32
      %mul3A_235 = arith.constant 64 : i32
      %mul3A_236 = arith.muli %add3A_234, %mul3A_235 : i32
      %dma_wait3A_237 = tpu.memref_slice %arg6[%mul3A_236] : memref<10240xi32, #tpu.memory_space<vmem>> -> memref<64xi32, #tpu.memory_space<vmem>>
      %dma_wait3A_238 = arith.constant 0 : i32
      %dma_wait3A_239 = arith.constant 0 : i32
      %dma_wait3A_240 = tpu.memref_slice %arg2[%add3A_3, %dma_wait3A_238, %dma_wait3A_239] : memref<4x10240x128xf32, #tpu.memory_space<hbm>> -> memref<1x10240x128xf32, #tpu.memory_space<hbm>>
      %dma_wait3A_241 = tpu.memref_squeeze %dma_wait3A_240 : memref<1x10240x128xf32, #tpu.memory_space<hbm>> -> memref<10240x128xf32, #tpu.memory_space<hbm>>
      %dma_wait3A_242 = arith.constant 0 : i32
      %dma_wait3A_243 = arith.constant 0 : i32
      %dma_wait3A_244 = tpu.memref_slice %dma_wait3A_241[%dma_wait3A_242, %dma_wait3A_243] : memref<10240x128xf32, #tpu.memory_space<hbm>> -> memref<10240x128xf32, #tpu.memory_space<hbm>>
      tpu.wait_indirect_dma semaphore(%arg19 : memref<!tpu.dma_semaphore, #tpu.memory_space<semaphore_mem>>) src(%dma_wait3A_244 : memref<10240x128xf32, #tpu.memory_space<hbm>>) dst(%arg14 : memref<64x128xf32, #tpu.memory_space<vmem>>)
      %dma_wait3A_245 = arith.constant 0 : i32
      %dma_wait3A_246 = tpu.memref_slice %arg4[%dma_wait3A_245] : memref<163840xi32, #tpu.memory_space<hbm>> -> memref<64xi32, #tpu.memory_space<hbm>>
      %dma_wait3A_247 = arith.constant 0 : i32
      %dma_wait3A_248 = tpu.memref_slice %arg4[%dma_wait3A_247] : memref<163840xi32, #tpu.memory_space<hbm>> -> memref<64xi32, #tpu.memory_space<hbm>>
      tpu.wait_dma2 semaphore(%arg23 : memref<!tpu.dma_semaphore, #tpu.memory_space<semaphore_mem>>) src(%dma_wait3A_248 : memref<64xi32, #tpu.memory_space<hbm>>) dst(%arg10 : memref<64xi32, #tpu.memory_space<vmem>>)
      "tpu.region"() ({
        %run_scoped3A = tpu.sem_alloc : memref<!tpu.dma_semaphore, #tpu.memory_space<semaphore_mem>>
        %dma_start3A_256 = arith.constant 0 : i32
        %dma_start3A_257 = arith.constant 0 : i32
        %dma_start3A_258 = tpu.memref_slice %arg15[%dma_start3A_256, %dma_start3A_257] : memref<10112x128xf32, #tpu.memory_space<vmem_shared>> -> memref<10112x128xf32, #tpu.memory_space<vmem_shared>>
        tpu.enqueue_indirect_dma source(%arg14 : memref<64x128xf32, #tpu.memory_space<vmem>>) target(%dma_start3A_258 : memref<10112x128xf32, #tpu.memory_space<vmem_shared>>) offsets(%arg10 : memref<64xi32, #tpu.memory_space<vmem>>) semaphore(%run_scoped3A : memref<!tpu.dma_semaphore, #tpu.memory_space<semaphore_mem>>) {add = true}
        %dma_wait3A_259 = arith.constant 0 : i32
        %dma_wait3A_260 = arith.constant 0 : i32
        %dma_wait3A_261 = tpu.memref_slice %arg15[%dma_wait3A_259, %dma_wait3A_260] : memref<10112x128xf32, #tpu.memory_space<vmem_shared>> -> memref<10112x128xf32, #tpu.memory_space<vmem_shared>>
        tpu.wait_indirect_dma semaphore(%run_scoped3A : memref<!tpu.dma_semaphore, #tpu.memory_space<semaphore_mem>>) src(%arg14 : memref<64x128xf32, #tpu.memory_space<vmem>>) dst(%dma_wait3A_261 : memref<10112x128xf32, #tpu.memory_space<vmem_shared>>)
        tpu.yield
      }) : () -> ()
      %add3A_249 = arith.constant 4 : i32
      %add3A_250 = arith.addi %add3A_234, %add3A_249 : i32
      %lt3A_251 = arith.constant 160 : i32
      %lt3A_252 = arith.cmpi slt, %add3A_250, %lt3A_251 : i32
      %convert_element_type3A_253 = arith.extui %lt3A_252 : i1 to i32
      %cond3A_254 = arith.constant 0 : i32
      %cond3A_255 = arith.cmpi ne, %convert_element_type3A_253, %cond3A_254 : i32
      scf.if %cond3A_255 {
        %add3A_256 = arith.constant 4 : i32
        %add3A_257 = arith.addi %add3A_234, %add3A_256 : i32
        %mul3A_258 = arith.constant 64 : i32
        %mul3A_259 = arith.muli %add3A_257, %mul3A_258 : i32
        %dma_start3A_260 = tpu.memref_slice %arg6[%mul3A_259] : memref<10240xi32, #tpu.memory_space<vmem>> -> memref<64xi32, #tpu.memory_space<vmem>>
        %dma_start3A_261 = arith.constant 0 : i32
        %dma_start3A_262 = arith.constant 0 : i32
        %dma_start3A_263 = tpu.memref_slice %arg2[%add3A_3, %dma_start3A_261, %dma_start3A_262] : memref<4x10240x128xf32, #tpu.memory_space<hbm>> -> memref<1x10240x128xf32, #tpu.memory_space<hbm>>
        %dma_start3A_264 = tpu.memref_squeeze %dma_start3A_263 : memref<1x10240x128xf32, #tpu.memory_space<hbm>> -> memref<10240x128xf32, #tpu.memory_space<hbm>>
        %dma_start3A_265 = arith.constant 0 : i32
        %dma_start3A_266 = arith.constant 0 : i32
        %dma_start3A_267 = tpu.memref_slice %dma_start3A_264[%dma_start3A_265, %dma_start3A_266] : memref<10240x128xf32, #tpu.memory_space<hbm>> -> memref<10240x128xf32, #tpu.memory_space<hbm>>
        tpu.enqueue_indirect_dma source(%dma_start3A_267 : memref<10240x128xf32, #tpu.memory_space<hbm>>) target(%arg14 : memref<64x128xf32, #tpu.memory_space<vmem>>) offsets(%dma_start3A_260 : memref<64xi32, #tpu.memory_space<vmem>>) semaphore(%arg19 : memref<!tpu.dma_semaphore, #tpu.memory_space<semaphore_mem>>)
        %mul3A_268 = arith.constant 10240 : i32
        %mul3A_269 = arith.muli %arg1, %mul3A_268 : i32
        %add3A_270 = arith.constant 4 : i32
        %add3A_271 = arith.addi %add3A_234, %add3A_270 : i32
        %mul3A_272 = arith.constant 64 : i32
        %mul3A_273 = arith.muli %add3A_271, %mul3A_272 : i32
        %add3A_274 = arith.addi %mul3A_269, %mul3A_273 : i32
        %dma_start3A_275 = tpu.memref_slice %arg4[%add3A_274] : memref<163840xi32, #tpu.memory_space<hbm>> -> memref<64xi32, #tpu.memory_space<hbm>>
        %dma_start3A_276 = tpu.memref_slice %arg4[%add3A_274] : memref<163840xi32, #tpu.memory_space<hbm>> -> memref<64xi32, #tpu.memory_space<hbm>>
        tpu.enqueue_dma source(%dma_start3A_276 : memref<64xi32, #tpu.memory_space<hbm>>) target(%arg10 : memref<64xi32, #tpu.memory_space<vmem>>) target_semaphore(%arg23 : memref<!tpu.dma_semaphore, #tpu.memory_space<semaphore_mem>>)
      } else {
      }
    }
    %scan3A_71 = arith.constant 40 : i32
    %barrier3A_72 = arith.constant 0 : index
    tpu.barrier barrier_id(%barrier3A_72)
    %mul3A_73 = arith.constant 632 : i32
    %mul3A_74 = arith.muli %arg1, %mul3A_73 : i32
    %mul3A_75 = arith.constant 632 : i32
    %mul3A_76 = arith.muli %arg1, %mul3A_75 : i32
    "tpu.region"() ({
      %run_scoped3A = tpu.sem_alloc : memref<!tpu.dma_semaphore, #tpu.memory_space<semaphore_mem>>
      %dma_start3A_159 = arith.constant 0 : i32
      %dma_start3A_160 = arith.constant 0 : i32
      %dma_start3A_161 = tpu.memref_slice %arg5[%add3A_3, %dma_start3A_159, %dma_start3A_160] : memref<4x10240x128xf32, #tpu.memory_space<hbm>> -> memref<1x10240x128xf32, #tpu.memory_space<hbm>>
      %dma_start3A_162 = tpu.memref_squeeze %dma_start3A_161 : memref<1x10240x128xf32, #tpu.memory_space<hbm>> -> memref<10240x128xf32, #tpu.memory_space<hbm>>
      %dma_start3A_163 = arith.constant 0 : i32
      %dma_start3A_164 = tpu.memref_slice %dma_start3A_162[%mul3A_76, %dma_start3A_163] : memref<10240x128xf32, #tpu.memory_space<hbm>> -> memref<632x128xf32, #tpu.memory_space<hbm>>
      %dma_start3A_165 = arith.constant 0 : i32
      %dma_start3A_166 = tpu.memref_slice %arg15[%mul3A_74, %dma_start3A_165] : memref<10112x128xf32, #tpu.memory_space<vmem_shared>> -> memref<632x128xf32, #tpu.memory_space<vmem_shared>>
      tpu.enqueue_dma source(%dma_start3A_166 : memref<632x128xf32, #tpu.memory_space<vmem_shared>>) target(%dma_start3A_164 : memref<632x128xf32, #tpu.memory_space<hbm>>) target_semaphore(%run_scoped3A : memref<!tpu.dma_semaphore, #tpu.memory_space<semaphore_mem>>)
      %dma_wait3A = arith.constant 0 : i32
      %dma_wait3A_167 = arith.constant 0 : i32
      %dma_wait3A_168 = tpu.memref_slice %arg5[%add3A_3, %dma_wait3A, %dma_wait3A_167] : memref<4x10240x128xf32, #tpu.memory_space<hbm>> -> memref<1x10240x128xf32, #tpu.memory_space<hbm>>
      %dma_wait3A_169 = tpu.memref_squeeze %dma_wait3A_168 : memref<1x10240x128xf32, #tpu.memory_space<hbm>> -> memref<10240x128xf32, #tpu.memory_space<hbm>>
      %dma_wait3A_170 = arith.constant 0 : i32
      %dma_wait3A_171 = tpu.memref_slice %dma_wait3A_169[%mul3A_76, %dma_wait3A_170] : memref<10240x128xf32, #tpu.memory_space<hbm>> -> memref<632x128xf32, #tpu.memory_space<hbm>>
      %dma_wait3A_172 = arith.constant 0 : i32
      %dma_wait3A_173 = tpu.memref_slice %arg15[%mul3A_74, %dma_wait3A_172] : memref<10112x128xf32, #tpu.memory_space<vmem_shared>> -> memref<632x128xf32, #tpu.memory_space<vmem_shared>>
      tpu.wait_dma2 semaphore(%run_scoped3A : memref<!tpu.dma_semaphore, #tpu.memory_space<semaphore_mem>>) src(%dma_wait3A_173 : memref<632x128xf32, #tpu.memory_space<vmem_shared>>) dst(%dma_wait3A_171 : memref<632x128xf32, #tpu.memory_space<hbm>>)
      tpu.yield
    }) : () -> ()
    %barrier3A_77 = arith.constant 0 : index
    tpu.barrier barrier_id(%barrier3A_77)
    %mul3A_78 = arith.constant 2 : i32
    %mul3A_79 = arith.muli %arg0, %mul3A_78 : i32
    %add3A_80 = arith.constant 1 : i32
    %add3A_81 = arith.addi %mul3A_79, %add3A_80 : i32
    %mul3A_82 = arith.constant 632 : i32
    %mul3A_83 = arith.muli %arg1, %mul3A_82 : i32
    %mul3A_84 = arith.constant 632 : i32
    %mul3A_85 = arith.muli %arg1, %mul3A_84 : i32
    "tpu.region"() ({
      %run_scoped3A = tpu.sem_alloc : memref<!tpu.dma_semaphore, #tpu.memory_space<semaphore_mem>>
      %dma_start3A_159 = arith.constant 0 : i32
      %dma_start3A_160 = tpu.memref_slice %arg15[%mul3A_85, %dma_start3A_159] : memref<10112x128xf32, #tpu.memory_space<vmem_shared>> -> memref<632x128xf32, #tpu.memory_space<vmem_shared>>
      %dma_start3A_161 = arith.constant 0 : i32
      %dma_start3A_162 = arith.constant 0 : i32
      %dma_start3A_163 = tpu.memref_slice %arg2[%add3A_81, %dma_start3A_161, %dma_start3A_162] : memref<4x10240x128xf32, #tpu.memory_space<hbm>> -> memref<1x10240x128xf32, #tpu.memory_space<hbm>>
      %dma_start3A_164 = tpu.memref_squeeze %dma_start3A_163 : memref<1x10240x128xf32, #tpu.memory_space<hbm>> -> memref<10240x128xf32, #tpu.memory_space<hbm>>
      %dma_start3A_165 = arith.constant 0 : i32
      %dma_start3A_166 = tpu.memref_slice %dma_start3A_164[%mul3A_83, %dma_start3A_165] : memref<10240x128xf32, #tpu.memory_space<hbm>> -> memref<632x128xf32, #tpu.memory_space<hbm>>
      tpu.enqueue_dma source(%dma_start3A_166 : memref<632x128xf32, #tpu.memory_space<hbm>>) target(%dma_start3A_160 : memref<632x128xf32, #tpu.memory_space<vmem_shared>>) target_semaphore(%run_scoped3A : memref<!tpu.dma_semaphore, #tpu.memory_space<semaphore_mem>>)
      %dma_wait3A = arith.constant 0 : i32
      %dma_wait3A_167 = tpu.memref_slice %arg15[%mul3A_85, %dma_wait3A] : memref<10112x128xf32, #tpu.memory_space<vmem_shared>> -> memref<632x128xf32, #tpu.memory_space<vmem_shared>>
      %dma_wait3A_168 = arith.constant 0 : i32
      %dma_wait3A_169 = arith.constant 0 : i32
      %dma_wait3A_170 = tpu.memref_slice %arg2[%add3A_81, %dma_wait3A_168, %dma_wait3A_169] : memref<4x10240x128xf32, #tpu.memory_space<hbm>> -> memref<1x10240x128xf32, #tpu.memory_space<hbm>>
      %dma_wait3A_171 = tpu.memref_squeeze %dma_wait3A_170 : memref<1x10240x128xf32, #tpu.memory_space<hbm>> -> memref<10240x128xf32, #tpu.memory_space<hbm>>
      %dma_wait3A_172 = arith.constant 0 : i32
      %dma_wait3A_173 = tpu.memref_slice %dma_wait3A_171[%mul3A_83, %dma_wait3A_172] : memref<10240x128xf32, #tpu.memory_space<hbm>> -> memref<632x128xf32, #tpu.memory_space<hbm>>
      tpu.wait_dma2 semaphore(%run_scoped3A : memref<!tpu.dma_semaphore, #tpu.memory_space<semaphore_mem>>) src(%dma_wait3A_173 : memref<632x128xf32, #tpu.memory_space<hbm>>) dst(%dma_wait3A_167 : memref<632x128xf32, #tpu.memory_space<vmem_shared>>)
      tpu.yield
    }) : () -> ()
    %barrier3A_86 = arith.constant 0 : index
    tpu.barrier barrier_id(%barrier3A_86)
    %dma_start3A_87 = arith.constant 0 : i32
    %dma_start3A_88 = tpu.memref_slice %arg6[%dma_start3A_87] : memref<10240xi32, #tpu.memory_space<vmem>> -> memref<64xi32, #tpu.memory_space<vmem>>
    %dma_start3A_89 = arith.constant 0 : i32
    %dma_start3A_90 = arith.constant 0 : i32
    %dma_start3A_91 = tpu.memref_slice %arg2[%add3A_81, %dma_start3A_89, %dma_start3A_90] : memref<4x10240x128xf32, #tpu.memory_space<hbm>> -> memref<1x10240x128xf32, #tpu.memory_space<hbm>>
    %dma_start3A_92 = tpu.memref_squeeze %dma_start3A_91 : memref<1x10240x128xf32, #tpu.memory_space<hbm>> -> memref<10240x128xf32, #tpu.memory_space<hbm>>
    %dma_start3A_93 = arith.constant 0 : i32
    %dma_start3A_94 = arith.constant 0 : i32
    %dma_start3A_95 = tpu.memref_slice %dma_start3A_92[%dma_start3A_93, %dma_start3A_94] : memref<10240x128xf32, #tpu.memory_space<hbm>> -> memref<10240x128xf32, #tpu.memory_space<hbm>>
    tpu.enqueue_indirect_dma source(%dma_start3A_95 : memref<10240x128xf32, #tpu.memory_space<hbm>>) target(%arg11 : memref<64x128xf32, #tpu.memory_space<vmem>>) offsets(%dma_start3A_88 : memref<64xi32, #tpu.memory_space<vmem>>) semaphore(%arg16 : memref<!tpu.dma_semaphore, #tpu.memory_space<semaphore_mem>>)
    %mul3A_96 = arith.constant 10240 : i32
    %mul3A_97 = arith.muli %arg1, %mul3A_96 : i32
    %add3A_98 = arith.constant 0 : i32
    %add3A_99 = arith.addi %mul3A_97, %add3A_98 : i32
    %dma_start3A_100 = tpu.memref_slice %arg4[%add3A_99] : memref<163840xi32, #tpu.memory_space<hbm>> -> memref<64xi32, #tpu.memory_space<hbm>>
    %dma_start3A_101 = tpu.memref_slice %arg4[%add3A_99] : memref<163840xi32, #tpu.memory_space<hbm>> -> memref<64xi32, #tpu.memory_space<hbm>>
    tpu.enqueue_dma source(%dma_start3A_101 : memref<64xi32, #tpu.memory_space<hbm>>) target(%arg7 : memref<64xi32, #tpu.memory_space<vmem>>) target_semaphore(%arg20 : memref<!tpu.dma_semaphore, #tpu.memory_space<semaphore_mem>>)
    %dma_start3A_102 = arith.constant 64 : i32
    %dma_start3A_103 = tpu.memref_slice %arg6[%dma_start3A_102] : memref<10240xi32, #tpu.memory_space<vmem>> -> memref<64xi32, #tpu.memory_space<vmem>>
    %dma_start3A_104 = arith.constant 0 : i32
    %dma_start3A_105 = arith.constant 0 : i32
    %dma_start3A_106 = tpu.memref_slice %arg2[%add3A_81, %dma_start3A_104, %dma_start3A_105] : memref<4x10240x128xf32, #tpu.memory_space<hbm>> -> memref<1x10240x128xf32, #tpu.memory_space<hbm>>
    %dma_start3A_107 = tpu.memref_squeeze %dma_start3A_106 : memref<1x10240x128xf32, #tpu.memory_space<hbm>> -> memref<10240x128xf32, #tpu.memory_space<hbm>>
    %dma_start3A_108 = arith.constant 0 : i32
    %dma_start3A_109 = arith.constant 0 : i32
    %dma_start3A_110 = tpu.memref_slice %dma_start3A_107[%dma_start3A_108, %dma_start3A_109] : memref<10240x128xf32, #tpu.memory_space<hbm>> -> memref<10240x128xf32, #tpu.memory_space<hbm>>
    tpu.enqueue_indirect_dma source(%dma_start3A_110 : memref<10240x128xf32, #tpu.memory_space<hbm>>) target(%arg12 : memref<64x128xf32, #tpu.memory_space<vmem>>) offsets(%dma_start3A_103 : memref<64xi32, #tpu.memory_space<vmem>>) semaphore(%arg17 : memref<!tpu.dma_semaphore, #tpu.memory_space<semaphore_mem>>)
    %mul3A_111 = arith.constant 10240 : i32
    %mul3A_112 = arith.muli %arg1, %mul3A_111 : i32
    %add3A_113 = arith.constant 64 : i32
    %add3A_114 = arith.addi %mul3A_112, %add3A_113 : i32
    %dma_start3A_115 = tpu.memref_slice %arg4[%add3A_114] : memref<163840xi32, #tpu.memory_space<hbm>> -> memref<64xi32, #tpu.memory_space<hbm>>
    %dma_start3A_116 = tpu.memref_slice %arg4[%add3A_114] : memref<163840xi32, #tpu.memory_space<hbm>> -> memref<64xi32, #tpu.memory_space<hbm>>
    tpu.enqueue_dma source(%dma_start3A_116 : memref<64xi32, #tpu.memory_space<hbm>>) target(%arg8 : memref<64xi32, #tpu.memory_space<vmem>>) target_semaphore(%arg21 : memref<!tpu.dma_semaphore, #tpu.memory_space<semaphore_mem>>)
    %dma_start3A_117 = arith.constant 128 : i32
    %dma_start3A_118 = tpu.memref_slice %arg6[%dma_start3A_117] : memref<10240xi32, #tpu.memory_space<vmem>> -> memref<64xi32, #tpu.memory_space<vmem>>
    %dma_start3A_119 = arith.constant 0 : i32
    %dma_start3A_120 = arith.constant 0 : i32
    %dma_start3A_121 = tpu.memref_slice %arg2[%add3A_81, %dma_start3A_119, %dma_start3A_120] : memref<4x10240x128xf32, #tpu.memory_space<hbm>> -> memref<1x10240x128xf32, #tpu.memory_space<hbm>>
    %dma_start3A_122 = tpu.memref_squeeze %dma_start3A_121 : memref<1x10240x128xf32, #tpu.memory_space<hbm>> -> memref<10240x128xf32, #tpu.memory_space<hbm>>
    %dma_start3A_123 = arith.constant 0 : i32
    %dma_start3A_124 = arith.constant 0 : i32
    %dma_start3A_125 = tpu.memref_slice %dma_start3A_122[%dma_start3A_123, %dma_start3A_124] : memref<10240x128xf32, #tpu.memory_space<hbm>> -> memref<10240x128xf32, #tpu.memory_space<hbm>>
    tpu.enqueue_indirect_dma source(%dma_start3A_125 : memref<10240x128xf32, #tpu.memory_space<hbm>>) target(%arg13 : memref<64x128xf32, #tpu.memory_space<vmem>>) offsets(%dma_start3A_118 : memref<64xi32, #tpu.memory_space<vmem>>) semaphore(%arg18 : memref<!tpu.dma_semaphore, #tpu.memory_space<semaphore_mem>>)
    %mul3A_126 = arith.constant 10240 : i32
    %mul3A_127 = arith.muli %arg1, %mul3A_126 : i32
    %add3A_128 = arith.constant 128 : i32
    %add3A_129 = arith.addi %mul3A_127, %add3A_128 : i32
    %dma_start3A_130 = tpu.memref_slice %arg4[%add3A_129] : memref<163840xi32, #tpu.memory_space<hbm>> -> memref<64xi32, #tpu.memory_space<hbm>>
    %dma_start3A_131 = tpu.memref_slice %arg4[%add3A_129] : memref<163840xi32, #tpu.memory_space<hbm>> -> memref<64xi32, #tpu.memory_space<hbm>>
    tpu.enqueue_dma source(%dma_start3A_131 : memref<64xi32, #tpu.memory_space<hbm>>) target(%arg9 : memref<64xi32, #tpu.memory_space<vmem>>) target_semaphore(%arg22 : memref<!tpu.dma_semaphore, #tpu.memory_space<semaphore_mem>>)
    %dma_start3A_132 = arith.constant 192 : i32
    %dma_start3A_133 = tpu.memref_slice %arg6[%dma_start3A_132] : memref<10240xi32, #tpu.memory_space<vmem>> -> memref<64xi32, #tpu.memory_space<vmem>>
    %dma_start3A_134 = arith.constant 0 : i32
    %dma_start3A_135 = arith.constant 0 : i32
    %dma_start3A_136 = tpu.memref_slice %arg2[%add3A_81, %dma_start3A_134, %dma_start3A_135] : memref<4x10240x128xf32, #tpu.memory_space<hbm>> -> memref<1x10240x128xf32, #tpu.memory_space<hbm>>
    %dma_start3A_137 = tpu.memref_squeeze %dma_start3A_136 : memref<1x10240x128xf32, #tpu.memory_space<hbm>> -> memref<10240x128xf32, #tpu.memory_space<hbm>>
    %dma_start3A_138 = arith.constant 0 : i32
    %dma_start3A_139 = arith.constant 0 : i32
    %dma_start3A_140 = tpu.memref_slice %dma_start3A_137[%dma_start3A_138, %dma_start3A_139] : memref<10240x128xf32, #tpu.memory_space<hbm>> -> memref<10240x128xf32, #tpu.memory_space<hbm>>
    tpu.enqueue_indirect_dma source(%dma_start3A_140 : memref<10240x128xf32, #tpu.memory_space<hbm>>) target(%arg14 : memref<64x128xf32, #tpu.memory_space<vmem>>) offsets(%dma_start3A_133 : memref<64xi32, #tpu.memory_space<vmem>>) semaphore(%arg19 : memref<!tpu.dma_semaphore, #tpu.memory_space<semaphore_mem>>)
    %mul3A_141 = arith.constant 10240 : i32
    %mul3A_142 = arith.muli %arg1, %mul3A_141 : i32
    %add3A_143 = arith.constant 192 : i32
    %add3A_144 = arith.addi %mul3A_142, %add3A_143 : i32
    %dma_start3A_145 = tpu.memref_slice %arg4[%add3A_144] : memref<163840xi32, #tpu.memory_space<hbm>> -> memref<64xi32, #tpu.memory_space<hbm>>
    %dma_start3A_146 = tpu.memref_slice %arg4[%add3A_144] : memref<163840xi32, #tpu.memory_space<hbm>> -> memref<64xi32, #tpu.memory_space<hbm>>
    tpu.enqueue_dma source(%dma_start3A_146 : memref<64xi32, #tpu.memory_space<hbm>>) target(%arg10 : memref<64xi32, #tpu.memory_space<vmem>>) target_semaphore(%arg23 : memref<!tpu.dma_semaphore, #tpu.memory_space<semaphore_mem>>)
    %scan3A_147 = arith.constant 0 : i32
    %scan3A_148 = arith.constant 0 : i32
    %scan3A_149 = arith.constant 40 : i32
    %scan3A_150 = arith.addi %scan3A_148, %scan3A_149 : i32
    %scan3A_151 = arith.constant 1 : i32
    scf.for %scan3A_159 = %scan3A_148 to %scan3A_150 step %scan3A_151  : i32 {
      %mul3A_160 = arith.constant 4 : i32
      %mul3A_161 = arith.muli %scan3A_159, %mul3A_160 : i32
      %add3A_162 = arith.constant 0 : i32
      %add3A_163 = arith.addi %mul3A_161, %add3A_162 : i32
      %mul3A_164 = arith.constant 64 : i32
      %mul3A_165 = arith.muli %add3A_163, %mul3A_164 : i32
      %dma_wait3A = tpu.memref_slice %arg6[%mul3A_165] : memref<10240xi32, #tpu.memory_space<vmem>> -> memref<64xi32, #tpu.memory_space<vmem>>
      %dma_wait3A_166 = arith.constant 0 : i32
      %dma_wait3A_167 = arith.constant 0 : i32
      %dma_wait3A_168 = tpu.memref_slice %arg2[%add3A_81, %dma_wait3A_166, %dma_wait3A_167] : memref<4x10240x128xf32, #tpu.memory_space<hbm>> -> memref<1x10240x128xf32, #tpu.memory_space<hbm>>
      %dma_wait3A_169 = tpu.memref_squeeze %dma_wait3A_168 : memref<1x10240x128xf32, #tpu.memory_space<hbm>> -> memref<10240x128xf32, #tpu.memory_space<hbm>>
      %dma_wait3A_170 = arith.constant 0 : i32
      %dma_wait3A_171 = arith.constant 0 : i32
      %dma_wait3A_172 = tpu.memref_slice %dma_wait3A_169[%dma_wait3A_170, %dma_wait3A_171] : memref<10240x128xf32, #tpu.memory_space<hbm>> -> memref<10240x128xf32, #tpu.memory_space<hbm>>
      tpu.wait_indirect_dma semaphore(%arg16 : memref<!tpu.dma_semaphore, #tpu.memory_space<semaphore_mem>>) src(%dma_wait3A_172 : memref<10240x128xf32, #tpu.memory_space<hbm>>) dst(%arg11 : memref<64x128xf32, #tpu.memory_space<vmem>>)
      %dma_wait3A_173 = arith.constant 0 : i32
      %dma_wait3A_174 = tpu.memref_slice %arg4[%dma_wait3A_173] : memref<163840xi32, #tpu.memory_space<hbm>> -> memref<64xi32, #tpu.memory_space<hbm>>
      %dma_wait3A_175 = arith.constant 0 : i32
      %dma_wait3A_176 = tpu.memref_slice %arg4[%dma_wait3A_175] : memref<163840xi32, #tpu.memory_space<hbm>> -> memref<64xi32, #tpu.memory_space<hbm>>
      tpu.wait_dma2 semaphore(%arg20 : memref<!tpu.dma_semaphore, #tpu.memory_space<semaphore_mem>>) src(%dma_wait3A_176 : memref<64xi32, #tpu.memory_space<hbm>>) dst(%arg7 : memref<64xi32, #tpu.memory_space<vmem>>)
      "tpu.region"() ({
        %run_scoped3A = tpu.sem_alloc : memref<!tpu.dma_semaphore, #tpu.memory_space<semaphore_mem>>
        %dma_start3A_256 = arith.constant 0 : i32
        %dma_start3A_257 = arith.constant 0 : i32
        %dma_start3A_258 = tpu.memref_slice %arg15[%dma_start3A_256, %dma_start3A_257] : memref<10112x128xf32, #tpu.memory_space<vmem_shared>> -> memref<10112x128xf32, #tpu.memory_space<vmem_shared>>
        tpu.enqueue_indirect_dma source(%arg11 : memref<64x128xf32, #tpu.memory_space<vmem>>) target(%dma_start3A_258 : memref<10112x128xf32, #tpu.memory_space<vmem_shared>>) offsets(%arg7 : memref<64xi32, #tpu.memory_space<vmem>>) semaphore(%run_scoped3A : memref<!tpu.dma_semaphore, #tpu.memory_space<semaphore_mem>>) {add = true}
        %dma_wait3A_259 = arith.constant 0 : i32
        %dma_wait3A_260 = arith.constant 0 : i32
        %dma_wait3A_261 = tpu.memref_slice %arg15[%dma_wait3A_259, %dma_wait3A_260] : memref<10112x128xf32, #tpu.memory_space<vmem_shared>> -> memref<10112x128xf32, #tpu.memory_space<vmem_shared>>
        tpu.wait_indirect_dma semaphore(%run_scoped3A : memref<!tpu.dma_semaphore, #tpu.memory_space<semaphore_mem>>) src(%arg11 : memref<64x128xf32, #tpu.memory_space<vmem>>) dst(%dma_wait3A_261 : memref<10112x128xf32, #tpu.memory_space<vmem_shared>>)
        tpu.yield
      }) : () -> ()
      %add3A_177 = arith.constant 4 : i32
      %add3A_178 = arith.addi %add3A_163, %add3A_177 : i32
      %lt3A = arith.constant 160 : i32
      %lt3A_179 = arith.cmpi slt, %add3A_178, %lt3A : i32
      %convert_element_type3A = arith.extui %lt3A_179 : i1 to i32
      %cond3A = arith.constant 0 : i32
      %cond3A_180 = arith.cmpi ne, %convert_element_type3A, %cond3A : i32
      scf.if %cond3A_180 {
        %add3A_256 = arith.constant 4 : i32
        %add3A_257 = arith.addi %add3A_163, %add3A_256 : i32
        %mul3A_258 = arith.constant 64 : i32
        %mul3A_259 = arith.muli %add3A_257, %mul3A_258 : i32
        %dma_start3A_260 = tpu.memref_slice %arg6[%mul3A_259] : memref<10240xi32, #tpu.memory_space<vmem>> -> memref<64xi32, #tpu.memory_space<vmem>>
        %dma_start3A_261 = arith.constant 0 : i32
        %dma_start3A_262 = arith.constant 0 : i32
        %dma_start3A_263 = tpu.memref_slice %arg2[%add3A_81, %dma_start3A_261, %dma_start3A_262] : memref<4x10240x128xf32, #tpu.memory_space<hbm>> -> memref<1x10240x128xf32, #tpu.memory_space<hbm>>
        %dma_start3A_264 = tpu.memref_squeeze %dma_start3A_263 : memref<1x10240x128xf32, #tpu.memory_space<hbm>> -> memref<10240x128xf32, #tpu.memory_space<hbm>>
        %dma_start3A_265 = arith.constant 0 : i32
        %dma_start3A_266 = arith.constant 0 : i32
        %dma_start3A_267 = tpu.memref_slice %dma_start3A_264[%dma_start3A_265, %dma_start3A_266] : memref<10240x128xf32, #tpu.memory_space<hbm>> -> memref<10240x128xf32, #tpu.memory_space<hbm>>
        tpu.enqueue_indirect_dma source(%dma_start3A_267 : memref<10240x128xf32, #tpu.memory_space<hbm>>) target(%arg11 : memref<64x128xf32, #tpu.memory_space<vmem>>) offsets(%dma_start3A_260 : memref<64xi32, #tpu.memory_space<vmem>>) semaphore(%arg16 : memref<!tpu.dma_semaphore, #tpu.memory_space<semaphore_mem>>)
        %mul3A_268 = arith.constant 10240 : i32
        %mul3A_269 = arith.muli %arg1, %mul3A_268 : i32
        %add3A_270 = arith.constant 4 : i32
        %add3A_271 = arith.addi %add3A_163, %add3A_270 : i32
        %mul3A_272 = arith.constant 64 : i32
        %mul3A_273 = arith.muli %add3A_271, %mul3A_272 : i32
        %add3A_274 = arith.addi %mul3A_269, %mul3A_273 : i32
        %dma_start3A_275 = tpu.memref_slice %arg4[%add3A_274] : memref<163840xi32, #tpu.memory_space<hbm>> -> memref<64xi32, #tpu.memory_space<hbm>>
        %dma_start3A_276 = tpu.memref_slice %arg4[%add3A_274] : memref<163840xi32, #tpu.memory_space<hbm>> -> memref<64xi32, #tpu.memory_space<hbm>>
        tpu.enqueue_dma source(%dma_start3A_276 : memref<64xi32, #tpu.memory_space<hbm>>) target(%arg7 : memref<64xi32, #tpu.memory_space<vmem>>) target_semaphore(%arg20 : memref<!tpu.dma_semaphore, #tpu.memory_space<semaphore_mem>>)
      } else {
      }
      %mul3A_181 = arith.constant 4 : i32
      %mul3A_182 = arith.muli %scan3A_159, %mul3A_181 : i32
      %add3A_183 = arith.constant 1 : i32
      %add3A_184 = arith.addi %mul3A_182, %add3A_183 : i32
      %mul3A_185 = arith.constant 64 : i32
      %mul3A_186 = arith.muli %add3A_184, %mul3A_185 : i32
      %dma_wait3A_187 = tpu.memref_slice %arg6[%mul3A_186] : memref<10240xi32, #tpu.memory_space<vmem>> -> memref<64xi32, #tpu.memory_space<vmem>>
      %dma_wait3A_188 = arith.constant 0 : i32
      %dma_wait3A_189 = arith.constant 0 : i32
      %dma_wait3A_190 = tpu.memref_slice %arg2[%add3A_81, %dma_wait3A_188, %dma_wait3A_189] : memref<4x10240x128xf32, #tpu.memory_space<hbm>> -> memref<1x10240x128xf32, #tpu.memory_space<hbm>>
      %dma_wait3A_191 = tpu.memref_squeeze %dma_wait3A_190 : memref<1x10240x128xf32, #tpu.memory_space<hbm>> -> memref<10240x128xf32, #tpu.memory_space<hbm>>
      %dma_wait3A_192 = arith.constant 0 : i32
      %dma_wait3A_193 = arith.constant 0 : i32
      %dma_wait3A_194 = tpu.memref_slice %dma_wait3A_191[%dma_wait3A_192, %dma_wait3A_193] : memref<10240x128xf32, #tpu.memory_space<hbm>> -> memref<10240x128xf32, #tpu.memory_space<hbm>>
      tpu.wait_indirect_dma semaphore(%arg17 : memref<!tpu.dma_semaphore, #tpu.memory_space<semaphore_mem>>) src(%dma_wait3A_194 : memref<10240x128xf32, #tpu.memory_space<hbm>>) dst(%arg12 : memref<64x128xf32, #tpu.memory_space<vmem>>)
      %dma_wait3A_195 = arith.constant 0 : i32
      %dma_wait3A_196 = tpu.memref_slice %arg4[%dma_wait3A_195] : memref<163840xi32, #tpu.memory_space<hbm>> -> memref<64xi32, #tpu.memory_space<hbm>>
      %dma_wait3A_197 = arith.constant 0 : i32
      %dma_wait3A_198 = tpu.memref_slice %arg4[%dma_wait3A_197] : memref<163840xi32, #tpu.memory_space<hbm>> -> memref<64xi32, #tpu.memory_space<hbm>>
      tpu.wait_dma2 semaphore(%arg21 : memref<!tpu.dma_semaphore, #tpu.memory_space<semaphore_mem>>) src(%dma_wait3A_198 : memref<64xi32, #tpu.memory_space<hbm>>) dst(%arg8 : memref<64xi32, #tpu.memory_space<vmem>>)
      "tpu.region"() ({
        %run_scoped3A = tpu.sem_alloc : memref<!tpu.dma_semaphore, #tpu.memory_space<semaphore_mem>>
        %dma_start3A_256 = arith.constant 0 : i32
        %dma_start3A_257 = arith.constant 0 : i32
        %dma_start3A_258 = tpu.memref_slice %arg15[%dma_start3A_256, %dma_start3A_257] : memref<10112x128xf32, #tpu.memory_space<vmem_shared>> -> memref<10112x128xf32, #tpu.memory_space<vmem_shared>>
        tpu.enqueue_indirect_dma source(%arg12 : memref<64x128xf32, #tpu.memory_space<vmem>>) target(%dma_start3A_258 : memref<10112x128xf32, #tpu.memory_space<vmem_shared>>) offsets(%arg8 : memref<64xi32, #tpu.memory_space<vmem>>) semaphore(%run_scoped3A : memref<!tpu.dma_semaphore, #tpu.memory_space<semaphore_mem>>) {add = true}
        %dma_wait3A_259 = arith.constant 0 : i32
        %dma_wait3A_260 = arith.constant 0 : i32
        %dma_wait3A_261 = tpu.memref_slice %arg15[%dma_wait3A_259, %dma_wait3A_260] : memref<10112x128xf32, #tpu.memory_space<vmem_shared>> -> memref<10112x128xf32, #tpu.memory_space<vmem_shared>>
        tpu.wait_indirect_dma semaphore(%run_scoped3A : memref<!tpu.dma_semaphore, #tpu.memory_space<semaphore_mem>>) src(%arg12 : memref<64x128xf32, #tpu.memory_space<vmem>>) dst(%dma_wait3A_261 : memref<10112x128xf32, #tpu.memory_space<vmem_shared>>)
        tpu.yield
      }) : () -> ()
      %add3A_199 = arith.constant 4 : i32
      %add3A_200 = arith.addi %add3A_184, %add3A_199 : i32
      %lt3A_201 = arith.constant 160 : i32
      %lt3A_202 = arith.cmpi slt, %add3A_200, %lt3A_201 : i32
      %convert_element_type3A_203 = arith.extui %lt3A_202 : i1 to i32
      %cond3A_204 = arith.constant 0 : i32
      %cond3A_205 = arith.cmpi ne, %convert_element_type3A_203, %cond3A_204 : i32
      scf.if %cond3A_205 {
        %add3A_256 = arith.constant 4 : i32
        %add3A_257 = arith.addi %add3A_184, %add3A_256 : i32
        %mul3A_258 = arith.constant 64 : i32
        %mul3A_259 = arith.muli %add3A_257, %mul3A_258 : i32
        %dma_start3A_260 = tpu.memref_slice %arg6[%mul3A_259] : memref<10240xi32, #tpu.memory_space<vmem>> -> memref<64xi32, #tpu.memory_space<vmem>>
        %dma_start3A_261 = arith.constant 0 : i32
        %dma_start3A_262 = arith.constant 0 : i32
        %dma_start3A_263 = tpu.memref_slice %arg2[%add3A_81, %dma_start3A_261, %dma_start3A_262] : memref<4x10240x128xf32, #tpu.memory_space<hbm>> -> memref<1x10240x128xf32, #tpu.memory_space<hbm>>
        %dma_start3A_264 = tpu.memref_squeeze %dma_start3A_263 : memref<1x10240x128xf32, #tpu.memory_space<hbm>> -> memref<10240x128xf32, #tpu.memory_space<hbm>>
        %dma_start3A_265 = arith.constant 0 : i32
        %dma_start3A_266 = arith.constant 0 : i32
        %dma_start3A_267 = tpu.memref_slice %dma_start3A_264[%dma_start3A_265, %dma_start3A_266] : memref<10240x128xf32, #tpu.memory_space<hbm>> -> memref<10240x128xf32, #tpu.memory_space<hbm>>
        tpu.enqueue_indirect_dma source(%dma_start3A_267 : memref<10240x128xf32, #tpu.memory_space<hbm>>) target(%arg12 : memref<64x128xf32, #tpu.memory_space<vmem>>) offsets(%dma_start3A_260 : memref<64xi32, #tpu.memory_space<vmem>>) semaphore(%arg17 : memref<!tpu.dma_semaphore, #tpu.memory_space<semaphore_mem>>)
        %mul3A_268 = arith.constant 10240 : i32
        %mul3A_269 = arith.muli %arg1, %mul3A_268 : i32
        %add3A_270 = arith.constant 4 : i32
        %add3A_271 = arith.addi %add3A_184, %add3A_270 : i32
        %mul3A_272 = arith.constant 64 : i32
        %mul3A_273 = arith.muli %add3A_271, %mul3A_272 : i32
        %add3A_274 = arith.addi %mul3A_269, %mul3A_273 : i32
        %dma_start3A_275 = tpu.memref_slice %arg4[%add3A_274] : memref<163840xi32, #tpu.memory_space<hbm>> -> memref<64xi32, #tpu.memory_space<hbm>>
        %dma_start3A_276 = tpu.memref_slice %arg4[%add3A_274] : memref<163840xi32, #tpu.memory_space<hbm>> -> memref<64xi32, #tpu.memory_space<hbm>>
        tpu.enqueue_dma source(%dma_start3A_276 : memref<64xi32, #tpu.memory_space<hbm>>) target(%arg8 : memref<64xi32, #tpu.memory_space<vmem>>) target_semaphore(%arg21 : memref<!tpu.dma_semaphore, #tpu.memory_space<semaphore_mem>>)
      } else {
      }
      %mul3A_206 = arith.constant 4 : i32
      %mul3A_207 = arith.muli %scan3A_159, %mul3A_206 : i32
      %add3A_208 = arith.constant 2 : i32
      %add3A_209 = arith.addi %mul3A_207, %add3A_208 : i32
      %mul3A_210 = arith.constant 64 : i32
      %mul3A_211 = arith.muli %add3A_209, %mul3A_210 : i32
      %dma_wait3A_212 = tpu.memref_slice %arg6[%mul3A_211] : memref<10240xi32, #tpu.memory_space<vmem>> -> memref<64xi32, #tpu.memory_space<vmem>>
      %dma_wait3A_213 = arith.constant 0 : i32
      %dma_wait3A_214 = arith.constant 0 : i32
      %dma_wait3A_215 = tpu.memref_slice %arg2[%add3A_81, %dma_wait3A_213, %dma_wait3A_214] : memref<4x10240x128xf32, #tpu.memory_space<hbm>> -> memref<1x10240x128xf32, #tpu.memory_space<hbm>>
      %dma_wait3A_216 = tpu.memref_squeeze %dma_wait3A_215 : memref<1x10240x128xf32, #tpu.memory_space<hbm>> -> memref<10240x128xf32, #tpu.memory_space<hbm>>
      %dma_wait3A_217 = arith.constant 0 : i32
      %dma_wait3A_218 = arith.constant 0 : i32
      %dma_wait3A_219 = tpu.memref_slice %dma_wait3A_216[%dma_wait3A_217, %dma_wait3A_218] : memref<10240x128xf32, #tpu.memory_space<hbm>> -> memref<10240x128xf32, #tpu.memory_space<hbm>>
      tpu.wait_indirect_dma semaphore(%arg18 : memref<!tpu.dma_semaphore, #tpu.memory_space<semaphore_mem>>) src(%dma_wait3A_219 : memref<10240x128xf32, #tpu.memory_space<hbm>>) dst(%arg13 : memref<64x128xf32, #tpu.memory_space<vmem>>)
      %dma_wait3A_220 = arith.constant 0 : i32
      %dma_wait3A_221 = tpu.memref_slice %arg4[%dma_wait3A_220] : memref<163840xi32, #tpu.memory_space<hbm>> -> memref<64xi32, #tpu.memory_space<hbm>>
      %dma_wait3A_222 = arith.constant 0 : i32
      %dma_wait3A_223 = tpu.memref_slice %arg4[%dma_wait3A_222] : memref<163840xi32, #tpu.memory_space<hbm>> -> memref<64xi32, #tpu.memory_space<hbm>>
      tpu.wait_dma2 semaphore(%arg22 : memref<!tpu.dma_semaphore, #tpu.memory_space<semaphore_mem>>) src(%dma_wait3A_223 : memref<64xi32, #tpu.memory_space<hbm>>) dst(%arg9 : memref<64xi32, #tpu.memory_space<vmem>>)
      "tpu.region"() ({
        %run_scoped3A = tpu.sem_alloc : memref<!tpu.dma_semaphore, #tpu.memory_space<semaphore_mem>>
        %dma_start3A_256 = arith.constant 0 : i32
        %dma_start3A_257 = arith.constant 0 : i32
        %dma_start3A_258 = tpu.memref_slice %arg15[%dma_start3A_256, %dma_start3A_257] : memref<10112x128xf32, #tpu.memory_space<vmem_shared>> -> memref<10112x128xf32, #tpu.memory_space<vmem_shared>>
        tpu.enqueue_indirect_dma source(%arg13 : memref<64x128xf32, #tpu.memory_space<vmem>>) target(%dma_start3A_258 : memref<10112x128xf32, #tpu.memory_space<vmem_shared>>) offsets(%arg9 : memref<64xi32, #tpu.memory_space<vmem>>) semaphore(%run_scoped3A : memref<!tpu.dma_semaphore, #tpu.memory_space<semaphore_mem>>) {add = true}
        %dma_wait3A_259 = arith.constant 0 : i32
        %dma_wait3A_260 = arith.constant 0 : i32
        %dma_wait3A_261 = tpu.memref_slice %arg15[%dma_wait3A_259, %dma_wait3A_260] : memref<10112x128xf32, #tpu.memory_space<vmem_shared>> -> memref<10112x128xf32, #tpu.memory_space<vmem_shared>>
        tpu.wait_indirect_dma semaphore(%run_scoped3A : memref<!tpu.dma_semaphore, #tpu.memory_space<semaphore_mem>>) src(%arg13 : memref<64x128xf32, #tpu.memory_space<vmem>>) dst(%dma_wait3A_261 : memref<10112x128xf32, #tpu.memory_space<vmem_shared>>)
        tpu.yield
      }) : () -> ()
      %add3A_224 = arith.constant 4 : i32
      %add3A_225 = arith.addi %add3A_209, %add3A_224 : i32
      %lt3A_226 = arith.constant 160 : i32
      %lt3A_227 = arith.cmpi slt, %add3A_225, %lt3A_226 : i32
      %convert_element_type3A_228 = arith.extui %lt3A_227 : i1 to i32
      %cond3A_229 = arith.constant 0 : i32
      %cond3A_230 = arith.cmpi ne, %convert_element_type3A_228, %cond3A_229 : i32
      scf.if %cond3A_230 {
        %add3A_256 = arith.constant 4 : i32
        %add3A_257 = arith.addi %add3A_209, %add3A_256 : i32
        %mul3A_258 = arith.constant 64 : i32
        %mul3A_259 = arith.muli %add3A_257, %mul3A_258 : i32
        %dma_start3A_260 = tpu.memref_slice %arg6[%mul3A_259] : memref<10240xi32, #tpu.memory_space<vmem>> -> memref<64xi32, #tpu.memory_space<vmem>>
        %dma_start3A_261 = arith.constant 0 : i32
        %dma_start3A_262 = arith.constant 0 : i32
        %dma_start3A_263 = tpu.memref_slice %arg2[%add3A_81, %dma_start3A_261, %dma_start3A_262] : memref<4x10240x128xf32, #tpu.memory_space<hbm>> -> memref<1x10240x128xf32, #tpu.memory_space<hbm>>
        %dma_start3A_264 = tpu.memref_squeeze %dma_start3A_263 : memref<1x10240x128xf32, #tpu.memory_space<hbm>> -> memref<10240x128xf32, #tpu.memory_space<hbm>>
        %dma_start3A_265 = arith.constant 0 : i32
        %dma_start3A_266 = arith.constant 0 : i32
        %dma_start3A_267 = tpu.memref_slice %dma_start3A_264[%dma_start3A_265, %dma_start3A_266] : memref<10240x128xf32, #tpu.memory_space<hbm>> -> memref<10240x128xf32, #tpu.memory_space<hbm>>
        tpu.enqueue_indirect_dma source(%dma_start3A_267 : memref<10240x128xf32, #tpu.memory_space<hbm>>) target(%arg13 : memref<64x128xf32, #tpu.memory_space<vmem>>) offsets(%dma_start3A_260 : memref<64xi32, #tpu.memory_space<vmem>>) semaphore(%arg18 : memref<!tpu.dma_semaphore, #tpu.memory_space<semaphore_mem>>)
        %mul3A_268 = arith.constant 10240 : i32
        %mul3A_269 = arith.muli %arg1, %mul3A_268 : i32
        %add3A_270 = arith.constant 4 : i32
        %add3A_271 = arith.addi %add3A_209, %add3A_270 : i32
        %mul3A_272 = arith.constant 64 : i32
        %mul3A_273 = arith.muli %add3A_271, %mul3A_272 : i32
        %add3A_274 = arith.addi %mul3A_269, %mul3A_273 : i32
        %dma_start3A_275 = tpu.memref_slice %arg4[%add3A_274] : memref<163840xi32, #tpu.memory_space<hbm>> -> memref<64xi32, #tpu.memory_space<hbm>>
        %dma_start3A_276 = tpu.memref_slice %arg4[%add3A_274] : memref<163840xi32, #tpu.memory_space<hbm>> -> memref<64xi32, #tpu.memory_space<hbm>>
        tpu.enqueue_dma source(%dma_start3A_276 : memref<64xi32, #tpu.memory_space<hbm>>) target(%arg9 : memref<64xi32, #tpu.memory_space<vmem>>) target_semaphore(%arg22 : memref<!tpu.dma_semaphore, #tpu.memory_space<semaphore_mem>>)
      } else {
      }
      %mul3A_231 = arith.constant 4 : i32
      %mul3A_232 = arith.muli %scan3A_159, %mul3A_231 : i32
      %add3A_233 = arith.constant 3 : i32
      %add3A_234 = arith.addi %mul3A_232, %add3A_233 : i32
      %mul3A_235 = arith.constant 64 : i32
      %mul3A_236 = arith.muli %add3A_234, %mul3A_235 : i32
      %dma_wait3A_237 = tpu.memref_slice %arg6[%mul3A_236] : memref<10240xi32, #tpu.memory_space<vmem>> -> memref<64xi32, #tpu.memory_space<vmem>>
      %dma_wait3A_238 = arith.constant 0 : i32
      %dma_wait3A_239 = arith.constant 0 : i32
      %dma_wait3A_240 = tpu.memref_slice %arg2[%add3A_81, %dma_wait3A_238, %dma_wait3A_239] : memref<4x10240x128xf32, #tpu.memory_space<hbm>> -> memref<1x10240x128xf32, #tpu.memory_space<hbm>>
      %dma_wait3A_241 = tpu.memref_squeeze %dma_wait3A_240 : memref<1x10240x128xf32, #tpu.memory_space<hbm>> -> memref<10240x128xf32, #tpu.memory_space<hbm>>
      %dma_wait3A_242 = arith.constant 0 : i32
      %dma_wait3A_243 = arith.constant 0 : i32
      %dma_wait3A_244 = tpu.memref_slice %dma_wait3A_241[%dma_wait3A_242, %dma_wait3A_243] : memref<10240x128xf32, #tpu.memory_space<hbm>> -> memref<10240x128xf32, #tpu.memory_space<hbm>>
      tpu.wait_indirect_dma semaphore(%arg19 : memref<!tpu.dma_semaphore, #tpu.memory_space<semaphore_mem>>) src(%dma_wait3A_244 : memref<10240x128xf32, #tpu.memory_space<hbm>>) dst(%arg14 : memref<64x128xf32, #tpu.memory_space<vmem>>)
      %dma_wait3A_245 = arith.constant 0 : i32
      %dma_wait3A_246 = tpu.memref_slice %arg4[%dma_wait3A_245] : memref<163840xi32, #tpu.memory_space<hbm>> -> memref<64xi32, #tpu.memory_space<hbm>>
      %dma_wait3A_247 = arith.constant 0 : i32
      %dma_wait3A_248 = tpu.memref_slice %arg4[%dma_wait3A_247] : memref<163840xi32, #tpu.memory_space<hbm>> -> memref<64xi32, #tpu.memory_space<hbm>>
      tpu.wait_dma2 semaphore(%arg23 : memref<!tpu.dma_semaphore, #tpu.memory_space<semaphore_mem>>) src(%dma_wait3A_248 : memref<64xi32, #tpu.memory_space<hbm>>) dst(%arg10 : memref<64xi32, #tpu.memory_space<vmem>>)
      "tpu.region"() ({
        %run_scoped3A = tpu.sem_alloc : memref<!tpu.dma_semaphore, #tpu.memory_space<semaphore_mem>>
        %dma_start3A_256 = arith.constant 0 : i32
        %dma_start3A_257 = arith.constant 0 : i32
        %dma_start3A_258 = tpu.memref_slice %arg15[%dma_start3A_256, %dma_start3A_257] : memref<10112x128xf32, #tpu.memory_space<vmem_shared>> -> memref<10112x128xf32, #tpu.memory_space<vmem_shared>>
        tpu.enqueue_indirect_dma source(%arg14 : memref<64x128xf32, #tpu.memory_space<vmem>>) target(%dma_start3A_258 : memref<10112x128xf32, #tpu.memory_space<vmem_shared>>) offsets(%arg10 : memref<64xi32, #tpu.memory_space<vmem>>) semaphore(%run_scoped3A : memref<!tpu.dma_semaphore, #tpu.memory_space<semaphore_mem>>) {add = true}
        %dma_wait3A_259 = arith.constant 0 : i32
        %dma_wait3A_260 = arith.constant 0 : i32
        %dma_wait3A_261 = tpu.memref_slice %arg15[%dma_wait3A_259, %dma_wait3A_260] : memref<10112x128xf32, #tpu.memory_space<vmem_shared>> -> memref<10112x128xf32, #tpu.memory_space<vmem_shared>>
        tpu.wait_indirect_dma semaphore(%run_scoped3A : memref<!tpu.dma_semaphore, #tpu.memory_space<semaphore_mem>>) src(%arg14 : memref<64x128xf32, #tpu.memory_space<vmem>>) dst(%dma_wait3A_261 : memref<10112x128xf32, #tpu.memory_space<vmem_shared>>)
        tpu.yield
      }) : () -> ()
      %add3A_249 = arith.constant 4 : i32
      %add3A_250 = arith.addi %add3A_234, %add3A_249 : i32
      %lt3A_251 = arith.constant 160 : i32
      %lt3A_252 = arith.cmpi slt, %add3A_250, %lt3A_251 : i32
      %convert_element_type3A_253 = arith.extui %lt3A_252 : i1 to i32
      %cond3A_254 = arith.constant 0 : i32
      %cond3A_255 = arith.cmpi ne, %convert_element_type3A_253, %cond3A_254 : i32
      scf.if %cond3A_255 {
        %add3A_256 = arith.constant 4 : i32
        %add3A_257 = arith.addi %add3A_234, %add3A_256 : i32
        %mul3A_258 = arith.constant 64 : i32
        %mul3A_259 = arith.muli %add3A_257, %mul3A_258 : i32
        %dma_start3A_260 = tpu.memref_slice %arg6[%mul3A_259] : memref<10240xi32, #tpu.memory_space<vmem>> -> memref<64xi32, #tpu.memory_space<vmem>>
        %dma_start3A_261 = arith.constant 0 : i32
        %dma_start3A_262 = arith.constant 0 : i32
        %dma_start3A_263 = tpu.memref_slice %arg2[%add3A_81, %dma_start3A_261, %dma_start3A_262] : memref<4x10240x128xf32, #tpu.memory_space<hbm>> -> memref<1x10240x128xf32, #tpu.memory_space<hbm>>
        %dma_start3A_264 = tpu.memref_squeeze %dma_start3A_263 : memref<1x10240x128xf32, #tpu.memory_space<hbm>> -> memref<10240x128xf32, #tpu.memory_space<hbm>>
        %dma_start3A_265 = arith.constant 0 : i32
        %dma_start3A_266 = arith.constant 0 : i32
        %dma_start3A_267 = tpu.memref_slice %dma_start3A_264[%dma_start3A_265, %dma_start3A_266] : memref<10240x128xf32, #tpu.memory_space<hbm>> -> memref<10240x128xf32, #tpu.memory_space<hbm>>
        tpu.enqueue_indirect_dma source(%dma_start3A_267 : memref<10240x128xf32, #tpu.memory_space<hbm>>) target(%arg14 : memref<64x128xf32, #tpu.memory_space<vmem>>) offsets(%dma_start3A_260 : memref<64xi32, #tpu.memory_space<vmem>>) semaphore(%arg19 : memref<!tpu.dma_semaphore, #tpu.memory_space<semaphore_mem>>)
        %mul3A_268 = arith.constant 10240 : i32
        %mul3A_269 = arith.muli %arg1, %mul3A_268 : i32
        %add3A_270 = arith.constant 4 : i32
        %add3A_271 = arith.addi %add3A_234, %add3A_270 : i32
        %mul3A_272 = arith.constant 64 : i32
        %mul3A_273 = arith.muli %add3A_271, %mul3A_272 : i32
        %add3A_274 = arith.addi %mul3A_269, %mul3A_273 : i32
        %dma_start3A_275 = tpu.memref_slice %arg4[%add3A_274] : memref<163840xi32, #tpu.memory_space<hbm>> -> memref<64xi32, #tpu.memory_space<hbm>>
        %dma_start3A_276 = tpu.memref_slice %arg4[%add3A_274] : memref<163840xi32, #tpu.memory_space<hbm>> -> memref<64xi32, #tpu.memory_space<hbm>>
        tpu.enqueue_dma source(%dma_start3A_276 : memref<64xi32, #tpu.memory_space<hbm>>) target(%arg10 : memref<64xi32, #tpu.memory_space<vmem>>) target_semaphore(%arg23 : memref<!tpu.dma_semaphore, #tpu.memory_space<semaphore_mem>>)
      } else {
      }
    }
    %scan3A_152 = arith.constant 40 : i32
    %barrier3A_153 = arith.constant 0 : index
    tpu.barrier barrier_id(%barrier3A_153)
    %mul3A_154 = arith.constant 632 : i32
    %mul3A_155 = arith.muli %arg1, %mul3A_154 : i32
    %mul3A_156 = arith.constant 632 : i32
    %mul3A_157 = arith.muli %arg1, %mul3A_156 : i32
    "tpu.region"() ({
      %run_scoped3A = tpu.sem_alloc : memref<!tpu.dma_semaphore, #tpu.memory_space<semaphore_mem>>
      %dma_start3A_159 = arith.constant 0 : i32
      %dma_start3A_160 = arith.constant 0 : i32
      %dma_start3A_161 = tpu.memref_slice %arg5[%add3A_81, %dma_start3A_159, %dma_start3A_160] : memref<4x10240x128xf32, #tpu.memory_space<hbm>> -> memref<1x10240x128xf32, #tpu.memory_space<hbm>>
      %dma_start3A_162 = tpu.memref_squeeze %dma_start3A_161 : memref<1x10240x128xf32, #tpu.memory_space<hbm>> -> memref<10240x128xf32, #tpu.memory_space<hbm>>
      %dma_start3A_163 = arith.constant 0 : i32
      %dma_start3A_164 = tpu.memref_slice %dma_start3A_162[%mul3A_157, %dma_start3A_163] : memref<10240x128xf32, #tpu.memory_space<hbm>> -> memref<632x128xf32, #tpu.memory_space<hbm>>
      %dma_start3A_165 = arith.constant 0 : i32
      %dma_start3A_166 = tpu.memref_slice %arg15[%mul3A_155, %dma_start3A_165] : memref<10112x128xf32, #tpu.memory_space<vmem_shared>> -> memref<632x128xf32, #tpu.memory_space<vmem_shared>>
      tpu.enqueue_dma source(%dma_start3A_166 : memref<632x128xf32, #tpu.memory_space<vmem_shared>>) target(%dma_start3A_164 : memref<632x128xf32, #tpu.memory_space<hbm>>) target_semaphore(%run_scoped3A : memref<!tpu.dma_semaphore, #tpu.memory_space<semaphore_mem>>)
      %dma_wait3A = arith.constant 0 : i32
      %dma_wait3A_167 = arith.constant 0 : i32
      %dma_wait3A_168 = tpu.memref_slice %arg5[%add3A_81, %dma_wait3A, %dma_wait3A_167] : memref<4x10240x128xf32, #tpu.memory_space<hbm>> -> memref<1x10240x128xf32, #tpu.memory_space<hbm>>
      %dma_wait3A_169 = tpu.memref_squeeze %dma_wait3A_168 : memref<1x10240x128xf32, #tpu.memory_space<hbm>> -> memref<10240x128xf32, #tpu.memory_space<hbm>>
      %dma_wait3A_170 = arith.constant 0 : i32
      %dma_wait3A_171 = tpu.memref_slice %dma_wait3A_169[%mul3A_157, %dma_wait3A_170] : memref<10240x128xf32, #tpu.memory_space<hbm>> -> memref<632x128xf32, #tpu.memory_space<hbm>>
      %dma_wait3A_172 = arith.constant 0 : i32
      %dma_wait3A_173 = tpu.memref_slice %arg15[%mul3A_155, %dma_wait3A_172] : memref<10112x128xf32, #tpu.memory_space<vmem_shared>> -> memref<632x128xf32, #tpu.memory_space<vmem_shared>>
      tpu.wait_dma2 semaphore(%run_scoped3A : memref<!tpu.dma_semaphore, #tpu.memory_space<semaphore_mem>>) src(%dma_wait3A_173 : memref<632x128xf32, #tpu.memory_space<vmem_shared>>) dst(%dma_wait3A_171 : memref<632x128xf32, #tpu.memory_space<hbm>>)
      tpu.yield
    }) : () -> ()
    %barrier3A_158 = arith.constant 0 : index
    tpu.barrier barrier_id(%barrier3A_158)
    return
  }
}

#map = affine_map<(d0, d1) -> (0, 0, 0)>
#map1 = affine_map<(d0, d1) -> (0)>
module attributes {stable_mosaic.version = 14 : i64} {
  func.func @_prop_body(%arg0: i32, %arg1: i32, %arg2: memref<2x10240x128xf32, #tpu.memory_space<hbm>>, %arg3: memref<163840xi32, #tpu.memory_space<hbm>>, %arg4: memref<163840xi32, #tpu.memory_space<hbm>>, %arg5: memref<2x10240x128xf32, #tpu.memory_space<hbm>>, %arg6: memref<10240xi32, #tpu.memory_space<vmem>>, %arg7: memref<64xi32, #tpu.memory_space<vmem>>, %arg8: memref<64xi32, #tpu.memory_space<vmem>>, %arg9: memref<64xi32, #tpu.memory_space<vmem>>, %arg10: memref<64xi32, #tpu.memory_space<vmem>>, %arg11: memref<64x128xf32, #tpu.memory_space<vmem>>, %arg12: memref<64x128xf32, #tpu.memory_space<vmem>>, %arg13: memref<64x128xf32, #tpu.memory_space<vmem>>, %arg14: memref<64x128xf32, #tpu.memory_space<vmem>>, %arg15: memref<10112x128xf32, #tpu.memory_space<vmem_shared>>, %arg16: memref<!tpu.dma_semaphore, #tpu.memory_space<semaphore_mem>>, %arg17: memref<!tpu.dma_semaphore, #tpu.memory_space<semaphore_mem>>, %arg18: memref<!tpu.dma_semaphore, #tpu.memory_space<semaphore_mem>>, %arg19: memref<!tpu.dma_semaphore, #tpu.memory_space<semaphore_mem>>, %arg20: memref<!tpu.dma_semaphore, #tpu.memory_space<semaphore_mem>>, %arg21: memref<!tpu.dma_semaphore, #tpu.memory_space<semaphore_mem>>, %arg22: memref<!tpu.dma_semaphore, #tpu.memory_space<semaphore_mem>>, %arg23: memref<!tpu.dma_semaphore, #tpu.memory_space<semaphore_mem>>) attributes {dimension_semantics = [#tpu.dimension_semantics<core_parallel>, #tpu.dimension_semantics<subcore_parallel>], iteration_bounds = array<i64: 2, 16>, scalar_prefetch = 0 : i64, scratch_operands = 18 : i64, tpu.core_type = #tpu.core_type<sc_vector_subcore>, window_params = [{transform_indices = #map}, {transform_indices = #map1}, {transform_indices = #map1}, {transform_indices = #map}]} {
    %mul3A = arith.constant 10240 : i32
    %mul3A_0 = arith.muli %arg1, %mul3A : i32
    "tpu.region"() ({
      %run_scoped3A = tpu.sem_alloc : memref<!tpu.dma_semaphore, #tpu.memory_space<semaphore_mem>>
      %dma_start3A_78 = tpu.memref_slice %arg3[%mul3A_0] : memref<163840xi32, #tpu.memory_space<hbm>> -> memref<10240xi32, #tpu.memory_space<hbm>>
      %dma_start3A_79 = tpu.memref_slice %arg3[%mul3A_0] : memref<163840xi32, #tpu.memory_space<hbm>> -> memref<10240xi32, #tpu.memory_space<hbm>>
      tpu.enqueue_dma source(%dma_start3A_79 : memref<10240xi32, #tpu.memory_space<hbm>>) target(%arg6 : memref<10240xi32, #tpu.memory_space<vmem>>) target_semaphore(%run_scoped3A : memref<!tpu.dma_semaphore, #tpu.memory_space<semaphore_mem>>)
      %dma_wait3A = tpu.memref_slice %arg3[%mul3A_0] : memref<163840xi32, #tpu.memory_space<hbm>> -> memref<10240xi32, #tpu.memory_space<hbm>>
      %dma_wait3A_80 = tpu.memref_slice %arg3[%mul3A_0] : memref<163840xi32, #tpu.memory_space<hbm>> -> memref<10240xi32, #tpu.memory_space<hbm>>
      tpu.wait_dma2 semaphore(%run_scoped3A : memref<!tpu.dma_semaphore, #tpu.memory_space<semaphore_mem>>) src(%dma_wait3A_80 : memref<10240xi32, #tpu.memory_space<hbm>>) dst(%arg6 : memref<10240xi32, #tpu.memory_space<vmem>>)
      tpu.yield
    }) : () -> ()
    %mul3A_1 = arith.constant 1 : i32
    %mul3A_2 = arith.muli %arg0, %mul3A_1 : i32
    %add3A = arith.constant 0 : i32
    %add3A_3 = arith.addi %mul3A_2, %add3A : i32
    %mul3A_4 = arith.constant 632 : i32
    %mul3A_5 = arith.muli %arg1, %mul3A_4 : i32
    %mul3A_6 = arith.constant 632 : i32
    %mul3A_7 = arith.muli %arg1, %mul3A_6 : i32
    "tpu.region"() ({
      %run_scoped3A = tpu.sem_alloc : memref<!tpu.dma_semaphore, #tpu.memory_space<semaphore_mem>>
      %dma_start3A_78 = arith.constant 0 : i32
      %dma_start3A_79 = tpu.memref_slice %arg15[%mul3A_7, %dma_start3A_78] : memref<10112x128xf32, #tpu.memory_space<vmem_shared>> -> memref<632x128xf32, #tpu.memory_space<vmem_shared>>
      %dma_start3A_80 = arith.constant 0 : i32
      %dma_start3A_81 = arith.constant 0 : i32
      %dma_start3A_82 = tpu.memref_slice %arg2[%add3A_3, %dma_start3A_80, %dma_start3A_81] : memref<2x10240x128xf32, #tpu.memory_space<hbm>> -> memref<1x10240x128xf32, #tpu.memory_space<hbm>>
      %dma_start3A_83 = tpu.memref_squeeze %dma_start3A_82 : memref<1x10240x128xf32, #tpu.memory_space<hbm>> -> memref<10240x128xf32, #tpu.memory_space<hbm>>
      %dma_start3A_84 = arith.constant 0 : i32
      %dma_start3A_85 = tpu.memref_slice %dma_start3A_83[%mul3A_5, %dma_start3A_84] : memref<10240x128xf32, #tpu.memory_space<hbm>> -> memref<632x128xf32, #tpu.memory_space<hbm>>
      tpu.enqueue_dma source(%dma_start3A_85 : memref<632x128xf32, #tpu.memory_space<hbm>>) target(%dma_start3A_79 : memref<632x128xf32, #tpu.memory_space<vmem_shared>>) target_semaphore(%run_scoped3A : memref<!tpu.dma_semaphore, #tpu.memory_space<semaphore_mem>>)
      %dma_wait3A = arith.constant 0 : i32
      %dma_wait3A_86 = tpu.memref_slice %arg15[%mul3A_7, %dma_wait3A] : memref<10112x128xf32, #tpu.memory_space<vmem_shared>> -> memref<632x128xf32, #tpu.memory_space<vmem_shared>>
      %dma_wait3A_87 = arith.constant 0 : i32
      %dma_wait3A_88 = arith.constant 0 : i32
      %dma_wait3A_89 = tpu.memref_slice %arg2[%add3A_3, %dma_wait3A_87, %dma_wait3A_88] : memref<2x10240x128xf32, #tpu.memory_space<hbm>> -> memref<1x10240x128xf32, #tpu.memory_space<hbm>>
      %dma_wait3A_90 = tpu.memref_squeeze %dma_wait3A_89 : memref<1x10240x128xf32, #tpu.memory_space<hbm>> -> memref<10240x128xf32, #tpu.memory_space<hbm>>
      %dma_wait3A_91 = arith.constant 0 : i32
      %dma_wait3A_92 = tpu.memref_slice %dma_wait3A_90[%mul3A_5, %dma_wait3A_91] : memref<10240x128xf32, #tpu.memory_space<hbm>> -> memref<632x128xf32, #tpu.memory_space<hbm>>
      tpu.wait_dma2 semaphore(%run_scoped3A : memref<!tpu.dma_semaphore, #tpu.memory_space<semaphore_mem>>) src(%dma_wait3A_92 : memref<632x128xf32, #tpu.memory_space<hbm>>) dst(%dma_wait3A_86 : memref<632x128xf32, #tpu.memory_space<vmem_shared>>)
      tpu.yield
    }) : () -> ()
    %barrier3A = arith.constant 0 : index
    tpu.barrier barrier_id(%barrier3A)
    %dma_start3A = arith.constant 0 : i32
    %dma_start3A_8 = tpu.memref_slice %arg6[%dma_start3A] : memref<10240xi32, #tpu.memory_space<vmem>> -> memref<64xi32, #tpu.memory_space<vmem>>
    %dma_start3A_9 = arith.constant 0 : i32
    %dma_start3A_10 = arith.constant 0 : i32
    %dma_start3A_11 = tpu.memref_slice %arg2[%add3A_3, %dma_start3A_9, %dma_start3A_10] : memref<2x10240x128xf32, #tpu.memory_space<hbm>> -> memref<1x10240x128xf32, #tpu.memory_space<hbm>>
    %dma_start3A_12 = tpu.memref_squeeze %dma_start3A_11 : memref<1x10240x128xf32, #tpu.memory_space<hbm>> -> memref<10240x128xf32, #tpu.memory_space<hbm>>
    %dma_start3A_13 = arith.constant 0 : i32
    %dma_start3A_14 = arith.constant 0 : i32
    %dma_start3A_15 = tpu.memref_slice %dma_start3A_12[%dma_start3A_13, %dma_start3A_14] : memref<10240x128xf32, #tpu.memory_space<hbm>> -> memref<10240x128xf32, #tpu.memory_space<hbm>>
    tpu.enqueue_indirect_dma source(%dma_start3A_15 : memref<10240x128xf32, #tpu.memory_space<hbm>>) target(%arg11 : memref<64x128xf32, #tpu.memory_space<vmem>>) offsets(%dma_start3A_8 : memref<64xi32, #tpu.memory_space<vmem>>) semaphore(%arg16 : memref<!tpu.dma_semaphore, #tpu.memory_space<semaphore_mem>>)
    %mul3A_16 = arith.constant 10240 : i32
    %mul3A_17 = arith.muli %arg1, %mul3A_16 : i32
    %add3A_18 = arith.constant 0 : i32
    %add3A_19 = arith.addi %mul3A_17, %add3A_18 : i32
    %dma_start3A_20 = tpu.memref_slice %arg4[%add3A_19] : memref<163840xi32, #tpu.memory_space<hbm>> -> memref<64xi32, #tpu.memory_space<hbm>>
    %dma_start3A_21 = tpu.memref_slice %arg4[%add3A_19] : memref<163840xi32, #tpu.memory_space<hbm>> -> memref<64xi32, #tpu.memory_space<hbm>>
    tpu.enqueue_dma source(%dma_start3A_21 : memref<64xi32, #tpu.memory_space<hbm>>) target(%arg7 : memref<64xi32, #tpu.memory_space<vmem>>) target_semaphore(%arg20 : memref<!tpu.dma_semaphore, #tpu.memory_space<semaphore_mem>>)
    %dma_start3A_22 = arith.constant 64 : i32
    %dma_start3A_23 = tpu.memref_slice %arg6[%dma_start3A_22] : memref<10240xi32, #tpu.memory_space<vmem>> -> memref<64xi32, #tpu.memory_space<vmem>>
    %dma_start3A_24 = arith.constant 0 : i32
    %dma_start3A_25 = arith.constant 0 : i32
    %dma_start3A_26 = tpu.memref_slice %arg2[%add3A_3, %dma_start3A_24, %dma_start3A_25] : memref<2x10240x128xf32, #tpu.memory_space<hbm>> -> memref<1x10240x128xf32, #tpu.memory_space<hbm>>
    %dma_start3A_27 = tpu.memref_squeeze %dma_start3A_26 : memref<1x10240x128xf32, #tpu.memory_space<hbm>> -> memref<10240x128xf32, #tpu.memory_space<hbm>>
    %dma_start3A_28 = arith.constant 0 : i32
    %dma_start3A_29 = arith.constant 0 : i32
    %dma_start3A_30 = tpu.memref_slice %dma_start3A_27[%dma_start3A_28, %dma_start3A_29] : memref<10240x128xf32, #tpu.memory_space<hbm>> -> memref<10240x128xf32, #tpu.memory_space<hbm>>
    tpu.enqueue_indirect_dma source(%dma_start3A_30 : memref<10240x128xf32, #tpu.memory_space<hbm>>) target(%arg12 : memref<64x128xf32, #tpu.memory_space<vmem>>) offsets(%dma_start3A_23 : memref<64xi32, #tpu.memory_space<vmem>>) semaphore(%arg17 : memref<!tpu.dma_semaphore, #tpu.memory_space<semaphore_mem>>)
    %mul3A_31 = arith.constant 10240 : i32
    %mul3A_32 = arith.muli %arg1, %mul3A_31 : i32
    %add3A_33 = arith.constant 64 : i32
    %add3A_34 = arith.addi %mul3A_32, %add3A_33 : i32
    %dma_start3A_35 = tpu.memref_slice %arg4[%add3A_34] : memref<163840xi32, #tpu.memory_space<hbm>> -> memref<64xi32, #tpu.memory_space<hbm>>
    %dma_start3A_36 = tpu.memref_slice %arg4[%add3A_34] : memref<163840xi32, #tpu.memory_space<hbm>> -> memref<64xi32, #tpu.memory_space<hbm>>
    tpu.enqueue_dma source(%dma_start3A_36 : memref<64xi32, #tpu.memory_space<hbm>>) target(%arg8 : memref<64xi32, #tpu.memory_space<vmem>>) target_semaphore(%arg21 : memref<!tpu.dma_semaphore, #tpu.memory_space<semaphore_mem>>)
    %dma_start3A_37 = arith.constant 128 : i32
    %dma_start3A_38 = tpu.memref_slice %arg6[%dma_start3A_37] : memref<10240xi32, #tpu.memory_space<vmem>> -> memref<64xi32, #tpu.memory_space<vmem>>
    %dma_start3A_39 = arith.constant 0 : i32
    %dma_start3A_40 = arith.constant 0 : i32
    %dma_start3A_41 = tpu.memref_slice %arg2[%add3A_3, %dma_start3A_39, %dma_start3A_40] : memref<2x10240x128xf32, #tpu.memory_space<hbm>> -> memref<1x10240x128xf32, #tpu.memory_space<hbm>>
    %dma_start3A_42 = tpu.memref_squeeze %dma_start3A_41 : memref<1x10240x128xf32, #tpu.memory_space<hbm>> -> memref<10240x128xf32, #tpu.memory_space<hbm>>
    %dma_start3A_43 = arith.constant 0 : i32
    %dma_start3A_44 = arith.constant 0 : i32
    %dma_start3A_45 = tpu.memref_slice %dma_start3A_42[%dma_start3A_43, %dma_start3A_44] : memref<10240x128xf32, #tpu.memory_space<hbm>> -> memref<10240x128xf32, #tpu.memory_space<hbm>>
    tpu.enqueue_indirect_dma source(%dma_start3A_45 : memref<10240x128xf32, #tpu.memory_space<hbm>>) target(%arg13 : memref<64x128xf32, #tpu.memory_space<vmem>>) offsets(%dma_start3A_38 : memref<64xi32, #tpu.memory_space<vmem>>) semaphore(%arg18 : memref<!tpu.dma_semaphore, #tpu.memory_space<semaphore_mem>>)
    %mul3A_46 = arith.constant 10240 : i32
    %mul3A_47 = arith.muli %arg1, %mul3A_46 : i32
    %add3A_48 = arith.constant 128 : i32
    %add3A_49 = arith.addi %mul3A_47, %add3A_48 : i32
    %dma_start3A_50 = tpu.memref_slice %arg4[%add3A_49] : memref<163840xi32, #tpu.memory_space<hbm>> -> memref<64xi32, #tpu.memory_space<hbm>>
    %dma_start3A_51 = tpu.memref_slice %arg4[%add3A_49] : memref<163840xi32, #tpu.memory_space<hbm>> -> memref<64xi32, #tpu.memory_space<hbm>>
    tpu.enqueue_dma source(%dma_start3A_51 : memref<64xi32, #tpu.memory_space<hbm>>) target(%arg9 : memref<64xi32, #tpu.memory_space<vmem>>) target_semaphore(%arg22 : memref<!tpu.dma_semaphore, #tpu.memory_space<semaphore_mem>>)
    %dma_start3A_52 = arith.constant 192 : i32
    %dma_start3A_53 = tpu.memref_slice %arg6[%dma_start3A_52] : memref<10240xi32, #tpu.memory_space<vmem>> -> memref<64xi32, #tpu.memory_space<vmem>>
    %dma_start3A_54 = arith.constant 0 : i32
    %dma_start3A_55 = arith.constant 0 : i32
    %dma_start3A_56 = tpu.memref_slice %arg2[%add3A_3, %dma_start3A_54, %dma_start3A_55] : memref<2x10240x128xf32, #tpu.memory_space<hbm>> -> memref<1x10240x128xf32, #tpu.memory_space<hbm>>
    %dma_start3A_57 = tpu.memref_squeeze %dma_start3A_56 : memref<1x10240x128xf32, #tpu.memory_space<hbm>> -> memref<10240x128xf32, #tpu.memory_space<hbm>>
    %dma_start3A_58 = arith.constant 0 : i32
    %dma_start3A_59 = arith.constant 0 : i32
    %dma_start3A_60 = tpu.memref_slice %dma_start3A_57[%dma_start3A_58, %dma_start3A_59] : memref<10240x128xf32, #tpu.memory_space<hbm>> -> memref<10240x128xf32, #tpu.memory_space<hbm>>
    tpu.enqueue_indirect_dma source(%dma_start3A_60 : memref<10240x128xf32, #tpu.memory_space<hbm>>) target(%arg14 : memref<64x128xf32, #tpu.memory_space<vmem>>) offsets(%dma_start3A_53 : memref<64xi32, #tpu.memory_space<vmem>>) semaphore(%arg19 : memref<!tpu.dma_semaphore, #tpu.memory_space<semaphore_mem>>)
    %mul3A_61 = arith.constant 10240 : i32
    %mul3A_62 = arith.muli %arg1, %mul3A_61 : i32
    %add3A_63 = arith.constant 192 : i32
    %add3A_64 = arith.addi %mul3A_62, %add3A_63 : i32
    %dma_start3A_65 = tpu.memref_slice %arg4[%add3A_64] : memref<163840xi32, #tpu.memory_space<hbm>> -> memref<64xi32, #tpu.memory_space<hbm>>
    %dma_start3A_66 = tpu.memref_slice %arg4[%add3A_64] : memref<163840xi32, #tpu.memory_space<hbm>> -> memref<64xi32, #tpu.memory_space<hbm>>
    tpu.enqueue_dma source(%dma_start3A_66 : memref<64xi32, #tpu.memory_space<hbm>>) target(%arg10 : memref<64xi32, #tpu.memory_space<vmem>>) target_semaphore(%arg23 : memref<!tpu.dma_semaphore, #tpu.memory_space<semaphore_mem>>)
    %scan3A = arith.constant 0 : i32
    %scan3A_67 = arith.constant 0 : i32
    %scan3A_68 = arith.constant 40 : i32
    %scan3A_69 = arith.addi %scan3A_67, %scan3A_68 : i32
    %scan3A_70 = arith.constant 1 : i32
    scf.for %scan3A_78 = %scan3A_67 to %scan3A_69 step %scan3A_70  : i32 {
      %mul3A_79 = arith.constant 4 : i32
      %mul3A_80 = arith.muli %scan3A_78, %mul3A_79 : i32
      %add3A_81 = arith.constant 0 : i32
      %add3A_82 = arith.addi %mul3A_80, %add3A_81 : i32
      %mul3A_83 = arith.constant 64 : i32
      %mul3A_84 = arith.muli %add3A_82, %mul3A_83 : i32
      %dma_wait3A = tpu.memref_slice %arg6[%mul3A_84] : memref<10240xi32, #tpu.memory_space<vmem>> -> memref<64xi32, #tpu.memory_space<vmem>>
      %dma_wait3A_85 = arith.constant 0 : i32
      %dma_wait3A_86 = arith.constant 0 : i32
      %dma_wait3A_87 = tpu.memref_slice %arg2[%add3A_3, %dma_wait3A_85, %dma_wait3A_86] : memref<2x10240x128xf32, #tpu.memory_space<hbm>> -> memref<1x10240x128xf32, #tpu.memory_space<hbm>>
      %dma_wait3A_88 = tpu.memref_squeeze %dma_wait3A_87 : memref<1x10240x128xf32, #tpu.memory_space<hbm>> -> memref<10240x128xf32, #tpu.memory_space<hbm>>
      %dma_wait3A_89 = arith.constant 0 : i32
      %dma_wait3A_90 = arith.constant 0 : i32
      %dma_wait3A_91 = tpu.memref_slice %dma_wait3A_88[%dma_wait3A_89, %dma_wait3A_90] : memref<10240x128xf32, #tpu.memory_space<hbm>> -> memref<10240x128xf32, #tpu.memory_space<hbm>>
      tpu.wait_indirect_dma semaphore(%arg16 : memref<!tpu.dma_semaphore, #tpu.memory_space<semaphore_mem>>) src(%dma_wait3A_91 : memref<10240x128xf32, #tpu.memory_space<hbm>>) dst(%arg11 : memref<64x128xf32, #tpu.memory_space<vmem>>)
      %dma_wait3A_92 = arith.constant 0 : i32
      %dma_wait3A_93 = tpu.memref_slice %arg4[%dma_wait3A_92] : memref<163840xi32, #tpu.memory_space<hbm>> -> memref<64xi32, #tpu.memory_space<hbm>>
      %dma_wait3A_94 = arith.constant 0 : i32
      %dma_wait3A_95 = tpu.memref_slice %arg4[%dma_wait3A_94] : memref<163840xi32, #tpu.memory_space<hbm>> -> memref<64xi32, #tpu.memory_space<hbm>>
      tpu.wait_dma2 semaphore(%arg20 : memref<!tpu.dma_semaphore, #tpu.memory_space<semaphore_mem>>) src(%dma_wait3A_95 : memref<64xi32, #tpu.memory_space<hbm>>) dst(%arg7 : memref<64xi32, #tpu.memory_space<vmem>>)
      "tpu.region"() ({
        %run_scoped3A = tpu.sem_alloc : memref<!tpu.dma_semaphore, #tpu.memory_space<semaphore_mem>>
        %dma_start3A_175 = arith.constant 0 : i32
        %dma_start3A_176 = arith.constant 0 : i32
        %dma_start3A_177 = tpu.memref_slice %arg15[%dma_start3A_175, %dma_start3A_176] : memref<10112x128xf32, #tpu.memory_space<vmem_shared>> -> memref<10112x128xf32, #tpu.memory_space<vmem_shared>>
        tpu.enqueue_indirect_dma source(%arg11 : memref<64x128xf32, #tpu.memory_space<vmem>>) target(%dma_start3A_177 : memref<10112x128xf32, #tpu.memory_space<vmem_shared>>) offsets(%arg7 : memref<64xi32, #tpu.memory_space<vmem>>) semaphore(%run_scoped3A : memref<!tpu.dma_semaphore, #tpu.memory_space<semaphore_mem>>) {add = true}
        %dma_wait3A_178 = arith.constant 0 : i32
        %dma_wait3A_179 = arith.constant 0 : i32
        %dma_wait3A_180 = tpu.memref_slice %arg15[%dma_wait3A_178, %dma_wait3A_179] : memref<10112x128xf32, #tpu.memory_space<vmem_shared>> -> memref<10112x128xf32, #tpu.memory_space<vmem_shared>>
        tpu.wait_indirect_dma semaphore(%run_scoped3A : memref<!tpu.dma_semaphore, #tpu.memory_space<semaphore_mem>>) src(%arg11 : memref<64x128xf32, #tpu.memory_space<vmem>>) dst(%dma_wait3A_180 : memref<10112x128xf32, #tpu.memory_space<vmem_shared>>)
        tpu.yield
      }) : () -> ()
      %add3A_96 = arith.constant 4 : i32
      %add3A_97 = arith.addi %add3A_82, %add3A_96 : i32
      %lt3A = arith.constant 160 : i32
      %lt3A_98 = arith.cmpi slt, %add3A_97, %lt3A : i32
      %convert_element_type3A = arith.extui %lt3A_98 : i1 to i32
      %cond3A = arith.constant 0 : i32
      %cond3A_99 = arith.cmpi ne, %convert_element_type3A, %cond3A : i32
      scf.if %cond3A_99 {
        %add3A_175 = arith.constant 4 : i32
        %add3A_176 = arith.addi %add3A_82, %add3A_175 : i32
        %mul3A_177 = arith.constant 64 : i32
        %mul3A_178 = arith.muli %add3A_176, %mul3A_177 : i32
        %dma_start3A_179 = tpu.memref_slice %arg6[%mul3A_178] : memref<10240xi32, #tpu.memory_space<vmem>> -> memref<64xi32, #tpu.memory_space<vmem>>
        %dma_start3A_180 = arith.constant 0 : i32
        %dma_start3A_181 = arith.constant 0 : i32
        %dma_start3A_182 = tpu.memref_slice %arg2[%add3A_3, %dma_start3A_180, %dma_start3A_181] : memref<2x10240x128xf32, #tpu.memory_space<hbm>> -> memref<1x10240x128xf32, #tpu.memory_space<hbm>>
        %dma_start3A_183 = tpu.memref_squeeze %dma_start3A_182 : memref<1x10240x128xf32, #tpu.memory_space<hbm>> -> memref<10240x128xf32, #tpu.memory_space<hbm>>
        %dma_start3A_184 = arith.constant 0 : i32
        %dma_start3A_185 = arith.constant 0 : i32
        %dma_start3A_186 = tpu.memref_slice %dma_start3A_183[%dma_start3A_184, %dma_start3A_185] : memref<10240x128xf32, #tpu.memory_space<hbm>> -> memref<10240x128xf32, #tpu.memory_space<hbm>>
        tpu.enqueue_indirect_dma source(%dma_start3A_186 : memref<10240x128xf32, #tpu.memory_space<hbm>>) target(%arg11 : memref<64x128xf32, #tpu.memory_space<vmem>>) offsets(%dma_start3A_179 : memref<64xi32, #tpu.memory_space<vmem>>) semaphore(%arg16 : memref<!tpu.dma_semaphore, #tpu.memory_space<semaphore_mem>>)
        %mul3A_187 = arith.constant 10240 : i32
        %mul3A_188 = arith.muli %arg1, %mul3A_187 : i32
        %add3A_189 = arith.constant 4 : i32
        %add3A_190 = arith.addi %add3A_82, %add3A_189 : i32
        %mul3A_191 = arith.constant 64 : i32
        %mul3A_192 = arith.muli %add3A_190, %mul3A_191 : i32
        %add3A_193 = arith.addi %mul3A_188, %mul3A_192 : i32
        %dma_start3A_194 = tpu.memref_slice %arg4[%add3A_193] : memref<163840xi32, #tpu.memory_space<hbm>> -> memref<64xi32, #tpu.memory_space<hbm>>
        %dma_start3A_195 = tpu.memref_slice %arg4[%add3A_193] : memref<163840xi32, #tpu.memory_space<hbm>> -> memref<64xi32, #tpu.memory_space<hbm>>
        tpu.enqueue_dma source(%dma_start3A_195 : memref<64xi32, #tpu.memory_space<hbm>>) target(%arg7 : memref<64xi32, #tpu.memory_space<vmem>>) target_semaphore(%arg20 : memref<!tpu.dma_semaphore, #tpu.memory_space<semaphore_mem>>)
      } else {
      }
      %mul3A_100 = arith.constant 4 : i32
      %mul3A_101 = arith.muli %scan3A_78, %mul3A_100 : i32
      %add3A_102 = arith.constant 1 : i32
      %add3A_103 = arith.addi %mul3A_101, %add3A_102 : i32
      %mul3A_104 = arith.constant 64 : i32
      %mul3A_105 = arith.muli %add3A_103, %mul3A_104 : i32
      %dma_wait3A_106 = tpu.memref_slice %arg6[%mul3A_105] : memref<10240xi32, #tpu.memory_space<vmem>> -> memref<64xi32, #tpu.memory_space<vmem>>
      %dma_wait3A_107 = arith.constant 0 : i32
      %dma_wait3A_108 = arith.constant 0 : i32
      %dma_wait3A_109 = tpu.memref_slice %arg2[%add3A_3, %dma_wait3A_107, %dma_wait3A_108] : memref<2x10240x128xf32, #tpu.memory_space<hbm>> -> memref<1x10240x128xf32, #tpu.memory_space<hbm>>
      %dma_wait3A_110 = tpu.memref_squeeze %dma_wait3A_109 : memref<1x10240x128xf32, #tpu.memory_space<hbm>> -> memref<10240x128xf32, #tpu.memory_space<hbm>>
      %dma_wait3A_111 = arith.constant 0 : i32
      %dma_wait3A_112 = arith.constant 0 : i32
      %dma_wait3A_113 = tpu.memref_slice %dma_wait3A_110[%dma_wait3A_111, %dma_wait3A_112] : memref<10240x128xf32, #tpu.memory_space<hbm>> -> memref<10240x128xf32, #tpu.memory_space<hbm>>
      tpu.wait_indirect_dma semaphore(%arg17 : memref<!tpu.dma_semaphore, #tpu.memory_space<semaphore_mem>>) src(%dma_wait3A_113 : memref<10240x128xf32, #tpu.memory_space<hbm>>) dst(%arg12 : memref<64x128xf32, #tpu.memory_space<vmem>>)
      %dma_wait3A_114 = arith.constant 0 : i32
      %dma_wait3A_115 = tpu.memref_slice %arg4[%dma_wait3A_114] : memref<163840xi32, #tpu.memory_space<hbm>> -> memref<64xi32, #tpu.memory_space<hbm>>
      %dma_wait3A_116 = arith.constant 0 : i32
      %dma_wait3A_117 = tpu.memref_slice %arg4[%dma_wait3A_116] : memref<163840xi32, #tpu.memory_space<hbm>> -> memref<64xi32, #tpu.memory_space<hbm>>
      tpu.wait_dma2 semaphore(%arg21 : memref<!tpu.dma_semaphore, #tpu.memory_space<semaphore_mem>>) src(%dma_wait3A_117 : memref<64xi32, #tpu.memory_space<hbm>>) dst(%arg8 : memref<64xi32, #tpu.memory_space<vmem>>)
      "tpu.region"() ({
        %run_scoped3A = tpu.sem_alloc : memref<!tpu.dma_semaphore, #tpu.memory_space<semaphore_mem>>
        %dma_start3A_175 = arith.constant 0 : i32
        %dma_start3A_176 = arith.constant 0 : i32
        %dma_start3A_177 = tpu.memref_slice %arg15[%dma_start3A_175, %dma_start3A_176] : memref<10112x128xf32, #tpu.memory_space<vmem_shared>> -> memref<10112x128xf32, #tpu.memory_space<vmem_shared>>
        tpu.enqueue_indirect_dma source(%arg12 : memref<64x128xf32, #tpu.memory_space<vmem>>) target(%dma_start3A_177 : memref<10112x128xf32, #tpu.memory_space<vmem_shared>>) offsets(%arg8 : memref<64xi32, #tpu.memory_space<vmem>>) semaphore(%run_scoped3A : memref<!tpu.dma_semaphore, #tpu.memory_space<semaphore_mem>>) {add = true}
        %dma_wait3A_178 = arith.constant 0 : i32
        %dma_wait3A_179 = arith.constant 0 : i32
        %dma_wait3A_180 = tpu.memref_slice %arg15[%dma_wait3A_178, %dma_wait3A_179] : memref<10112x128xf32, #tpu.memory_space<vmem_shared>> -> memref<10112x128xf32, #tpu.memory_space<vmem_shared>>
        tpu.wait_indirect_dma semaphore(%run_scoped3A : memref<!tpu.dma_semaphore, #tpu.memory_space<semaphore_mem>>) src(%arg12 : memref<64x128xf32, #tpu.memory_space<vmem>>) dst(%dma_wait3A_180 : memref<10112x128xf32, #tpu.memory_space<vmem_shared>>)
        tpu.yield
      }) : () -> ()
      %add3A_118 = arith.constant 4 : i32
      %add3A_119 = arith.addi %add3A_103, %add3A_118 : i32
      %lt3A_120 = arith.constant 160 : i32
      %lt3A_121 = arith.cmpi slt, %add3A_119, %lt3A_120 : i32
      %convert_element_type3A_122 = arith.extui %lt3A_121 : i1 to i32
      %cond3A_123 = arith.constant 0 : i32
      %cond3A_124 = arith.cmpi ne, %convert_element_type3A_122, %cond3A_123 : i32
      scf.if %cond3A_124 {
        %add3A_175 = arith.constant 4 : i32
        %add3A_176 = arith.addi %add3A_103, %add3A_175 : i32
        %mul3A_177 = arith.constant 64 : i32
        %mul3A_178 = arith.muli %add3A_176, %mul3A_177 : i32
        %dma_start3A_179 = tpu.memref_slice %arg6[%mul3A_178] : memref<10240xi32, #tpu.memory_space<vmem>> -> memref<64xi32, #tpu.memory_space<vmem>>
        %dma_start3A_180 = arith.constant 0 : i32
        %dma_start3A_181 = arith.constant 0 : i32
        %dma_start3A_182 = tpu.memref_slice %arg2[%add3A_3, %dma_start3A_180, %dma_start3A_181] : memref<2x10240x128xf32, #tpu.memory_space<hbm>> -> memref<1x10240x128xf32, #tpu.memory_space<hbm>>
        %dma_start3A_183 = tpu.memref_squeeze %dma_start3A_182 : memref<1x10240x128xf32, #tpu.memory_space<hbm>> -> memref<10240x128xf32, #tpu.memory_space<hbm>>
        %dma_start3A_184 = arith.constant 0 : i32
        %dma_start3A_185 = arith.constant 0 : i32
        %dma_start3A_186 = tpu.memref_slice %dma_start3A_183[%dma_start3A_184, %dma_start3A_185] : memref<10240x128xf32, #tpu.memory_space<hbm>> -> memref<10240x128xf32, #tpu.memory_space<hbm>>
        tpu.enqueue_indirect_dma source(%dma_start3A_186 : memref<10240x128xf32, #tpu.memory_space<hbm>>) target(%arg12 : memref<64x128xf32, #tpu.memory_space<vmem>>) offsets(%dma_start3A_179 : memref<64xi32, #tpu.memory_space<vmem>>) semaphore(%arg17 : memref<!tpu.dma_semaphore, #tpu.memory_space<semaphore_mem>>)
        %mul3A_187 = arith.constant 10240 : i32
        %mul3A_188 = arith.muli %arg1, %mul3A_187 : i32
        %add3A_189 = arith.constant 4 : i32
        %add3A_190 = arith.addi %add3A_103, %add3A_189 : i32
        %mul3A_191 = arith.constant 64 : i32
        %mul3A_192 = arith.muli %add3A_190, %mul3A_191 : i32
        %add3A_193 = arith.addi %mul3A_188, %mul3A_192 : i32
        %dma_start3A_194 = tpu.memref_slice %arg4[%add3A_193] : memref<163840xi32, #tpu.memory_space<hbm>> -> memref<64xi32, #tpu.memory_space<hbm>>
        %dma_start3A_195 = tpu.memref_slice %arg4[%add3A_193] : memref<163840xi32, #tpu.memory_space<hbm>> -> memref<64xi32, #tpu.memory_space<hbm>>
        tpu.enqueue_dma source(%dma_start3A_195 : memref<64xi32, #tpu.memory_space<hbm>>) target(%arg8 : memref<64xi32, #tpu.memory_space<vmem>>) target_semaphore(%arg21 : memref<!tpu.dma_semaphore, #tpu.memory_space<semaphore_mem>>)
      } else {
      }
      %mul3A_125 = arith.constant 4 : i32
      %mul3A_126 = arith.muli %scan3A_78, %mul3A_125 : i32
      %add3A_127 = arith.constant 2 : i32
      %add3A_128 = arith.addi %mul3A_126, %add3A_127 : i32
      %mul3A_129 = arith.constant 64 : i32
      %mul3A_130 = arith.muli %add3A_128, %mul3A_129 : i32
      %dma_wait3A_131 = tpu.memref_slice %arg6[%mul3A_130] : memref<10240xi32, #tpu.memory_space<vmem>> -> memref<64xi32, #tpu.memory_space<vmem>>
      %dma_wait3A_132 = arith.constant 0 : i32
      %dma_wait3A_133 = arith.constant 0 : i32
      %dma_wait3A_134 = tpu.memref_slice %arg2[%add3A_3, %dma_wait3A_132, %dma_wait3A_133] : memref<2x10240x128xf32, #tpu.memory_space<hbm>> -> memref<1x10240x128xf32, #tpu.memory_space<hbm>>
      %dma_wait3A_135 = tpu.memref_squeeze %dma_wait3A_134 : memref<1x10240x128xf32, #tpu.memory_space<hbm>> -> memref<10240x128xf32, #tpu.memory_space<hbm>>
      %dma_wait3A_136 = arith.constant 0 : i32
      %dma_wait3A_137 = arith.constant 0 : i32
      %dma_wait3A_138 = tpu.memref_slice %dma_wait3A_135[%dma_wait3A_136, %dma_wait3A_137] : memref<10240x128xf32, #tpu.memory_space<hbm>> -> memref<10240x128xf32, #tpu.memory_space<hbm>>
      tpu.wait_indirect_dma semaphore(%arg18 : memref<!tpu.dma_semaphore, #tpu.memory_space<semaphore_mem>>) src(%dma_wait3A_138 : memref<10240x128xf32, #tpu.memory_space<hbm>>) dst(%arg13 : memref<64x128xf32, #tpu.memory_space<vmem>>)
      %dma_wait3A_139 = arith.constant 0 : i32
      %dma_wait3A_140 = tpu.memref_slice %arg4[%dma_wait3A_139] : memref<163840xi32, #tpu.memory_space<hbm>> -> memref<64xi32, #tpu.memory_space<hbm>>
      %dma_wait3A_141 = arith.constant 0 : i32
      %dma_wait3A_142 = tpu.memref_slice %arg4[%dma_wait3A_141] : memref<163840xi32, #tpu.memory_space<hbm>> -> memref<64xi32, #tpu.memory_space<hbm>>
      tpu.wait_dma2 semaphore(%arg22 : memref<!tpu.dma_semaphore, #tpu.memory_space<semaphore_mem>>) src(%dma_wait3A_142 : memref<64xi32, #tpu.memory_space<hbm>>) dst(%arg9 : memref<64xi32, #tpu.memory_space<vmem>>)
      "tpu.region"() ({
        %run_scoped3A = tpu.sem_alloc : memref<!tpu.dma_semaphore, #tpu.memory_space<semaphore_mem>>
        %dma_start3A_175 = arith.constant 0 : i32
        %dma_start3A_176 = arith.constant 0 : i32
        %dma_start3A_177 = tpu.memref_slice %arg15[%dma_start3A_175, %dma_start3A_176] : memref<10112x128xf32, #tpu.memory_space<vmem_shared>> -> memref<10112x128xf32, #tpu.memory_space<vmem_shared>>
        tpu.enqueue_indirect_dma source(%arg13 : memref<64x128xf32, #tpu.memory_space<vmem>>) target(%dma_start3A_177 : memref<10112x128xf32, #tpu.memory_space<vmem_shared>>) offsets(%arg9 : memref<64xi32, #tpu.memory_space<vmem>>) semaphore(%run_scoped3A : memref<!tpu.dma_semaphore, #tpu.memory_space<semaphore_mem>>) {add = true}
        %dma_wait3A_178 = arith.constant 0 : i32
        %dma_wait3A_179 = arith.constant 0 : i32
        %dma_wait3A_180 = tpu.memref_slice %arg15[%dma_wait3A_178, %dma_wait3A_179] : memref<10112x128xf32, #tpu.memory_space<vmem_shared>> -> memref<10112x128xf32, #tpu.memory_space<vmem_shared>>
        tpu.wait_indirect_dma semaphore(%run_scoped3A : memref<!tpu.dma_semaphore, #tpu.memory_space<semaphore_mem>>) src(%arg13 : memref<64x128xf32, #tpu.memory_space<vmem>>) dst(%dma_wait3A_180 : memref<10112x128xf32, #tpu.memory_space<vmem_shared>>)
        tpu.yield
      }) : () -> ()
      %add3A_143 = arith.constant 4 : i32
      %add3A_144 = arith.addi %add3A_128, %add3A_143 : i32
      %lt3A_145 = arith.constant 160 : i32
      %lt3A_146 = arith.cmpi slt, %add3A_144, %lt3A_145 : i32
      %convert_element_type3A_147 = arith.extui %lt3A_146 : i1 to i32
      %cond3A_148 = arith.constant 0 : i32
      %cond3A_149 = arith.cmpi ne, %convert_element_type3A_147, %cond3A_148 : i32
      scf.if %cond3A_149 {
        %add3A_175 = arith.constant 4 : i32
        %add3A_176 = arith.addi %add3A_128, %add3A_175 : i32
        %mul3A_177 = arith.constant 64 : i32
        %mul3A_178 = arith.muli %add3A_176, %mul3A_177 : i32
        %dma_start3A_179 = tpu.memref_slice %arg6[%mul3A_178] : memref<10240xi32, #tpu.memory_space<vmem>> -> memref<64xi32, #tpu.memory_space<vmem>>
        %dma_start3A_180 = arith.constant 0 : i32
        %dma_start3A_181 = arith.constant 0 : i32
        %dma_start3A_182 = tpu.memref_slice %arg2[%add3A_3, %dma_start3A_180, %dma_start3A_181] : memref<2x10240x128xf32, #tpu.memory_space<hbm>> -> memref<1x10240x128xf32, #tpu.memory_space<hbm>>
        %dma_start3A_183 = tpu.memref_squeeze %dma_start3A_182 : memref<1x10240x128xf32, #tpu.memory_space<hbm>> -> memref<10240x128xf32, #tpu.memory_space<hbm>>
        %dma_start3A_184 = arith.constant 0 : i32
        %dma_start3A_185 = arith.constant 0 : i32
        %dma_start3A_186 = tpu.memref_slice %dma_start3A_183[%dma_start3A_184, %dma_start3A_185] : memref<10240x128xf32, #tpu.memory_space<hbm>> -> memref<10240x128xf32, #tpu.memory_space<hbm>>
        tpu.enqueue_indirect_dma source(%dma_start3A_186 : memref<10240x128xf32, #tpu.memory_space<hbm>>) target(%arg13 : memref<64x128xf32, #tpu.memory_space<vmem>>) offsets(%dma_start3A_179 : memref<64xi32, #tpu.memory_space<vmem>>) semaphore(%arg18 : memref<!tpu.dma_semaphore, #tpu.memory_space<semaphore_mem>>)
        %mul3A_187 = arith.constant 10240 : i32
        %mul3A_188 = arith.muli %arg1, %mul3A_187 : i32
        %add3A_189 = arith.constant 4 : i32
        %add3A_190 = arith.addi %add3A_128, %add3A_189 : i32
        %mul3A_191 = arith.constant 64 : i32
        %mul3A_192 = arith.muli %add3A_190, %mul3A_191 : i32
        %add3A_193 = arith.addi %mul3A_188, %mul3A_192 : i32
        %dma_start3A_194 = tpu.memref_slice %arg4[%add3A_193] : memref<163840xi32, #tpu.memory_space<hbm>> -> memref<64xi32, #tpu.memory_space<hbm>>
        %dma_start3A_195 = tpu.memref_slice %arg4[%add3A_193] : memref<163840xi32, #tpu.memory_space<hbm>> -> memref<64xi32, #tpu.memory_space<hbm>>
        tpu.enqueue_dma source(%dma_start3A_195 : memref<64xi32, #tpu.memory_space<hbm>>) target(%arg9 : memref<64xi32, #tpu.memory_space<vmem>>) target_semaphore(%arg22 : memref<!tpu.dma_semaphore, #tpu.memory_space<semaphore_mem>>)
      } else {
      }
      %mul3A_150 = arith.constant 4 : i32
      %mul3A_151 = arith.muli %scan3A_78, %mul3A_150 : i32
      %add3A_152 = arith.constant 3 : i32
      %add3A_153 = arith.addi %mul3A_151, %add3A_152 : i32
      %mul3A_154 = arith.constant 64 : i32
      %mul3A_155 = arith.muli %add3A_153, %mul3A_154 : i32
      %dma_wait3A_156 = tpu.memref_slice %arg6[%mul3A_155] : memref<10240xi32, #tpu.memory_space<vmem>> -> memref<64xi32, #tpu.memory_space<vmem>>
      %dma_wait3A_157 = arith.constant 0 : i32
      %dma_wait3A_158 = arith.constant 0 : i32
      %dma_wait3A_159 = tpu.memref_slice %arg2[%add3A_3, %dma_wait3A_157, %dma_wait3A_158] : memref<2x10240x128xf32, #tpu.memory_space<hbm>> -> memref<1x10240x128xf32, #tpu.memory_space<hbm>>
      %dma_wait3A_160 = tpu.memref_squeeze %dma_wait3A_159 : memref<1x10240x128xf32, #tpu.memory_space<hbm>> -> memref<10240x128xf32, #tpu.memory_space<hbm>>
      %dma_wait3A_161 = arith.constant 0 : i32
      %dma_wait3A_162 = arith.constant 0 : i32
      %dma_wait3A_163 = tpu.memref_slice %dma_wait3A_160[%dma_wait3A_161, %dma_wait3A_162] : memref<10240x128xf32, #tpu.memory_space<hbm>> -> memref<10240x128xf32, #tpu.memory_space<hbm>>
      tpu.wait_indirect_dma semaphore(%arg19 : memref<!tpu.dma_semaphore, #tpu.memory_space<semaphore_mem>>) src(%dma_wait3A_163 : memref<10240x128xf32, #tpu.memory_space<hbm>>) dst(%arg14 : memref<64x128xf32, #tpu.memory_space<vmem>>)
      %dma_wait3A_164 = arith.constant 0 : i32
      %dma_wait3A_165 = tpu.memref_slice %arg4[%dma_wait3A_164] : memref<163840xi32, #tpu.memory_space<hbm>> -> memref<64xi32, #tpu.memory_space<hbm>>
      %dma_wait3A_166 = arith.constant 0 : i32
      %dma_wait3A_167 = tpu.memref_slice %arg4[%dma_wait3A_166] : memref<163840xi32, #tpu.memory_space<hbm>> -> memref<64xi32, #tpu.memory_space<hbm>>
      tpu.wait_dma2 semaphore(%arg23 : memref<!tpu.dma_semaphore, #tpu.memory_space<semaphore_mem>>) src(%dma_wait3A_167 : memref<64xi32, #tpu.memory_space<hbm>>) dst(%arg10 : memref<64xi32, #tpu.memory_space<vmem>>)
      "tpu.region"() ({
        %run_scoped3A = tpu.sem_alloc : memref<!tpu.dma_semaphore, #tpu.memory_space<semaphore_mem>>
        %dma_start3A_175 = arith.constant 0 : i32
        %dma_start3A_176 = arith.constant 0 : i32
        %dma_start3A_177 = tpu.memref_slice %arg15[%dma_start3A_175, %dma_start3A_176] : memref<10112x128xf32, #tpu.memory_space<vmem_shared>> -> memref<10112x128xf32, #tpu.memory_space<vmem_shared>>
        tpu.enqueue_indirect_dma source(%arg14 : memref<64x128xf32, #tpu.memory_space<vmem>>) target(%dma_start3A_177 : memref<10112x128xf32, #tpu.memory_space<vmem_shared>>) offsets(%arg10 : memref<64xi32, #tpu.memory_space<vmem>>) semaphore(%run_scoped3A : memref<!tpu.dma_semaphore, #tpu.memory_space<semaphore_mem>>) {add = true}
        %dma_wait3A_178 = arith.constant 0 : i32
        %dma_wait3A_179 = arith.constant 0 : i32
        %dma_wait3A_180 = tpu.memref_slice %arg15[%dma_wait3A_178, %dma_wait3A_179] : memref<10112x128xf32, #tpu.memory_space<vmem_shared>> -> memref<10112x128xf32, #tpu.memory_space<vmem_shared>>
        tpu.wait_indirect_dma semaphore(%run_scoped3A : memref<!tpu.dma_semaphore, #tpu.memory_space<semaphore_mem>>) src(%arg14 : memref<64x128xf32, #tpu.memory_space<vmem>>) dst(%dma_wait3A_180 : memref<10112x128xf32, #tpu.memory_space<vmem_shared>>)
        tpu.yield
      }) : () -> ()
      %add3A_168 = arith.constant 4 : i32
      %add3A_169 = arith.addi %add3A_153, %add3A_168 : i32
      %lt3A_170 = arith.constant 160 : i32
      %lt3A_171 = arith.cmpi slt, %add3A_169, %lt3A_170 : i32
      %convert_element_type3A_172 = arith.extui %lt3A_171 : i1 to i32
      %cond3A_173 = arith.constant 0 : i32
      %cond3A_174 = arith.cmpi ne, %convert_element_type3A_172, %cond3A_173 : i32
      scf.if %cond3A_174 {
        %add3A_175 = arith.constant 4 : i32
        %add3A_176 = arith.addi %add3A_153, %add3A_175 : i32
        %mul3A_177 = arith.constant 64 : i32
        %mul3A_178 = arith.muli %add3A_176, %mul3A_177 : i32
        %dma_start3A_179 = tpu.memref_slice %arg6[%mul3A_178] : memref<10240xi32, #tpu.memory_space<vmem>> -> memref<64xi32, #tpu.memory_space<vmem>>
        %dma_start3A_180 = arith.constant 0 : i32
        %dma_start3A_181 = arith.constant 0 : i32
        %dma_start3A_182 = tpu.memref_slice %arg2[%add3A_3, %dma_start3A_180, %dma_start3A_181] : memref<2x10240x128xf32, #tpu.memory_space<hbm>> -> memref<1x10240x128xf32, #tpu.memory_space<hbm>>
        %dma_start3A_183 = tpu.memref_squeeze %dma_start3A_182 : memref<1x10240x128xf32, #tpu.memory_space<hbm>> -> memref<10240x128xf32, #tpu.memory_space<hbm>>
        %dma_start3A_184 = arith.constant 0 : i32
        %dma_start3A_185 = arith.constant 0 : i32
        %dma_start3A_186 = tpu.memref_slice %dma_start3A_183[%dma_start3A_184, %dma_start3A_185] : memref<10240x128xf32, #tpu.memory_space<hbm>> -> memref<10240x128xf32, #tpu.memory_space<hbm>>
        tpu.enqueue_indirect_dma source(%dma_start3A_186 : memref<10240x128xf32, #tpu.memory_space<hbm>>) target(%arg14 : memref<64x128xf32, #tpu.memory_space<vmem>>) offsets(%dma_start3A_179 : memref<64xi32, #tpu.memory_space<vmem>>) semaphore(%arg19 : memref<!tpu.dma_semaphore, #tpu.memory_space<semaphore_mem>>)
        %mul3A_187 = arith.constant 10240 : i32
        %mul3A_188 = arith.muli %arg1, %mul3A_187 : i32
        %add3A_189 = arith.constant 4 : i32
        %add3A_190 = arith.addi %add3A_153, %add3A_189 : i32
        %mul3A_191 = arith.constant 64 : i32
        %mul3A_192 = arith.muli %add3A_190, %mul3A_191 : i32
        %add3A_193 = arith.addi %mul3A_188, %mul3A_192 : i32
        %dma_start3A_194 = tpu.memref_slice %arg4[%add3A_193] : memref<163840xi32, #tpu.memory_space<hbm>> -> memref<64xi32, #tpu.memory_space<hbm>>
        %dma_start3A_195 = tpu.memref_slice %arg4[%add3A_193] : memref<163840xi32, #tpu.memory_space<hbm>> -> memref<64xi32, #tpu.memory_space<hbm>>
        tpu.enqueue_dma source(%dma_start3A_195 : memref<64xi32, #tpu.memory_space<hbm>>) target(%arg10 : memref<64xi32, #tpu.memory_space<vmem>>) target_semaphore(%arg23 : memref<!tpu.dma_semaphore, #tpu.memory_space<semaphore_mem>>)
      } else {
      }
    }
    %scan3A_71 = arith.constant 40 : i32
    %barrier3A_72 = arith.constant 0 : index
    tpu.barrier barrier_id(%barrier3A_72)
    %mul3A_73 = arith.constant 632 : i32
    %mul3A_74 = arith.muli %arg1, %mul3A_73 : i32
    %mul3A_75 = arith.constant 632 : i32
    %mul3A_76 = arith.muli %arg1, %mul3A_75 : i32
    "tpu.region"() ({
      %run_scoped3A = tpu.sem_alloc : memref<!tpu.dma_semaphore, #tpu.memory_space<semaphore_mem>>
      %dma_start3A_78 = arith.constant 0 : i32
      %dma_start3A_79 = arith.constant 0 : i32
      %dma_start3A_80 = tpu.memref_slice %arg5[%add3A_3, %dma_start3A_78, %dma_start3A_79] : memref<2x10240x128xf32, #tpu.memory_space<hbm>> -> memref<1x10240x128xf32, #tpu.memory_space<hbm>>
      %dma_start3A_81 = tpu.memref_squeeze %dma_start3A_80 : memref<1x10240x128xf32, #tpu.memory_space<hbm>> -> memref<10240x128xf32, #tpu.memory_space<hbm>>
      %dma_start3A_82 = arith.constant 0 : i32
      %dma_start3A_83 = tpu.memref_slice %dma_start3A_81[%mul3A_76, %dma_start3A_82] : memref<10240x128xf32, #tpu.memory_space<hbm>> -> memref<632x128xf32, #tpu.memory_space<hbm>>
      %dma_start3A_84 = arith.constant 0 : i32
      %dma_start3A_85 = tpu.memref_slice %arg15[%mul3A_74, %dma_start3A_84] : memref<10112x128xf32, #tpu.memory_space<vmem_shared>> -> memref<632x128xf32, #tpu.memory_space<vmem_shared>>
      tpu.enqueue_dma source(%dma_start3A_85 : memref<632x128xf32, #tpu.memory_space<vmem_shared>>) target(%dma_start3A_83 : memref<632x128xf32, #tpu.memory_space<hbm>>) target_semaphore(%run_scoped3A : memref<!tpu.dma_semaphore, #tpu.memory_space<semaphore_mem>>)
      %dma_wait3A = arith.constant 0 : i32
      %dma_wait3A_86 = arith.constant 0 : i32
      %dma_wait3A_87 = tpu.memref_slice %arg5[%add3A_3, %dma_wait3A, %dma_wait3A_86] : memref<2x10240x128xf32, #tpu.memory_space<hbm>> -> memref<1x10240x128xf32, #tpu.memory_space<hbm>>
      %dma_wait3A_88 = tpu.memref_squeeze %dma_wait3A_87 : memref<1x10240x128xf32, #tpu.memory_space<hbm>> -> memref<10240x128xf32, #tpu.memory_space<hbm>>
      %dma_wait3A_89 = arith.constant 0 : i32
      %dma_wait3A_90 = tpu.memref_slice %dma_wait3A_88[%mul3A_76, %dma_wait3A_89] : memref<10240x128xf32, #tpu.memory_space<hbm>> -> memref<632x128xf32, #tpu.memory_space<hbm>>
      %dma_wait3A_91 = arith.constant 0 : i32
      %dma_wait3A_92 = tpu.memref_slice %arg15[%mul3A_74, %dma_wait3A_91] : memref<10112x128xf32, #tpu.memory_space<vmem_shared>> -> memref<632x128xf32, #tpu.memory_space<vmem_shared>>
      tpu.wait_dma2 semaphore(%run_scoped3A : memref<!tpu.dma_semaphore, #tpu.memory_space<semaphore_mem>>) src(%dma_wait3A_92 : memref<632x128xf32, #tpu.memory_space<vmem_shared>>) dst(%dma_wait3A_90 : memref<632x128xf32, #tpu.memory_space<hbm>>)
      tpu.yield
    }) : () -> ()
    %barrier3A_77 = arith.constant 0 : index
    tpu.barrier barrier_id(%barrier3A_77)
    return
  }
}

module attributes {stable_mosaic.version = 14 : i64} {
  func.func @_kin_body(%arg0: i32, %arg1: memref<640x1xf32, #tpu.memory_space<vmem>>, %arg2: memref<640x256xf32, #tpu.memory_space<vmem>>, %arg3: memref<2x640x128xf32, #tpu.memory_space<vmem>>, %arg4: memref<1x512xf32, #tpu.memory_space<vmem>>, %arg5: memref<1x512xf32, #tpu.memory_space<vmem>>, %arg6: memref<512x256xf32, #tpu.memory_space<vmem>>, %arg7: memref<1x256xf32, #tpu.memory_space<vmem>>, %arg8: memref<512x512xf32, #tpu.memory_space<vmem>>, %arg9: memref<4x640x128xf32, #tpu.memory_space<vmem>>, %arg10: memref<640x1xf32, #tpu.memory_space<vmem>>) attributes {dimension_semantics = [#tpu.dimension_semantics<arbitrary>], iteration_bounds = array<i64: 16>, scalar_prefetch = 0 : i64, scratch_operands = 0 : i64, tpu.core_type = #tpu.core_type<tc>, window_params = [{transform_indices = @transform_0, window_bounds = array<i64: 640, 1>}, {transform_indices = @transform_1, window_bounds = array<i64: 640, 256>}, {transform_indices = @transform_2, window_bounds = array<i64: 2, 640, 128>}, {pipeline_mode = #tpu.pipeline_mode<synchronous>, transform_indices = @transform_3, window_bounds = array<i64: 1, 512>}, {pipeline_mode = #tpu.pipeline_mode<synchronous>, transform_indices = @transform_4, window_bounds = array<i64: 1, 512>}, {pipeline_mode = #tpu.pipeline_mode<synchronous>, transform_indices = @transform_5, window_bounds = array<i64: 512, 256>}, {pipeline_mode = #tpu.pipeline_mode<synchronous>, transform_indices = @transform_6, window_bounds = array<i64: 1, 256>}, {pipeline_mode = #tpu.pipeline_mode<synchronous>, transform_indices = @transform_7, window_bounds = array<i64: 512, 512>}, {transform_indices = @transform_8, window_bounds = array<i64: 4, 640, 128>}, {transform_indices = @transform_9, window_bounds = array<i64: 640, 1>}]} {
    %get3A = arith.constant 0 : index
    %get3A_0 = arith.constant 0 : index
    %get3A_1 = arith.constant 0 : index
    %get3A_2 = vector.load %arg3[%get3A, %get3A_0, %get3A_1] : memref<2x640x128xf32, #tpu.memory_space<vmem>>, vector<1x640x1xf32>
    %get3A_3 = vector.shape_cast %get3A_2 : vector<1x640x1xf32> to vector<640xf32>
    %get3A_4 = arith.constant 1 : index
    %get3A_5 = arith.constant 0 : index
    %get3A_6 = arith.constant 0 : index
    %get3A_7 = vector.load %arg3[%get3A_4, %get3A_5, %get3A_6] : memref<2x640x128xf32, #tpu.memory_space<vmem>>, vector<1x640x1xf32>
    %get3A_8 = vector.shape_cast %get3A_7 : vector<1x640x1xf32> to vector<640xf32>
    %add3A = arith.addf %get3A_3, %get3A_8 : vector<640xf32>
    %add3A_9 = arith.constant 1.000000e+00 : f32
    %add3A_10 = vector.broadcast %add3A_9 : f32 to vector<640xf32>
    %add3A_11 = arith.addf %add3A_10, %add3A : vector<640xf32>
    %rsqrt3A = math.rsqrt %add3A_11 : vector<640xf32>
    %broadcast_in_dim3A = vector.shape_cast %rsqrt3A : vector<640xf32> to vector<640x1xf32>
    %swap3A = arith.constant 0 : index
    %swap3A_12 = arith.constant 0 : index
    %swap3A_13 = vector.load %arg10[%swap3A, %swap3A_12] : memref<640x1xf32, #tpu.memory_space<vmem>>, vector<640x1xf32>
    tpu.vector_store %arg10[%swap3A, %swap3A_12], %broadcast_in_dim3A {strides = array<i32>} : memref<640x1xf32, #tpu.memory_space<vmem>>, vector<640x1xf32>,
    %get3A_14 = arith.constant 0 : index
    %get3A_15 = arith.constant 0 : index
    %get3A_16 = vector.load %arg1[%get3A_14, %get3A_15] : memref<640x1xf32, #tpu.memory_space<vmem>>, vector<640x1xf32>
    %get3A_17 = arith.constant 0 : index
    %get3A_18 = arith.constant 0 : index
    %get3A_19 = vector.load %arg4[%get3A_17, %get3A_18] : memref<1x512xf32, #tpu.memory_space<vmem>>, vector<1x512xf32>
    %mul3A = vector.broadcast %get3A_16 : vector<640x1xf32> to vector<640x512xf32>
    %mul3A_20 = vector.broadcast %get3A_19 : vector<1x512xf32> to vector<640x512xf32>
    %mul3A_21 = arith.mulf %mul3A, %mul3A_20 : vector<640x512xf32>
    %get3A_22 = arith.constant 0 : index
    %get3A_23 = arith.constant 0 : index
    %get3A_24 = vector.load %arg5[%get3A_22, %get3A_23] : memref<1x512xf32, #tpu.memory_space<vmem>>, vector<1x512xf32>
    %add3A_25 = vector.broadcast %get3A_24 : vector<1x512xf32> to vector<640x512xf32>
    %add3A_26 = arith.addf %mul3A_21, %add3A_25 : vector<640x512xf32>
    %logistic3A = arith.negf %add3A_26 : vector<640x512xf32>
    %logistic3A_27 = math.exp %logistic3A : vector<640x512xf32>
    %logistic3A_28 = arith.constant 1.000000e+00 : f32
    %logistic3A_29 = vector.broadcast %logistic3A_28 : f32 to vector<640x512xf32>
    %logistic3A_30 = arith.addf %logistic3A_29, %logistic3A_27 : vector<640x512xf32>
    %logistic3A_31 = arith.divf %logistic3A_29, %logistic3A_30 : vector<640x512xf32>
    %mul3A_32 = arith.mulf %add3A_26, %logistic3A_31 : vector<640x512xf32>
    %get3A_33 = arith.constant 0 : index
    %get3A_34 = arith.constant 0 : index
    %get3A_35 = vector.load %arg6[%get3A_33, %get3A_34] : memref<512x256xf32, #tpu.memory_space<vmem>>, vector<512x256xf32>
    %convert_element_type3A = arith.truncf %mul3A_32 : vector<640x512xf32> to vector<640x512xbf16>
    %convert_element_type3A_36 = arith.truncf %get3A_35 : vector<512x256xf32> to vector<512x256xbf16>
    %dot_general3A = arith.constant dense<0.000000e+00> : vector<640x256xf32>
    %dot_general3A_37 = tpu.matmul %convert_element_type3A, %convert_element_type3A_36, %dot_general3A {dimension_numbers = #tpu.dot_dimension_numbers<[1], [0], [0], [1], [0, 0, 1, 1], [], []>, transpose_lhs_hint = false} : vector<640x512xbf16>, vector<512x256xbf16>, vector<640x256xf32> -> vector<640x256xf32>
    %get3A_38 = arith.constant 0 : index
    %get3A_39 = arith.constant 0 : index
    %get3A_40 = vector.load %arg7[%get3A_38, %get3A_39] : memref<1x256xf32, #tpu.memory_space<vmem>>, vector<1x256xf32>
    %add3A_41 = vector.broadcast %get3A_40 : vector<1x256xf32> to vector<640x256xf32>
    %add3A_42 = arith.addf %dot_general3A_37, %add3A_41 : vector<640x256xf32>
    %get3A_43 = arith.constant 0 : index
    %get3A_44 = arith.constant 0 : index
    %get3A_45 = vector.load %arg2[%get3A_43, %get3A_44] : memref<640x256xf32, #tpu.memory_space<vmem>>, vector<640x256xf32>
    %get3A_46 = arith.constant 0 : index
    %get3A_47 = arith.constant 0 : index
    %get3A_48 = vector.load %arg8[%get3A_46, %get3A_47] : memref<512x512xf32, #tpu.memory_space<vmem>>, vector<256x512xf32>
    %convert_element_type3A_49 = arith.truncf %get3A_45 : vector<640x256xf32> to vector<640x256xbf16>
    %convert_element_type3A_50 = arith.truncf %get3A_48 : vector<256x512xf32> to vector<256x512xbf16>
    %dot_general3A_51 = arith.constant dense<0.000000e+00> : vector<640x512xf32>
    %dot_general3A_52 = tpu.matmul %convert_element_type3A_49, %convert_element_type3A_50, %dot_general3A_51 {dimension_numbers = #tpu.dot_dimension_numbers<[1], [0], [0], [1], [0, 0, 1, 1], [], []>, transpose_lhs_hint = false} : vector<640x256xbf16>, vector<256x512xbf16>, vector<640x512xf32> -> vector<640x512xf32>
    %get3A_53 = arith.constant 256 : index
    %get3A_54 = arith.constant 0 : index
    %get3A_55 = vector.load %arg8[%get3A_53, %get3A_54] : memref<512x512xf32, #tpu.memory_space<vmem>>, vector<256x512xf32>
    %convert_element_type3A_56 = arith.truncf %add3A_42 : vector<640x256xf32> to vector<640x256xbf16>
    %convert_element_type3A_57 = arith.truncf %get3A_55 : vector<256x512xf32> to vector<256x512xbf16>
    %dot_general3A_58 = arith.constant dense<0.000000e+00> : vector<640x512xf32>
    %dot_general3A_59 = tpu.matmul %convert_element_type3A_56, %convert_element_type3A_57, %dot_general3A_58 {dimension_numbers = #tpu.dot_dimension_numbers<[1], [0], [0], [1], [0, 0, 1, 1], [], []>, transpose_lhs_hint = false} : vector<640x256xbf16>, vector<256x512xbf16>, vector<640x512xf32> -> vector<640x512xf32>
    %add3A_60 = arith.addf %dot_general3A_52, %dot_general3A_59 : vector<640x512xf32>
    %mul3A_61 = vector.broadcast %broadcast_in_dim3A : vector<640x1xf32> to vector<640x512xf32>
    %mul3A_62 = arith.mulf %add3A_60, %mul3A_61 : vector<640x512xf32>
    %slice3A = vector.extract_strided_slice %mul3A_62 {offsets = [0, 0], sizes = [640, 128], strides = [1, 1]} : vector<640x512xf32> to vector<640x128xf32>
    %swap3A_63 = arith.constant 0 : index
    %swap3A_64 = arith.constant 0 : index
    %swap3A_65 = arith.constant 0 : index
    %swap3A_66 = vector.load %arg9[%swap3A_63, %swap3A_64, %swap3A_65] : memref<4x640x128xf32, #tpu.memory_space<vmem>>, vector<1x640x128xf32>
    %swap3A_67 = vector.shape_cast %swap3A_66 : vector<1x640x128xf32> to vector<640x128xf32>
    %swap3A_68 = vector.shape_cast %slice3A : vector<640x128xf32> to vector<1x640x128xf32>
    tpu.vector_store %arg9[%swap3A_63, %swap3A_64, %swap3A_65], %swap3A_68 {strides = array<i32>} : memref<4x640x128xf32, #tpu.memory_space<vmem>>, vector<1x640x128xf32>,
    %slice3A_69 = vector.extract_strided_slice %mul3A_62 {offsets = [0, 128], sizes = [640, 128], strides = [1, 1]} : vector<640x512xf32> to vector<640x128xf32>
    %swap3A_70 = arith.constant 1 : index
    %swap3A_71 = arith.constant 0 : index
    %swap3A_72 = arith.constant 0 : index
    %swap3A_73 = vector.load %arg9[%swap3A_70, %swap3A_71, %swap3A_72] : memref<4x640x128xf32, #tpu.memory_space<vmem>>, vector<1x640x128xf32>
    %swap3A_74 = vector.shape_cast %swap3A_73 : vector<1x640x128xf32> to vector<640x128xf32>
    %swap3A_75 = vector.shape_cast %slice3A_69 : vector<640x128xf32> to vector<1x640x128xf32>
    tpu.vector_store %arg9[%swap3A_70, %swap3A_71, %swap3A_72], %swap3A_75 {strides = array<i32>} : memref<4x640x128xf32, #tpu.memory_space<vmem>>, vector<1x640x128xf32>,
    %slice3A_76 = vector.extract_strided_slice %mul3A_62 {offsets = [0, 256], sizes = [640, 128], strides = [1, 1]} : vector<640x512xf32> to vector<640x128xf32>
    %swap3A_77 = arith.constant 2 : index
    %swap3A_78 = arith.constant 0 : index
    %swap3A_79 = arith.constant 0 : index
    %swap3A_80 = vector.load %arg9[%swap3A_77, %swap3A_78, %swap3A_79] : memref<4x640x128xf32, #tpu.memory_space<vmem>>, vector<1x640x128xf32>
    %swap3A_81 = vector.shape_cast %swap3A_80 : vector<1x640x128xf32> to vector<640x128xf32>
    %swap3A_82 = vector.shape_cast %slice3A_76 : vector<640x128xf32> to vector<1x640x128xf32>
    tpu.vector_store %arg9[%swap3A_77, %swap3A_78, %swap3A_79], %swap3A_82 {strides = array<i32>} : memref<4x640x128xf32, #tpu.memory_space<vmem>>, vector<1x640x128xf32>,
    %slice3A_83 = vector.extract_strided_slice %mul3A_62 {offsets = [0, 384], sizes = [640, 128], strides = [1, 1]} : vector<640x512xf32> to vector<640x128xf32>
    %swap3A_84 = arith.constant 3 : index
    %swap3A_85 = arith.constant 0 : index
    %swap3A_86 = arith.constant 0 : index
    %swap3A_87 = vector.load %arg9[%swap3A_84, %swap3A_85, %swap3A_86] : memref<4x640x128xf32, #tpu.memory_space<vmem>>, vector<1x640x128xf32>
    %swap3A_88 = vector.shape_cast %swap3A_87 : vector<1x640x128xf32> to vector<640x128xf32>
    %swap3A_89 = vector.shape_cast %slice3A_83 : vector<640x128xf32> to vector<1x640x128xf32>
    tpu.vector_store %arg9[%swap3A_84, %swap3A_85, %swap3A_86], %swap3A_89 {strides = array<i32>} : memref<4x640x128xf32, #tpu.memory_space<vmem>>, vector<1x640x128xf32>,
    return
  }
  func.func @transform_0(%arg0: i32) -> (i32, i32) {
    %c0_i32 = arith.constant 0 : i32
    %c0_i32_0 = arith.constant 0 : i32
    return %arg0, %c0_i32 : i32, i32
  }
  func.func @transform_1(%arg0: i32) -> (i32, i32) {
    %c0_i32 = arith.constant 0 : i32
    %c0_i32_0 = arith.constant 0 : i32
    return %arg0, %c0_i32 : i32, i32
  }
  func.func @transform_2(%arg0: i32) -> (i32, i32, i32) {
    %c0_i32 = arith.constant 0 : i32
    %c0_i32_0 = arith.constant 0 : i32
    %c0_i32_1 = arith.constant 0 : i32
    return %c0_i32, %arg0, %c0_i32_0 : i32, i32, i32
  }
  func.func @transform_3(%arg0: i32) -> (i32, i32) {
    %c0_i32 = arith.constant 0 : i32
    %c0_i32_0 = arith.constant 0 : i32
    %c0_i32_1 = arith.constant 0 : i32
    return %c0_i32, %c0_i32_0 : i32, i32
  }
  func.func @transform_4(%arg0: i32) -> (i32, i32) {
    %c0_i32 = arith.constant 0 : i32
    %c0_i32_0 = arith.constant 0 : i32
    %c0_i32_1 = arith.constant 0 : i32
    return %c0_i32, %c0_i32_0 : i32, i32
  }
  func.func @transform_5(%arg0: i32) -> (i32, i32) {
    %c0_i32 = arith.constant 0 : i32
    %c0_i32_0 = arith.constant 0 : i32
    %c0_i32_1 = arith.constant 0 : i32
    return %c0_i32, %c0_i32_0 : i32, i32
  }
  func.func @transform_6(%arg0: i32) -> (i32, i32) {
    %c0_i32 = arith.constant 0 : i32
    %c0_i32_0 = arith.constant 0 : i32
    %c0_i32_1 = arith.constant 0 : i32
    return %c0_i32, %c0_i32_0 : i32, i32
  }
  func.func @transform_7(%arg0: i32) -> (i32, i32) {
    %c0_i32 = arith.constant 0 : i32
    %c0_i32_0 = arith.constant 0 : i32
    %c0_i32_1 = arith.constant 0 : i32
    return %c0_i32, %c0_i32_0 : i32, i32
  }
  func.func @transform_8(%arg0: i32) -> (i32, i32, i32) {
    %c0_i32 = arith.constant 0 : i32
    %c0_i32_0 = arith.constant 0 : i32
    %c0_i32_1 = arith.constant 0 : i32
    return %c0_i32, %arg0, %c0_i32_0 : i32, i32, i32
  }
  func.func @transform_9(%arg0: i32) -> (i32, i32) {
    %c0_i32 = arith.constant 0 : i32
    %c0_i32_0 = arith.constant 0 : i32
    return %arg0, %c0_i32 : i32, i32
  }
}

module attributes {stable_mosaic.version = 14 : i64} {
  func.func @_kmid_body(%arg0: i32, %arg1: memref<4x640x128xf32, #tpu.memory_space<vmem>>, %arg2: memref<640x1xf32, #tpu.memory_space<vmem>>, %arg3: memref<1x512xf32, #tpu.memory_space<vmem>>, %arg4: memref<1x512xf32, #tpu.memory_space<vmem>>, %arg5: memref<1x512xf32, #tpu.memory_space<vmem>>, %arg6: memref<512x512xf32, #tpu.memory_space<vmem>>, %arg7: memref<4x640x128xf32, #tpu.memory_space<vmem>>, %arg8: memref<640x512xf32, #tpu.memory_space<vmem>>) attributes {dimension_semantics = [#tpu.dimension_semantics<arbitrary>], iteration_bounds = array<i64: 16>, scalar_prefetch = 0 : i64, scratch_operands = 0 : i64, tpu.core_type = #tpu.core_type<tc>, window_params = [{transform_indices = @transform_0, window_bounds = array<i64: 4, 640, 128>}, {transform_indices = @transform_1, window_bounds = array<i64: 640, 1>}, {pipeline_mode = #tpu.pipeline_mode<synchronous>, transform_indices = @transform_2, window_bounds = array<i64: 1, 512>}, {pipeline_mode = #tpu.pipeline_mode<synchronous>, transform_indices = @transform_3, window_bounds = array<i64: 1, 512>}, {pipeline_mode = #tpu.pipeline_mode<synchronous>, transform_indices = @transform_4, window_bounds = array<i64: 1, 512>}, {pipeline_mode = #tpu.pipeline_mode<synchronous>, transform_indices = @transform_5, window_bounds = array<i64: 512, 512>}, {transform_indices = @transform_6, window_bounds = array<i64: 4, 640, 128>}, {transform_indices = @transform_7, window_bounds = array<i64: 640, 512>}]} {
    %get3A = arith.constant 0 : index
    %get3A_0 = arith.constant 0 : index
    %get3A_1 = arith.constant 0 : index
    %get3A_2 = vector.load %arg1[%get3A, %get3A_0, %get3A_1] : memref<4x640x128xf32, #tpu.memory_space<vmem>>, vector<1x640x128xf32>
    %get3A_3 = vector.shape_cast %get3A_2 : vector<1x640x128xf32> to vector<640x128xf32>
    %get3A_4 = arith.constant 1 : index
    %get3A_5 = arith.constant 0 : index
    %get3A_6 = arith.constant 0 : index
    %get3A_7 = vector.load %arg1[%get3A_4, %get3A_5, %get3A_6] : memref<4x640x128xf32, #tpu.memory_space<vmem>>, vector<1x640x128xf32>
    %get3A_8 = vector.shape_cast %get3A_7 : vector<1x640x128xf32> to vector<640x128xf32>
    %get3A_9 = arith.constant 2 : index
    %get3A_10 = arith.constant 0 : index
    %get3A_11 = arith.constant 0 : index
    %get3A_12 = vector.load %arg1[%get3A_9, %get3A_10, %get3A_11] : memref<4x640x128xf32, #tpu.memory_space<vmem>>, vector<1x640x128xf32>
    %get3A_13 = vector.shape_cast %get3A_12 : vector<1x640x128xf32> to vector<640x128xf32>
    %get3A_14 = arith.constant 3 : index
    %get3A_15 = arith.constant 0 : index
    %get3A_16 = arith.constant 0 : index
    %get3A_17 = vector.load %arg1[%get3A_14, %get3A_15, %get3A_16] : memref<4x640x128xf32, #tpu.memory_space<vmem>>, vector<1x640x128xf32>
    %get3A_18 = vector.shape_cast %get3A_17 : vector<1x640x128xf32> to vector<640x128xf32>
    %concatenate3A = tpu.concatenate %get3A_3, %get3A_8, %get3A_13, %get3A_18 in 1 : vector<640x128xf32>, vector<640x128xf32>, vector<640x128xf32>, vector<640x128xf32> -> vector<640x512xf32>
    %get3A_19 = arith.constant 0 : index
    %get3A_20 = arith.constant 0 : index
    %get3A_21 = vector.load %arg2[%get3A_19, %get3A_20] : memref<640x1xf32, #tpu.memory_space<vmem>>, vector<640x1xf32>
    %mul3A = vector.broadcast %get3A_21 : vector<640x1xf32> to vector<640x512xf32>
    %mul3A_22 = arith.mulf %concatenate3A, %mul3A : vector<640x512xf32>
    %get3A_23 = arith.constant 0 : index
    %get3A_24 = arith.constant 0 : index
    %get3A_25 = vector.load %arg3[%get3A_23, %get3A_24] : memref<1x512xf32, #tpu.memory_space<vmem>>, vector<1x512xf32>
    %add3A = vector.broadcast %get3A_25 : vector<1x512xf32> to vector<640x512xf32>
    %add3A_26 = arith.addf %mul3A_22, %add3A : vector<640x512xf32>
    %get3A_27 = arith.constant 0 : index
    %get3A_28 = arith.constant 0 : index
    %get3A_29 = vector.load %arg4[%get3A_27, %get3A_28] : memref<1x512xf32, #tpu.memory_space<vmem>>, vector<1x512xf32>
    %get3A_30 = arith.constant 0 : index
    %get3A_31 = arith.constant 0 : index
    %get3A_32 = vector.load %arg5[%get3A_30, %get3A_31] : memref<1x512xf32, #tpu.memory_space<vmem>>, vector<1x512xf32>
    %reduce_sum3A = arith.constant dense<0.000000e+00> : vector<640xf32>
    %reduce_sum3A_33 = vector.multi_reduction <add>, %add3A_26, %reduce_sum3A [1] : vector<640x512xf32> to vector<640xf32>
    %broadcast_in_dim3A = vector.shape_cast %reduce_sum3A_33 : vector<640xf32> to vector<640x1xf32>
    %div3A = arith.constant 5.120000e+02 : f32
    %div3A_34 = vector.broadcast %div3A : f32 to vector<640x1xf32>
    %div3A_35 = arith.divf %broadcast_in_dim3A, %div3A_34 : vector<640x1xf32>
    %sub3A = vector.broadcast %div3A_35 : vector<640x1xf32> to vector<640x512xf32>
    %sub3A_36 = arith.subf %add3A_26, %sub3A : vector<640x512xf32>
    %sub3A_37 = vector.broadcast %div3A_35 : vector<640x1xf32> to vector<640x512xf32>
    %sub3A_38 = arith.subf %add3A_26, %sub3A_37 : vector<640x512xf32>
    %mul3A_39 = arith.mulf %sub3A_36, %sub3A_38 : vector<640x512xf32>
    %reduce_sum3A_40 = arith.constant dense<0.000000e+00> : vector<640xf32>
    %reduce_sum3A_41 = vector.multi_reduction <add>, %mul3A_39, %reduce_sum3A_40 [1] : vector<640x512xf32> to vector<640xf32>
    %broadcast_in_dim3A_42 = vector.shape_cast %reduce_sum3A_41 : vector<640xf32> to vector<640x1xf32>
    %div3A_43 = arith.constant 5.120000e+02 : f32
    %div3A_44 = vector.broadcast %div3A_43 : f32 to vector<640x1xf32>
    %div3A_45 = arith.divf %broadcast_in_dim3A_42, %div3A_44 : vector<640x1xf32>
    %sub3A_46 = vector.broadcast %div3A_35 : vector<640x1xf32> to vector<640x512xf32>
    %sub3A_47 = arith.subf %add3A_26, %sub3A_46 : vector<640x512xf32>
    %add3A_48 = arith.constant 9.99999974E-6 : f32
    %add3A_49 = vector.broadcast %add3A_48 : f32 to vector<640x1xf32>
    %add3A_50 = arith.addf %div3A_45, %add3A_49 : vector<640x1xf32>
    %rsqrt3A = math.rsqrt %add3A_50 : vector<640x1xf32>
    %mul3A_51 = vector.broadcast %rsqrt3A : vector<640x1xf32> to vector<640x512xf32>
    %mul3A_52 = arith.mulf %sub3A_47, %mul3A_51 : vector<640x512xf32>
    %mul3A_53 = vector.broadcast %get3A_29 : vector<1x512xf32> to vector<640x512xf32>
    %mul3A_54 = arith.mulf %mul3A_52, %mul3A_53 : vector<640x512xf32>
    %add3A_55 = vector.broadcast %get3A_32 : vector<1x512xf32> to vector<640x512xf32>
    %add3A_56 = arith.addf %mul3A_54, %add3A_55 : vector<640x512xf32>
    %max3A = arith.constant 0.000000e+00 : f32
    %max3A_57 = vector.broadcast %max3A : f32 to vector<640x512xf32>
    %max3A_58 = arith.maximumf %add3A_56, %max3A_57 : vector<640x512xf32>
    %swap3A = arith.constant 0 : index
    %swap3A_59 = arith.constant 0 : index
    %swap3A_60 = vector.load %arg8[%swap3A, %swap3A_59] : memref<640x512xf32, #tpu.memory_space<vmem>>, vector<640x512xf32>
    tpu.vector_store %arg8[%swap3A, %swap3A_59], %max3A_58 {strides = array<i32>} : memref<640x512xf32, #tpu.memory_space<vmem>>, vector<640x512xf32>,
    %get3A_61 = arith.constant 0 : index
    %get3A_62 = arith.constant 0 : index
    %get3A_63 = vector.load %arg6[%get3A_61, %get3A_62] : memref<512x512xf32, #tpu.memory_space<vmem>>, vector<512x512xf32>
    %convert_element_type3A = arith.truncf %max3A_58 : vector<640x512xf32> to vector<640x512xbf16>
    %convert_element_type3A_64 = arith.truncf %get3A_63 : vector<512x512xf32> to vector<512x512xbf16>
    %dot_general3A = arith.constant dense<0.000000e+00> : vector<640x512xf32>
    %dot_general3A_65 = tpu.matmul %convert_element_type3A, %convert_element_type3A_64, %dot_general3A {dimension_numbers = #tpu.dot_dimension_numbers<[1], [0], [0], [1], [0, 0, 1, 1], [], []>, transpose_lhs_hint = false} : vector<640x512xbf16>, vector<512x512xbf16>, vector<640x512xf32> -> vector<640x512xf32>
    %get3A_66 = arith.constant 0 : index
    %get3A_67 = arith.constant 0 : index
    %get3A_68 = vector.load %arg2[%get3A_66, %get3A_67] : memref<640x1xf32, #tpu.memory_space<vmem>>, vector<640x1xf32>
    %mul3A_69 = vector.broadcast %get3A_68 : vector<640x1xf32> to vector<640x512xf32>
    %mul3A_70 = arith.mulf %dot_general3A_65, %mul3A_69 : vector<640x512xf32>
    %slice3A = vector.extract_strided_slice %mul3A_70 {offsets = [0, 0], sizes = [640, 128], strides = [1, 1]} : vector<640x512xf32> to vector<640x128xf32>
    %swap3A_71 = arith.constant 0 : index
    %swap3A_72 = arith.constant 0 : index
    %swap3A_73 = arith.constant 0 : index
    %swap3A_74 = vector.load %arg7[%swap3A_71, %swap3A_72, %swap3A_73] : memref<4x640x128xf32, #tpu.memory_space<vmem>>, vector<1x640x128xf32>
    %swap3A_75 = vector.shape_cast %swap3A_74 : vector<1x640x128xf32> to vector<640x128xf32>
    %swap3A_76 = vector.shape_cast %slice3A : vector<640x128xf32> to vector<1x640x128xf32>
    tpu.vector_store %arg7[%swap3A_71, %swap3A_72, %swap3A_73], %swap3A_76 {strides = array<i32>} : memref<4x640x128xf32, #tpu.memory_space<vmem>>, vector<1x640x128xf32>,
    %slice3A_77 = vector.extract_strided_slice %mul3A_70 {offsets = [0, 128], sizes = [640, 128], strides = [1, 1]} : vector<640x512xf32> to vector<640x128xf32>
    %swap3A_78 = arith.constant 1 : index
    %swap3A_79 = arith.constant 0 : index
    %swap3A_80 = arith.constant 0 : index
    %swap3A_81 = vector.load %arg7[%swap3A_78, %swap3A_79, %swap3A_80] : memref<4x640x128xf32, #tpu.memory_space<vmem>>, vector<1x640x128xf32>
    %swap3A_82 = vector.shape_cast %swap3A_81 : vector<1x640x128xf32> to vector<640x128xf32>
    %swap3A_83 = vector.shape_cast %slice3A_77 : vector<640x128xf32> to vector<1x640x128xf32>
    tpu.vector_store %arg7[%swap3A_78, %swap3A_79, %swap3A_80], %swap3A_83 {strides = array<i32>} : memref<4x640x128xf32, #tpu.memory_space<vmem>>, vector<1x640x128xf32>,
    %slice3A_84 = vector.extract_strided_slice %mul3A_70 {offsets = [0, 256], sizes = [640, 128], strides = [1, 1]} : vector<640x512xf32> to vector<640x128xf32>
    %swap3A_85 = arith.constant 2 : index
    %swap3A_86 = arith.constant 0 : index
    %swap3A_87 = arith.constant 0 : index
    %swap3A_88 = vector.load %arg7[%swap3A_85, %swap3A_86, %swap3A_87] : memref<4x640x128xf32, #tpu.memory_space<vmem>>, vector<1x640x128xf32>
    %swap3A_89 = vector.shape_cast %swap3A_88 : vector<1x640x128xf32> to vector<640x128xf32>
    %swap3A_90 = vector.shape_cast %slice3A_84 : vector<640x128xf32> to vector<1x640x128xf32>
    tpu.vector_store %arg7[%swap3A_85, %swap3A_86, %swap3A_87], %swap3A_90 {strides = array<i32>} : memref<4x640x128xf32, #tpu.memory_space<vmem>>, vector<1x640x128xf32>,
    %slice3A_91 = vector.extract_strided_slice %mul3A_70 {offsets = [0, 384], sizes = [640, 128], strides = [1, 1]} : vector<640x512xf32> to vector<640x128xf32>
    %swap3A_92 = arith.constant 3 : index
    %swap3A_93 = arith.constant 0 : index
    %swap3A_94 = arith.constant 0 : index
    %swap3A_95 = vector.load %arg7[%swap3A_92, %swap3A_93, %swap3A_94] : memref<4x640x128xf32, #tpu.memory_space<vmem>>, vector<1x640x128xf32>
    %swap3A_96 = vector.shape_cast %swap3A_95 : vector<1x640x128xf32> to vector<640x128xf32>
    %swap3A_97 = vector.shape_cast %slice3A_91 : vector<640x128xf32> to vector<1x640x128xf32>
    tpu.vector_store %arg7[%swap3A_92, %swap3A_93, %swap3A_94], %swap3A_97 {strides = array<i32>} : memref<4x640x128xf32, #tpu.memory_space<vmem>>, vector<1x640x128xf32>,
    return
  }
  func.func @transform_0(%arg0: i32) -> (i32, i32, i32) {
    %c0_i32 = arith.constant 0 : i32
    %c0_i32_0 = arith.constant 0 : i32
    %c0_i32_1 = arith.constant 0 : i32
    return %c0_i32, %arg0, %c0_i32_0 : i32, i32, i32
  }
  func.func @transform_1(%arg0: i32) -> (i32, i32) {
    %c0_i32 = arith.constant 0 : i32
    %c0_i32_0 = arith.constant 0 : i32
    return %arg0, %c0_i32 : i32, i32
  }
  func.func @transform_2(%arg0: i32) -> (i32, i32) {
    %c0_i32 = arith.constant 0 : i32
    %c0_i32_0 = arith.constant 0 : i32
    %c0_i32_1 = arith.constant 0 : i32
    return %c0_i32, %c0_i32_0 : i32, i32
  }
  func.func @transform_3(%arg0: i32) -> (i32, i32) {
    %c0_i32 = arith.constant 0 : i32
    %c0_i32_0 = arith.constant 0 : i32
    %c0_i32_1 = arith.constant 0 : i32
    return %c0_i32, %c0_i32_0 : i32, i32
  }
  func.func @transform_4(%arg0: i32) -> (i32, i32) {
    %c0_i32 = arith.constant 0 : i32
    %c0_i32_0 = arith.constant 0 : i32
    %c0_i32_1 = arith.constant 0 : i32
    return %c0_i32, %c0_i32_0 : i32, i32
  }
  func.func @transform_5(%arg0: i32) -> (i32, i32) {
    %c0_i32 = arith.constant 0 : i32
    %c0_i32_0 = arith.constant 0 : i32
    %c0_i32_1 = arith.constant 0 : i32
    return %c0_i32, %c0_i32_0 : i32, i32
  }
  func.func @transform_6(%arg0: i32) -> (i32, i32, i32) {
    %c0_i32 = arith.constant 0 : i32
    %c0_i32_0 = arith.constant 0 : i32
    %c0_i32_1 = arith.constant 0 : i32
    return %c0_i32, %arg0, %c0_i32_0 : i32, i32, i32
  }
  func.func @transform_7(%arg0: i32) -> (i32, i32) {
    %c0_i32 = arith.constant 0 : i32
    %c0_i32_0 = arith.constant 0 : i32
    return %arg0, %c0_i32 : i32, i32
  }
}

module attributes {stable_mosaic.version = 14 : i64} {
  func.func @_kmid_body(%arg0: i32, %arg1: memref<4x640x128xf32, #tpu.memory_space<vmem>>, %arg2: memref<640x1xf32, #tpu.memory_space<vmem>>, %arg3: memref<1x512xf32, #tpu.memory_space<vmem>>, %arg4: memref<1x512xf32, #tpu.memory_space<vmem>>, %arg5: memref<1x512xf32, #tpu.memory_space<vmem>>, %arg6: memref<512x512xf32, #tpu.memory_space<vmem>>, %arg7: memref<640x512xf32, #tpu.memory_space<vmem>>, %arg8: memref<4x640x128xf32, #tpu.memory_space<vmem>>) attributes {dimension_semantics = [#tpu.dimension_semantics<arbitrary>], iteration_bounds = array<i64: 16>, scalar_prefetch = 0 : i64, scratch_operands = 0 : i64, tpu.core_type = #tpu.core_type<tc>, window_params = [{transform_indices = @transform_0, window_bounds = array<i64: 4, 640, 128>}, {transform_indices = @transform_1, window_bounds = array<i64: 640, 1>}, {pipeline_mode = #tpu.pipeline_mode<synchronous>, transform_indices = @transform_2, window_bounds = array<i64: 1, 512>}, {pipeline_mode = #tpu.pipeline_mode<synchronous>, transform_indices = @transform_3, window_bounds = array<i64: 1, 512>}, {pipeline_mode = #tpu.pipeline_mode<synchronous>, transform_indices = @transform_4, window_bounds = array<i64: 1, 512>}, {pipeline_mode = #tpu.pipeline_mode<synchronous>, transform_indices = @transform_5, window_bounds = array<i64: 512, 512>}, {transform_indices = @transform_6, window_bounds = array<i64: 640, 512>}, {transform_indices = @transform_7, window_bounds = array<i64: 4, 640, 128>}]} {
    %get3A = arith.constant 0 : index
    %get3A_0 = arith.constant 0 : index
    %get3A_1 = arith.constant 0 : index
    %get3A_2 = vector.load %arg1[%get3A, %get3A_0, %get3A_1] : memref<4x640x128xf32, #tpu.memory_space<vmem>>, vector<1x640x128xf32>
    %get3A_3 = vector.shape_cast %get3A_2 : vector<1x640x128xf32> to vector<640x128xf32>
    %get3A_4 = arith.constant 1 : index
    %get3A_5 = arith.constant 0 : index
    %get3A_6 = arith.constant 0 : index
    %get3A_7 = vector.load %arg1[%get3A_4, %get3A_5, %get3A_6] : memref<4x640x128xf32, #tpu.memory_space<vmem>>, vector<1x640x128xf32>
    %get3A_8 = vector.shape_cast %get3A_7 : vector<1x640x128xf32> to vector<640x128xf32>
    %get3A_9 = arith.constant 2 : index
    %get3A_10 = arith.constant 0 : index
    %get3A_11 = arith.constant 0 : index
    %get3A_12 = vector.load %arg1[%get3A_9, %get3A_10, %get3A_11] : memref<4x640x128xf32, #tpu.memory_space<vmem>>, vector<1x640x128xf32>
    %get3A_13 = vector.shape_cast %get3A_12 : vector<1x640x128xf32> to vector<640x128xf32>
    %get3A_14 = arith.constant 3 : index
    %get3A_15 = arith.constant 0 : index
    %get3A_16 = arith.constant 0 : index
    %get3A_17 = vector.load %arg1[%get3A_14, %get3A_15, %get3A_16] : memref<4x640x128xf32, #tpu.memory_space<vmem>>, vector<1x640x128xf32>
    %get3A_18 = vector.shape_cast %get3A_17 : vector<1x640x128xf32> to vector<640x128xf32>
    %concatenate3A = tpu.concatenate %get3A_3, %get3A_8, %get3A_13, %get3A_18 in 1 : vector<640x128xf32>, vector<640x128xf32>, vector<640x128xf32>, vector<640x128xf32> -> vector<640x512xf32>
    %get3A_19 = arith.constant 0 : index
    %get3A_20 = arith.constant 0 : index
    %get3A_21 = vector.load %arg2[%get3A_19, %get3A_20] : memref<640x1xf32, #tpu.memory_space<vmem>>, vector<640x1xf32>
    %mul3A = vector.broadcast %get3A_21 : vector<640x1xf32> to vector<640x512xf32>
    %mul3A_22 = arith.mulf %concatenate3A, %mul3A : vector<640x512xf32>
    %get3A_23 = arith.constant 0 : index
    %get3A_24 = arith.constant 0 : index
    %get3A_25 = vector.load %arg3[%get3A_23, %get3A_24] : memref<1x512xf32, #tpu.memory_space<vmem>>, vector<1x512xf32>
    %add3A = vector.broadcast %get3A_25 : vector<1x512xf32> to vector<640x512xf32>
    %add3A_26 = arith.addf %mul3A_22, %add3A : vector<640x512xf32>
    %get3A_27 = arith.constant 0 : index
    %get3A_28 = arith.constant 0 : index
    %get3A_29 = vector.load %arg4[%get3A_27, %get3A_28] : memref<1x512xf32, #tpu.memory_space<vmem>>, vector<1x512xf32>
    %get3A_30 = arith.constant 0 : index
    %get3A_31 = arith.constant 0 : index
    %get3A_32 = vector.load %arg5[%get3A_30, %get3A_31] : memref<1x512xf32, #tpu.memory_space<vmem>>, vector<1x512xf32>
    %reduce_sum3A = arith.constant dense<0.000000e+00> : vector<640xf32>
    %reduce_sum3A_33 = vector.multi_reduction <add>, %add3A_26, %reduce_sum3A [1] : vector<640x512xf32> to vector<640xf32>
    %broadcast_in_dim3A = vector.shape_cast %reduce_sum3A_33 : vector<640xf32> to vector<640x1xf32>
    %div3A = arith.constant 5.120000e+02 : f32
    %div3A_34 = vector.broadcast %div3A : f32 to vector<640x1xf32>
    %div3A_35 = arith.divf %broadcast_in_dim3A, %div3A_34 : vector<640x1xf32>
    %sub3A = vector.broadcast %div3A_35 : vector<640x1xf32> to vector<640x512xf32>
    %sub3A_36 = arith.subf %add3A_26, %sub3A : vector<640x512xf32>
    %sub3A_37 = vector.broadcast %div3A_35 : vector<640x1xf32> to vector<640x512xf32>
    %sub3A_38 = arith.subf %add3A_26, %sub3A_37 : vector<640x512xf32>
    %mul3A_39 = arith.mulf %sub3A_36, %sub3A_38 : vector<640x512xf32>
    %reduce_sum3A_40 = arith.constant dense<0.000000e+00> : vector<640xf32>
    %reduce_sum3A_41 = vector.multi_reduction <add>, %mul3A_39, %reduce_sum3A_40 [1] : vector<640x512xf32> to vector<640xf32>
    %broadcast_in_dim3A_42 = vector.shape_cast %reduce_sum3A_41 : vector<640xf32> to vector<640x1xf32>
    %div3A_43 = arith.constant 5.120000e+02 : f32
    %div3A_44 = vector.broadcast %div3A_43 : f32 to vector<640x1xf32>
    %div3A_45 = arith.divf %broadcast_in_dim3A_42, %div3A_44 : vector<640x1xf32>
    %sub3A_46 = vector.broadcast %div3A_35 : vector<640x1xf32> to vector<640x512xf32>
    %sub3A_47 = arith.subf %add3A_26, %sub3A_46 : vector<640x512xf32>
    %add3A_48 = arith.constant 9.99999974E-6 : f32
    %add3A_49 = vector.broadcast %add3A_48 : f32 to vector<640x1xf32>
    %add3A_50 = arith.addf %div3A_45, %add3A_49 : vector<640x1xf32>
    %rsqrt3A = math.rsqrt %add3A_50 : vector<640x1xf32>
    %mul3A_51 = vector.broadcast %rsqrt3A : vector<640x1xf32> to vector<640x512xf32>
    %mul3A_52 = arith.mulf %sub3A_47, %mul3A_51 : vector<640x512xf32>
    %mul3A_53 = vector.broadcast %get3A_29 : vector<1x512xf32> to vector<640x512xf32>
    %mul3A_54 = arith.mulf %mul3A_52, %mul3A_53 : vector<640x512xf32>
    %add3A_55 = vector.broadcast %get3A_32 : vector<1x512xf32> to vector<640x512xf32>
    %add3A_56 = arith.addf %mul3A_54, %add3A_55 : vector<640x512xf32>
    %max3A = arith.constant 0.000000e+00 : f32
    %max3A_57 = vector.broadcast %max3A : f32 to vector<640x512xf32>
    %max3A_58 = arith.maximumf %add3A_56, %max3A_57 : vector<640x512xf32>
    %get3A_59 = arith.constant 0 : index
    %get3A_60 = arith.constant 0 : index
    %get3A_61 = vector.load %arg7[%get3A_59, %get3A_60] : memref<640x512xf32, #tpu.memory_space<vmem>>, vector<640x512xf32>
    %add3A_62 = arith.addf %max3A_58, %get3A_61 : vector<640x512xf32>
    %get3A_63 = arith.constant 0 : index
    %get3A_64 = arith.constant 0 : index
    %get3A_65 = vector.load %arg6[%get3A_63, %get3A_64] : memref<512x512xf32, #tpu.memory_space<vmem>>, vector<512x512xf32>
    %convert_element_type3A = arith.truncf %add3A_62 : vector<640x512xf32> to vector<640x512xbf16>
    %convert_element_type3A_66 = arith.truncf %get3A_65 : vector<512x512xf32> to vector<512x512xbf16>
    %dot_general3A = arith.constant dense<0.000000e+00> : vector<640x512xf32>
    %dot_general3A_67 = tpu.matmul %convert_element_type3A, %convert_element_type3A_66, %dot_general3A {dimension_numbers = #tpu.dot_dimension_numbers<[1], [0], [0], [1], [0, 0, 1, 1], [], []>, transpose_lhs_hint = false} : vector<640x512xbf16>, vector<512x512xbf16>, vector<640x512xf32> -> vector<640x512xf32>
    %get3A_68 = arith.constant 0 : index
    %get3A_69 = arith.constant 0 : index
    %get3A_70 = vector.load %arg2[%get3A_68, %get3A_69] : memref<640x1xf32, #tpu.memory_space<vmem>>, vector<640x1xf32>
    %mul3A_71 = vector.broadcast %get3A_70 : vector<640x1xf32> to vector<640x512xf32>
    %mul3A_72 = arith.mulf %dot_general3A_67, %mul3A_71 : vector<640x512xf32>
    %slice3A = vector.extract_strided_slice %mul3A_72 {offsets = [0, 0], sizes = [640, 128], strides = [1, 1]} : vector<640x512xf32> to vector<640x128xf32>
    %swap3A = arith.constant 0 : index
    %swap3A_73 = arith.constant 0 : index
    %swap3A_74 = arith.constant 0 : index
    %swap3A_75 = vector.load %arg8[%swap3A, %swap3A_73, %swap3A_74] : memref<4x640x128xf32, #tpu.memory_space<vmem>>, vector<1x640x128xf32>
    %swap3A_76 = vector.shape_cast %swap3A_75 : vector<1x640x128xf32> to vector<640x128xf32>
    %swap3A_77 = vector.shape_cast %slice3A : vector<640x128xf32> to vector<1x640x128xf32>
    tpu.vector_store %arg8[%swap3A, %swap3A_73, %swap3A_74], %swap3A_77 {strides = array<i32>} : memref<4x640x128xf32, #tpu.memory_space<vmem>>, vector<1x640x128xf32>,
    %slice3A_78 = vector.extract_strided_slice %mul3A_72 {offsets = [0, 128], sizes = [640, 128], strides = [1, 1]} : vector<640x512xf32> to vector<640x128xf32>
    %swap3A_79 = arith.constant 1 : index
    %swap3A_80 = arith.constant 0 : index
    %swap3A_81 = arith.constant 0 : index
    %swap3A_82 = vector.load %arg8[%swap3A_79, %swap3A_80, %swap3A_81] : memref<4x640x128xf32, #tpu.memory_space<vmem>>, vector<1x640x128xf32>
    %swap3A_83 = vector.shape_cast %swap3A_82 : vector<1x640x128xf32> to vector<640x128xf32>
    %swap3A_84 = vector.shape_cast %slice3A_78 : vector<640x128xf32> to vector<1x640x128xf32>
    tpu.vector_store %arg8[%swap3A_79, %swap3A_80, %swap3A_81], %swap3A_84 {strides = array<i32>} : memref<4x640x128xf32, #tpu.memory_space<vmem>>, vector<1x640x128xf32>,
    %slice3A_85 = vector.extract_strided_slice %mul3A_72 {offsets = [0, 256], sizes = [640, 128], strides = [1, 1]} : vector<640x512xf32> to vector<640x128xf32>
    %swap3A_86 = arith.constant 2 : index
    %swap3A_87 = arith.constant 0 : index
    %swap3A_88 = arith.constant 0 : index
    %swap3A_89 = vector.load %arg8[%swap3A_86, %swap3A_87, %swap3A_88] : memref<4x640x128xf32, #tpu.memory_space<vmem>>, vector<1x640x128xf32>
    %swap3A_90 = vector.shape_cast %swap3A_89 : vector<1x640x128xf32> to vector<640x128xf32>
    %swap3A_91 = vector.shape_cast %slice3A_85 : vector<640x128xf32> to vector<1x640x128xf32>
    tpu.vector_store %arg8[%swap3A_86, %swap3A_87, %swap3A_88], %swap3A_91 {strides = array<i32>} : memref<4x640x128xf32, #tpu.memory_space<vmem>>, vector<1x640x128xf32>,
    %slice3A_92 = vector.extract_strided_slice %mul3A_72 {offsets = [0, 384], sizes = [640, 128], strides = [1, 1]} : vector<640x512xf32> to vector<640x128xf32>
    %swap3A_93 = arith.constant 3 : index
    %swap3A_94 = arith.constant 0 : index
    %swap3A_95 = arith.constant 0 : index
    %swap3A_96 = vector.load %arg8[%swap3A_93, %swap3A_94, %swap3A_95] : memref<4x640x128xf32, #tpu.memory_space<vmem>>, vector<1x640x128xf32>
    %swap3A_97 = vector.shape_cast %swap3A_96 : vector<1x640x128xf32> to vector<640x128xf32>
    %swap3A_98 = vector.shape_cast %slice3A_92 : vector<640x128xf32> to vector<1x640x128xf32>
    tpu.vector_store %arg8[%swap3A_93, %swap3A_94, %swap3A_95], %swap3A_98 {strides = array<i32>} : memref<4x640x128xf32, #tpu.memory_space<vmem>>, vector<1x640x128xf32>,
    return
  }
  func.func @transform_0(%arg0: i32) -> (i32, i32, i32) {
    %c0_i32 = arith.constant 0 : i32
    %c0_i32_0 = arith.constant 0 : i32
    %c0_i32_1 = arith.constant 0 : i32
    return %c0_i32, %arg0, %c0_i32_0 : i32, i32, i32
  }
  func.func @transform_1(%arg0: i32) -> (i32, i32) {
    %c0_i32 = arith.constant 0 : i32
    %c0_i32_0 = arith.constant 0 : i32
    return %arg0, %c0_i32 : i32, i32
  }
  func.func @transform_2(%arg0: i32) -> (i32, i32) {
    %c0_i32 = arith.constant 0 : i32
    %c0_i32_0 = arith.constant 0 : i32
    %c0_i32_1 = arith.constant 0 : i32
    return %c0_i32, %c0_i32_0 : i32, i32
  }
  func.func @transform_3(%arg0: i32) -> (i32, i32) {
    %c0_i32 = arith.constant 0 : i32
    %c0_i32_0 = arith.constant 0 : i32
    %c0_i32_1 = arith.constant 0 : i32
    return %c0_i32, %c0_i32_0 : i32, i32
  }
  func.func @transform_4(%arg0: i32) -> (i32, i32) {
    %c0_i32 = arith.constant 0 : i32
    %c0_i32_0 = arith.constant 0 : i32
    %c0_i32_1 = arith.constant 0 : i32
    return %c0_i32, %c0_i32_0 : i32, i32
  }
  func.func @transform_5(%arg0: i32) -> (i32, i32) {
    %c0_i32 = arith.constant 0 : i32
    %c0_i32_0 = arith.constant 0 : i32
    %c0_i32_1 = arith.constant 0 : i32
    return %c0_i32, %c0_i32_0 : i32, i32
  }
  func.func @transform_6(%arg0: i32) -> (i32, i32) {
    %c0_i32 = arith.constant 0 : i32
    %c0_i32_0 = arith.constant 0 : i32
    return %arg0, %c0_i32 : i32, i32
  }
  func.func @transform_7(%arg0: i32) -> (i32, i32, i32) {
    %c0_i32 = arith.constant 0 : i32
    %c0_i32_0 = arith.constant 0 : i32
    %c0_i32_1 = arith.constant 0 : i32
    return %c0_i32, %arg0, %c0_i32_0 : i32, i32, i32
  }
}

module attributes {stable_mosaic.version = 14 : i64} {
  func.func @_kmid_body(%arg0: i32, %arg1: memref<4x640x128xf32, #tpu.memory_space<vmem>>, %arg2: memref<640x1xf32, #tpu.memory_space<vmem>>, %arg3: memref<1x512xf32, #tpu.memory_space<vmem>>, %arg4: memref<1x512xf32, #tpu.memory_space<vmem>>, %arg5: memref<1x512xf32, #tpu.memory_space<vmem>>, %arg6: memref<512x256xf32, #tpu.memory_space<vmem>>, %arg7: memref<2x640x128xf32, #tpu.memory_space<vmem>>) attributes {dimension_semantics = [#tpu.dimension_semantics<arbitrary>], iteration_bounds = array<i64: 16>, scalar_prefetch = 0 : i64, scratch_operands = 0 : i64, tpu.core_type = #tpu.core_type<tc>, window_params = [{transform_indices = @transform_0, window_bounds = array<i64: 4, 640, 128>}, {transform_indices = @transform_1, window_bounds = array<i64: 640, 1>}, {pipeline_mode = #tpu.pipeline_mode<synchronous>, transform_indices = @transform_2, window_bounds = array<i64: 1, 512>}, {pipeline_mode = #tpu.pipeline_mode<synchronous>, transform_indices = @transform_3, window_bounds = array<i64: 1, 512>}, {pipeline_mode = #tpu.pipeline_mode<synchronous>, transform_indices = @transform_4, window_bounds = array<i64: 1, 512>}, {pipeline_mode = #tpu.pipeline_mode<synchronous>, transform_indices = @transform_5, window_bounds = array<i64: 512, 256>}, {transform_indices = @transform_6, window_bounds = array<i64: 2, 640, 128>}]} {
    %get3A = arith.constant 0 : index
    %get3A_0 = arith.constant 0 : index
    %get3A_1 = arith.constant 0 : index
    %get3A_2 = vector.load %arg1[%get3A, %get3A_0, %get3A_1] : memref<4x640x128xf32, #tpu.memory_space<vmem>>, vector<1x640x128xf32>
    %get3A_3 = vector.shape_cast %get3A_2 : vector<1x640x128xf32> to vector<640x128xf32>
    %get3A_4 = arith.constant 1 : index
    %get3A_5 = arith.constant 0 : index
    %get3A_6 = arith.constant 0 : index
    %get3A_7 = vector.load %arg1[%get3A_4, %get3A_5, %get3A_6] : memref<4x640x128xf32, #tpu.memory_space<vmem>>, vector<1x640x128xf32>
    %get3A_8 = vector.shape_cast %get3A_7 : vector<1x640x128xf32> to vector<640x128xf32>
    %get3A_9 = arith.constant 2 : index
    %get3A_10 = arith.constant 0 : index
    %get3A_11 = arith.constant 0 : index
    %get3A_12 = vector.load %arg1[%get3A_9, %get3A_10, %get3A_11] : memref<4x640x128xf32, #tpu.memory_space<vmem>>, vector<1x640x128xf32>
    %get3A_13 = vector.shape_cast %get3A_12 : vector<1x640x128xf32> to vector<640x128xf32>
    %get3A_14 = arith.constant 3 : index
    %get3A_15 = arith.constant 0 : index
    %get3A_16 = arith.constant 0 : index
    %get3A_17 = vector.load %arg1[%get3A_14, %get3A_15, %get3A_16] : memref<4x640x128xf32, #tpu.memory_space<vmem>>, vector<1x640x128xf32>
    %get3A_18 = vector.shape_cast %get3A_17 : vector<1x640x128xf32> to vector<640x128xf32>
    %concatenate3A = tpu.concatenate %get3A_3, %get3A_8, %get3A_13, %get3A_18 in 1 : vector<640x128xf32>, vector<640x128xf32>, vector<640x128xf32>, vector<640x128xf32> -> vector<640x512xf32>
    %get3A_19 = arith.constant 0 : index
    %get3A_20 = arith.constant 0 : index
    %get3A_21 = vector.load %arg2[%get3A_19, %get3A_20] : memref<640x1xf32, #tpu.memory_space<vmem>>, vector<640x1xf32>
    %mul3A = vector.broadcast %get3A_21 : vector<640x1xf32> to vector<640x512xf32>
    %mul3A_22 = arith.mulf %concatenate3A, %mul3A : vector<640x512xf32>
    %get3A_23 = arith.constant 0 : index
    %get3A_24 = arith.constant 0 : index
    %get3A_25 = vector.load %arg3[%get3A_23, %get3A_24] : memref<1x512xf32, #tpu.memory_space<vmem>>, vector<1x512xf32>
    %add3A = vector.broadcast %get3A_25 : vector<1x512xf32> to vector<640x512xf32>
    %add3A_26 = arith.addf %mul3A_22, %add3A : vector<640x512xf32>
    %get3A_27 = arith.constant 0 : index
    %get3A_28 = arith.constant 0 : index
    %get3A_29 = vector.load %arg4[%get3A_27, %get3A_28] : memref<1x512xf32, #tpu.memory_space<vmem>>, vector<1x512xf32>
    %get3A_30 = arith.constant 0 : index
    %get3A_31 = arith.constant 0 : index
    %get3A_32 = vector.load %arg5[%get3A_30, %get3A_31] : memref<1x512xf32, #tpu.memory_space<vmem>>, vector<1x512xf32>
    %reduce_sum3A = arith.constant dense<0.000000e+00> : vector<640xf32>
    %reduce_sum3A_33 = vector.multi_reduction <add>, %add3A_26, %reduce_sum3A [1] : vector<640x512xf32> to vector<640xf32>
    %broadcast_in_dim3A = vector.shape_cast %reduce_sum3A_33 : vector<640xf32> to vector<640x1xf32>
    %div3A = arith.constant 5.120000e+02 : f32
    %div3A_34 = vector.broadcast %div3A : f32 to vector<640x1xf32>
    %div3A_35 = arith.divf %broadcast_in_dim3A, %div3A_34 : vector<640x1xf32>
    %sub3A = vector.broadcast %div3A_35 : vector<640x1xf32> to vector<640x512xf32>
    %sub3A_36 = arith.subf %add3A_26, %sub3A : vector<640x512xf32>
    %sub3A_37 = vector.broadcast %div3A_35 : vector<640x1xf32> to vector<640x512xf32>
    %sub3A_38 = arith.subf %add3A_26, %sub3A_37 : vector<640x512xf32>
    %mul3A_39 = arith.mulf %sub3A_36, %sub3A_38 : vector<640x512xf32>
    %reduce_sum3A_40 = arith.constant dense<0.000000e+00> : vector<640xf32>
    %reduce_sum3A_41 = vector.multi_reduction <add>, %mul3A_39, %reduce_sum3A_40 [1] : vector<640x512xf32> to vector<640xf32>
    %broadcast_in_dim3A_42 = vector.shape_cast %reduce_sum3A_41 : vector<640xf32> to vector<640x1xf32>
    %div3A_43 = arith.constant 5.120000e+02 : f32
    %div3A_44 = vector.broadcast %div3A_43 : f32 to vector<640x1xf32>
    %div3A_45 = arith.divf %broadcast_in_dim3A_42, %div3A_44 : vector<640x1xf32>
    %sub3A_46 = vector.broadcast %div3A_35 : vector<640x1xf32> to vector<640x512xf32>
    %sub3A_47 = arith.subf %add3A_26, %sub3A_46 : vector<640x512xf32>
    %add3A_48 = arith.constant 9.99999974E-6 : f32
    %add3A_49 = vector.broadcast %add3A_48 : f32 to vector<640x1xf32>
    %add3A_50 = arith.addf %div3A_45, %add3A_49 : vector<640x1xf32>
    %rsqrt3A = math.rsqrt %add3A_50 : vector<640x1xf32>
    %mul3A_51 = vector.broadcast %rsqrt3A : vector<640x1xf32> to vector<640x512xf32>
    %mul3A_52 = arith.mulf %sub3A_47, %mul3A_51 : vector<640x512xf32>
    %mul3A_53 = vector.broadcast %get3A_29 : vector<1x512xf32> to vector<640x512xf32>
    %mul3A_54 = arith.mulf %mul3A_52, %mul3A_53 : vector<640x512xf32>
    %add3A_55 = vector.broadcast %get3A_32 : vector<1x512xf32> to vector<640x512xf32>
    %add3A_56 = arith.addf %mul3A_54, %add3A_55 : vector<640x512xf32>
    %max3A = arith.constant 0.000000e+00 : f32
    %max3A_57 = vector.broadcast %max3A : f32 to vector<640x512xf32>
    %max3A_58 = arith.maximumf %add3A_56, %max3A_57 : vector<640x512xf32>
    %get3A_59 = arith.constant 0 : index
    %get3A_60 = arith.constant 0 : index
    %get3A_61 = vector.load %arg6[%get3A_59, %get3A_60] : memref<512x256xf32, #tpu.memory_space<vmem>>, vector<512x256xf32>
    %convert_element_type3A = arith.truncf %max3A_58 : vector<640x512xf32> to vector<640x512xbf16>
    %convert_element_type3A_62 = arith.truncf %get3A_61 : vector<512x256xf32> to vector<512x256xbf16>
    %dot_general3A = arith.constant dense<0.000000e+00> : vector<640x256xf32>
    %dot_general3A_63 = tpu.matmul %convert_element_type3A, %convert_element_type3A_62, %dot_general3A {dimension_numbers = #tpu.dot_dimension_numbers<[1], [0], [0], [1], [0, 0, 1, 1], [], []>, transpose_lhs_hint = false} : vector<640x512xbf16>, vector<512x256xbf16>, vector<640x256xf32> -> vector<640x256xf32>
    %get3A_64 = arith.constant 0 : index
    %get3A_65 = arith.constant 0 : index
    %get3A_66 = vector.load %arg2[%get3A_64, %get3A_65] : memref<640x1xf32, #tpu.memory_space<vmem>>, vector<640x1xf32>
    %mul3A_67 = vector.broadcast %get3A_66 : vector<640x1xf32> to vector<640x256xf32>
    %mul3A_68 = arith.mulf %dot_general3A_63, %mul3A_67 : vector<640x256xf32>
    %slice3A = vector.extract_strided_slice %mul3A_68 {offsets = [0, 0], sizes = [640, 128], strides = [1, 1]} : vector<640x256xf32> to vector<640x128xf32>
    %swap3A = arith.constant 0 : index
    %swap3A_69 = arith.constant 0 : index
    %swap3A_70 = arith.constant 0 : index
    %swap3A_71 = vector.load %arg7[%swap3A, %swap3A_69, %swap3A_70] : memref<2x640x128xf32, #tpu.memory_space<vmem>>, vector<1x640x128xf32>
    %swap3A_72 = vector.shape_cast %swap3A_71 : vector<1x640x128xf32> to vector<640x128xf32>
    %swap3A_73 = vector.shape_cast %slice3A : vector<640x128xf32> to vector<1x640x128xf32>
    tpu.vector_store %arg7[%swap3A, %swap3A_69, %swap3A_70], %swap3A_73 {strides = array<i32>} : memref<2x640x128xf32, #tpu.memory_space<vmem>>, vector<1x640x128xf32>,
    %slice3A_74 = vector.extract_strided_slice %mul3A_68 {offsets = [0, 128], sizes = [640, 128], strides = [1, 1]} : vector<640x256xf32> to vector<640x128xf32>
    %swap3A_75 = arith.constant 1 : index
    %swap3A_76 = arith.constant 0 : index
    %swap3A_77 = arith.constant 0 : index
    %swap3A_78 = vector.load %arg7[%swap3A_75, %swap3A_76, %swap3A_77] : memref<2x640x128xf32, #tpu.memory_space<vmem>>, vector<1x640x128xf32>
    %swap3A_79 = vector.shape_cast %swap3A_78 : vector<1x640x128xf32> to vector<640x128xf32>
    %swap3A_80 = vector.shape_cast %slice3A_74 : vector<640x128xf32> to vector<1x640x128xf32>
    tpu.vector_store %arg7[%swap3A_75, %swap3A_76, %swap3A_77], %swap3A_80 {strides = array<i32>} : memref<2x640x128xf32, #tpu.memory_space<vmem>>, vector<1x640x128xf32>,
    return
  }
  func.func @transform_0(%arg0: i32) -> (i32, i32, i32) {
    %c0_i32 = arith.constant 0 : i32
    %c0_i32_0 = arith.constant 0 : i32
    %c0_i32_1 = arith.constant 0 : i32
    return %c0_i32, %arg0, %c0_i32_0 : i32, i32, i32
  }
  func.func @transform_1(%arg0: i32) -> (i32, i32) {
    %c0_i32 = arith.constant 0 : i32
    %c0_i32_0 = arith.constant 0 : i32
    return %arg0, %c0_i32 : i32, i32
  }
  func.func @transform_2(%arg0: i32) -> (i32, i32) {
    %c0_i32 = arith.constant 0 : i32
    %c0_i32_0 = arith.constant 0 : i32
    %c0_i32_1 = arith.constant 0 : i32
    return %c0_i32, %c0_i32_0 : i32, i32
  }
  func.func @transform_3(%arg0: i32) -> (i32, i32) {
    %c0_i32 = arith.constant 0 : i32
    %c0_i32_0 = arith.constant 0 : i32
    %c0_i32_1 = arith.constant 0 : i32
    return %c0_i32, %c0_i32_0 : i32, i32
  }
  func.func @transform_4(%arg0: i32) -> (i32, i32) {
    %c0_i32 = arith.constant 0 : i32
    %c0_i32_0 = arith.constant 0 : i32
    %c0_i32_1 = arith.constant 0 : i32
    return %c0_i32, %c0_i32_0 : i32, i32
  }
  func.func @transform_5(%arg0: i32) -> (i32, i32) {
    %c0_i32 = arith.constant 0 : i32
    %c0_i32_0 = arith.constant 0 : i32
    %c0_i32_1 = arith.constant 0 : i32
    return %c0_i32, %c0_i32_0 : i32, i32
  }
  func.func @transform_6(%arg0: i32) -> (i32, i32, i32) {
    %c0_i32 = arith.constant 0 : i32
    %c0_i32_0 = arith.constant 0 : i32
    %c0_i32_1 = arith.constant 0 : i32
    return %c0_i32, %arg0, %c0_i32_0 : i32, i32, i32
  }
}

module attributes {stable_mosaic.version = 14 : i64} {
  func.func @_kout_body(%arg0: i32, %arg1: memref<2x640x128xf32, #tpu.memory_space<vmem>>, %arg2: memref<640x1xf32, #tpu.memory_space<vmem>>, %arg3: memref<1x256xf32, #tpu.memory_space<vmem>>, %arg4: memref<1x256xf32, #tpu.memory_space<vmem>>, %arg5: memref<1x256xf32, #tpu.memory_space<vmem>>, %arg6: memref<256x512xf32, #tpu.memory_space<vmem>>, %arg7: memref<1x512xf32, #tpu.memory_space<vmem>>, %arg8: memref<512x256xf32, #tpu.memory_space<vmem>>, %arg9: memref<1x256xf32, #tpu.memory_space<vmem>>, %arg10: memref<640x256xf32, #tpu.memory_space<vmem>>) attributes {dimension_semantics = [#tpu.dimension_semantics<arbitrary>], iteration_bounds = array<i64: 16>, scalar_prefetch = 0 : i64, scratch_operands = 0 : i64, tpu.core_type = #tpu.core_type<tc>, window_params = [{transform_indices = @transform_0, window_bounds = array<i64: 2, 640, 128>}, {transform_indices = @transform_1, window_bounds = array<i64: 640, 1>}, {pipeline_mode = #tpu.pipeline_mode<synchronous>, transform_indices = @transform_2, window_bounds = array<i64: 1, 256>}, {pipeline_mode = #tpu.pipeline_mode<synchronous>, transform_indices = @transform_3, window_bounds = array<i64: 1, 256>}, {pipeline_mode = #tpu.pipeline_mode<synchronous>, transform_indices = @transform_4, window_bounds = array<i64: 1, 256>}, {pipeline_mode = #tpu.pipeline_mode<synchronous>, transform_indices = @transform_5, window_bounds = array<i64: 256, 512>}, {pipeline_mode = #tpu.pipeline_mode<synchronous>, transform_indices = @transform_6, window_bounds = array<i64: 1, 512>}, {pipeline_mode = #tpu.pipeline_mode<synchronous>, transform_indices = @transform_7, window_bounds = array<i64: 512, 256>}, {pipeline_mode = #tpu.pipeline_mode<synchronous>, transform_indices = @transform_8, window_bounds = array<i64: 1, 256>}, {transform_indices = @transform_9, window_bounds = array<i64: 640, 256>}]} {
    %get3A = arith.constant 0 : index
    %get3A_0 = arith.constant 0 : index
    %get3A_1 = arith.constant 0 : index
    %get3A_2 = vector.load %arg1[%get3A, %get3A_0, %get3A_1] : memref<2x640x128xf32, #tpu.memory_space<vmem>>, vector<1x640x128xf32>
    %get3A_3 = vector.shape_cast %get3A_2 : vector<1x640x128xf32> to vector<640x128xf32>
    %get3A_4 = arith.constant 1 : index
    %get3A_5 = arith.constant 0 : index
    %get3A_6 = arith.constant 0 : index
    %get3A_7 = vector.load %arg1[%get3A_4, %get3A_5, %get3A_6] : memref<2x640x128xf32, #tpu.memory_space<vmem>>, vector<1x640x128xf32>
    %get3A_8 = vector.shape_cast %get3A_7 : vector<1x640x128xf32> to vector<640x128xf32>
    %concatenate3A = tpu.concatenate %get3A_3, %get3A_8 in 1 : vector<640x128xf32>, vector<640x128xf32> -> vector<640x256xf32>
    %get3A_9 = arith.constant 0 : index
    %get3A_10 = arith.constant 0 : index
    %get3A_11 = vector.load %arg2[%get3A_9, %get3A_10] : memref<640x1xf32, #tpu.memory_space<vmem>>, vector<640x1xf32>
    %mul3A = vector.broadcast %get3A_11 : vector<640x1xf32> to vector<640x256xf32>
    %mul3A_12 = arith.mulf %concatenate3A, %mul3A : vector<640x256xf32>
    %get3A_13 = arith.constant 0 : index
    %get3A_14 = arith.constant 0 : index
    %get3A_15 = vector.load %arg3[%get3A_13, %get3A_14] : memref<1x256xf32, #tpu.memory_space<vmem>>, vector<1x256xf32>
    %add3A = vector.broadcast %get3A_15 : vector<1x256xf32> to vector<640x256xf32>
    %add3A_16 = arith.addf %mul3A_12, %add3A : vector<640x256xf32>
    %get3A_17 = arith.constant 0 : index
    %get3A_18 = arith.constant 0 : index
    %get3A_19 = vector.load %arg4[%get3A_17, %get3A_18] : memref<1x256xf32, #tpu.memory_space<vmem>>, vector<1x256xf32>
    %get3A_20 = arith.constant 0 : index
    %get3A_21 = arith.constant 0 : index
    %get3A_22 = vector.load %arg5[%get3A_20, %get3A_21] : memref<1x256xf32, #tpu.memory_space<vmem>>, vector<1x256xf32>
    %reduce_sum3A = arith.constant dense<0.000000e+00> : vector<640xf32>
    %reduce_sum3A_23 = vector.multi_reduction <add>, %add3A_16, %reduce_sum3A [1] : vector<640x256xf32> to vector<640xf32>
    %broadcast_in_dim3A = vector.shape_cast %reduce_sum3A_23 : vector<640xf32> to vector<640x1xf32>
    %div3A = arith.constant 2.560000e+02 : f32
    %div3A_24 = vector.broadcast %div3A : f32 to vector<640x1xf32>
    %div3A_25 = arith.divf %broadcast_in_dim3A, %div3A_24 : vector<640x1xf32>
    %sub3A = vector.broadcast %div3A_25 : vector<640x1xf32> to vector<640x256xf32>
    %sub3A_26 = arith.subf %add3A_16, %sub3A : vector<640x256xf32>
    %sub3A_27 = vector.broadcast %div3A_25 : vector<640x1xf32> to vector<640x256xf32>
    %sub3A_28 = arith.subf %add3A_16, %sub3A_27 : vector<640x256xf32>
    %mul3A_29 = arith.mulf %sub3A_26, %sub3A_28 : vector<640x256xf32>
    %reduce_sum3A_30 = arith.constant dense<0.000000e+00> : vector<640xf32>
    %reduce_sum3A_31 = vector.multi_reduction <add>, %mul3A_29, %reduce_sum3A_30 [1] : vector<640x256xf32> to vector<640xf32>
    %broadcast_in_dim3A_32 = vector.shape_cast %reduce_sum3A_31 : vector<640xf32> to vector<640x1xf32>
    %div3A_33 = arith.constant 2.560000e+02 : f32
    %div3A_34 = vector.broadcast %div3A_33 : f32 to vector<640x1xf32>
    %div3A_35 = arith.divf %broadcast_in_dim3A_32, %div3A_34 : vector<640x1xf32>
    %sub3A_36 = vector.broadcast %div3A_25 : vector<640x1xf32> to vector<640x256xf32>
    %sub3A_37 = arith.subf %add3A_16, %sub3A_36 : vector<640x256xf32>
    %add3A_38 = arith.constant 9.99999974E-6 : f32
    %add3A_39 = vector.broadcast %add3A_38 : f32 to vector<640x1xf32>
    %add3A_40 = arith.addf %div3A_35, %add3A_39 : vector<640x1xf32>
    %rsqrt3A = math.rsqrt %add3A_40 : vector<640x1xf32>
    %mul3A_41 = vector.broadcast %rsqrt3A : vector<640x1xf32> to vector<640x256xf32>
    %mul3A_42 = arith.mulf %sub3A_37, %mul3A_41 : vector<640x256xf32>
    %mul3A_43 = vector.broadcast %get3A_19 : vector<1x256xf32> to vector<640x256xf32>
    %mul3A_44 = arith.mulf %mul3A_42, %mul3A_43 : vector<640x256xf32>
    %add3A_45 = vector.broadcast %get3A_22 : vector<1x256xf32> to vector<640x256xf32>
    %add3A_46 = arith.addf %mul3A_44, %add3A_45 : vector<640x256xf32>
    %max3A = arith.constant 0.000000e+00 : f32
    %max3A_47 = vector.broadcast %max3A : f32 to vector<640x256xf32>
    %max3A_48 = arith.maximumf %add3A_46, %max3A_47 : vector<640x256xf32>
    %get3A_49 = arith.constant 0 : index
    %get3A_50 = arith.constant 0 : index
    %get3A_51 = vector.load %arg6[%get3A_49, %get3A_50] : memref<256x512xf32, #tpu.memory_space<vmem>>, vector<256x512xf32>
    %convert_element_type3A = arith.truncf %max3A_48 : vector<640x256xf32> to vector<640x256xbf16>
    %convert_element_type3A_52 = arith.truncf %get3A_51 : vector<256x512xf32> to vector<256x512xbf16>
    %dot_general3A = arith.constant dense<0.000000e+00> : vector<640x512xf32>
    %dot_general3A_53 = tpu.matmul %convert_element_type3A, %convert_element_type3A_52, %dot_general3A {dimension_numbers = #tpu.dot_dimension_numbers<[1], [0], [0], [1], [0, 0, 1, 1], [], []>, transpose_lhs_hint = false} : vector<640x256xbf16>, vector<256x512xbf16>, vector<640x512xf32> -> vector<640x512xf32>
    %get3A_54 = arith.constant 0 : index
    %get3A_55 = arith.constant 0 : index
    %get3A_56 = vector.load %arg7[%get3A_54, %get3A_55] : memref<1x512xf32, #tpu.memory_space<vmem>>, vector<1x512xf32>
    %add3A_57 = vector.broadcast %get3A_56 : vector<1x512xf32> to vector<640x512xf32>
    %add3A_58 = arith.addf %dot_general3A_53, %add3A_57 : vector<640x512xf32>
    %max3A_59 = arith.constant 0.000000e+00 : f32
    %max3A_60 = vector.broadcast %max3A_59 : f32 to vector<640x512xf32>
    %max3A_61 = arith.maximumf %add3A_58, %max3A_60 : vector<640x512xf32>
    %get3A_62 = arith.constant 0 : index
    %get3A_63 = arith.constant 0 : index
    %get3A_64 = vector.load %arg8[%get3A_62, %get3A_63] : memref<512x256xf32, #tpu.memory_space<vmem>>, vector<512x256xf32>
    %convert_element_type3A_65 = arith.truncf %max3A_61 : vector<640x512xf32> to vector<640x512xbf16>
    %convert_element_type3A_66 = arith.truncf %get3A_64 : vector<512x256xf32> to vector<512x256xbf16>
    %dot_general3A_67 = arith.constant dense<0.000000e+00> : vector<640x256xf32>
    %dot_general3A_68 = tpu.matmul %convert_element_type3A_65, %convert_element_type3A_66, %dot_general3A_67 {dimension_numbers = #tpu.dot_dimension_numbers<[1], [0], [0], [1], [0, 0, 1, 1], [], []>, transpose_lhs_hint = false} : vector<640x512xbf16>, vector<512x256xbf16>, vector<640x256xf32> -> vector<640x256xf32>
    %get3A_69 = arith.constant 0 : index
    %get3A_70 = arith.constant 0 : index
    %get3A_71 = vector.load %arg9[%get3A_69, %get3A_70] : memref<1x256xf32, #tpu.memory_space<vmem>>, vector<1x256xf32>
    %add3A_72 = vector.broadcast %get3A_71 : vector<1x256xf32> to vector<640x256xf32>
    %add3A_73 = arith.addf %dot_general3A_68, %add3A_72 : vector<640x256xf32>
    %swap3A = arith.constant 0 : index
    %swap3A_74 = arith.constant 0 : index
    %swap3A_75 = vector.load %arg10[%swap3A, %swap3A_74] : memref<640x256xf32, #tpu.memory_space<vmem>>, vector<640x256xf32>
    tpu.vector_store %arg10[%swap3A, %swap3A_74], %add3A_73 {strides = array<i32>} : memref<640x256xf32, #tpu.memory_space<vmem>>, vector<640x256xf32>,
    return
  }
  func.func @transform_0(%arg0: i32) -> (i32, i32, i32) {
    %c0_i32 = arith.constant 0 : i32
    %c0_i32_0 = arith.constant 0 : i32
    %c0_i32_1 = arith.constant 0 : i32
    return %c0_i32, %arg0, %c0_i32_0 : i32, i32, i32
  }
  func.func @transform_1(%arg0: i32) -> (i32, i32) {
    %c0_i32 = arith.constant 0 : i32
    %c0_i32_0 = arith.constant 0 : i32
    return %arg0, %c0_i32 : i32, i32
  }
  func.func @transform_2(%arg0: i32) -> (i32, i32) {
    %c0_i32 = arith.constant 0 : i32
    %c0_i32_0 = arith.constant 0 : i32
    %c0_i32_1 = arith.constant 0 : i32
    return %c0_i32, %c0_i32_0 : i32, i32
  }
  func.func @transform_3(%arg0: i32) -> (i32, i32) {
    %c0_i32 = arith.constant 0 : i32
    %c0_i32_0 = arith.constant 0 : i32
    %c0_i32_1 = arith.constant 0 : i32
    return %c0_i32, %c0_i32_0 : i32, i32
  }
  func.func @transform_4(%arg0: i32) -> (i32, i32) {
    %c0_i32 = arith.constant 0 : i32
    %c0_i32_0 = arith.constant 0 : i32
    %c0_i32_1 = arith.constant 0 : i32
    return %c0_i32, %c0_i32_0 : i32, i32
  }
  func.func @transform_5(%arg0: i32) -> (i32, i32) {
    %c0_i32 = arith.constant 0 : i32
    %c0_i32_0 = arith.constant 0 : i32
    %c0_i32_1 = arith.constant 0 : i32
    return %c0_i32, %c0_i32_0 : i32, i32
  }
  func.func @transform_6(%arg0: i32) -> (i32, i32) {
    %c0_i32 = arith.constant 0 : i32
    %c0_i32_0 = arith.constant 0 : i32
    %c0_i32_1 = arith.constant 0 : i32
    return %c0_i32, %c0_i32_0 : i32, i32
  }
  func.func @transform_7(%arg0: i32) -> (i32, i32) {
    %c0_i32 = arith.constant 0 : i32
    %c0_i32_0 = arith.constant 0 : i32
    %c0_i32_1 = arith.constant 0 : i32
    return %c0_i32, %c0_i32_0 : i32, i32
  }
  func.func @transform_8(%arg0: i32) -> (i32, i32) {
    %c0_i32 = arith.constant 0 : i32
    %c0_i32_0 = arith.constant 0 : i32
    %c0_i32_1 = arith.constant 0 : i32
    return %c0_i32, %c0_i32_0 : i32, i32
  }
  func.func @transform_9(%arg0: i32) -> (i32, i32) {
    %c0_i32 = arith.constant 0 : i32
    %c0_i32_0 = arith.constant 0 : i32
    return %arg0, %c0_i32 : i32, i32
  }
}

</mosaic_0001>

<sc_bundles>
// kernel: kernel.12.cloned.1.call-start
scs
__scs_entry_jumppad:
0x0: {  	(pc) =	sbr.rel $0x88, $3  }
0x1: {  	(tag) =	ssettag $0x0;
	lr =	simm.s32 $0x1  }
0x2: {  	[smem:$0x3F86] =	sst lr;
	_ =	strace $0xD0000000  }
0x3: {  	_ = 	snop  }
0x4: {  	_ = 	snop  }
0x5: {  	_ = 	snop  }
0x6: {  	_ = 	snop  }
0x7: {  	_ = 	snop  }
__scs_overlays_trampoline_lowered:
0x8: {  	[smem:$0x3F95] =	sst s0  }
0x9: {  	[smem:$0x3F96] =	sst s1  }
0xa: {  	[smem:$0x3F97] =	sst s2  }
0xb: {  	[smem:$0x3F98] =	sst s3  }
0xc: {  	[smem:$0x3F99] =	sst s4  }
0xd: {  	[smem:$0x3F9A] =	sst s5  }
0xe: {  	[smem:$0x3F9B] =	sst s6  }
0xf: {  	[smem:$0x3F9C] =	sst s7  }
0x10: {  	[smem:$0x3F9D] =	sst s8  }
0x11: {  	[smem:$0x3F9E] =	sst s9;
	s0 =	simm.s32 @!p0 $0x0  }
0x12: {  	s1 =	sld [smem:$0x3F84];
	s0 =	simm.s32 @p0 $0x1  }
0x13: {  	[smem:$0x3F9F] =	sst s0;
	s0 =	simm.s32 @!p1 $0x0  }
0x14: {  	s2 =	sld [smem:$0x3F83];
	s0 =	simm.s32 @p1 $0x1  }
0x15: {  	[smem:$0x3FA0] =	sst s0;
	s0 =	simm.s32 @!p2 $0x0  }
0x16: {  	s3 =	sld [smem:$0x3FDB];
	s0 =	simm.s32 @p2 $0x1  }
0x17: {  	s4 =	simm.s32 $0x1BF5;
	[smem:$0x3FA2] =	sst s0  }
0x18: {  	s0 =	sld [smem:$0x3F85];
	_ =	swait.ge [sflag:s4], $0x0  }
0x19: {  	s7 =	sld [smem:$0x3F86]  }
0x1a: {  	s8 =	sadd.s32 $0xFFFFE003, lr  }
0x1b: {  	s9 =	sadd.s32 $0xFFFFFEF7, lr;
	s5 =	simm.s32 $0xFFFFFFFF;
	p2 =	slt.u32 s8, $0xFFFFF086  }
0x1c: {  	p1 =	slt.u32 s9, $0xF7A;
	s5 =	simm.s32 @!p2 $0x0  }
0x1d: {  	s5 =	simm.s32 @p1 $0x1;
	p0 =	seq.s32 s7, s2  }
0x1e: {  	s7 =	smul.u32 @!p0 $0xF7A, s2;
	p2 =	seq.s32 @!p0 s5, $0x0  }
0x1f: {  	s9 =	smul.u32 $0xF7A, s1;
	s8 =	simm.s32 @!p0 $0x1BF5;
	p2 =	por !p2, p0  }
0x20: {  	[sflag:s8] =	ssyncset.s32 @!p0 $0xFFFFF086;
	s6 =	sadd.s32 @!p0 s3, s7;
	s7 =	simm.s32 @!p0 $0x108  }
0x21: {  	s3 =	sadd.s32 s3, s9;
	s6 =	sadd.s32 @!p0 $0x88, s6;
	s7 =	simm.s32 @p2 $0x1082  }
0x22: {  	[simem:s7], [sflag:s8] =	dma.local @!p0 [hbm:s6], $0xF7A  }
0x23: {  	s9 =	sor.u32 $0xD0000000, s2;
	s6 =	simm.s32 $0x108;
	_ =	swait.ge @!p0 [sflag:s8], $0x0  }
0x24: {  	s3 =	sadd.s32 $0x88, s3;
	s6 =	simm.s32 @!p1 $0x1082;
	[sflag:s4] =	ssyncset.s32 $0xFFFFF086  }
0x25: {  	[simem:s6], [sflag:s4] =	dma.local [hbm:s3], $0xF7A  }
0x26: {  	[smem:$0x3F86] =	sst s1;
	(tag) =	ssettag s2;
	_ =	strace s9  }
0x27: {  	s1 =	sld [smem:$0x3F96]  }
0x28: {  	s2 =	sld [smem:$0x3F97]  }
0x29: {  	s4 =	sld [smem:$0x3F99]  }
0x2a: {  	p0 =	seq.s32 s5, $0x0;
	s5 =	sld [smem:$0x3F9A]  }
0x2b: {  	s6 =	sld [smem:$0x3F9B]  }
0x2c: {  	s7 =	sld [smem:$0x3F9C]  }
0x2d: {  	s3 =	simm.s32 $0x108;
	s8 =	sld [smem:$0x3F9D]  }
0x2e: {  	s3 =	simm.s32 @!p0 $0x1082;
	s9 =	sld [smem:$0x3F9E]  }
0x2f: {  	lr =	sadd.s32 s0, s3;
	s0 =	sld [smem:$0x3F95]  }
0x30: {  	s3 =	sld [smem:$0x3F98]  }
0x31: {  	[smem:$0x3FA1] =	sst s10  }
0x32: {  	s10 =	sld [smem:$0x3F9F];
	_ =	sdelay $0x3  }
0x33: {  	p0 =	seq.s32 s10, $0x1;
	s10 =	sld [smem:$0x3FA1];
	_ =	sdelay $0x3  }
0x34: {  	[smem:$0x3FA1] =	sst s10  }
0x35: {  	s10 =	sld [smem:$0x3FA0];
	_ =	sdelay $0x3  }
0x36: {  	p1 =	seq.s32 s10, $0x1;
	s10 =	sld [smem:$0x3FA1];
	_ =	sdelay $0x3  }
0x37: {  	[smem:$0x3FA1] =	sst s10  }
0x38: {  	s10 =	sld [smem:$0x3FA2]  }
0x39: {  	_ = 	snop;
	(pc) =	sbr.ind lr, $3  }
0x3a: {  	_ = 	snop  }
0x3b: {  	_ = 	snop  }
0x3c: {  	p2 =	seq.s32 s10, $0x1;
	s10 =	sld [smem:$0x3FA1]  }
0x3d: {  	_ =	shalt  }
0x3e: {  	_ =	shalt  }
0x3f: {  	_ =	shalt  }
0x40: {  	_ =	shalt  }
0x41: {  	_ =	shalt  }
0x42: {  	_ =	shalt  }
0x43: {  	_ =	shalt  }
0x44: {  	_ =	shalt  }
0x45: {  	_ =	shalt  }
0x46: {  	_ =	shalt  }
0x47: {  	_ =	shalt  }
0x48: {  	_ =	shalt  }
0x49: {  	_ =	shalt  }
0x4a: {  	_ =	shalt  }
0x4b: {  	_ =	shalt  }
0x4c: {  	_ =	shalt  }
0x4d: {  	_ =	shalt  }
0x4e: {  	_ =	shalt  }
0x4f: {  	_ =	shalt  }
0x50: {  	_ =	shalt  }
0x51: {  	_ =	shalt  }
0x52: {  	_ =	shalt  }
0x53: {  	_ =	shalt  }
0x54: {  	_ =	shalt  }
0x55: {  	_ =	shalt  }
0x56: {  	_ =	shalt  }
0x57: {  	_ =	shalt  }
0x58: {  	_ =	shalt  }
0x59: {  	_ =	shalt  }
0x5a: {  	_ =	shalt  }
0x5b: {  	_ =	shalt  }
0x5c: {  	_ =	shalt  }
0x5d: {  	_ =	shalt  }
0x5e: {  	_ =	shalt  }
0x5f: {  	_ =	shalt  }
0x60: {  	_ =	shalt  }
0x61: {  	_ =	shalt  }
0x62: {  	_ =	shalt  }
0x63: {  	_ =	shalt  }
0x64: {  	_ =	shalt  }
0x65: {  	_ =	shalt  }
0x66: {  	_ =	shalt  }
0x67: {  	_ =	shalt  }
0x68: {  	_ =	shalt  }
0x69: {  	_ =	shalt  }
0x6a: {  	_ =	shalt  }
0x6b: {  	_ =	shalt  }
0x6c: {  	_ =	shalt  }
0x6d: {  	_ =	shalt  }
0x6e: {  	_ =	shalt  }
0x6f: {  	_ =	shalt  }
0x70: {  	_ =	shalt  }
0x71: {  	_ =	shalt  }
0x72: {  	_ =	shalt  }
0x73: {  	_ =	shalt  }
0x74: {  	_ =	shalt  }
0x75: {  	_ =	shalt  }
0x76: {  	_ =	shalt  }
0x77: {  	_ =	shalt  }
0x78: {  	_ =	shalt  }
0x79: {  	_ =	shalt  }
0x7a: {  	_ =	shalt  }
0x7b: {  	_ =	shalt  }
0x7c: {  	_ =	shalt  }
0x7d: {  	_ =	shalt  }
0x7e: {  	_ =	shalt  }
0x7f: {  	_ =	shalt  }
0x80: {  	_ =	shalt  }
0x81: {  	_ =	shalt  }
0x82: {  	_ =	shalt  }
0x83: {  	_ =	shalt  }
0x84: {  	_ =	shalt  }
0x85: {  	_ =	shalt  }
0x86: {  	_ =	shalt  }
0x87: {  	_ =	shalt  }
.Lfunc_end0:
.L_simem_size_0:
called_computation_lowered:
.L_overlay_start_0:
0x88: {  	s2 =	sld [smem:$0x3FD9]  }
0x89: {  	s3 =	sld [smem:$0x3FFE];
	_ =	sdelay $0x1  }
0x8a: {  	s1 =	srdreg.scid  }
0x8b: {  	s0 =	sand.u32 $0x1, s1  }
0x8c: {  	s17 =	sshll.u32 s0, $0xA;
	s2 =	sadd.s32 s3, s2  }
0x8d: {  	s2 =	sadd.s32 s2, s17  }
0x8e: {  	[smem:$0x3FAD] =	sst s2  }
0x8f: {  	_ = 	snop  }
0x90: {  	s2 =	sld [smem:$0x3FD0];
	(tm) =	ssettm $0x1  }
0x91: {  	s18 =	sld [smem:$0x3FFB];
	_ =	sdelay $0x3  }
0x92: {  	_ =	strace s18  }
0x93: {  	s3 =	sld [smem:$0x3FFC];
	_ =	sdelay $0x3  }
0x94: {  	_ =	strace s3  }
0x95: {  	s3 =	sld [smem:$0x3FFD];
	_ =	sdelay $0x3  }
0x96: {  	_ =	strace s3  }
0x97: {  	_ =	strace $0x8FFFFFFF  }
0x98: {  	s19 =	sld [smem:$0x3FDB];
	_ =	sdelay $0x1  }
0x99: {  	s4 =	simm.s32 $_scs_section_size  }
0x9a: {  	s5 =	simm.s32 $_size__tile_overlayer_lowered;
	s6 =	simm.s32 $_tile_overlayer_lowered  }
0x9b: {  	s22 =	simm.s32 $0x1BFF;
	s21 =	sshll.u32 s6, $0x1;
	s3 =	sadd.s32 s4, s19  }
0x9c: {  	s7 =	simm.s32 $0x0;
	s20 =	sshll.u32 s5, $0x1;
	s5 =	sadd.s32 s21, s3  }
0x9d: {  	[timem:s7], [sflag:s22] =	dma.local [hbm:s5], s20  }
0x9e: {  	_ =	swait.ge [sflag:s22], s20  }
0x9f: {  	s4 =	ssub.s32 $0x0, s20;
	[sflag:s22] =	ssyncset.done $0x0  }
0xa0: {  	[sflag:s22] =	ssyncadd.s32 s4;
	_ =	sdelay $0x1  }
0xa1: {  	s23 =	simm.s32 $0x1B8B  }
0xa2: {  	_ =	swait.ge [sflag:s23], $0x1  }
0xa3: {  	[sflag:s23] =	ssyncset.done $0x0  }
0xa4: {  	s25 =	simm.s32 $0x1B8E;
	s24 =	sld [smem:$0x3FFE];
	[sflag:s23] =	ssyncadd.s32 $0xFFFFFFFF  }
0xa5: {  	s26 =	simm.s32 $execute0_lowered;
	[smem:$0x3FD2] =	sst s25  }
0xa6: {  	s5 =	sshll.u32 s26, $0x1;
	_ =	strace $0x80000046;
	[dreg:$0x1] =	wrdreg $0xFFFFFFFF  }
0xa7: {  	s28 =	simm.s32 $_size_execute0_lowered;
	s3 =	sadd.s32 s3, s5;
	[dreg:$0x0] =	wrdreg $0x0  }
0xa8: {  	s5 =	sshll.u32 s28, $0x1;
	[dreg:$0x2] =	wrdreg s3  }
0xa9: {  	[dreg:$0x3] =	wrdreg s5  }
0xaa: {  	[dreg:$0x4] =	wrdreg $0xC0  }
0xab: {  	_ =	task [dreg:s7], $0x5FFFF  }
0xac: {  	[dreg:$0x1] =	wrdreg $0xFFFFFFFF  }
0xad: {  	[dreg:$0x0] =	wrdreg $0x60  }
0xae: {  	[dreg:$0x2] =	wrdreg s24  }
0xaf: {  	[dreg:$0x3] =	wrdreg s2  }
0xb0: {  	[dreg:$0x4] =	wrdreg $0x54000  }
0xb1: {  	[dreg:$0x5] =	wrdreg $0x9  }
0xb2: {  	_ =	task.clear_ibuf [dreg:s7], $0x6FFFF;
	_ =	strace $0x90000046  }
0xb3: {  	s29 =	simm.s32 $0x9;
	_ =	strace $0x80000048  }
0xb4: {  	_ =	swait.ge [sflag:s29], $0x1  }
0xb5: {  	[sflag:s29] =	ssyncadd.s32 $0xFFFFFFFF  }
0xb6: {  	_ =	strace $0x90000048  }
0xb7: {  	_ =	sfence  }
0xb8: {  	s30 =	sld [smem:$0x0];
	_ =	sdelay $0x2  }
0xb9: {  	s31 =	sshll.u32 s1, $0xD;
	s1 =	sshrl.u32 s1, $0x2  }
0xba: {  	s3 =	sand.u32 $0x4000, s31;
	s1 =	sadd.s32 s1, s30  }
0xbb: {  	s0 =	sor.u32 s3, s0;
	s1 =	sshll.u32 s1, $0x11  }
0xbc: {  	s0 =	sor.u32 s1, s0  }
0xbd: {  	s0 =	sadd.s32 $0x8F2B, s0  }
0xbe: {  	[sflag:s0] =	ssyncadd.remote.s32 $0x1  }
0xbf: {  	_ =	sfence.sel $0xFFFF  }
0xc0: {  	[dreg:$0x0] =	wrdreg $0xFFFFFFFF;
	(pc) =	sbr.abs _section_cstart, $3  }
0xc1: {  	[dreg:$0x1] =	wrdreg $0xFFFFFFFF  }
0xc2: {  	_ =	task.clear_ibuf [dreg:s7], $0x2FFFF;
	_ =	strace $0x9FFFFFFF  }
0xc3: {  	(tm) =	ssettm $0x7FFFFFFF  }
tec
execute0_lowered:
.L_overlay_start_1:
0x0: {  	(tag) =	ssettag $0x1  }
0x1: {  	s5 =	rddreg [dreg:$0x0]  }
0x2: {  	s1 =	srdreg.scid;
	s6 =	rddreg [dreg:$0x1]  }
0x3: {  	s0 =	stileid.u32;
	s2 =	rddreg [dreg:$0x2];
	s3 =	simm.s32 $0x0  }
0x4: {  	s12 =	simm.s32 $0x80;
	s7 =	sand.u32 $0x1, s1;
	s1 =	rddreg [dreg:$0x3]  }
0x5: {  	s29 =	sshll.u32 s0, $0x1;
	[smem:$0x7FF] =	sst s3;
	s9 =	smul.u32 $0x50000, s0  }
0x6: {  	s13 =	smul.u32 $0x2800, s0;
	s31 =	sshll.u32 s0, $0x6;
	s4 =	sor.u32 s7, s29  }
0x7: {  	_ =	strace $0x80000047;
	s10 =	smul.u32 $0x28000, s7;
	s7 =	ssub.s32 $0x2, s7  }
0x8: {  	s4 =	smul.u32 $0x280, s4;
	s11 =	sshrl.u32 s7, $0x1;
	s9 =	sshrl.u32 s9, $0x2  }
0x9: {  	s10 =	sadd.s32 s10, s5;
	s7 =	ssub.s32 s7, s11;
	s30 =	sadd.s32 s9, s2  }
0xa: {  	s9 =	simm.s32 $0x1;
	s8 =	sadd.s32 s4, s5;
	s4 =	sadd.s32 $0xF200, s5  }
0xb: {  	s5 =	sadd.s32 s6, s13;
	s14 =	sadd.s32 $0xFA00, s10;
	s7 =	smax.u32 s7, $0x1  }
0xc: {  	s10 =	sor.u32 $0x1C01, s31;
	s11 =	sshrl.u32 s30, $0x3;
	s6 =	sadd.s32 $0x5200, s8  }
0xd: {  	s8 =	simm.s32 $0x1400;
	s13 =	sadd.s32 s13, s14;
	s14 =	simm.s32 $0x0  }
.LBB2_1:
0xe: {  	[tilespmem:s8], [sflag:$0x1] =	stream.linear.gather [hbm4b:s4+s3], $0x4000, $0x38;
	[tilespmem:$0x19400] =	vst v63  }
0xf: {  	_ =	swait.ge [sflag:s9], $0x4000  }
0x10: {  	[sflag:s9] =	ssyncset.done $0x0  }
0x11: {  	[sflag:s9] =	ssyncadd.s32 $0xFFFFC000  }
0x12: {  	[spmem:s11], [sflag:s10] =	dma.local [hbm:s5], $0x2800  }
0x13: {  	_ =	swait.ge [sflag:s9], $0x2800  }
0x14: {  	[sflag:s9] =	ssyncset.done $0x0  }
0x15: {  	[sflag:s9] =	ssyncadd.s32 $0xFFFFD800  }
0x16: {  	[tilespmem:s3], [sflag:$0x1] =	stream.linear.gather [hbm4b:s6+s3], $0x1400, $0x38;
	[tilespmem:$0x19400] =	vst v63  }
0x17: {  	_ =	swait.ge [sflag:s9], $0x1400  }
0x18: {  	[sflag:s9] =	ssyncset.done $0x0  }
0x19: {  	[sflag:s9] =	ssyncadd.s32 $0xFFFFEC00  }
0x1a: {  	s15 =	simm.s32 $0x0;
	[bflag:$0x0] =	sbarrier.arrive $0xFFFF  }
0x1b: {  	[spmem:s2] =	stream.indirect.scatter.add.f32 [tilespmem:s8], [sflag:$0x1], $0x80, s15, s12, $0xb8;
	[tilespmem:$0x19400] =	vst v63  }
0x1c: {  	_ =	swait.ge [sflag:s9], $0x4000  }
0x1d: {  	s15 =	simm.s32 $0x200;
	[sflag:s9] =	ssyncset.done $0x0  }
.LBB2_2:
0x1e: {  	s16 =	sshra.s32 s15, $0x2;
	[sflag:s9] =	ssyncadd.s32 $0xFFFFC000;
	p0 =	sne.s32 s15, $0x4E00  }
0x1f: {  	[spmem:s2] =	stream.indirect.scatter.add.f32 [tilespmem:s8], [sflag:$0x1], $0x80, s16, s12, $0xb8;
	[tilespmem:$0x19400] =	vst v63  }
.Ltmp0:
0x20: {  	_ = 	snop;
	(pc) =	sbr.rel @p0 .LBB2_2-.Ltmp0, $4  }
0x21: {  	_ = 	snop  }
0x22: {  	s15 =	sadd.s32 $0x200, s15  }
0x23: {  	_ =	swait.ge [sflag:s9], $0x4000  }
0x24: {  	[sflag:s9] =	ssyncset.done $0x0  }
0x25: {  	s14 =	sadd.s32 $0x1, s14  }
0x26: {  	[sflag:s9] =	ssyncadd.s32 $0xFFFFC000;
	p0 =	sne.s32 s14, s7  }
.Ltmp1:
0x27: {  	[bflag:$0x0] =	sbarrier.arrive $0xFFFF;
	(pc) =	sbr.rel @p0 .LBB2_1-.Ltmp1, $4  }
0x28: {  	[hbm:s13], [sflag:s10] =	dma.local [spmem:s11], $0x2800  }
0x29: {  	_ =	swait.ge [sflag:s9], $0x2800  }
0x2a: {  	[sflag:s9] =	ssyncset.done $0x0  }
0x2b: {  	[sflag:s9] =	ssyncadd.s32 $0xFFFFD800  }
0x2c: {  	_ =	sfence.sel $0x180000  }
0x2d: {  	[bflag:$0x0] =	sbarrier.arrive $0xFFFF  }
0x2e: {  	p0 =	sne.s32 s0, $0x0;
	_ =	strace $0x90000047  }
0x2f: {  	s0 =	sadd.s32 @!p0 $0x100000, s1;
	[bflag:$0x2] =	sbarrier.arrive $0xFFFF  }
0x30: {  	[sflag:s0] =	ssyncadd.tile.s32 @!p0 $0x1;
	_ =	shalt  }
.Lfunc_end2:
_tile_overlayer_lowered:
.L_overlay_start_2:
0x31: {  	(tag) =	ssettag $0x2  }
0x32: {  	s0 =	rddreg [dreg:$0x0];
	s2 =	stileid.u32  }
0x33: {  	s1 =	rddreg [dreg:$0x1];
	p0 =	sne.s32 s2, $0x0  }
0x34: {  	s3 =	rddreg [dreg:$0x2];
	[bflag:$0x3] =	sbarrier.arrive $0xFFFF;
	s2 =	simm.s32 @!p0 $0x1C01  }
0x35: {  	[timem:s3], [sflag:s2] =	dma.local @!p0 [hbm:s0], s1  }
0x36: {  	s0 =	simm.s32 @!p0 $0x1  }
0x37: {  	_ =	swait.ge @!p0 [sflag:s0], s1  }
0x38: {  	s1 =	ssub.s32 @!p0 $0x0, s1;
	[sflag:s0] =	ssyncset.done @!p0 $0x0  }
0x39: {  	[sflag:s0] =	ssyncadd.s32 @!p0 s1  }
0x3a: {  	[bflag:$0x3] =	sbarrier.arrive $0xFFFF  }
0x3b: {  	_ =	shalt  }

// kernel: kernel.15.cloned.1.call-start
scs
__scs_entry_jumppad:
0x0: {  	(pc) =	sbr.rel $0x88, $3  }
0x1: {  	(tag) =	ssettag $0x0;
	lr =	simm.s32 $0x1  }
0x2: {  	[smem:$0x3F86] =	sst lr;
	_ =	strace $0xD0000000  }
0x3: {  	_ = 	snop  }
0x4: {  	_ = 	snop  }
0x5: {  	_ = 	snop  }
0x6: {  	_ = 	snop  }
0x7: {  	_ = 	snop  }
__scs_overlays_trampoline_lowered:
0x8: {  	[smem:$0x3F95] =	sst s0  }
0x9: {  	[smem:$0x3F96] =	sst s1  }
0xa: {  	[smem:$0x3F97] =	sst s2  }
0xb: {  	[smem:$0x3F98] =	sst s3  }
0xc: {  	[smem:$0x3F99] =	sst s4  }
0xd: {  	[smem:$0x3F9A] =	sst s5  }
0xe: {  	[smem:$0x3F9B] =	sst s6  }
0xf: {  	[smem:$0x3F9C] =	sst s7  }
0x10: {  	[smem:$0x3F9D] =	sst s8  }
0x11: {  	[smem:$0x3F9E] =	sst s9;
	s0 =	simm.s32 @!p0 $0x0  }
0x12: {  	s1 =	sld [smem:$0x3F84];
	s0 =	simm.s32 @p0 $0x1  }
0x13: {  	[smem:$0x3F9F] =	sst s0;
	s0 =	simm.s32 @!p1 $0x0  }
0x14: {  	s2 =	sld [smem:$0x3F83];
	s0 =	simm.s32 @p1 $0x1  }
0x15: {  	[smem:$0x3FA0] =	sst s0;
	s0 =	simm.s32 @!p2 $0x0  }
0x16: {  	s3 =	sld [smem:$0x3FDB];
	s0 =	simm.s32 @p2 $0x1  }
0x17: {  	s4 =	simm.s32 $0x1BF5;
	[smem:$0x3FA2] =	sst s0  }
0x18: {  	s0 =	sld [smem:$0x3F85];
	_ =	swait.ge [sflag:s4], $0x0  }
0x19: {  	s7 =	sld [smem:$0x3F86]  }
0x1a: {  	s8 =	sadd.s32 $0xFFFFE003, lr  }
0x1b: {  	s9 =	sadd.s32 $0xFFFFFEF7, lr;
	s5 =	simm.s32 $0xFFFFFFFF;
	p2 =	slt.u32 s8, $0xFFFFF086  }
0x1c: {  	p1 =	slt.u32 s9, $0xF7A;
	s5 =	simm.s32 @!p2 $0x0  }
0x1d: {  	s5 =	simm.s32 @p1 $0x1;
	p0 =	seq.s32 s7, s2  }
0x1e: {  	s7 =	smul.u32 @!p0 $0xF7A, s2;
	p2 =	seq.s32 @!p0 s5, $0x0  }
0x1f: {  	s9 =	smul.u32 $0xF7A, s1;
	s8 =	simm.s32 @!p0 $0x1BF5;
	p2 =	por !p2, p0  }
0x20: {  	[sflag:s8] =	ssyncset.s32 @!p0 $0xFFFFF086;
	s6 =	sadd.s32 @!p0 s3, s7;
	s7 =	simm.s32 @!p0 $0x108  }
0x21: {  	s3 =	sadd.s32 s3, s9;
	s6 =	sadd.s32 @!p0 $0x88, s6;
	s7 =	simm.s32 @p2 $0x1082  }
0x22: {  	[simem:s7], [sflag:s8] =	dma.local @!p0 [hbm:s6], $0xF7A  }
0x23: {  	s9 =	sor.u32 $0xD0000000, s2;
	s6 =	simm.s32 $0x108;
	_ =	swait.ge @!p0 [sflag:s8], $0x0  }
0x24: {  	s3 =	sadd.s32 $0x88, s3;
	s6 =	simm.s32 @!p1 $0x1082;
	[sflag:s4] =	ssyncset.s32 $0xFFFFF086  }
0x25: {  	[simem:s6], [sflag:s4] =	dma.local [hbm:s3], $0xF7A  }
0x26: {  	[smem:$0x3F86] =	sst s1;
	(tag) =	ssettag s2;
	_ =	strace s9  }
0x27: {  	s1 =	sld [smem:$0x3F96]  }
0x28: {  	s2 =	sld [smem:$0x3F97]  }
0x29: {  	s4 =	sld [smem:$0x3F99]  }
0x2a: {  	p0 =	seq.s32 s5, $0x0;
	s5 =	sld [smem:$0x3F9A]  }
0x2b: {  	s6 =	sld [smem:$0x3F9B]  }
0x2c: {  	s7 =	sld [smem:$0x3F9C]  }
0x2d: {  	s3 =	simm.s32 $0x108;
	s8 =	sld [smem:$0x3F9D]  }
0x2e: {  	s3 =	simm.s32 @!p0 $0x1082;
	s9 =	sld [smem:$0x3F9E]  }
0x2f: {  	lr =	sadd.s32 s0, s3;
	s0 =	sld [smem:$0x3F95]  }
0x30: {  	s3 =	sld [smem:$0x3F98]  }
0x31: {  	[smem:$0x3FA1] =	sst s10  }
0x32: {  	s10 =	sld [smem:$0x3F9F];
	_ =	sdelay $0x3  }
0x33: {  	p0 =	seq.s32 s10, $0x1;
	s10 =	sld [smem:$0x3FA1];
	_ =	sdelay $0x3  }
0x34: {  	[smem:$0x3FA1] =	sst s10  }
0x35: {  	s10 =	sld [smem:$0x3FA0];
	_ =	sdelay $0x3  }
0x36: {  	p1 =	seq.s32 s10, $0x1;
	s10 =	sld [smem:$0x3FA1];
	_ =	sdelay $0x3  }
0x37: {  	[smem:$0x3FA1] =	sst s10  }
0x38: {  	s10 =	sld [smem:$0x3FA2]  }
0x39: {  	_ = 	snop;
	(pc) =	sbr.ind lr, $3  }
0x3a: {  	_ = 	snop  }
0x3b: {  	_ = 	snop  }
0x3c: {  	p2 =	seq.s32 s10, $0x1;
	s10 =	sld [smem:$0x3FA1]  }
0x3d: {  	_ =	shalt  }
0x3e: {  	_ =	shalt  }
0x3f: {  	_ =	shalt  }
0x40: {  	_ =	shalt  }
0x41: {  	_ =	shalt  }
0x42: {  	_ =	shalt  }
0x43: {  	_ =	shalt  }
0x44: {  	_ =	shalt  }
0x45: {  	_ =	shalt  }
0x46: {  	_ =	shalt  }
0x47: {  	_ =	shalt  }
0x48: {  	_ =	shalt  }
0x49: {  	_ =	shalt  }
0x4a: {  	_ =	shalt  }
0x4b: {  	_ =	shalt  }
0x4c: {  	_ =	shalt  }
0x4d: {  	_ =	shalt  }
0x4e: {  	_ =	shalt  }
0x4f: {  	_ =	shalt  }
0x50: {  	_ =	shalt  }
0x51: {  	_ =	shalt  }
0x52: {  	_ =	shalt  }
0x53: {  	_ =	shalt  }
0x54: {  	_ =	shalt  }
0x55: {  	_ =	shalt  }
0x56: {  	_ =	shalt  }
0x57: {  	_ =	shalt  }
0x58: {  	_ =	shalt  }
0x59: {  	_ =	shalt  }
0x5a: {  	_ =	shalt  }
0x5b: {  	_ =	shalt  }
0x5c: {  	_ =	shalt  }
0x5d: {  	_ =	shalt  }
0x5e: {  	_ =	shalt  }
0x5f: {  	_ =	shalt  }
0x60: {  	_ =	shalt  }
0x61: {  	_ =	shalt  }
0x62: {  	_ =	shalt  }
0x63: {  	_ =	shalt  }
0x64: {  	_ =	shalt  }
0x65: {  	_ =	shalt  }
0x66: {  	_ =	shalt  }
0x67: {  	_ =	shalt  }
0x68: {  	_ =	shalt  }
0x69: {  	_ =	shalt  }
0x6a: {  	_ =	shalt  }
0x6b: {  	_ =	shalt  }
0x6c: {  	_ =	shalt  }
0x6d: {  	_ =	shalt  }
0x6e: {  	_ =	shalt  }
0x6f: {  	_ =	shalt  }
0x70: {  	_ =	shalt  }
0x71: {  	_ =	shalt  }
0x72: {  	_ =	shalt  }
0x73: {  	_ =	shalt  }
0x74: {  	_ =	shalt  }
0x75: {  	_ =	shalt  }
0x76: {  	_ =	shalt  }
0x77: {  	_ =	shalt  }
0x78: {  	_ =	shalt  }
0x79: {  	_ =	shalt  }
0x7a: {  	_ =	shalt  }
0x7b: {  	_ =	shalt  }
0x7c: {  	_ =	shalt  }
0x7d: {  	_ =	shalt  }
0x7e: {  	_ =	shalt  }
0x7f: {  	_ =	shalt  }
0x80: {  	_ =	shalt  }
0x81: {  	_ =	shalt  }
0x82: {  	_ =	shalt  }
0x83: {  	_ =	shalt  }
0x84: {  	_ =	shalt  }
0x85: {  	_ =	shalt  }
0x86: {  	_ =	shalt  }
0x87: {  	_ =	shalt  }
.Lfunc_end0:
.L_simem_size_0:
called_computation.1_lowered:
.L_overlay_start_0:
0x88: {  	s2 =	sld [smem:$0x3FD9]  }
0x89: {  	s3 =	sld [smem:$0x3FFE];
	_ =	sdelay $0x1  }
0x8a: {  	s1 =	srdreg.scid  }
0x8b: {  	s0 =	sand.u32 $0x1, s1  }
0x8c: {  	s16 =	sshll.u32 s0, $0xA;
	s2 =	sadd.s32 s3, s2  }
0x8d: {  	s2 =	sadd.s32 s2, s16  }
0x8e: {  	[smem:$0x3FAD] =	sst s2  }
0x8f: {  	_ = 	snop  }
0x90: {  	(tm) =	ssettm $0x1  }
0x91: {  	s17 =	sld [smem:$0x3FFB];
	_ =	sdelay $0x3  }
0x92: {  	_ =	strace s17  }
0x93: {  	s2 =	sld [smem:$0x3FFC];
	_ =	sdelay $0x3  }
0x94: {  	_ =	strace s2  }
0x95: {  	s2 =	sld [smem:$0x3FFD];
	_ =	sdelay $0x3  }
0x96: {  	_ =	strace s2  }
0x97: {  	_ =	strace $0x8FFFFFFF  }
0x98: {  	s18 =	sld [smem:$0x3FDB];
	_ =	sdelay $0x1  }
0x99: {  	s19 =	simm.s32 $_scs_section_size  }
0x9a: {  	s4 =	simm.s32 $_size__tile_overlayer_lowered;
	s5 =	simm.s32 $_tile_overlayer_lowered  }
0x9b: {  	s22 =	simm.s32 $0x1BFF;
	s21 =	sshll.u32 s5, $0x1;
	s2 =	sadd.s32 s19, s18  }
0x9c: {  	s6 =	simm.s32 $0x0;
	s20 =	sshll.u32 s4, $0x1;
	s4 =	sadd.s32 s21, s2  }
0x9d: {  	[timem:s6], [sflag:s22] =	dma.local [hbm:s4], s20  }
0x9e: {  	_ =	swait.ge [sflag:s22], s20  }
0x9f: {  	s3 =	ssub.s32 $0x0, s20;
	[sflag:s22] =	ssyncset.done $0x0  }
0xa0: {  	[sflag:s22] =	ssyncadd.s32 s3;
	_ =	sdelay $0x1  }
0xa1: {  	s23 =	simm.s32 $0x1B8B  }
0xa2: {  	_ =	swait.ge [sflag:s23], $0x1  }
0xa3: {  	[sflag:s23] =	ssyncset.done $0x0  }
0xa4: {  	s25 =	simm.s32 $0x1B8E;
	s24 =	sld [smem:$0x3FFE];
	[sflag:s23] =	ssyncadd.s32 $0xFFFFFFFF  }
0xa5: {  	s26 =	simm.s32 $execute0_lowered;
	[smem:$0x3FD2] =	sst s25  }
0xa6: {  	s4 =	sshll.u32 s26, $0x1;
	_ =	strace $0x80000049;
	[dreg:$0x1] =	wrdreg $0xFFFFFFFF  }
0xa7: {  	s28 =	simm.s32 $_size_execute0_lowered;
	s2 =	sadd.s32 s2, s4;
	[dreg:$0x0] =	wrdreg $0x0  }
0xa8: {  	s4 =	sshll.u32 s28, $0x1;
	[dreg:$0x2] =	wrdreg s2  }
0xa9: {  	[dreg:$0x3] =	wrdreg s4  }
0xaa: {  	[dreg:$0x4] =	wrdreg $0xC0  }
0xab: {  	_ =	task [dreg:s6], $0x5FFFF  }
0xac: {  	[dreg:$0x1] =	wrdreg $0xFFFFFFFF  }
0xad: {  	[dreg:$0x0] =	wrdreg $0x60  }
0xae: {  	[dreg:$0x2] =	wrdreg s24  }
0xaf: {  	[dreg:$0x3] =	wrdreg $0xAA000  }
0xb0: {  	[dreg:$0x4] =	wrdreg $0x9  }
0xb1: {  	_ =	task.clear_ibuf [dreg:s6], $0x5FFFF;
	_ =	strace $0x90000049  }
0xb2: {  	s29 =	simm.s32 $0x9;
	_ =	strace $0x8000004B  }
0xb3: {  	_ =	swait.ge [sflag:s29], $0x1  }
0xb4: {  	[sflag:s29] =	ssyncadd.s32 $0xFFFFFFFF  }
0xb5: {  	_ =	strace $0x9000004B  }
0xb6: {  	_ =	sfence  }
0xb7: {  	s30 =	sld [smem:$0x0];
	_ =	sdelay $0x2  }
0xb8: {  	s31 =	sshll.u32 s1, $0xD;
	s1 =	sshrl.u32 s1, $0x2  }
0xb9: {  	s3 =	sand.u32 $0x4000, s31;
	s1 =	sadd.s32 s1, s30  }
0xba: {  	s0 =	sor.u32 s3, s0;
	s1 =	sshll.u32 s1, $0x11  }
0xbb: {  	s0 =	sor.u32 s1, s0  }
0xbc: {  	s0 =	sadd.s32 $0x8F2B, s0  }
0xbd: {  	[sflag:s0] =	ssyncadd.remote.s32 $0x1  }
0xbe: {  	_ =	sfence.sel $0xFFFF  }
0xbf: {  	[dreg:$0x0] =	wrdreg $0xFFFFFFFF;
	(pc) =	sbr.abs _section_cstart, $3  }
0xc0: {  	[dreg:$0x1] =	wrdreg $0xFFFFFFFF  }
0xc1: {  	_ =	task.clear_ibuf [dreg:s6], $0x2FFFF;
	_ =	strace $0x9FFFFFFF  }
0xc2: {  	(tm) =	ssettm $0x7FFFFFFF  }
0xc3: {  	_ =	shalt  }
tec
execute0_lowered:
.L_overlay_start_1:
0x0: {  	(tag) =	ssettag $0x1  }
0x1: {  	s0 =	rddreg [dreg:$0x0]  }
0x2: {  	s2 =	rddreg [dreg:$0x1];
	s3 =	simm.s32 $0x0  }
0x3: {  	s9 =	stileid.u32;
	s4 =	srdreg.scid;
	s28 =	simm.s32 $0x2900  }
0x4: {  	s30 =	simm.s32 $0x8A00;
	s31 =	simm.s32 $0x2980;
	s1 =	smul.u32 $0x2800, s9  }
0x5: {  	[smem:$0x7FF] =	sst s3;
	s4 =	sand.u32 $0x1, s4;
	s8 =	smul.u32 $0x4F000, s9  }
0x6: {  	s11 =	sadd.s32 $0x64A00, s0;
	s12 =	sadd.s32 $0xA200, s0;
	s10 =	smul.u32 $0x2780, s9  }
0x7: {  	s20 =	smul.u32 $0x500, s9;
	s25 =	sshll.u32 s9, $0x6;
	_ =	strace $0x8000004A  }
0x8: {  	s5 =	ssub.s32 $0x2, s4;
	s14 =	smul.u32 $0x50000, s4;
	s16 =	sor.u32 $0x1C09, s25  }
0x9: {  	s1 =	sshrl.u32 s1, $0x3;
	s7 =	sshrl.u32 s5, $0x1;
	s23 =	sadd.s32 s20, s12  }
0xa: {  	s20 =	simm.s32 $0x2800;
	[dreg:$0x4] =	wrdreg s10;
	s6 =	sadd.s32 s1, s0  }
0xb: {  	s0 =	sadd.s32 $0x104A00, s0;
	s13 =	ssub.s32 s5, s7;
	s7 =	sshrl.u32 s8, $0x2  }
0xc: {  	s5 =	sadd.s32 s12, s1;
	s8 =	smul.u32 $0x280000, s4;
	s4 =	simm.s32 $0x3  }
0xd: {  	s12 =	simm.s32 $0x7;
	s6 =	sadd.s32 $0x5FA00, s6;
	s15 =	sadd.s32 s7, s2  }
0xe: {  	s18 =	sadd.s32 $0x8, s5;
	s19 =	sadd.s32 $0x10, s5;
	[dreg:$0x3] =	wrdreg s6  }
0xf: {  	s22 =	sadd.s32 $0x18, s5;
	s21 =	sadd.s32 s0, s14;
	[dreg:$0x5] =	wrdreg s18  }
0x10: {  	s24 =	smax.u32 s13, $0x1;
	s13 =	sadd.s32 $0x20, s23;
	[dreg:$0x6] =	wrdreg s19  }
0x11: {  	s6 =	sadd.s32 s11, s14;
	s1 =	sshrl.u32 s8, $0x3;
	[dreg:$0x7] =	wrdreg s22  }
0x12: {  	[dreg:$0x8] =	wrdreg s24;
	s14 =	simm.s32 $0x9;
	s17 =	sshrl.u32 s15, $0x3  }
0x13: {  	s18 =	simm.s32 $0x40;
	s19 =	simm.s32 $0x2A00;
	s29 =	sadd.s32 s10, s21  }
.Ltmp0:
0x14: {  	s15 =	simm.s32 $0x4;
	s21 =	simm.s32 $0x8;
	(pc) =	sbr.rel .LBB2_1-.Ltmp0, $4  }
0x15: {  	s22 =	simm.s32 $0x0;
	s1 =	sadd.s32 $0x28000, s1;
	s26 =	sadd.s32 s10, s6  }
0x16: {  	[dreg:$0xa] =	wrdreg s29;
	s11 =	sadd.s32 s11, s1;
	s0 =	sadd.s32 s0, s1  }
0x17: {  	[dreg:$0x9] =	wrdreg s26;
	s26 =	simm.s32 $0x6A00;
	s0 =	sadd.s32 s10, s0  }
0x18: {  	s1 =	simm.s32 $0x5;
	[dreg:$0xb] =	wrdreg s0;
	s0 =	simm.s32 $0x1  }
.LBB2_7:
0x19: {  	_ =	swait.ge [sflag:s15], $0x2000  }
0x1a: {  	[sflag:s15] =	ssyncset.done $0x0  }
0x1b: {  	[sflag:s15] =	ssyncadd.s32 $0xFFFFE000  }
0x1c: {  	_ =	swait.ge [sflag:s21], $0x40  }
0x1d: {  	[sflag:s21] =	ssyncset.done $0x0  }
0x1e: {  	[sflag:s21] =	ssyncadd.s32 $0xFFFFFFC0  }
0x1f: {  	[spmem:s2] =	stream.indirect.scatter.add.f32 [tilespmem:s30], [sflag:$0x9], $0x80, s31, s18, $0xb8;
	[tilespmem:$0x1E600] =	vst v63  }
0x20: {  	_ =	swait.ge [sflag:s14], $0x2000  }
0x21: {  	[sflag:s14] =	ssyncset.done $0x0  }
0x22: {  	[sflag:s14] =	ssyncadd.s32 $0xFFFFE000  }
0x23: {  	[bflag:$0x0] =	sbarrier.arrive $0xFFFF  }
0x24: {  	s7 =	rddreg [dreg:$0xb]  }
0x25: {  	[hbm:s7], [sflag:s16] =	dma.local [spmem:s17], $0x2780  }
0x26: {  	_ =	swait.ge [sflag:s14], $0x2780  }
0x27: {  	s22 =	sadd.s32 $0x1, s22;
	s29 =	rddreg [dreg:$0x8]  }
0x28: {  	p0 =	sne.s32 s22, s29  }
.Ltmp1:
0x29: {  	_ = 	snop;
	(pc) =	sbr.rel @!p0 .LBB2_8-.Ltmp1, $3  }
0x2a: {  	[sflag:s14] =	ssyncset.done $0x0  }
0x2b: {  	[sflag:s14] =	ssyncadd.s32 $0xFFFFD880  }
0x2c: {  	[bflag:$0x0] =	sbarrier.arrive $0xFFFF;
	_ =	sdelay $0x1  }
.LBB2_1:
0x2d: {  	s7 =	rddreg [dreg:$0x3]  }
0x2e: {  	[tilespmem:s3], [sflag:$0x9] =	stream.linear.gather [hbm4b:s7+s3], $0x2800, $0x38;
	[tilespmem:$0x1E600] =	vst v63  }
0x2f: {  	_ =	swait.ge [sflag:s14], $0x2800  }
0x30: {  	[sflag:s14] =	ssyncset.done $0x0  }
0x31: {  	s25 =	rddreg [dreg:$0x9];
	[sflag:s14] =	ssyncadd.s32 $0xFFFFD800  }
0x32: {  	[spmem:s17], [sflag:s16] =	dma.local [hbm:s25], $0x2780  }
0x33: {  	_ =	swait.ge [sflag:s14], $0x2780  }
0x34: {  	[sflag:s14] =	ssyncset.done $0x0  }
0x35: {  	[sflag:s14] =	ssyncadd.s32 $0xFFFFD880  }
0x36: {  	[bflag:$0x0] =	sbarrier.arrive $0xFFFF  }
0x37: {  	[tilespmem:s19], [sflag:$0x1] =	stream.indirect.gather [hbm4b:s6+s18], $0x80, s3, s18, $0xb8;
	[tilespmem:$0x1E600] =	vst v63  }
0x38: {  	_ = 	snop  }
0x39: {  	[tilespmem:s20], [sflag:$0x5] =	stream.linear.gather [hbm4b:s5+s3], $0x40, $0x38;
	[tilespmem:$0x1E600] =	vst v63  }
0x3a: {  	s8 =	simm.s32 $0x4A00  }
0x3b: {  	[tilespmem:s8], [sflag:$0x2] =	stream.indirect.gather [hbm4b:s6+s18], $0x80, s18, s18, $0xb8;
	[tilespmem:$0x1E600] =	vst v63  }
0x3c: {  	s9 =	rddreg [dreg:$0x5];
	s8 =	simm.s32 $0x2880  }
0x3d: {  	[tilespmem:s8], [sflag:$0x6] =	stream.linear.gather [hbm4b:s9+s3], $0x40, $0x38;
	[tilespmem:$0x1E600] =	vst v63  }
0x3e: {  	s10 =	simm.s32 $0x80  }
0x3f: {  	[tilespmem:s26], [sflag:$0x3] =	stream.indirect.gather [hbm4b:s6+s18], $0x80, s10, s18, $0xb8;
	[tilespmem:$0x1E600] =	vst v63  }
0x40: {  	s23 =	rddreg [dreg:$0x6]  }
0x41: {  	[tilespmem:s28], [sflag:$0x7] =	stream.linear.gather [hbm4b:s23+s3], $0x40, $0x38;
	[tilespmem:$0x1E600] =	vst v63  }
0x42: {  	s24 =	simm.s32 $0xC0  }
0x43: {  	[tilespmem:s30], [sflag:$0x4] =	stream.indirect.gather [hbm4b:s6+s18], $0x80, s24, s18, $0xb8;
	[tilespmem:$0x1E600] =	vst v63  }
0x44: {  	s29 =	simm.s32 $0x0;
	s25 =	rddreg [dreg:$0x7];
	s23 =	smov.u32 s13  }
0x45: {  	[tilespmem:s31], [sflag:$0x8] =	stream.linear.gather [hbm4b:s25+s3], $0x40, $0x38;
	[tilespmem:$0x1E600] =	vst v63  }
.LBB2_2:
0x46: {  	_ =	swait.ge [sflag:s0], $0x2000  }
0x47: {  	[sflag:s0] =	ssyncset.done $0x0  }
0x48: {  	[sflag:s0] =	ssyncadd.s32 $0xFFFFE000  }
0x49: {  	_ =	swait.ge [sflag:s1], $0x40  }
0x4a: {  	[sflag:s1] =	ssyncset.done $0x0  }
0x4b: {  	[sflag:s1] =	ssyncadd.s32 $0xFFFFFFC0  }
0x4c: {  	[spmem:s2] =	stream.indirect.scatter.add.f32 [tilespmem:s19], [sflag:$0x9], $0x80, s20, s18, $0xb8;
	[tilespmem:$0x1E600] =	vst v63  }
0x4d: {  	_ =	swait.ge [sflag:s14], $0x2000  }
0x4e: {  	p0 =	seq.s32 s29, $0x9C00;
	[sflag:s14] =	ssyncset.done $0x0  }
0x4f: {  	s24 =	simm.s32 @p0 $0x2;
	[sflag:s14] =	ssyncadd.s32 $0xFFFFE000  }
0x50: {  	_ =	swait.ge @p0 [sflag:s24], $0x2000  }
0x51: {  	[sflag:s24] =	ssyncset.done @p0 $0x0  }
0x52: {  	[sflag:s24] =	ssyncadd.s32 @p0 $0xFFFFE000;
	s24 =	simm.s32 @p0 $0x6  }
0x53: {  	_ =	swait.ge @p0 [sflag:s24], $0x40  }
0x54: {  	s25 =	simm.s32 @p0 $0x2880;
	[sflag:s24] =	ssyncset.done @p0 $0x0  }
0x55: {  	s7 =	simm.s32 @p0 $0x4A00;
	[sflag:s24] =	ssyncadd.s32 @p0 $0xFFFFFFC0;
	s24 =	simm.s32 @p0 $0x40  }
0x56: {  	[spmem:s2] =	stream.indirect.scatter.add.f32 @p0 [tilespmem:s7], [sflag:$0x9], $0x80, s25, s24, $0xb8;
	[tilespmem:$0x1E600] =	vst v63  }
0x57: {  	s7 =	simm.s32 @p0 $0x9  }
0x58: {  	_ =	swait.ge @p0 [sflag:s7], $0x2000  }
0x59: {  	[sflag:s7] =	ssyncset.done @p0 $0x0  }
0x5a: {  	[sflag:s7] =	ssyncadd.s32 @p0 $0xFFFFE000;
	s7 =	sshra.s32 @!p0 s29, $0x2  }
0x5b: {  	s8 =	simm.s32 @!p0 $0x2A00;
	s25 =	simm.s32 @!p0 $0x40;
	s24 =	sadd.s32 @!p0 $0x100, s7  }
0x5c: {  	[tilespmem:s8], [sflag:$0x1] =	stream.indirect.gather @!p0 [hbm4b:s6+s25], $0x80, s24, s25, $0xb8;
	[tilespmem:$0x1E600] =	vst v63  }
0x5d: {  	s8 =	simm.s32 @!p0 $0x0;
	s24 =	simm.s32 @!p0 $0x2800  }
0x5e: {  	[tilespmem:s24], [sflag:$0x5] =	stream.linear.gather @!p0 [hbm4b:s23+s8], $0x40, $0x38;
	[tilespmem:$0x1E600] =	vst v63  }
0x5f: {  	s24 =	simm.s32 @!p0 $0x2  }
0x60: {  	_ =	swait.ge @!p0 [sflag:s24], $0x2000  }
0x61: {  	[sflag:s24] =	ssyncset.done @!p0 $0x0  }
0x62: {  	[sflag:s24] =	ssyncadd.s32 @!p0 $0xFFFFE000;
	s24 =	simm.s32 @!p0 $0x6  }
0x63: {  	_ =	swait.ge @!p0 [sflag:s24], $0x40  }
0x64: {  	s9 =	simm.s32 @!p0 $0x4A00;
	[sflag:s24] =	ssyncset.done @!p0 $0x0  }
0x65: {  	s10 =	simm.s32 @!p0 $0x9;
	[sflag:s24] =	ssyncadd.s32 @!p0 $0xFFFFFFC0;
	s24 =	simm.s32 @!p0 $0x2880  }
0x66: {  	[spmem:s2] =	stream.indirect.scatter.add.f32 @!p0 [tilespmem:s9], [sflag:$0x9], $0x80, s24, s25, $0xb8;
	[tilespmem:$0x1E600] =	vst v63  }
0x67: {  	_ =	swait.ge @!p0 [sflag:s10], $0x2000  }
0x68: {  	[sflag:s10] =	ssyncset.done @!p0 $0x0  }
0x69: {  	s7 =	sadd.s32 @!p0 $0x140, s7;
	[sflag:s10] =	ssyncadd.s32 @!p0 $0xFFFFE000  }
0x6a: {  	[tilespmem:s9], [sflag:$0x2] =	stream.indirect.gather @!p0 [hbm4b:s6+s25], $0x80, s7, s25, $0xb8;
	[tilespmem:$0x1E600] =	vst v63  }
0x6b: {  	s7 =	sadd.s32 @!p0 $0x8, s23  }
0x6c: {  	[tilespmem:s24], [sflag:$0x6] =	stream.linear.gather @!p0 [hbm4b:s7+s8], $0x40, $0x38;
	[tilespmem:$0x1E600] =	vst v63  }
0x6d: {  	_ =	swait.ge [sflag:s4], $0x2000  }
0x6e: {  	[sflag:s4] =	ssyncset.done $0x0  }
0x6f: {  	[sflag:s4] =	ssyncadd.s32 $0xFFFFE000  }
0x70: {  	_ =	swait.ge [sflag:s12], $0x40  }
0x71: {  	[sflag:s12] =	ssyncset.done $0x0  }
.Ltmp2:
0x72: {  	[sflag:s12] =	ssyncadd.s32 $0xFFFFFFC0;
	(pc) =	sbr.rel @p0 .LBB2_4-.Ltmp2, $4  }
0x73: {  	[spmem:s2] =	stream.indirect.scatter.add.f32 [tilespmem:s26], [sflag:$0x9], $0x80, s28, s18, $0xb8;
	[tilespmem:$0x1E600] =	vst v63  }
0x74: {  	_ =	swait.ge [sflag:s14], $0x2000  }
0x75: {  	[sflag:s14] =	ssyncset.done $0x0  }
0x76: {  	[sflag:s14] =	ssyncadd.s32 $0xFFFFE000  }
0x77: {  	s7 =	sshra.s32 s29, $0x2  }
0x78: {  	s8 =	sadd.s32 $0x180, s7  }
0x79: {  	[tilespmem:s26], [sflag:$0x3] =	stream.indirect.gather [hbm4b:s6+s18], $0x80, s8, s18, $0xb8;
	[tilespmem:$0x1E600] =	vst v63  }
0x7a: {  	s24 =	sadd.s32 $0x10, s23  }
0x7b: {  	[tilespmem:s28], [sflag:$0x7] =	stream.linear.gather [hbm4b:s24+s3], $0x40, $0x38;
	[tilespmem:$0x1E600] =	vst v63  }
0x7c: {  	_ =	swait.ge [sflag:s15], $0x2000  }
0x7d: {  	[sflag:s15] =	ssyncset.done $0x0  }
0x7e: {  	[sflag:s15] =	ssyncadd.s32 $0xFFFFE000  }
0x7f: {  	_ =	swait.ge [sflag:s21], $0x40  }
0x80: {  	[sflag:s21] =	ssyncset.done $0x0  }
0x81: {  	[sflag:s21] =	ssyncadd.s32 $0xFFFFFFC0  }
0x82: {  	[spmem:s2] =	stream.indirect.scatter.add.f32 [tilespmem:s30], [sflag:$0x9], $0x80, s31, s18, $0xb8;
	[tilespmem:$0x1E600] =	vst v63  }
0x83: {  	_ =	swait.ge [sflag:s14], $0x2000  }
.Ltmp3:
0x84: {  	[sflag:s14] =	ssyncset.done $0x0;
	(pc) =	sbr.rel .LBB2_2-.Ltmp3, $4  }
0x85: {  	s7 =	sadd.s32 $0x1C0, s7;
	[sflag:s14] =	ssyncadd.s32 $0xFFFFE000  }
0x86: {  	[tilespmem:s30], [sflag:$0x4] =	stream.indirect.gather [hbm4b:s6+s18], $0x80, s7, s18, $0xb8;
	[tilespmem:$0x1E600] =	vst v63  }
0x87: {  	s25 =	sadd.s32 $0x18, s23;
	s29 =	sadd.s32 $0x400, s29;
	s23 =	sadd.s32 $0x20, s23  }
0x88: {  	[tilespmem:s31], [sflag:$0x8] =	stream.linear.gather [hbm4b:s25+s3], $0x40, $0x38;
	[tilespmem:$0x1E600] =	vst v63  }
.LBB2_4:
0x89: {  	_ =	swait.ge [sflag:s15], $0x2000  }
0x8a: {  	[sflag:s15] =	ssyncset.done $0x0  }
0x8b: {  	[sflag:s15] =	ssyncadd.s32 $0xFFFFE000  }
0x8c: {  	_ =	swait.ge [sflag:s21], $0x40  }
0x8d: {  	[sflag:s21] =	ssyncset.done $0x0  }
0x8e: {  	[sflag:s21] =	ssyncadd.s32 $0xFFFFFFC0  }
0x8f: {  	[spmem:s2] =	stream.indirect.scatter.add.f32 [tilespmem:s30], [sflag:$0x9], $0x80, s31, s18, $0xb8;
	[tilespmem:$0x1E600] =	vst v63  }
0x90: {  	_ =	swait.ge [sflag:s14], $0x2000  }
0x91: {  	[sflag:s14] =	ssyncset.done $0x0  }
0x92: {  	[sflag:s14] =	ssyncadd.s32 $0xFFFFE000  }
0x93: {  	[bflag:$0x0] =	sbarrier.arrive $0xFFFF  }
0x94: {  	s7 =	rddreg [dreg:$0xa]  }
0x95: {  	[hbm:s7], [sflag:s16] =	dma.local [spmem:s17], $0x2780  }
0x96: {  	_ =	swait.ge [sflag:s14], $0x2780  }
0x97: {  	[sflag:s14] =	ssyncset.done $0x0  }
0x98: {  	[sflag:s14] =	ssyncadd.s32 $0xFFFFD880  }
0x99: {  	[bflag:$0x0] =	sbarrier.arrive $0xFFFF  }
0x9a: {  	s23 =	rddreg [dreg:$0x4]  }
0x9b: {  	s7 =	sadd.s32 s23, s11  }
0x9c: {  	[spmem:s17], [sflag:s16] =	dma.local [hbm:s7], $0x2780  }
0x9d: {  	_ =	swait.ge [sflag:s14], $0x2780  }
0x9e: {  	[sflag:s14] =	ssyncset.done $0x0  }
0x9f: {  	[sflag:s14] =	ssyncadd.s32 $0xFFFFD880  }
0xa0: {  	s23 =	simm.s32 $0x0;
	[bflag:$0x0] =	sbarrier.arrive $0xFFFF  }
0xa1: {  	[tilespmem:s19], [sflag:$0x1] =	stream.indirect.gather [hbm4b:s11+s18], $0x80, s23, s18, $0xb8;
	[tilespmem:$0x1E600] =	vst v63  }
0xa2: {  	_ = 	snop  }
0xa3: {  	[tilespmem:s20], [sflag:$0x5] =	stream.linear.gather [hbm4b:s5+s23], $0x40, $0x38;
	[tilespmem:$0x1E600] =	vst v63  }
0xa4: {  	s24 =	simm.s32 $0x4A00  }
0xa5: {  	[tilespmem:s24], [sflag:$0x2] =	stream.indirect.gather [hbm4b:s11+s18], $0x80, s18, s18, $0xb8;
	[tilespmem:$0x1E600] =	vst v63  }
0xa6: {  	s8 =	simm.s32 $0x2880;
	s25 =	rddreg [dreg:$0x5]  }
0xa7: {  	[tilespmem:s8], [sflag:$0x6] =	stream.linear.gather [hbm4b:s25+s23], $0x40, $0x38;
	[tilespmem:$0x1E600] =	vst v63  }
0xa8: {  	s9 =	simm.s32 $0x80  }
0xa9: {  	[tilespmem:s26], [sflag:$0x3] =	stream.indirect.gather [hbm4b:s11+s18], $0x80, s9, s18, $0xb8;
	[tilespmem:$0x1E600] =	vst v63  }
0xaa: {  	s10 =	rddreg [dreg:$0x6]  }
0xab: {  	[tilespmem:s28], [sflag:$0x7] =	stream.linear.gather [hbm4b:s10+s23], $0x40, $0x38;
	[tilespmem:$0x1E600] =	vst v63  }
0xac: {  	s24 =	simm.s32 $0xC0  }
0xad: {  	[tilespmem:s30], [sflag:$0x4] =	stream.indirect.gather [hbm4b:s11+s18], $0x80, s24, s18, $0xb8;
	[tilespmem:$0x1E600] =	vst v63  }
0xae: {  	s29 =	smov.u32 s13;
	s25 =	rddreg [dreg:$0x7]  }
0xaf: {  	[tilespmem:s31], [sflag:$0x8] =	stream.linear.gather [hbm4b:s25+s23], $0x40, $0x38;
	[tilespmem:$0x1E600] =	vst v63  }
.LBB2_5:
0xb0: {  	_ =	swait.ge [sflag:s0], $0x2000  }
0xb1: {  	[sflag:s0] =	ssyncset.done $0x0  }
0xb2: {  	[sflag:s0] =	ssyncadd.s32 $0xFFFFE000  }
0xb3: {  	_ =	swait.ge [sflag:s1], $0x40  }
0xb4: {  	[sflag:s1] =	ssyncset.done $0x0  }
0xb5: {  	[sflag:s1] =	ssyncadd.s32 $0xFFFFFFC0  }
0xb6: {  	[spmem:s2] =	stream.indirect.scatter.add.f32 [tilespmem:s19], [sflag:$0x9], $0x80, s20, s18, $0xb8;
	[tilespmem:$0x1E600] =	vst v63  }
0xb7: {  	_ =	swait.ge [sflag:s14], $0x2000  }
0xb8: {  	p0 =	seq.s32 s23, $0x9C00;
	[sflag:s14] =	ssyncset.done $0x0  }
0xb9: {  	s7 =	simm.s32 @p0 $0x2;
	[sflag:s14] =	ssyncadd.s32 $0xFFFFE000  }
0xba: {  	_ =	swait.ge @p0 [sflag:s7], $0x2000  }
0xbb: {  	[sflag:s7] =	ssyncset.done @p0 $0x0  }
0xbc: {  	[sflag:s7] =	ssyncadd.s32 @p0 $0xFFFFE000;
	s7 =	simm.s32 @p0 $0x6  }
0xbd: {  	_ =	swait.ge @p0 [sflag:s7], $0x40  }
0xbe: {  	s8 =	simm.s32 @p0 $0x2880;
	[sflag:s7] =	ssyncset.done @p0 $0x0  }
0xbf: {  	s9 =	simm.s32 @p0 $0x4A00;
	[sflag:s7] =	ssyncadd.s32 @p0 $0xFFFFFFC0;
	s7 =	simm.s32 @p0 $0x40  }
0xc0: {  	[spmem:s2] =	stream.indirect.scatter.add.f32 @p0 [tilespmem:s9], [sflag:$0x9], $0x80, s8, s7, $0xb8;
	[tilespmem:$0x1E600] =	vst v63  }
0xc1: {  	s7 =	simm.s32 @p0 $0x9  }
0xc2: {  	_ =	swait.ge @p0 [sflag:s7], $0x2000  }
0xc3: {  	[sflag:s7] =	ssyncset.done @p0 $0x0  }
0xc4: {  	[sflag:s7] =	ssyncadd.s32 @p0 $0xFFFFE000;
	s7 =	sshra.s32 @!p0 s23, $0x2  }
0xc5: {  	s10 =	simm.s32 @!p0 $0x2A00;
	s9 =	simm.s32 @!p0 $0x40;
	s8 =	sadd.s32 @!p0 $0x100, s7  }
0xc6: {  	[tilespmem:s10], [sflag:$0x1] =	stream.indirect.gather @!p0 [hbm4b:s11+s9], $0x80, s8, s9, $0xb8;
	[tilespmem:$0x1E600] =	vst v63  }
0xc7: {  	s8 =	simm.s32 @!p0 $0x0;
	s10 =	simm.s32 @!p0 $0x2800  }
0xc8: {  	[tilespmem:s10], [sflag:$0x5] =	stream.linear.gather @!p0 [hbm4b:s29+s8], $0x40, $0x38;
	[tilespmem:$0x1E600] =	vst v63  }
0xc9: {  	s10 =	simm.s32 @!p0 $0x2  }
0xca: {  	_ =	swait.ge @!p0 [sflag:s10], $0x2000  }
0xcb: {  	[sflag:s10] =	ssyncset.done @!p0 $0x0  }
0xcc: {  	[sflag:s10] =	ssyncadd.s32 @!p0 $0xFFFFE000;
	s10 =	simm.s32 @!p0 $0x6  }
0xcd: {  	_ =	swait.ge @!p0 [sflag:s10], $0x40  }
0xce: {  	s24 =	simm.s32 @!p0 $0x4A00;
	[sflag:s10] =	ssyncset.done @!p0 $0x0  }
0xcf: {  	s25 =	simm.s32 @!p0 $0x9;
	[sflag:s10] =	ssyncadd.s32 @!p0 $0xFFFFFFC0;
	s10 =	simm.s32 @!p0 $0x2880  }
0xd0: {  	[spmem:s2] =	stream.indirect.scatter.add.f32 @!p0 [tilespmem:s24], [sflag:$0x9], $0x80, s10, s9, $0xb8;
	[tilespmem:$0x1E600] =	vst v63  }
0xd1: {  	_ =	swait.ge @!p0 [sflag:s25], $0x2000  }
0xd2: {  	[sflag:s25] =	ssyncset.done @!p0 $0x0  }
0xd3: {  	s7 =	sadd.s32 @!p0 $0x140, s7;
	[sflag:s25] =	ssyncadd.s32 @!p0 $0xFFFFE000  }
0xd4: {  	[tilespmem:s24], [sflag:$0x2] =	stream.indirect.gather @!p0 [hbm4b:s11+s9], $0x80, s7, s9, $0xb8;
	[tilespmem:$0x1E600] =	vst v63  }
0xd5: {  	s7 =	sadd.s32 @!p0 $0x8, s29  }
0xd6: {  	[tilespmem:s10], [sflag:$0x6] =	stream.linear.gather @!p0 [hbm4b:s7+s8], $0x40, $0x38;
	[tilespmem:$0x1E600] =	vst v63  }
0xd7: {  	_ =	swait.ge [sflag:s4], $0x2000  }
0xd8: {  	[sflag:s4] =	ssyncset.done $0x0  }
0xd9: {  	[sflag:s4] =	ssyncadd.s32 $0xFFFFE000  }
0xda: {  	_ =	swait.ge [sflag:s12], $0x40  }
0xdb: {  	[sflag:s12] =	ssyncset.done $0x0  }
.Ltmp4:
0xdc: {  	[sflag:s12] =	ssyncadd.s32 $0xFFFFFFC0;
	(pc) =	sbr.rel @p0 .LBB2_7-.Ltmp4, $4  }
0xdd: {  	[spmem:s2] =	stream.indirect.scatter.add.f32 [tilespmem:s26], [sflag:$0x9], $0x80, s28, s18, $0xb8;
	[tilespmem:$0x1E600] =	vst v63  }
0xde: {  	_ =	swait.ge [sflag:s14], $0x2000  }
0xdf: {  	[sflag:s14] =	ssyncset.done $0x0  }
0xe0: {  	[sflag:s14] =	ssyncadd.s32 $0xFFFFE000  }
0xe1: {  	s7 =	sshra.s32 s23, $0x2  }
0xe2: {  	s8 =	sadd.s32 $0x180, s7  }
0xe3: {  	[tilespmem:s26], [sflag:$0x3] =	stream.indirect.gather [hbm4b:s11+s18], $0x80, s8, s18, $0xb8;
	[tilespmem:$0x1E600] =	vst v63  }
0xe4: {  	s24 =	sadd.s32 $0x10, s29  }
0xe5: {  	[tilespmem:s28], [sflag:$0x7] =	stream.linear.gather [hbm4b:s24+s3], $0x40, $0x38;
	[tilespmem:$0x1E600] =	vst v63  }
0xe6: {  	_ =	swait.ge [sflag:s15], $0x2000  }
0xe7: {  	[sflag:s15] =	ssyncset.done $0x0  }
0xe8: {  	[sflag:s15] =	ssyncadd.s32 $0xFFFFE000  }
0xe9: {  	_ =	swait.ge [sflag:s21], $0x40  }
0xea: {  	[sflag:s21] =	ssyncset.done $0x0  }
0xeb: {  	[sflag:s21] =	ssyncadd.s32 $0xFFFFFFC0  }
0xec: {  	[spmem:s2] =	stream.indirect.scatter.add.f32 [tilespmem:s30], [sflag:$0x9], $0x80, s31, s18, $0xb8;
	[tilespmem:$0x1E600] =	vst v63  }
0xed: {  	_ =	swait.ge [sflag:s14], $0x2000  }
.Ltmp5:
0xee: {  	[sflag:s14] =	ssyncset.done $0x0;
	(pc) =	sbr.rel .LBB2_5-.Ltmp5, $4  }
0xef: {  	s7 =	sadd.s32 $0x1C0, s7;
	[sflag:s14] =	ssyncadd.s32 $0xFFFFE000  }
0xf0: {  	[tilespmem:s30], [sflag:$0x4] =	stream.indirect.gather [hbm4b:s11+s18], $0x80, s7, s18, $0xb8;
	[tilespmem:$0x1E600] =	vst v63  }
0xf1: {  	s25 =	sadd.s32 $0x18, s29;
	s23 =	sadd.s32 $0x400, s23;
	s29 =	sadd.s32 $0x20, s29  }
0xf2: {  	[tilespmem:s31], [sflag:$0x8] =	stream.linear.gather [hbm4b:s25+s3], $0x40, $0x38;
	[tilespmem:$0x1E600] =	vst v63  }
.LBB2_8:
0xf3: {  	_ =	sfence.sel $0x180000  }
0xf4: {  	[bflag:$0x0] =	sbarrier.arrive $0xFFFF  }
0xf5: {  	_ =	strace $0x9000004A  }
0xf6: {  	s0 =	stileid.u32;
	[bflag:$0x2] =	sbarrier.arrive $0xFFFF  }
0xf7: {  	p0 =	sne.s32 s0, $0x0;
	s0 =	rddreg [dreg:$0x2]  }
0xf8: {  	s0 =	sadd.s32 @!p0 $0x100000, s0  }
0xf9: {  	[sflag:s0] =	ssyncadd.tile.s32 @!p0 $0x1;
	_ =	shalt  }
.Lfunc_end2:
_tile_overlayer_lowered:
.L_overlay_start_2:
0xfa: {  	(tag) =	ssettag $0x2  }
0xfb: {  	s0 =	rddreg [dreg:$0x0];
	s2 =	stileid.u32  }
0xfc: {  	s1 =	rddreg [dreg:$0x1];
	p0 =	sne.s32 s2, $0x0  }
0xfd: {  	s3 =	rddreg [dreg:$0x2];
	[bflag:$0x3] =	sbarrier.arrive $0xFFFF;
	s2 =	simm.s32 @!p0 $0x1C09  }
0xfe: {  	[timem:s3], [sflag:s2] =	dma.local @!p0 [hbm:s0], s1  }
0xff: {  	s0 =	simm.s32 @!p0 $0x9  }
0x100: {  	_ =	swait.ge @!p0 [sflag:s0], s1  }
0x101: {  	s1 =	ssub.s32 @!p0 $0x0, s1;
	[sflag:s0] =	ssyncset.done @!p0 $0x0  }
0x102: {  	[sflag:s0] =	ssyncadd.s32 @!p0 s1  }
0x103: {  	[bflag:$0x3] =	sbarrier.arrive $0xFFFF  }
0x104: {  	_ =	shalt  }

// kernel: kernel.18.cloned.1.call-start
scs
__scs_entry_jumppad:
0x0: {  	(pc) =	sbr.rel $0x88, $3  }
0x1: {  	(tag) =	ssettag $0x0;
	lr =	simm.s32 $0x1  }
0x2: {  	[smem:$0x3F86] =	sst lr;
	_ =	strace $0xD0000000  }
0x3: {  	_ = 	snop  }
0x4: {  	_ = 	snop  }
0x5: {  	_ = 	snop  }
0x6: {  	_ = 	snop  }
0x7: {  	_ = 	snop  }
__scs_overlays_trampoline_lowered:
0x8: {  	[smem:$0x3F95] =	sst s0  }
0x9: {  	[smem:$0x3F96] =	sst s1  }
0xa: {  	[smem:$0x3F97] =	sst s2  }
0xb: {  	[smem:$0x3F98] =	sst s3  }
0xc: {  	[smem:$0x3F99] =	sst s4  }
0xd: {  	[smem:$0x3F9A] =	sst s5  }
0xe: {  	[smem:$0x3F9B] =	sst s6  }
0xf: {  	[smem:$0x3F9C] =	sst s7  }
0x10: {  	[smem:$0x3F9D] =	sst s8  }
0x11: {  	[smem:$0x3F9E] =	sst s9;
	s0 =	simm.s32 @!p0 $0x0  }
0x12: {  	s1 =	sld [smem:$0x3F84];
	s0 =	simm.s32 @p0 $0x1  }
0x13: {  	[smem:$0x3F9F] =	sst s0;
	s0 =	simm.s32 @!p1 $0x0  }
0x14: {  	s2 =	sld [smem:$0x3F83];
	s0 =	simm.s32 @p1 $0x1  }
0x15: {  	[smem:$0x3FA0] =	sst s0;
	s0 =	simm.s32 @!p2 $0x0  }
0x16: {  	s3 =	sld [smem:$0x3FDB];
	s0 =	simm.s32 @p2 $0x1  }
0x17: {  	s4 =	simm.s32 $0x1BF5;
	[smem:$0x3FA2] =	sst s0  }
0x18: {  	s0 =	sld [smem:$0x3F85];
	_ =	swait.ge [sflag:s4], $0x0  }
0x19: {  	s7 =	sld [smem:$0x3F86]  }
0x1a: {  	s8 =	sadd.s32 $0xFFFFE003, lr  }
0x1b: {  	s9 =	sadd.s32 $0xFFFFFEF7, lr;
	s5 =	simm.s32 $0xFFFFFFFF;
	p2 =	slt.u32 s8, $0xFFFFF086  }
0x1c: {  	p1 =	slt.u32 s9, $0xF7A;
	s5 =	simm.s32 @!p2 $0x0  }
0x1d: {  	s5 =	simm.s32 @p1 $0x1;
	p0 =	seq.s32 s7, s2  }
0x1e: {  	s7 =	smul.u32 @!p0 $0xF7A, s2;
	p2 =	seq.s32 @!p0 s5, $0x0  }
0x1f: {  	s9 =	smul.u32 $0xF7A, s1;
	s8 =	simm.s32 @!p0 $0x1BF5;
	p2 =	por !p2, p0  }
0x20: {  	[sflag:s8] =	ssyncset.s32 @!p0 $0xFFFFF086;
	s6 =	sadd.s32 @!p0 s3, s7;
	s7 =	simm.s32 @!p0 $0x108  }
0x21: {  	s3 =	sadd.s32 s3, s9;
	s6 =	sadd.s32 @!p0 $0x88, s6;
	s7 =	simm.s32 @p2 $0x1082  }
0x22: {  	[simem:s7], [sflag:s8] =	dma.local @!p0 [hbm:s6], $0xF7A  }
0x23: {  	s9 =	sor.u32 $0xD0000000, s2;
	s6 =	simm.s32 $0x108;
	_ =	swait.ge @!p0 [sflag:s8], $0x0  }
0x24: {  	s3 =	sadd.s32 $0x88, s3;
	s6 =	simm.s32 @!p1 $0x1082;
	[sflag:s4] =	ssyncset.s32 $0xFFFFF086  }
0x25: {  	[simem:s6], [sflag:s4] =	dma.local [hbm:s3], $0xF7A  }
0x26: {  	[smem:$0x3F86] =	sst s1;
	(tag) =	ssettag s2;
	_ =	strace s9  }
0x27: {  	s1 =	sld [smem:$0x3F96]  }
0x28: {  	s2 =	sld [smem:$0x3F97]  }
0x29: {  	s4 =	sld [smem:$0x3F99]  }
0x2a: {  	p0 =	seq.s32 s5, $0x0;
	s5 =	sld [smem:$0x3F9A]  }
0x2b: {  	s6 =	sld [smem:$0x3F9B]  }
0x2c: {  	s7 =	sld [smem:$0x3F9C]  }
0x2d: {  	s3 =	simm.s32 $0x108;
	s8 =	sld [smem:$0x3F9D]  }
0x2e: {  	s3 =	simm.s32 @!p0 $0x1082;
	s9 =	sld [smem:$0x3F9E]  }
0x2f: {  	lr =	sadd.s32 s0, s3;
	s0 =	sld [smem:$0x3F95]  }
0x30: {  	s3 =	sld [smem:$0x3F98]  }
0x31: {  	[smem:$0x3FA1] =	sst s10  }
0x32: {  	s10 =	sld [smem:$0x3F9F];
	_ =	sdelay $0x3  }
0x33: {  	p0 =	seq.s32 s10, $0x1;
	s10 =	sld [smem:$0x3FA1];
	_ =	sdelay $0x3  }
0x34: {  	[smem:$0x3FA1] =	sst s10  }
0x35: {  	s10 =	sld [smem:$0x3FA0];
	_ =	sdelay $0x3  }
0x36: {  	p1 =	seq.s32 s10, $0x1;
	s10 =	sld [smem:$0x3FA1];
	_ =	sdelay $0x3  }
0x37: {  	[smem:$0x3FA1] =	sst s10  }
0x38: {  	s10 =	sld [smem:$0x3FA2]  }
0x39: {  	_ = 	snop;
	(pc) =	sbr.ind lr, $3  }
0x3a: {  	_ = 	snop  }
0x3b: {  	_ = 	snop  }
0x3c: {  	p2 =	seq.s32 s10, $0x1;
	s10 =	sld [smem:$0x3FA1]  }
0x3d: {  	_ =	shalt  }
0x3e: {  	_ =	shalt  }
0x3f: {  	_ =	shalt  }
0x40: {  	_ =	shalt  }
0x41: {  	_ =	shalt  }
0x42: {  	_ =	shalt  }
0x43: {  	_ =	shalt  }
0x44: {  	_ =	shalt  }
0x45: {  	_ =	shalt  }
0x46: {  	_ =	shalt  }
0x47: {  	_ =	shalt  }
0x48: {  	_ =	shalt  }
0x49: {  	_ =	shalt  }
0x4a: {  	_ =	shalt  }
0x4b: {  	_ =	shalt  }
0x4c: {  	_ =	shalt  }
0x4d: {  	_ =	shalt  }
0x4e: {  	_ =	shalt  }
0x4f: {  	_ =	shalt  }
0x50: {  	_ =	shalt  }
0x51: {  	_ =	shalt  }
0x52: {  	_ =	shalt  }
0x53: {  	_ =	shalt  }
0x54: {  	_ =	shalt  }
0x55: {  	_ =	shalt  }
0x56: {  	_ =	shalt  }
0x57: {  	_ =	shalt  }
0x58: {  	_ =	shalt  }
0x59: {  	_ =	shalt  }
0x5a: {  	_ =	shalt  }
0x5b: {  	_ =	shalt  }
0x5c: {  	_ =	shalt  }
0x5d: {  	_ =	shalt  }
0x5e: {  	_ =	shalt  }
0x5f: {  	_ =	shalt  }
0x60: {  	_ =	shalt  }
0x61: {  	_ =	shalt  }
0x62: {  	_ =	shalt  }
0x63: {  	_ =	shalt  }
0x64: {  	_ =	shalt  }
0x65: {  	_ =	shalt  }
0x66: {  	_ =	shalt  }
0x67: {  	_ =	shalt  }
0x68: {  	_ =	shalt  }
0x69: {  	_ =	shalt  }
0x6a: {  	_ =	shalt  }
0x6b: {  	_ =	shalt  }
0x6c: {  	_ =	shalt  }
0x6d: {  	_ =	shalt  }
0x6e: {  	_ =	shalt  }
0x6f: {  	_ =	shalt  }
0x70: {  	_ =	shalt  }
0x71: {  	_ =	shalt  }
0x72: {  	_ =	shalt  }
0x73: {  	_ =	shalt  }
0x74: {  	_ =	shalt  }
0x75: {  	_ =	shalt  }
0x76: {  	_ =	shalt  }
0x77: {  	_ =	shalt  }
0x78: {  	_ =	shalt  }
0x79: {  	_ =	shalt  }
0x7a: {  	_ =	shalt  }
0x7b: {  	_ =	shalt  }
0x7c: {  	_ =	shalt  }
0x7d: {  	_ =	shalt  }
0x7e: {  	_ =	shalt  }
0x7f: {  	_ =	shalt  }
0x80: {  	_ =	shalt  }
0x81: {  	_ =	shalt  }
0x82: {  	_ =	shalt  }
0x83: {  	_ =	shalt  }
0x84: {  	_ =	shalt  }
0x85: {  	_ =	shalt  }
0x86: {  	_ =	shalt  }
0x87: {  	_ =	shalt  }
.Lfunc_end0:
.L_simem_size_0:
called_computation.2_lowered:
.L_overlay_start_0:
0x88: {  	s2 =	sld [smem:$0x3FD9]  }
0x89: {  	s3 =	sld [smem:$0x3FFE];
	_ =	sdelay $0x1  }
0x8a: {  	s1 =	srdreg.scid  }
0x8b: {  	s0 =	sand.u32 $0x1, s1  }
0x8c: {  	s16 =	sshll.u32 s0, $0xA;
	s2 =	sadd.s32 s3, s2  }
0x8d: {  	s2 =	sadd.s32 s2, s16  }
0x8e: {  	[smem:$0x3FAD] =	sst s2  }
0x8f: {  	_ = 	snop  }
0x90: {  	(tm) =	ssettm $0x1  }
0x91: {  	s17 =	sld [smem:$0x3FFB];
	_ =	sdelay $0x3  }
0x92: {  	_ =	strace s17  }
0x93: {  	s2 =	sld [smem:$0x3FFC];
	_ =	sdelay $0x3  }
0x94: {  	_ =	strace s2  }
0x95: {  	s2 =	sld [smem:$0x3FFD];
	_ =	sdelay $0x3  }
0x96: {  	_ =	strace s2  }
0x97: {  	_ =	strace $0x8FFFFFFF  }
0x98: {  	s18 =	sld [smem:$0x3FDB];
	_ =	sdelay $0x1  }
0x99: {  	s19 =	simm.s32 $_scs_section_size  }
0x9a: {  	s4 =	simm.s32 $_size__tile_overlayer_lowered;
	s5 =	simm.s32 $_tile_overlayer_lowered  }
0x9b: {  	s22 =	simm.s32 $0x1BFF;
	s21 =	sshll.u32 s5, $0x1;
	s2 =	sadd.s32 s19, s18  }
0x9c: {  	s6 =	simm.s32 $0x0;
	s20 =	sshll.u32 s4, $0x1;
	s4 =	sadd.s32 s21, s2  }
0x9d: {  	[timem:s6], [sflag:s22] =	dma.local [hbm:s4], s20  }
0x9e: {  	_ =	swait.ge [sflag:s22], s20  }
0x9f: {  	s3 =	ssub.s32 $0x0, s20;
	[sflag:s22] =	ssyncset.done $0x0  }
0xa0: {  	[sflag:s22] =	ssyncadd.s32 s3;
	_ =	sdelay $0x1  }
0xa1: {  	s23 =	simm.s32 $0x1B8B  }
0xa2: {  	_ =	swait.ge [sflag:s23], $0x1  }
0xa3: {  	[sflag:s23] =	ssyncset.done $0x0  }
0xa4: {  	s25 =	simm.s32 $0x1B8E;
	s24 =	sld [smem:$0x3FFE];
	[sflag:s23] =	ssyncadd.s32 $0xFFFFFFFF  }
0xa5: {  	s26 =	simm.s32 $execute0_lowered;
	[smem:$0x3FD2] =	sst s25  }
0xa6: {  	s4 =	sshll.u32 s26, $0x1;
	_ =	strace $0x8000004C;
	[dreg:$0x1] =	wrdreg $0xFFFFFFFF  }
0xa7: {  	s28 =	simm.s32 $_size_execute0_lowered;
	s2 =	sadd.s32 s2, s4;
	[dreg:$0x0] =	wrdreg $0x0  }
0xa8: {  	s4 =	sshll.u32 s28, $0x1;
	[dreg:$0x2] =	wrdreg s2  }
0xa9: {  	[dreg:$0x3] =	wrdreg s4  }
0xaa: {  	[dreg:$0x4] =	wrdreg $0xC0  }
0xab: {  	_ =	task [dreg:s6], $0x5FFFF  }
0xac: {  	[dreg:$0x1] =	wrdreg $0xFFFFFFFF  }
0xad: {  	[dreg:$0x0] =	wrdreg $0x60  }
0xae: {  	[dreg:$0x2] =	wrdreg s24  }
0xaf: {  	[dreg:$0x3] =	wrdreg $0xAA000  }
0xb0: {  	[dreg:$0x4] =	wrdreg $0x9  }
0xb1: {  	_ =	task.clear_ibuf [dreg:s6], $0x5FFFF;
	_ =	strace $0x9000004C  }
0xb2: {  	s29 =	simm.s32 $0x9;
	_ =	strace $0x8000004E  }
0xb3: {  	_ =	swait.ge [sflag:s29], $0x1  }
0xb4: {  	[sflag:s29] =	ssyncadd.s32 $0xFFFFFFFF  }
0xb5: {  	_ =	strace $0x9000004E  }
0xb6: {  	_ =	sfence  }
0xb7: {  	s30 =	sld [smem:$0x0];
	_ =	sdelay $0x2  }
0xb8: {  	s31 =	sshll.u32 s1, $0xD;
	s1 =	sshrl.u32 s1, $0x2  }
0xb9: {  	s3 =	sand.u32 $0x4000, s31;
	s1 =	sadd.s32 s1, s30  }
0xba: {  	s0 =	sor.u32 s3, s0;
	s1 =	sshll.u32 s1, $0x11  }
0xbb: {  	s0 =	sor.u32 s1, s0  }
0xbc: {  	s0 =	sadd.s32 $0x8F2B, s0  }
0xbd: {  	[sflag:s0] =	ssyncadd.remote.s32 $0x1  }
0xbe: {  	_ =	sfence.sel $0xFFFF  }
0xbf: {  	[dreg:$0x0] =	wrdreg $0xFFFFFFFF;
	(pc) =	sbr.abs _section_cstart, $3  }
0xc0: {  	[dreg:$0x1] =	wrdreg $0xFFFFFFFF  }
0xc1: {  	_ =	task.clear_ibuf [dreg:s6], $0x2FFFF;
	_ =	strace $0x9FFFFFFF  }
0xc2: {  	(tm) =	ssettm $0x7FFFFFFF  }
0xc3: {  	_ =	shalt  }
tec
execute0_lowered:
.L_overlay_start_1:
0x0: {  	(tag) =	ssettag $0x1  }
0x1: {  	s0 =	rddreg [dreg:$0x0]  }
0x2: {  	s2 =	rddreg [dreg:$0x1];
	s3 =	simm.s32 $0x0  }
0x3: {  	s9 =	stileid.u32;
	s4 =	srdreg.scid;
	s28 =	simm.s32 $0x2900  }
0x4: {  	s30 =	simm.s32 $0x8A00;
	s31 =	simm.s32 $0x2980;
	s1 =	smul.u32 $0x2800, s9  }
0x5: {  	[smem:$0x7FF] =	sst s3;
	s4 =	sand.u32 $0x1, s4;
	s8 =	smul.u32 $0x4F000, s9  }
0x6: {  	s11 =	sadd.s32 $0x64A00, s0;
	s12 =	sadd.s32 $0xA200, s0;
	s10 =	smul.u32 $0x2780, s9  }
0x7: {  	s20 =	smul.u32 $0x500, s9;
	s25 =	sshll.u32 s9, $0x6;
	_ =	strace $0x8000004D  }
0x8: {  	s5 =	ssub.s32 $0x2, s4;
	s14 =	smul.u32 $0x50000, s4;
	s16 =	sor.u32 $0x1C09, s25  }
0x9: {  	s1 =	sshrl.u32 s1, $0x3;
	s7 =	sshrl.u32 s5, $0x1;
	s23 =	sadd.s32 s20, s12  }
0xa: {  	s20 =	simm.s32 $0x2800;
	[dreg:$0x4] =	wrdreg s10;
	s6 =	sadd.s32 s1, s0  }
0xb: {  	s0 =	sadd.s32 $0x104A00, s0;
	s13 =	ssub.s32 s5, s7;
	s7 =	sshrl.u32 s8, $0x2  }
0xc: {  	s5 =	sadd.s32 s12, s1;
	s8 =	smul.u32 $0x280000, s4;
	s4 =	simm.s32 $0x3  }
0xd: {  	s12 =	simm.s32 $0x7;
	s6 =	sadd.s32 $0x5FA00, s6;
	s15 =	sadd.s32 s7, s2  }
0xe: {  	s18 =	sadd.s32 $0x8, s5;
	s19 =	sadd.s32 $0x10, s5;
	[dreg:$0x3] =	wrdreg s6  }
0xf: {  	s22 =	sadd.s32 $0x18, s5;
	s21 =	sadd.s32 s0, s14;
	[dreg:$0x5] =	wrdreg s18  }
0x10: {  	s24 =	smax.u32 s13, $0x1;
	s13 =	sadd.s32 $0x20, s23;
	[dreg:$0x6] =	wrdreg s19  }
0x11: {  	s6 =	sadd.s32 s11, s14;
	s1 =	sshrl.u32 s8, $0x3;
	[dreg:$0x7] =	wrdreg s22  }
0x12: {  	[dreg:$0x8] =	wrdreg s24;
	s14 =	simm.s32 $0x9;
	s17 =	sshrl.u32 s15, $0x3  }
0x13: {  	s18 =	simm.s32 $0x40;
	s19 =	simm.s32 $0x2A00;
	s29 =	sadd.s32 s10, s21  }
.Ltmp0:
0x14: {  	s15 =	simm.s32 $0x4;
	s21 =	simm.s32 $0x8;
	(pc) =	sbr.rel .LBB2_1-.Ltmp0, $4  }
0x15: {  	s22 =	simm.s32 $0x0;
	s1 =	sadd.s32 $0x28000, s1;
	s26 =	sadd.s32 s10, s6  }
0x16: {  	[dreg:$0xa] =	wrdreg s29;
	s11 =	sadd.s32 s11, s1;
	s0 =	sadd.s32 s0, s1  }
0x17: {  	[dreg:$0x9] =	wrdreg s26;
	s26 =	simm.s32 $0x6A00;
	s0 =	sadd.s32 s10, s0  }
0x18: {  	s1 =	simm.s32 $0x5;
	[dreg:$0xb] =	wrdreg s0;
	s0 =	simm.s32 $0x1  }
.LBB2_7:
0x19: {  	_ =	swait.ge [sflag:s15], $0x2000  }
0x1a: {  	[sflag:s15] =	ssyncset.done $0x0  }
0x1b: {  	[sflag:s15] =	ssyncadd.s32 $0xFFFFE000  }
0x1c: {  	_ =	swait.ge [sflag:s21], $0x40  }
0x1d: {  	[sflag:s21] =	ssyncset.done $0x0  }
0x1e: {  	[sflag:s21] =	ssyncadd.s32 $0xFFFFFFC0  }
0x1f: {  	[spmem:s2] =	stream.indirect.scatter.add.f32 [tilespmem:s30], [sflag:$0x9], $0x80, s31, s18, $0xb8;
	[tilespmem:$0x1E600] =	vst v63  }
0x20: {  	_ =	swait.ge [sflag:s14], $0x2000  }
0x21: {  	[sflag:s14] =	ssyncset.done $0x0  }
0x22: {  	[sflag:s14] =	ssyncadd.s32 $0xFFFFE000  }
0x23: {  	[bflag:$0x0] =	sbarrier.arrive $0xFFFF  }
0x24: {  	s7 =	rddreg [dreg:$0xb]  }
0x25: {  	[hbm:s7], [sflag:s16] =	dma.local [spmem:s17], $0x2780  }
0x26: {  	_ =	swait.ge [sflag:s14], $0x2780  }
0x27: {  	s22 =	sadd.s32 $0x1, s22;
	s29 =	rddreg [dreg:$0x8]  }
0x28: {  	p0 =	sne.s32 s22, s29  }
.Ltmp1:
0x29: {  	_ = 	snop;
	(pc) =	sbr.rel @!p0 .LBB2_8-.Ltmp1, $3  }
0x2a: {  	[sflag:s14] =	ssyncset.done $0x0  }
0x2b: {  	[sflag:s14] =	ssyncadd.s32 $0xFFFFD880  }
0x2c: {  	[bflag:$0x0] =	sbarrier.arrive $0xFFFF;
	_ =	sdelay $0x1  }
.LBB2_1:
0x2d: {  	s7 =	rddreg [dreg:$0x3]  }
0x2e: {  	[tilespmem:s3], [sflag:$0x9] =	stream.linear.gather [hbm4b:s7+s3], $0x2800, $0x38;
	[tilespmem:$0x1E600] =	vst v63  }
0x2f: {  	_ =	swait.ge [sflag:s14], $0x2800  }
0x30: {  	[sflag:s14] =	ssyncset.done $0x0  }
0x31: {  	s25 =	rddreg [dreg:$0x9];
	[sflag:s14] =	ssyncadd.s32 $0xFFFFD800  }
0x32: {  	[spmem:s17], [sflag:s16] =	dma.local [hbm:s25], $0x2780  }
0x33: {  	_ =	swait.ge [sflag:s14], $0x2780  }
0x34: {  	[sflag:s14] =	ssyncset.done $0x0  }
0x35: {  	[sflag:s14] =	ssyncadd.s32 $0xFFFFD880  }
0x36: {  	[bflag:$0x0] =	sbarrier.arrive $0xFFFF  }
0x37: {  	[tilespmem:s19], [sflag:$0x1] =	stream.indirect.gather [hbm4b:s6+s18], $0x80, s3, s18, $0xb8;
	[tilespmem:$0x1E600] =	vst v63  }
0x38: {  	_ = 	snop  }
0x39: {  	[tilespmem:s20], [sflag:$0x5] =	stream.linear.gather [hbm4b:s5+s3], $0x40, $0x38;
	[tilespmem:$0x1E600] =	vst v63  }
0x3a: {  	s8 =	simm.s32 $0x4A00  }
0x3b: {  	[tilespmem:s8], [sflag:$0x2] =	stream.indirect.gather [hbm4b:s6+s18], $0x80, s18, s18, $0xb8;
	[tilespmem:$0x1E600] =	vst v63  }
0x3c: {  	s9 =	rddreg [dreg:$0x5];
	s8 =	simm.s32 $0x2880  }
0x3d: {  	[tilespmem:s8], [sflag:$0x6] =	stream.linear.gather [hbm4b:s9+s3], $0x40, $0x38;
	[tilespmem:$0x1E600] =	vst v63  }
0x3e: {  	s10 =	simm.s32 $0x80  }
0x3f: {  	[tilespmem:s26], [sflag:$0x3] =	stream.indirect.gather [hbm4b:s6+s18], $0x80, s10, s18, $0xb8;
	[tilespmem:$0x1E600] =	vst v63  }
0x40: {  	s23 =	rddreg [dreg:$0x6]  }
0x41: {  	[tilespmem:s28], [sflag:$0x7] =	stream.linear.gather [hbm4b:s23+s3], $0x40, $0x38;
	[tilespmem:$0x1E600] =	vst v63  }
0x42: {  	s24 =	simm.s32 $0xC0  }
0x43: {  	[tilespmem:s30], [sflag:$0x4] =	stream.indirect.gather [hbm4b:s6+s18], $0x80, s24, s18, $0xb8;
	[tilespmem:$0x1E600] =	vst v63  }
0x44: {  	s29 =	simm.s32 $0x0;
	s25 =	rddreg [dreg:$0x7];
	s23 =	smov.u32 s13  }
0x45: {  	[tilespmem:s31], [sflag:$0x8] =	stream.linear.gather [hbm4b:s25+s3], $0x40, $0x38;
	[tilespmem:$0x1E600] =	vst v63  }
.LBB2_2:
0x46: {  	_ =	swait.ge [sflag:s0], $0x2000  }
0x47: {  	[sflag:s0] =	ssyncset.done $0x0  }
0x48: {  	[sflag:s0] =	ssyncadd.s32 $0xFFFFE000  }
0x49: {  	_ =	swait.ge [sflag:s1], $0x40  }
0x4a: {  	[sflag:s1] =	ssyncset.done $0x0  }
0x4b: {  	[sflag:s1] =	ssyncadd.s32 $0xFFFFFFC0  }
0x4c: {  	[spmem:s2] =	stream.indirect.scatter.add.f32 [tilespmem:s19], [sflag:$0x9], $0x80, s20, s18, $0xb8;
	[tilespmem:$0x1E600] =	vst v63  }
0x4d: {  	_ =	swait.ge [sflag:s14], $0x2000  }
0x4e: {  	p0 =	seq.s32 s29, $0x9C00;
	[sflag:s14] =	ssyncset.done $0x0  }
0x4f: {  	s24 =	simm.s32 @p0 $0x2;
	[sflag:s14] =	ssyncadd.s32 $0xFFFFE000  }
0x50: {  	_ =	swait.ge @p0 [sflag:s24], $0x2000  }
0x51: {  	[sflag:s24] =	ssyncset.done @p0 $0x0  }
0x52: {  	[sflag:s24] =	ssyncadd.s32 @p0 $0xFFFFE000;
	s24 =	simm.s32 @p0 $0x6  }
0x53: {  	_ =	swait.ge @p0 [sflag:s24], $0x40  }
0x54: {  	s25 =	simm.s32 @p0 $0x2880;
	[sflag:s24] =	ssyncset.done @p0 $0x0  }
0x55: {  	s7 =	simm.s32 @p0 $0x4A00;
	[sflag:s24] =	ssyncadd.s32 @p0 $0xFFFFFFC0;
	s24 =	simm.s32 @p0 $0x40  }
0x56: {  	[spmem:s2] =	stream.indirect.scatter.add.f32 @p0 [tilespmem:s7], [sflag:$0x9], $0x80, s25, s24, $0xb8;
	[tilespmem:$0x1E600] =	vst v63  }
0x57: {  	s7 =	simm.s32 @p0 $0x9  }
0x58: {  	_ =	swait.ge @p0 [sflag:s7], $0x2000  }
0x59: {  	[sflag:s7] =	ssyncset.done @p0 $0x0  }
0x5a: {  	[sflag:s7] =	ssyncadd.s32 @p0 $0xFFFFE000;
	s7 =	sshra.s32 @!p0 s29, $0x2  }
0x5b: {  	s8 =	simm.s32 @!p0 $0x2A00;
	s25 =	simm.s32 @!p0 $0x40;
	s24 =	sadd.s32 @!p0 $0x100, s7  }
0x5c: {  	[tilespmem:s8], [sflag:$0x1] =	stream.indirect.gather @!p0 [hbm4b:s6+s25], $0x80, s24, s25, $0xb8;
	[tilespmem:$0x1E600] =	vst v63  }
0x5d: {  	s8 =	simm.s32 @!p0 $0x0;
	s24 =	simm.s32 @!p0 $0x2800  }
0x5e: {  	[tilespmem:s24], [sflag:$0x5] =	stream.linear.gather @!p0 [hbm4b:s23+s8], $0x40, $0x38;
	[tilespmem:$0x1E600] =	vst v63  }
0x5f: {  	s24 =	simm.s32 @!p0 $0x2  }
0x60: {  	_ =	swait.ge @!p0 [sflag:s24], $0x2000  }
0x61: {  	[sflag:s24] =	ssyncset.done @!p0 $0x0  }
0x62: {  	[sflag:s24] =	ssyncadd.s32 @!p0 $0xFFFFE000;
	s24 =	simm.s32 @!p0 $0x6  }
0x63: {  	_ =	swait.ge @!p0 [sflag:s24], $0x40  }
0x64: {  	s9 =	simm.s32 @!p0 $0x4A00;
	[sflag:s24] =	ssyncset.done @!p0 $0x0  }
0x65: {  	s10 =	simm.s32 @!p0 $0x9;
	[sflag:s24] =	ssyncadd.s32 @!p0 $0xFFFFFFC0;
	s24 =	simm.s32 @!p0 $0x2880  }
0x66: {  	[spmem:s2] =	stream.indirect.scatter.add.f32 @!p0 [tilespmem:s9], [sflag:$0x9], $0x80, s24, s25, $0xb8;
	[tilespmem:$0x1E600] =	vst v63  }
0x67: {  	_ =	swait.ge @!p0 [sflag:s10], $0x2000  }
0x68: {  	[sflag:s10] =	ssyncset.done @!p0 $0x0  }
0x69: {  	s7 =	sadd.s32 @!p0 $0x140, s7;
	[sflag:s10] =	ssyncadd.s32 @!p0 $0xFFFFE000  }
0x6a: {  	[tilespmem:s9], [sflag:$0x2] =	stream.indirect.gather @!p0 [hbm4b:s6+s25], $0x80, s7, s25, $0xb8;
	[tilespmem:$0x1E600] =	vst v63  }
0x6b: {  	s7 =	sadd.s32 @!p0 $0x8, s23  }
0x6c: {  	[tilespmem:s24], [sflag:$0x6] =	stream.linear.gather @!p0 [hbm4b:s7+s8], $0x40, $0x38;
	[tilespmem:$0x1E600] =	vst v63  }
0x6d: {  	_ =	swait.ge [sflag:s4], $0x2000  }
0x6e: {  	[sflag:s4] =	ssyncset.done $0x0  }
0x6f: {  	[sflag:s4] =	ssyncadd.s32 $0xFFFFE000  }
0x70: {  	_ =	swait.ge [sflag:s12], $0x40  }
0x71: {  	[sflag:s12] =	ssyncset.done $0x0  }
.Ltmp2:
0x72: {  	[sflag:s12] =	ssyncadd.s32 $0xFFFFFFC0;
	(pc) =	sbr.rel @p0 .LBB2_4-.Ltmp2, $4  }
0x73: {  	[spmem:s2] =	stream.indirect.scatter.add.f32 [tilespmem:s26], [sflag:$0x9], $0x80, s28, s18, $0xb8;
	[tilespmem:$0x1E600] =	vst v63  }
0x74: {  	_ =	swait.ge [sflag:s14], $0x2000  }
0x75: {  	[sflag:s14] =	ssyncset.done $0x0  }
0x76: {  	[sflag:s14] =	ssyncadd.s32 $0xFFFFE000  }
0x77: {  	s7 =	sshra.s32 s29, $0x2  }
0x78: {  	s8 =	sadd.s32 $0x180, s7  }
0x79: {  	[tilespmem:s26], [sflag:$0x3] =	stream.indirect.gather [hbm4b:s6+s18], $0x80, s8, s18, $0xb8;
	[tilespmem:$0x1E600] =	vst v63  }
0x7a: {  	s24 =	sadd.s32 $0x10, s23  }
0x7b: {  	[tilespmem:s28], [sflag:$0x7] =	stream.linear.gather [hbm4b:s24+s3], $0x40, $0x38;
	[tilespmem:$0x1E600] =	vst v63  }
0x7c: {  	_ =	swait.ge [sflag:s15], $0x2000  }
0x7d: {  	[sflag:s15] =	ssyncset.done $0x0  }
0x7e: {  	[sflag:s15] =	ssyncadd.s32 $0xFFFFE000  }
0x7f: {  	_ =	swait.ge [sflag:s21], $0x40  }
0x80: {  	[sflag:s21] =	ssyncset.done $0x0  }
0x81: {  	[sflag:s21] =	ssyncadd.s32 $0xFFFFFFC0  }
0x82: {  	[spmem:s2] =	stream.indirect.scatter.add.f32 [tilespmem:s30], [sflag:$0x9], $0x80, s31, s18, $0xb8;
	[tilespmem:$0x1E600] =	vst v63  }
0x83: {  	_ =	swait.ge [sflag:s14], $0x2000  }
.Ltmp3:
0x84: {  	[sflag:s14] =	ssyncset.done $0x0;
	(pc) =	sbr.rel .LBB2_2-.Ltmp3, $4  }
0x85: {  	s7 =	sadd.s32 $0x1C0, s7;
	[sflag:s14] =	ssyncadd.s32 $0xFFFFE000  }
0x86: {  	[tilespmem:s30], [sflag:$0x4] =	stream.indirect.gather [hbm4b:s6+s18], $0x80, s7, s18, $0xb8;
	[tilespmem:$0x1E600] =	vst v63  }
0x87: {  	s25 =	sadd.s32 $0x18, s23;
	s29 =	sadd.s32 $0x400, s29;
	s23 =	sadd.s32 $0x20, s23  }
0x88: {  	[tilespmem:s31], [sflag:$0x8] =	stream.linear.gather [hbm4b:s25+s3], $0x40, $0x38;
	[tilespmem:$0x1E600] =	vst v63  }
.LBB2_4:
0x89: {  	_ =	swait.ge [sflag:s15], $0x2000  }
0x8a: {  	[sflag:s15] =	ssyncset.done $0x0  }
0x8b: {  	[sflag:s15] =	ssyncadd.s32 $0xFFFFE000  }
0x8c: {  	_ =	swait.ge [sflag:s21], $0x40  }
0x8d: {  	[sflag:s21] =	ssyncset.done $0x0  }
0x8e: {  	[sflag:s21] =	ssyncadd.s32 $0xFFFFFFC0  }
0x8f: {  	[spmem:s2] =	stream.indirect.scatter.add.f32 [tilespmem:s30], [sflag:$0x9], $0x80, s31, s18, $0xb8;
	[tilespmem:$0x1E600] =	vst v63  }
0x90: {  	_ =	swait.ge [sflag:s14], $0x2000  }
0x91: {  	[sflag:s14] =	ssyncset.done $0x0  }
0x92: {  	[sflag:s14] =	ssyncadd.s32 $0xFFFFE000  }
0x93: {  	[bflag:$0x0] =	sbarrier.arrive $0xFFFF  }
0x94: {  	s7 =	rddreg [dreg:$0xa]  }
0x95: {  	[hbm:s7], [sflag:s16] =	dma.local [spmem:s17], $0x2780  }
0x96: {  	_ =	swait.ge [sflag:s14], $0x2780  }
0x97: {  	[sflag:s14] =	ssyncset.done $0x0  }
0x98: {  	[sflag:s14] =	ssyncadd.s32 $0xFFFFD880  }
0x99: {  	[bflag:$0x0] =	sbarrier.arrive $0xFFFF  }
0x9a: {  	s23 =	rddreg [dreg:$0x4]  }
0x9b: {  	s7 =	sadd.s32 s23, s11  }
0x9c: {  	[spmem:s17], [sflag:s16] =	dma.local [hbm:s7], $0x2780  }
0x9d: {  	_ =	swait.ge [sflag:s14], $0x2780  }
0x9e: {  	[sflag:s14] =	ssyncset.done $0x0  }
0x9f: {  	[sflag:s14] =	ssyncadd.s32 $0xFFFFD880  }
0xa0: {  	s23 =	simm.s32 $0x0;
	[bflag:$0x0] =	sbarrier.arrive $0xFFFF  }
0xa1: {  	[tilespmem:s19], [sflag:$0x1] =	stream.indirect.gather [hbm4b:s11+s18], $0x80, s23, s18, $0xb8;
	[tilespmem:$0x1E600] =	vst v63  }
0xa2: {  	_ = 	snop  }
0xa3: {  	[tilespmem:s20], [sflag:$0x5] =	stream.linear.gather [hbm4b:s5+s23], $0x40, $0x38;
	[tilespmem:$0x1E600] =	vst v63  }
0xa4: {  	s24 =	simm.s32 $0x4A00  }
0xa5: {  	[tilespmem:s24], [sflag:$0x2] =	stream.indirect.gather [hbm4b:s11+s18], $0x80, s18, s18, $0xb8;
	[tilespmem:$0x1E600] =	vst v63  }
0xa6: {  	s8 =	simm.s32 $0x2880;
	s25 =	rddreg [dreg:$0x5]  }
0xa7: {  	[tilespmem:s8], [sflag:$0x6] =	stream.linear.gather [hbm4b:s25+s23], $0x40, $0x38;
	[tilespmem:$0x1E600] =	vst v63  }
0xa8: {  	s9 =	simm.s32 $0x80  }
0xa9: {  	[tilespmem:s26], [sflag:$0x3] =	stream.indirect.gather [hbm4b:s11+s18], $0x80, s9, s18, $0xb8;
	[tilespmem:$0x1E600] =	vst v63  }
0xaa: {  	s10 =	rddreg [dreg:$0x6]  }
0xab: {  	[tilespmem:s28], [sflag:$0x7] =	stream.linear.gather [hbm4b:s10+s23], $0x40, $0x38;
	[tilespmem:$0x1E600] =	vst v63  }
0xac: {  	s24 =	simm.s32 $0xC0  }
0xad: {  	[tilespmem:s30], [sflag:$0x4] =	stream.indirect.gather [hbm4b:s11+s18], $0x80, s24, s18, $0xb8;
	[tilespmem:$0x1E600] =	vst v63  }
0xae: {  	s29 =	smov.u32 s13;
	s25 =	rddreg [dreg:$0x7]  }
0xaf: {  	[tilespmem:s31], [sflag:$0x8] =	stream.linear.gather [hbm4b:s25+s23], $0x40, $0x38;
	[tilespmem:$0x1E600] =	vst v63  }
.LBB2_5:
0xb0: {  	_ =	swait.ge [sflag:s0], $0x2000  }
0xb1: {  	[sflag:s0] =	ssyncset.done $0x0  }
0xb2: {  	[sflag:s0] =	ssyncadd.s32 $0xFFFFE000  }
0xb3: {  	_ =	swait.ge [sflag:s1], $0x40  }
0xb4: {  	[sflag:s1] =	ssyncset.done $0x0  }
0xb5: {  	[sflag:s1] =	ssyncadd.s32 $0xFFFFFFC0  }
0xb6: {  	[spmem:s2] =	stream.indirect.scatter.add.f32 [tilespmem:s19], [sflag:$0x9], $0x80, s20, s18, $0xb8;
	[tilespmem:$0x1E600] =	vst v63  }
0xb7: {  	_ =	swait.ge [sflag:s14], $0x2000  }
0xb8: {  	p0 =	seq.s32 s23, $0x9C00;
	[sflag:s14] =	ssyncset.done $0x0  }
0xb9: {  	s7 =	simm.s32 @p0 $0x2;
	[sflag:s14] =	ssyncadd.s32 $0xFFFFE000  }
0xba: {  	_ =	swait.ge @p0 [sflag:s7], $0x2000  }
0xbb: {  	[sflag:s7] =	ssyncset.done @p0 $0x0  }
0xbc: {  	[sflag:s7] =	ssyncadd.s32 @p0 $0xFFFFE000;
	s7 =	simm.s32 @p0 $0x6  }
0xbd: {  	_ =	swait.ge @p0 [sflag:s7], $0x40  }
0xbe: {  	s8 =	simm.s32 @p0 $0x2880;
	[sflag:s7] =	ssyncset.done @p0 $0x0  }
0xbf: {  	s9 =	simm.s32 @p0 $0x4A00;
	[sflag:s7] =	ssyncadd.s32 @p0 $0xFFFFFFC0;
	s7 =	simm.s32 @p0 $0x40  }
0xc0: {  	[spmem:s2] =	stream.indirect.scatter.add.f32 @p0 [tilespmem:s9], [sflag:$0x9], $0x80, s8, s7, $0xb8;
	[tilespmem:$0x1E600] =	vst v63  }
0xc1: {  	s7 =	simm.s32 @p0 $0x9  }
0xc2: {  	_ =	swait.ge @p0 [sflag:s7], $0x2000  }
0xc3: {  	[sflag:s7] =	ssyncset.done @p0 $0x0  }
0xc4: {  	[sflag:s7] =	ssyncadd.s32 @p0 $0xFFFFE000;
	s7 =	sshra.s32 @!p0 s23, $0x2  }
0xc5: {  	s10 =	simm.s32 @!p0 $0x2A00;
	s9 =	simm.s32 @!p0 $0x40;
	s8 =	sadd.s32 @!p0 $0x100, s7  }
0xc6: {  	[tilespmem:s10], [sflag:$0x1] =	stream.indirect.gather @!p0 [hbm4b:s11+s9], $0x80, s8, s9, $0xb8;
	[tilespmem:$0x1E600] =	vst v63  }
0xc7: {  	s8 =	simm.s32 @!p0 $0x0;
	s10 =	simm.s32 @!p0 $0x2800  }
0xc8: {  	[tilespmem:s10], [sflag:$0x5] =	stream.linear.gather @!p0 [hbm4b:s29+s8], $0x40, $0x38;
	[tilespmem:$0x1E600] =	vst v63  }
0xc9: {  	s10 =	simm.s32 @!p0 $0x2  }
0xca: {  	_ =	swait.ge @!p0 [sflag:s10], $0x2000  }
0xcb: {  	[sflag:s10] =	ssyncset.done @!p0 $0x0  }
0xcc: {  	[sflag:s10] =	ssyncadd.s32 @!p0 $0xFFFFE000;
	s10 =	simm.s32 @!p0 $0x6  }
0xcd: {  	_ =	swait.ge @!p0 [sflag:s10], $0x40  }
0xce: {  	s24 =	simm.s32 @!p0 $0x4A00;
	[sflag:s10] =	ssyncset.done @!p0 $0x0  }
0xcf: {  	s25 =	simm.s32 @!p0 $0x9;
	[sflag:s10] =	ssyncadd.s32 @!p0 $0xFFFFFFC0;
	s10 =	simm.s32 @!p0 $0x2880  }
0xd0: {  	[spmem:s2] =	stream.indirect.scatter.add.f32 @!p0 [tilespmem:s24], [sflag:$0x9], $0x80, s10, s9, $0xb8;
	[tilespmem:$0x1E600] =	vst v63  }
0xd1: {  	_ =	swait.ge @!p0 [sflag:s25], $0x2000  }
0xd2: {  	[sflag:s25] =	ssyncset.done @!p0 $0x0  }
0xd3: {  	s7 =	sadd.s32 @!p0 $0x140, s7;
	[sflag:s25] =	ssyncadd.s32 @!p0 $0xFFFFE000  }
0xd4: {  	[tilespmem:s24], [sflag:$0x2] =	stream.indirect.gather @!p0 [hbm4b:s11+s9], $0x80, s7, s9, $0xb8;
	[tilespmem:$0x1E600] =	vst v63  }
0xd5: {  	s7 =	sadd.s32 @!p0 $0x8, s29  }
0xd6: {  	[tilespmem:s10], [sflag:$0x6] =	stream.linear.gather @!p0 [hbm4b:s7+s8], $0x40, $0x38;
	[tilespmem:$0x1E600] =	vst v63  }
0xd7: {  	_ =	swait.ge [sflag:s4], $0x2000  }
0xd8: {  	[sflag:s4] =	ssyncset.done $0x0  }
0xd9: {  	[sflag:s4] =	ssyncadd.s32 $0xFFFFE000  }
0xda: {  	_ =	swait.ge [sflag:s12], $0x40  }
0xdb: {  	[sflag:s12] =	ssyncset.done $0x0  }
.Ltmp4:
0xdc: {  	[sflag:s12] =	ssyncadd.s32 $0xFFFFFFC0;
	(pc) =	sbr.rel @p0 .LBB2_7-.Ltmp4, $4  }
0xdd: {  	[spmem:s2] =	stream.indirect.scatter.add.f32 [tilespmem:s26], [sflag:$0x9], $0x80, s28, s18, $0xb8;
	[tilespmem:$0x1E600] =	vst v63  }
0xde: {  	_ =	swait.ge [sflag:s14], $0x2000  }
0xdf: {  	[sflag:s14] =	ssyncset.done $0x0  }
0xe0: {  	[sflag:s14] =	ssyncadd.s32 $0xFFFFE000  }
0xe1: {  	s7 =	sshra.s32 s23, $0x2  }
0xe2: {  	s8 =	sadd.s32 $0x180, s7  }
0xe3: {  	[tilespmem:s26], [sflag:$0x3] =	stream.indirect.gather [hbm4b:s11+s18], $0x80, s8, s18, $0xb8;
	[tilespmem:$0x1E600] =	vst v63  }
0xe4: {  	s24 =	sadd.s32 $0x10, s29  }
0xe5: {  	[tilespmem:s28], [sflag:$0x7] =	stream.linear.gather [hbm4b:s24+s3], $0x40, $0x38;
	[tilespmem:$0x1E600] =	vst v63  }
0xe6: {  	_ =	swait.ge [sflag:s15], $0x2000  }
0xe7: {  	[sflag:s15] =	ssyncset.done $0x0  }
0xe8: {  	[sflag:s15] =	ssyncadd.s32 $0xFFFFE000  }
0xe9: {  	_ =	swait.ge [sflag:s21], $0x40  }
0xea: {  	[sflag:s21] =	ssyncset.done $0x0  }
0xeb: {  	[sflag:s21] =	ssyncadd.s32 $0xFFFFFFC0  }
0xec: {  	[spmem:s2] =	stream.indirect.scatter.add.f32 [tilespmem:s30], [sflag:$0x9], $0x80, s31, s18, $0xb8;
	[tilespmem:$0x1E600] =	vst v63  }
0xed: {  	_ =	swait.ge [sflag:s14], $0x2000  }
.Ltmp5:
0xee: {  	[sflag:s14] =	ssyncset.done $0x0;
	(pc) =	sbr.rel .LBB2_5-.Ltmp5, $4  }
0xef: {  	s7 =	sadd.s32 $0x1C0, s7;
	[sflag:s14] =	ssyncadd.s32 $0xFFFFE000  }
0xf0: {  	[tilespmem:s30], [sflag:$0x4] =	stream.indirect.gather [hbm4b:s11+s18], $0x80, s7, s18, $0xb8;
	[tilespmem:$0x1E600] =	vst v63  }
0xf1: {  	s25 =	sadd.s32 $0x18, s29;
	s23 =	sadd.s32 $0x400, s23;
	s29 =	sadd.s32 $0x20, s29  }
0xf2: {  	[tilespmem:s31], [sflag:$0x8] =	stream.linear.gather [hbm4b:s25+s3], $0x40, $0x38;
	[tilespmem:$0x1E600] =	vst v63  }
.LBB2_8:
0xf3: {  	_ =	sfence.sel $0x180000  }
0xf4: {  	[bflag:$0x0] =	sbarrier.arrive $0xFFFF  }
0xf5: {  	_ =	strace $0x9000004D  }
0xf6: {  	s0 =	stileid.u32;
	[bflag:$0x2] =	sbarrier.arrive $0xFFFF  }
0xf7: {  	p0 =	sne.s32 s0, $0x0;
	s0 =	rddreg [dreg:$0x2]  }
0xf8: {  	s0 =	sadd.s32 @!p0 $0x100000, s0  }
0xf9: {  	[sflag:s0] =	ssyncadd.tile.s32 @!p0 $0x1;
	_ =	shalt  }
.Lfunc_end2:
_tile_overlayer_lowered:
.L_overlay_start_2:
0xfa: {  	(tag) =	ssettag $0x2  }
0xfb: {  	s0 =	rddreg [dreg:$0x0];
	s2 =	stileid.u32  }
0xfc: {  	s1 =	rddreg [dreg:$0x1];
	p0 =	sne.s32 s2, $0x0  }
0xfd: {  	s3 =	rddreg [dreg:$0x2];
	[bflag:$0x3] =	sbarrier.arrive $0xFFFF;
	s2 =	simm.s32 @!p0 $0x1C09  }
0xfe: {  	[timem:s3], [sflag:s2] =	dma.local @!p0 [hbm:s0], s1  }
0xff: {  	s0 =	simm.s32 @!p0 $0x9  }
0x100: {  	_ =	swait.ge @!p0 [sflag:s0], s1  }
0x101: {  	s1 =	ssub.s32 @!p0 $0x0, s1;
	[sflag:s0] =	ssyncset.done @!p0 $0x0  }
0x102: {  	[sflag:s0] =	ssyncadd.s32 @!p0 s1  }
0x103: {  	[bflag:$0x3] =	sbarrier.arrive $0xFFFF  }
0x104: {  	_ =	shalt  }

// kernel: kernel.21.cloned.1.call-start
scs
__scs_entry_jumppad:
0x0: {  	(pc) =	sbr.rel $0x88, $3  }
0x1: {  	(tag) =	ssettag $0x0;
	lr =	simm.s32 $0x1  }
0x2: {  	[smem:$0x3F86] =	sst lr;
	_ =	strace $0xD0000000  }
0x3: {  	_ = 	snop  }
0x4: {  	_ = 	snop  }
0x5: {  	_ = 	snop  }
0x6: {  	_ = 	snop  }
0x7: {  	_ = 	snop  }
__scs_overlays_trampoline_lowered:
0x8: {  	[smem:$0x3F95] =	sst s0  }
0x9: {  	[smem:$0x3F96] =	sst s1  }
0xa: {  	[smem:$0x3F97] =	sst s2  }
0xb: {  	[smem:$0x3F98] =	sst s3  }
0xc: {  	[smem:$0x3F99] =	sst s4  }
0xd: {  	[smem:$0x3F9A] =	sst s5  }
0xe: {  	[smem:$0x3F9B] =	sst s6  }
0xf: {  	[smem:$0x3F9C] =	sst s7  }
0x10: {  	[smem:$0x3F9D] =	sst s8  }
0x11: {  	[smem:$0x3F9E] =	sst s9;
	s0 =	simm.s32 @!p0 $0x0  }
0x12: {  	s1 =	sld [smem:$0x3F84];
	s0 =	simm.s32 @p0 $0x1  }
0x13: {  	[smem:$0x3F9F] =	sst s0;
	s0 =	simm.s32 @!p1 $0x0  }
0x14: {  	s2 =	sld [smem:$0x3F83];
	s0 =	simm.s32 @p1 $0x1  }
0x15: {  	[smem:$0x3FA0] =	sst s0;
	s0 =	simm.s32 @!p2 $0x0  }
0x16: {  	s3 =	sld [smem:$0x3FDB];
	s0 =	simm.s32 @p2 $0x1  }
0x17: {  	s4 =	simm.s32 $0x1BF5;
	[smem:$0x3FA2] =	sst s0  }
0x18: {  	s0 =	sld [smem:$0x3F85];
	_ =	swait.ge [sflag:s4], $0x0  }
0x19: {  	s7 =	sld [smem:$0x3F86]  }
0x1a: {  	s8 =	sadd.s32 $0xFFFFE003, lr  }
0x1b: {  	s9 =	sadd.s32 $0xFFFFFEF7, lr;
	s5 =	simm.s32 $0xFFFFFFFF;
	p2 =	slt.u32 s8, $0xFFFFF086  }
0x1c: {  	p1 =	slt.u32 s9, $0xF7A;
	s5 =	simm.s32 @!p2 $0x0  }
0x1d: {  	s5 =	simm.s32 @p1 $0x1;
	p0 =	seq.s32 s7, s2  }
0x1e: {  	s7 =	smul.u32 @!p0 $0xF7A, s2;
	p2 =	seq.s32 @!p0 s5, $0x0  }
0x1f: {  	s9 =	smul.u32 $0xF7A, s1;
	s8 =	simm.s32 @!p0 $0x1BF5;
	p2 =	por !p2, p0  }
0x20: {  	[sflag:s8] =	ssyncset.s32 @!p0 $0xFFFFF086;
	s6 =	sadd.s32 @!p0 s3, s7;
	s7 =	simm.s32 @!p0 $0x108  }
0x21: {  	s3 =	sadd.s32 s3, s9;
	s6 =	sadd.s32 @!p0 $0x88, s6;
	s7 =	simm.s32 @p2 $0x1082  }
0x22: {  	[simem:s7], [sflag:s8] =	dma.local @!p0 [hbm:s6], $0xF7A  }
0x23: {  	s9 =	sor.u32 $0xD0000000, s2;
	s6 =	simm.s32 $0x108;
	_ =	swait.ge @!p0 [sflag:s8], $0x0  }
0x24: {  	s3 =	sadd.s32 $0x88, s3;
	s6 =	simm.s32 @!p1 $0x1082;
	[sflag:s4] =	ssyncset.s32 $0xFFFFF086  }
0x25: {  	[simem:s6], [sflag:s4] =	dma.local [hbm:s3], $0xF7A  }
0x26: {  	[smem:$0x3F86] =	sst s1;
	(tag) =	ssettag s2;
	_ =	strace s9  }
0x27: {  	s1 =	sld [smem:$0x3F96]  }
0x28: {  	s2 =	sld [smem:$0x3F97]  }
0x29: {  	s4 =	sld [smem:$0x3F99]  }
0x2a: {  	p0 =	seq.s32 s5, $0x0;
	s5 =	sld [smem:$0x3F9A]  }
0x2b: {  	s6 =	sld [smem:$0x3F9B]  }
0x2c: {  	s7 =	sld [smem:$0x3F9C]  }
0x2d: {  	s3 =	simm.s32 $0x108;
	s8 =	sld [smem:$0x3F9D]  }
0x2e: {  	s3 =	simm.s32 @!p0 $0x1082;
	s9 =	sld [smem:$0x3F9E]  }
0x2f: {  	lr =	sadd.s32 s0, s3;
	s0 =	sld [smem:$0x3F95]  }
0x30: {  	s3 =	sld [smem:$0x3F98]  }
0x31: {  	[smem:$0x3FA1] =	sst s10  }
0x32: {  	s10 =	sld [smem:$0x3F9F];
	_ =	sdelay $0x3  }
0x33: {  	p0 =	seq.s32 s10, $0x1;
	s10 =	sld [smem:$0x3FA1];
	_ =	sdelay $0x3  }
0x34: {  	[smem:$0x3FA1] =	sst s10  }
0x35: {  	s10 =	sld [smem:$0x3FA0];
	_ =	sdelay $0x3  }
0x36: {  	p1 =	seq.s32 s10, $0x1;
	s10 =	sld [smem:$0x3FA1];
	_ =	sdelay $0x3  }
0x37: {  	[smem:$0x3FA1] =	sst s10  }
0x38: {  	s10 =	sld [smem:$0x3FA2]  }
0x39: {  	_ = 	snop;
	(pc) =	sbr.ind lr, $3  }
0x3a: {  	_ = 	snop  }
0x3b: {  	_ = 	snop  }
0x3c: {  	p2 =	seq.s32 s10, $0x1;
	s10 =	sld [smem:$0x3FA1]  }
0x3d: {  	_ =	shalt  }
0x3e: {  	_ =	shalt  }
0x3f: {  	_ =	shalt  }
0x40: {  	_ =	shalt  }
0x41: {  	_ =	shalt  }
0x42: {  	_ =	shalt  }
0x43: {  	_ =	shalt  }
0x44: {  	_ =	shalt  }
0x45: {  	_ =	shalt  }
0x46: {  	_ =	shalt  }
0x47: {  	_ =	shalt  }
0x48: {  	_ =	shalt  }
0x49: {  	_ =	shalt  }
0x4a: {  	_ =	shalt  }
0x4b: {  	_ =	shalt  }
0x4c: {  	_ =	shalt  }
0x4d: {  	_ =	shalt  }
0x4e: {  	_ =	shalt  }
0x4f: {  	_ =	shalt  }
0x50: {  	_ =	shalt  }
0x51: {  	_ =	shalt  }
0x52: {  	_ =	shalt  }
0x53: {  	_ =	shalt  }
0x54: {  	_ =	shalt  }
0x55: {  	_ =	shalt  }
0x56: {  	_ =	shalt  }
0x57: {  	_ =	shalt  }
0x58: {  	_ =	shalt  }
0x59: {  	_ =	shalt  }
0x5a: {  	_ =	shalt  }
0x5b: {  	_ =	shalt  }
0x5c: {  	_ =	shalt  }
0x5d: {  	_ =	shalt  }
0x5e: {  	_ =	shalt  }
0x5f: {  	_ =	shalt  }
0x60: {  	_ =	shalt  }
0x61: {  	_ =	shalt  }
0x62: {  	_ =	shalt  }
0x63: {  	_ =	shalt  }
0x64: {  	_ =	shalt  }
0x65: {  	_ =	shalt  }
0x66: {  	_ =	shalt  }
0x67: {  	_ =	shalt  }
0x68: {  	_ =	shalt  }
0x69: {  	_ =	shalt  }
0x6a: {  	_ =	shalt  }
0x6b: {  	_ =	shalt  }
0x6c: {  	_ =	shalt  }
0x6d: {  	_ =	shalt  }
0x6e: {  	_ =	shalt  }
0x6f: {  	_ =	shalt  }
0x70: {  	_ =	shalt  }
0x71: {  	_ =	shalt  }
0x72: {  	_ =	shalt  }
0x73: {  	_ =	shalt  }
0x74: {  	_ =	shalt  }
0x75: {  	_ =	shalt  }
0x76: {  	_ =	shalt  }
0x77: {  	_ =	shalt  }
0x78: {  	_ =	shalt  }
0x79: {  	_ =	shalt  }
0x7a: {  	_ =	shalt  }
0x7b: {  	_ =	shalt  }
0x7c: {  	_ =	shalt  }
0x7d: {  	_ =	shalt  }
0x7e: {  	_ =	shalt  }
0x7f: {  	_ =	shalt  }
0x80: {  	_ =	shalt  }
0x81: {  	_ =	shalt  }
0x82: {  	_ =	shalt  }
0x83: {  	_ =	shalt  }
0x84: {  	_ =	shalt  }
0x85: {  	_ =	shalt  }
0x86: {  	_ =	shalt  }
0x87: {  	_ =	shalt  }
.Lfunc_end0:
.L_simem_size_0:
called_computation.3_lowered:
.L_overlay_start_0:
0x88: {  	s2 =	sld [smem:$0x3FD9]  }
0x89: {  	s3 =	sld [smem:$0x3FFE];
	_ =	sdelay $0x1  }
0x8a: {  	s1 =	srdreg.scid  }
0x8b: {  	s0 =	sand.u32 $0x1, s1  }
0x8c: {  	s16 =	sshll.u32 s0, $0xA;
	s2 =	sadd.s32 s3, s2  }
0x8d: {  	s2 =	sadd.s32 s2, s16  }
0x8e: {  	[smem:$0x3FAD] =	sst s2  }
0x8f: {  	_ = 	snop  }
0x90: {  	(tm) =	ssettm $0x1  }
0x91: {  	s17 =	sld [smem:$0x3FFB];
	_ =	sdelay $0x3  }
0x92: {  	_ =	strace s17  }
0x93: {  	s2 =	sld [smem:$0x3FFC];
	_ =	sdelay $0x3  }
0x94: {  	_ =	strace s2  }
0x95: {  	s2 =	sld [smem:$0x3FFD];
	_ =	sdelay $0x3  }
0x96: {  	_ =	strace s2  }
0x97: {  	_ =	strace $0x8FFFFFFF  }
0x98: {  	s18 =	sld [smem:$0x3FDB];
	_ =	sdelay $0x1  }
0x99: {  	s19 =	simm.s32 $_scs_section_size  }
0x9a: {  	s4 =	simm.s32 $_size__tile_overlayer_lowered;
	s5 =	simm.s32 $_tile_overlayer_lowered  }
0x9b: {  	s22 =	simm.s32 $0x1BFF;
	s21 =	sshll.u32 s5, $0x1;
	s2 =	sadd.s32 s19, s18  }
0x9c: {  	s6 =	simm.s32 $0x0;
	s20 =	sshll.u32 s4, $0x1;
	s4 =	sadd.s32 s21, s2  }
0x9d: {  	[timem:s6], [sflag:s22] =	dma.local [hbm:s4], s20  }
0x9e: {  	_ =	swait.ge [sflag:s22], s20  }
0x9f: {  	s3 =	ssub.s32 $0x0, s20;
	[sflag:s22] =	ssyncset.done $0x0  }
0xa0: {  	[sflag:s22] =	ssyncadd.s32 s3;
	_ =	sdelay $0x1  }
0xa1: {  	s23 =	simm.s32 $0x1B8B  }
0xa2: {  	_ =	swait.ge [sflag:s23], $0x1  }
0xa3: {  	[sflag:s23] =	ssyncset.done $0x0  }
0xa4: {  	s25 =	simm.s32 $0x1B8E;
	s24 =	sld [smem:$0x3FFE];
	[sflag:s23] =	ssyncadd.s32 $0xFFFFFFFF  }
0xa5: {  	s26 =	simm.s32 $execute0_lowered;
	[smem:$0x3FD2] =	sst s25  }
0xa6: {  	s4 =	sshll.u32 s26, $0x1;
	_ =	strace $0x8000004F;
	[dreg:$0x1] =	wrdreg $0xFFFFFFFF  }
0xa7: {  	s28 =	simm.s32 $_size_execute0_lowered;
	s2 =	sadd.s32 s2, s4;
	[dreg:$0x0] =	wrdreg $0x0  }
0xa8: {  	s4 =	sshll.u32 s28, $0x1;
	[dreg:$0x2] =	wrdreg s2  }
0xa9: {  	[dreg:$0x3] =	wrdreg s4  }
0xaa: {  	[dreg:$0x4] =	wrdreg $0xC0  }
0xab: {  	_ =	task [dreg:s6], $0x5FFFF  }
0xac: {  	[dreg:$0x1] =	wrdreg $0xFFFFFFFF  }
0xad: {  	[dreg:$0x0] =	wrdreg $0x60  }
0xae: {  	[dreg:$0x2] =	wrdreg s24  }
0xaf: {  	[dreg:$0x3] =	wrdreg $0xAA000  }
0xb0: {  	[dreg:$0x4] =	wrdreg $0x9  }
0xb1: {  	_ =	task.clear_ibuf [dreg:s6], $0x5FFFF;
	_ =	strace $0x9000004F  }
0xb2: {  	s29 =	simm.s32 $0x9;
	_ =	strace $0x80000051  }
0xb3: {  	_ =	swait.ge [sflag:s29], $0x1  }
0xb4: {  	[sflag:s29] =	ssyncadd.s32 $0xFFFFFFFF  }
0xb5: {  	_ =	strace $0x90000051  }
0xb6: {  	_ =	sfence  }
0xb7: {  	s30 =	sld [smem:$0x0];
	_ =	sdelay $0x2  }
0xb8: {  	s31 =	sshll.u32 s1, $0xD;
	s1 =	sshrl.u32 s1, $0x2  }
0xb9: {  	s3 =	sand.u32 $0x4000, s31;
	s1 =	sadd.s32 s1, s30  }
0xba: {  	s0 =	sor.u32 s3, s0;
	s1 =	sshll.u32 s1, $0x11  }
0xbb: {  	s0 =	sor.u32 s1, s0  }
0xbc: {  	s0 =	sadd.s32 $0x8F2B, s0  }
0xbd: {  	[sflag:s0] =	ssyncadd.remote.s32 $0x1  }
0xbe: {  	_ =	sfence.sel $0xFFFF  }
0xbf: {  	[dreg:$0x0] =	wrdreg $0xFFFFFFFF;
	(pc) =	sbr.abs _section_cstart, $3  }
0xc0: {  	[dreg:$0x1] =	wrdreg $0xFFFFFFFF  }
0xc1: {  	_ =	task.clear_ibuf [dreg:s6], $0x2FFFF;
	_ =	strace $0x9FFFFFFF  }
0xc2: {  	(tm) =	ssettm $0x7FFFFFFF  }
0xc3: {  	_ =	shalt  }
tec
execute0_lowered:
.L_overlay_start_1:
0x0: {  	(tag) =	ssettag $0x1  }
0x1: {  	s0 =	rddreg [dreg:$0x0]  }
0x2: {  	s2 =	rddreg [dreg:$0x1];
	s3 =	simm.s32 $0x0  }
0x3: {  	s9 =	stileid.u32;
	s4 =	srdreg.scid;
	s28 =	simm.s32 $0x2900  }
0x4: {  	s30 =	simm.s32 $0x8A00;
	s31 =	simm.s32 $0x2980;
	s1 =	smul.u32 $0x2800, s9  }
0x5: {  	[smem:$0x7FF] =	sst s3;
	s4 =	sand.u32 $0x1, s4;
	s8 =	smul.u32 $0x4F000, s9  }
0x6: {  	s11 =	sadd.s32 $0x64A00, s0;
	s12 =	sadd.s32 $0xA200, s0;
	s10 =	smul.u32 $0x2780, s9  }
0x7: {  	s20 =	smul.u32 $0x500, s9;
	s25 =	sshll.u32 s9, $0x6;
	_ =	strace $0x80000050  }
0x8: {  	s5 =	ssub.s32 $0x2, s4;
	s14 =	smul.u32 $0x50000, s4;
	s16 =	sor.u32 $0x1C09, s25  }
0x9: {  	s1 =	sshrl.u32 s1, $0x3;
	s7 =	sshrl.u32 s5, $0x1;
	s23 =	sadd.s32 s20, s12  }
0xa: {  	s20 =	simm.s32 $0x2800;
	[dreg:$0x4] =	wrdreg s10;
	s6 =	sadd.s32 s1, s0  }
0xb: {  	s0 =	sadd.s32 $0x104A00, s0;
	s13 =	ssub.s32 s5, s7;
	s7 =	sshrl.u32 s8, $0x2  }
0xc: {  	s5 =	sadd.s32 s12, s1;
	s8 =	smul.u32 $0x280000, s4;
	s4 =	simm.s32 $0x3  }
0xd: {  	s12 =	simm.s32 $0x7;
	s6 =	sadd.s32 $0x5FA00, s6;
	s15 =	sadd.s32 s7, s2  }
0xe: {  	s18 =	sadd.s32 $0x8, s5;
	s19 =	sadd.s32 $0x10, s5;
	[dreg:$0x3] =	wrdreg s6  }
0xf: {  	s22 =	sadd.s32 $0x18, s5;
	s21 =	sadd.s32 s0, s14;
	[dreg:$0x5] =	wrdreg s18  }
0x10: {  	s24 =	smax.u32 s13, $0x1;
	s13 =	sadd.s32 $0x20, s23;
	[dreg:$0x6] =	wrdreg s19  }
0x11: {  	s6 =	sadd.s32 s11, s14;
	s1 =	sshrl.u32 s8, $0x3;
	[dreg:$0x7] =	wrdreg s22  }
0x12: {  	[dreg:$0x8] =	wrdreg s24;
	s14 =	simm.s32 $0x9;
	s17 =	sshrl.u32 s15, $0x3  }
0x13: {  	s18 =	simm.s32 $0x40;
	s19 =	simm.s32 $0x2A00;
	s29 =	sadd.s32 s10, s21  }
.Ltmp0:
0x14: {  	s15 =	simm.s32 $0x4;
	s21 =	simm.s32 $0x8;
	(pc) =	sbr.rel .LBB2_1-.Ltmp0, $4  }
0x15: {  	s22 =	simm.s32 $0x0;
	s1 =	sadd.s32 $0x28000, s1;
	s26 =	sadd.s32 s10, s6  }
0x16: {  	[dreg:$0xa] =	wrdreg s29;
	s11 =	sadd.s32 s11, s1;
	s0 =	sadd.s32 s0, s1  }
0x17: {  	[dreg:$0x9] =	wrdreg s26;
	s26 =	simm.s32 $0x6A00;
	s0 =	sadd.s32 s10, s0  }
0x18: {  	s1 =	simm.s32 $0x5;
	[dreg:$0xb] =	wrdreg s0;
	s0 =	simm.s32 $0x1  }
.LBB2_7:
0x19: {  	_ =	swait.ge [sflag:s15], $0x2000  }
0x1a: {  	[sflag:s15] =	ssyncset.done $0x0  }
0x1b: {  	[sflag:s15] =	ssyncadd.s32 $0xFFFFE000  }
0x1c: {  	_ =	swait.ge [sflag:s21], $0x40  }
0x1d: {  	[sflag:s21] =	ssyncset.done $0x0  }
0x1e: {  	[sflag:s21] =	ssyncadd.s32 $0xFFFFFFC0  }
0x1f: {  	[spmem:s2] =	stream.indirect.scatter.add.f32 [tilespmem:s30], [sflag:$0x9], $0x80, s31, s18, $0xb8;
	[tilespmem:$0x1E600] =	vst v63  }
0x20: {  	_ =	swait.ge [sflag:s14], $0x2000  }
0x21: {  	[sflag:s14] =	ssyncset.done $0x0  }
0x22: {  	[sflag:s14] =	ssyncadd.s32 $0xFFFFE000  }
0x23: {  	[bflag:$0x0] =	sbarrier.arrive $0xFFFF  }
0x24: {  	s7 =	rddreg [dreg:$0xb]  }
0x25: {  	[hbm:s7], [sflag:s16] =	dma.local [spmem:s17], $0x2780  }
0x26: {  	_ =	swait.ge [sflag:s14], $0x2780  }
0x27: {  	s22 =	sadd.s32 $0x1, s22;
	s29 =	rddreg [dreg:$0x8]  }
0x28: {  	p0 =	sne.s32 s22, s29  }
.Ltmp1:
0x29: {  	_ = 	snop;
	(pc) =	sbr.rel @!p0 .LBB2_8-.Ltmp1, $3  }
0x2a: {  	[sflag:s14] =	ssyncset.done $0x0  }
0x2b: {  	[sflag:s14] =	ssyncadd.s32 $0xFFFFD880  }
0x2c: {  	[bflag:$0x0] =	sbarrier.arrive $0xFFFF;
	_ =	sdelay $0x1  }
.LBB2_1:
0x2d: {  	s7 =	rddreg [dreg:$0x3]  }
0x2e: {  	[tilespmem:s3], [sflag:$0x9] =	stream.linear.gather [hbm4b:s7+s3], $0x2800, $0x38;
	[tilespmem:$0x1E600] =	vst v63  }
0x2f: {  	_ =	swait.ge [sflag:s14], $0x2800  }
0x30: {  	[sflag:s14] =	ssyncset.done $0x0  }
0x31: {  	s25 =	rddreg [dreg:$0x9];
	[sflag:s14] =	ssyncadd.s32 $0xFFFFD800  }
0x32: {  	[spmem:s17], [sflag:s16] =	dma.local [hbm:s25], $0x2780  }
0x33: {  	_ =	swait.ge [sflag:s14], $0x2780  }
0x34: {  	[sflag:s14] =	ssyncset.done $0x0  }
0x35: {  	[sflag:s14] =	ssyncadd.s32 $0xFFFFD880  }
0x36: {  	[bflag:$0x0] =	sbarrier.arrive $0xFFFF  }
0x37: {  	[tilespmem:s19], [sflag:$0x1] =	stream.indirect.gather [hbm4b:s6+s18], $0x80, s3, s18, $0xb8;
	[tilespmem:$0x1E600] =	vst v63  }
0x38: {  	_ = 	snop  }
0x39: {  	[tilespmem:s20], [sflag:$0x5] =	stream.linear.gather [hbm4b:s5+s3], $0x40, $0x38;
	[tilespmem:$0x1E600] =	vst v63  }
0x3a: {  	s8 =	simm.s32 $0x4A00  }
0x3b: {  	[tilespmem:s8], [sflag:$0x2] =	stream.indirect.gather [hbm4b:s6+s18], $0x80, s18, s18, $0xb8;
	[tilespmem:$0x1E600] =	vst v63  }
0x3c: {  	s9 =	rddreg [dreg:$0x5];
	s8 =	simm.s32 $0x2880  }
0x3d: {  	[tilespmem:s8], [sflag:$0x6] =	stream.linear.gather [hbm4b:s9+s3], $0x40, $0x38;
	[tilespmem:$0x1E600] =	vst v63  }
0x3e: {  	s10 =	simm.s32 $0x80  }
0x3f: {  	[tilespmem:s26], [sflag:$0x3] =	stream.indirect.gather [hbm4b:s6+s18], $0x80, s10, s18, $0xb8;
	[tilespmem:$0x1E600] =	vst v63  }
0x40: {  	s23 =	rddreg [dreg:$0x6]  }
0x41: {  	[tilespmem:s28], [sflag:$0x7] =	stream.linear.gather [hbm4b:s23+s3], $0x40, $0x38;
	[tilespmem:$0x1E600] =	vst v63  }
0x42: {  	s24 =	simm.s32 $0xC0  }
0x43: {  	[tilespmem:s30], [sflag:$0x4] =	stream.indirect.gather [hbm4b:s6+s18], $0x80, s24, s18, $0xb8;
	[tilespmem:$0x1E600] =	vst v63  }
0x44: {  	s29 =	simm.s32 $0x0;
	s25 =	rddreg [dreg:$0x7];
	s23 =	smov.u32 s13  }
0x45: {  	[tilespmem:s31], [sflag:$0x8] =	stream.linear.gather [hbm4b:s25+s3], $0x40, $0x38;
	[tilespmem:$0x1E600] =	vst v63  }
.LBB2_2:
0x46: {  	_ =	swait.ge [sflag:s0], $0x2000  }
0x47: {  	[sflag:s0] =	ssyncset.done $0x0  }
0x48: {  	[sflag:s0] =	ssyncadd.s32 $0xFFFFE000  }
0x49: {  	_ =	swait.ge [sflag:s1], $0x40  }
0x4a: {  	[sflag:s1] =	ssyncset.done $0x0  }
0x4b: {  	[sflag:s1] =	ssyncadd.s32 $0xFFFFFFC0  }
0x4c: {  	[spmem:s2] =	stream.indirect.scatter.add.f32 [tilespmem:s19], [sflag:$0x9], $0x80, s20, s18, $0xb8;
	[tilespmem:$0x1E600] =	vst v63  }
0x4d: {  	_ =	swait.ge [sflag:s14], $0x2000  }
0x4e: {  	p0 =	seq.s32 s29, $0x9C00;
	[sflag:s14] =	ssyncset.done $0x0  }
0x4f: {  	s24 =	simm.s32 @p0 $0x2;
	[sflag:s14] =	ssyncadd.s32 $0xFFFFE000  }
0x50: {  	_ =	swait.ge @p0 [sflag:s24], $0x2000  }
0x51: {  	[sflag:s24] =	ssyncset.done @p0 $0x0  }
0x52: {  	[sflag:s24] =	ssyncadd.s32 @p0 $0xFFFFE000;
	s24 =	simm.s32 @p0 $0x6  }
0x53: {  	_ =	swait.ge @p0 [sflag:s24], $0x40  }
0x54: {  	s25 =	simm.s32 @p0 $0x2880;
	[sflag:s24] =	ssyncset.done @p0 $0x0  }
0x55: {  	s7 =	simm.s32 @p0 $0x4A00;
	[sflag:s24] =	ssyncadd.s32 @p0 $0xFFFFFFC0;
	s24 =	simm.s32 @p0 $0x40  }
0x56: {  	[spmem:s2] =	stream.indirect.scatter.add.f32 @p0 [tilespmem:s7], [sflag:$0x9], $0x80, s25, s24, $0xb8;
	[tilespmem:$0x1E600] =	vst v63  }
0x57: {  	s7 =	simm.s32 @p0 $0x9  }
0x58: {  	_ =	swait.ge @p0 [sflag:s7], $0x2000  }
0x59: {  	[sflag:s7] =	ssyncset.done @p0 $0x0  }
0x5a: {  	[sflag:s7] =	ssyncadd.s32 @p0 $0xFFFFE000;
	s7 =	sshra.s32 @!p0 s29, $0x2  }
0x5b: {  	s8 =	simm.s32 @!p0 $0x2A00;
	s25 =	simm.s32 @!p0 $0x40;
	s24 =	sadd.s32 @!p0 $0x100, s7  }
0x5c: {  	[tilespmem:s8], [sflag:$0x1] =	stream.indirect.gather @!p0 [hbm4b:s6+s25], $0x80, s24, s25, $0xb8;
	[tilespmem:$0x1E600] =	vst v63  }
0x5d: {  	s8 =	simm.s32 @!p0 $0x0;
	s24 =	simm.s32 @!p0 $0x2800  }
0x5e: {  	[tilespmem:s24], [sflag:$0x5] =	stream.linear.gather @!p0 [hbm4b:s23+s8], $0x40, $0x38;
	[tilespmem:$0x1E600] =	vst v63  }
0x5f: {  	s24 =	simm.s32 @!p0 $0x2  }
0x60: {  	_ =	swait.ge @!p0 [sflag:s24], $0x2000  }
0x61: {  	[sflag:s24] =	ssyncset.done @!p0 $0x0  }
0x62: {  	[sflag:s24] =	ssyncadd.s32 @!p0 $0xFFFFE000;
	s24 =	simm.s32 @!p0 $0x6  }
0x63: {  	_ =	swait.ge @!p0 [sflag:s24], $0x40  }
0x64: {  	s9 =	simm.s32 @!p0 $0x4A00;
	[sflag:s24] =	ssyncset.done @!p0 $0x0  }
0x65: {  	s10 =	simm.s32 @!p0 $0x9;
	[sflag:s24] =	ssyncadd.s32 @!p0 $0xFFFFFFC0;
	s24 =	simm.s32 @!p0 $0x2880  }
0x66: {  	[spmem:s2] =	stream.indirect.scatter.add.f32 @!p0 [tilespmem:s9], [sflag:$0x9], $0x80, s24, s25, $0xb8;
	[tilespmem:$0x1E600] =	vst v63  }
0x67: {  	_ =	swait.ge @!p0 [sflag:s10], $0x2000  }
0x68: {  	[sflag:s10] =	ssyncset.done @!p0 $0x0  }
0x69: {  	s7 =	sadd.s32 @!p0 $0x140, s7;
	[sflag:s10] =	ssyncadd.s32 @!p0 $0xFFFFE000  }
0x6a: {  	[tilespmem:s9], [sflag:$0x2] =	stream.indirect.gather @!p0 [hbm4b:s6+s25], $0x80, s7, s25, $0xb8;
	[tilespmem:$0x1E600] =	vst v63  }
0x6b: {  	s7 =	sadd.s32 @!p0 $0x8, s23  }
0x6c: {  	[tilespmem:s24], [sflag:$0x6] =	stream.linear.gather @!p0 [hbm4b:s7+s8], $0x40, $0x38;
	[tilespmem:$0x1E600] =	vst v63  }
0x6d: {  	_ =	swait.ge [sflag:s4], $0x2000  }
0x6e: {  	[sflag:s4] =	ssyncset.done $0x0  }
0x6f: {  	[sflag:s4] =	ssyncadd.s32 $0xFFFFE000  }
0x70: {  	_ =	swait.ge [sflag:s12], $0x40  }
0x71: {  	[sflag:s12] =	ssyncset.done $0x0  }
.Ltmp2:
0x72: {  	[sflag:s12] =	ssyncadd.s32 $0xFFFFFFC0;
	(pc) =	sbr.rel @p0 .LBB2_4-.Ltmp2, $4  }
0x73: {  	[spmem:s2] =	stream.indirect.scatter.add.f32 [tilespmem:s26], [sflag:$0x9], $0x80, s28, s18, $0xb8;
	[tilespmem:$0x1E600] =	vst v63  }
0x74: {  	_ =	swait.ge [sflag:s14], $0x2000  }
0x75: {  	[sflag:s14] =	ssyncset.done $0x0  }
0x76: {  	[sflag:s14] =	ssyncadd.s32 $0xFFFFE000  }
0x77: {  	s7 =	sshra.s32 s29, $0x2  }
0x78: {  	s8 =	sadd.s32 $0x180, s7  }
0x79: {  	[tilespmem:s26], [sflag:$0x3] =	stream.indirect.gather [hbm4b:s6+s18], $0x80, s8, s18, $0xb8;
	[tilespmem:$0x1E600] =	vst v63  }
0x7a: {  	s24 =	sadd.s32 $0x10, s23  }
0x7b: {  	[tilespmem:s28], [sflag:$0x7] =	stream.linear.gather [hbm4b:s24+s3], $0x40, $0x38;
	[tilespmem:$0x1E600] =	vst v63  }
0x7c: {  	_ =	swait.ge [sflag:s15], $0x2000  }
0x7d: {  	[sflag:s15] =	ssyncset.done $0x0  }
0x7e: {  	[sflag:s15] =	ssyncadd.s32 $0xFFFFE000  }
0x7f: {  	_ =	swait.ge [sflag:s21], $0x40  }
0x80: {  	[sflag:s21] =	ssyncset.done $0x0  }
0x81: {  	[sflag:s21] =	ssyncadd.s32 $0xFFFFFFC0  }
0x82: {  	[spmem:s2] =	stream.indirect.scatter.add.f32 [tilespmem:s30], [sflag:$0x9], $0x80, s31, s18, $0xb8;
	[tilespmem:$0x1E600] =	vst v63  }
0x83: {  	_ =	swait.ge [sflag:s14], $0x2000  }
.Ltmp3:
0x84: {  	[sflag:s14] =	ssyncset.done $0x0;
	(pc) =	sbr.rel .LBB2_2-.Ltmp3, $4  }
0x85: {  	s7 =	sadd.s32 $0x1C0, s7;
	[sflag:s14] =	ssyncadd.s32 $0xFFFFE000  }
0x86: {  	[tilespmem:s30], [sflag:$0x4] =	stream.indirect.gather [hbm4b:s6+s18], $0x80, s7, s18, $0xb8;
	[tilespmem:$0x1E600] =	vst v63  }
0x87: {  	s25 =	sadd.s32 $0x18, s23;
	s29 =	sadd.s32 $0x400, s29;
	s23 =	sadd.s32 $0x20, s23  }
0x88: {  	[tilespmem:s31], [sflag:$0x8] =	stream.linear.gather [hbm4b:s25+s3], $0x40, $0x38;
	[tilespmem:$0x1E600] =	vst v63  }
.LBB2_4:
0x89: {  	_ =	swait.ge [sflag:s15], $0x2000  }
0x8a: {  	[sflag:s15] =	ssyncset.done $0x0  }
0x8b: {  	[sflag:s15] =	ssyncadd.s32 $0xFFFFE000  }
0x8c: {  	_ =	swait.ge [sflag:s21], $0x40  }
0x8d: {  	[sflag:s21] =	ssyncset.done $0x0  }
0x8e: {  	[sflag:s21] =	ssyncadd.s32 $0xFFFFFFC0  }
0x8f: {  	[spmem:s2] =	stream.indirect.scatter.add.f32 [tilespmem:s30], [sflag:$0x9], $0x80, s31, s18, $0xb8;
	[tilespmem:$0x1E600] =	vst v63  }
0x90: {  	_ =	swait.ge [sflag:s14], $0x2000  }
0x91: {  	[sflag:s14] =	ssyncset.done $0x0  }
0x92: {  	[sflag:s14] =	ssyncadd.s32 $0xFFFFE000  }
0x93: {  	[bflag:$0x0] =	sbarrier.arrive $0xFFFF  }
0x94: {  	s7 =	rddreg [dreg:$0xa]  }
0x95: {  	[hbm:s7], [sflag:s16] =	dma.local [spmem:s17], $0x2780  }
0x96: {  	_ =	swait.ge [sflag:s14], $0x2780  }
0x97: {  	[sflag:s14] =	ssyncset.done $0x0  }
0x98: {  	[sflag:s14] =	ssyncadd.s32 $0xFFFFD880  }
0x99: {  	[bflag:$0x0] =	sbarrier.arrive $0xFFFF  }
0x9a: {  	s23 =	rddreg [dreg:$0x4]  }
0x9b: {  	s7 =	sadd.s32 s23, s11  }
0x9c: {  	[spmem:s17], [sflag:s16] =	dma.local [hbm:s7], $0x2780  }
0x9d: {  	_ =	swait.ge [sflag:s14], $0x2780  }
0x9e: {  	[sflag:s14] =	ssyncset.done $0x0  }
0x9f: {  	[sflag:s14] =	ssyncadd.s32 $0xFFFFD880  }
0xa0: {  	s23 =	simm.s32 $0x0;
	[bflag:$0x0] =	sbarrier.arrive $0xFFFF  }
0xa1: {  	[tilespmem:s19], [sflag:$0x1] =	stream.indirect.gather [hbm4b:s11+s18], $0x80, s23, s18, $0xb8;
	[tilespmem:$0x1E600] =	vst v63  }
0xa2: {  	_ = 	snop  }
0xa3: {  	[tilespmem:s20], [sflag:$0x5] =	stream.linear.gather [hbm4b:s5+s23], $0x40, $0x38;
	[tilespmem:$0x1E600] =	vst v63  }
0xa4: {  	s24 =	simm.s32 $0x4A00  }
0xa5: {  	[tilespmem:s24], [sflag:$0x2] =	stream.indirect.gather [hbm4b:s11+s18], $0x80, s18, s18, $0xb8;
	[tilespmem:$0x1E600] =	vst v63  }
0xa6: {  	s8 =	simm.s32 $0x2880;
	s25 =	rddreg [dreg:$0x5]  }
0xa7: {  	[tilespmem:s8], [sflag:$0x6] =	stream.linear.gather [hbm4b:s25+s23], $0x40, $0x38;
	[tilespmem:$0x1E600] =	vst v63  }
0xa8: {  	s9 =	simm.s32 $0x80  }
0xa9: {  	[tilespmem:s26], [sflag:$0x3] =	stream.indirect.gather [hbm4b:s11+s18], $0x80, s9, s18, $0xb8;
	[tilespmem:$0x1E600] =	vst v63  }
0xaa: {  	s10 =	rddreg [dreg:$0x6]  }
0xab: {  	[tilespmem:s28], [sflag:$0x7] =	stream.linear.gather [hbm4b:s10+s23], $0x40, $0x38;
	[tilespmem:$0x1E600] =	vst v63  }
0xac: {  	s24 =	simm.s32 $0xC0  }
0xad: {  	[tilespmem:s30], [sflag:$0x4] =	stream.indirect.gather [hbm4b:s11+s18], $0x80, s24, s18, $0xb8;
	[tilespmem:$0x1E600] =	vst v63  }
0xae: {  	s29 =	smov.u32 s13;
	s25 =	rddreg [dreg:$0x7]  }
0xaf: {  	[tilespmem:s31], [sflag:$0x8] =	stream.linear.gather [hbm4b:s25+s23], $0x40, $0x38;
	[tilespmem:$0x1E600] =	vst v63  }
.LBB2_5:
0xb0: {  	_ =	swait.ge [sflag:s0], $0x2000  }
0xb1: {  	[sflag:s0] =	ssyncset.done $0x0  }
0xb2: {  	[sflag:s0] =	ssyncadd.s32 $0xFFFFE000  }
0xb3: {  	_ =	swait.ge [sflag:s1], $0x40  }
0xb4: {  	[sflag:s1] =	ssyncset.done $0x0  }
0xb5: {  	[sflag:s1] =	ssyncadd.s32 $0xFFFFFFC0  }
0xb6: {  	[spmem:s2] =	stream.indirect.scatter.add.f32 [tilespmem:s19], [sflag:$0x9], $0x80, s20, s18, $0xb8;
	[tilespmem:$0x1E600] =	vst v63  }
0xb7: {  	_ =	swait.ge [sflag:s14], $0x2000  }
0xb8: {  	p0 =	seq.s32 s23, $0x9C00;
	[sflag:s14] =	ssyncset.done $0x0  }
0xb9: {  	s7 =	simm.s32 @p0 $0x2;
	[sflag:s14] =	ssyncadd.s32 $0xFFFFE000  }
0xba: {  	_ =	swait.ge @p0 [sflag:s7], $0x2000  }
0xbb: {  	[sflag:s7] =	ssyncset.done @p0 $0x0  }
0xbc: {  	[sflag:s7] =	ssyncadd.s32 @p0 $0xFFFFE000;
	s7 =	simm.s32 @p0 $0x6  }
0xbd: {  	_ =	swait.ge @p0 [sflag:s7], $0x40  }
0xbe: {  	s8 =	simm.s32 @p0 $0x2880;
	[sflag:s7] =	ssyncset.done @p0 $0x0  }
0xbf: {  	s9 =	simm.s32 @p0 $0x4A00;
	[sflag:s7] =	ssyncadd.s32 @p0 $0xFFFFFFC0;
	s7 =	simm.s32 @p0 $0x40  }
0xc0: {  	[spmem:s2] =	stream.indirect.scatter.add.f32 @p0 [tilespmem:s9], [sflag:$0x9], $0x80, s8, s7, $0xb8;
	[tilespmem:$0x1E600] =	vst v63  }
0xc1: {  	s7 =	simm.s32 @p0 $0x9  }
0xc2: {  	_ =	swait.ge @p0 [sflag:s7], $0x2000  }
0xc3: {  	[sflag:s7] =	ssyncset.done @p0 $0x0  }
0xc4: {  	[sflag:s7] =	ssyncadd.s32 @p0 $0xFFFFE000;
	s7 =	sshra.s32 @!p0 s23, $0x2  }
0xc5: {  	s10 =	simm.s32 @!p0 $0x2A00;
	s9 =	simm.s32 @!p0 $0x40;
	s8 =	sadd.s32 @!p0 $0x100, s7  }
0xc6: {  	[tilespmem:s10], [sflag:$0x1] =	stream.indirect.gather @!p0 [hbm4b:s11+s9], $0x80, s8, s9, $0xb8;
	[tilespmem:$0x1E600] =	vst v63  }
0xc7: {  	s8 =	simm.s32 @!p0 $0x0;
	s10 =	simm.s32 @!p0 $0x2800  }
0xc8: {  	[tilespmem:s10], [sflag:$0x5] =	stream.linear.gather @!p0 [hbm4b:s29+s8], $0x40, $0x38;
	[tilespmem:$0x1E600] =	vst v63  }
0xc9: {  	s10 =	simm.s32 @!p0 $0x2  }
0xca: {  	_ =	swait.ge @!p0 [sflag:s10], $0x2000  }
0xcb: {  	[sflag:s10] =	ssyncset.done @!p0 $0x0  }
0xcc: {  	[sflag:s10] =	ssyncadd.s32 @!p0 $0xFFFFE000;
	s10 =	simm.s32 @!p0 $0x6  }
0xcd: {  	_ =	swait.ge @!p0 [sflag:s10], $0x40  }
0xce: {  	s24 =	simm.s32 @!p0 $0x4A00;
	[sflag:s10] =	ssyncset.done @!p0 $0x0  }
0xcf: {  	s25 =	simm.s32 @!p0 $0x9;
	[sflag:s10] =	ssyncadd.s32 @!p0 $0xFFFFFFC0;
	s10 =	simm.s32 @!p0 $0x2880  }
0xd0: {  	[spmem:s2] =	stream.indirect.scatter.add.f32 @!p0 [tilespmem:s24], [sflag:$0x9], $0x80, s10, s9, $0xb8;
	[tilespmem:$0x1E600] =	vst v63  }
0xd1: {  	_ =	swait.ge @!p0 [sflag:s25], $0x2000  }
0xd2: {  	[sflag:s25] =	ssyncset.done @!p0 $0x0  }
0xd3: {  	s7 =	sadd.s32 @!p0 $0x140, s7;
	[sflag:s25] =	ssyncadd.s32 @!p0 $0xFFFFE000  }
0xd4: {  	[tilespmem:s24], [sflag:$0x2] =	stream.indirect.gather @!p0 [hbm4b:s11+s9], $0x80, s7, s9, $0xb8;
	[tilespmem:$0x1E600] =	vst v63  }
0xd5: {  	s7 =	sadd.s32 @!p0 $0x8, s29  }
0xd6: {  	[tilespmem:s10], [sflag:$0x6] =	stream.linear.gather @!p0 [hbm4b:s7+s8], $0x40, $0x38;
	[tilespmem:$0x1E600] =	vst v63  }
0xd7: {  	_ =	swait.ge [sflag:s4], $0x2000  }
0xd8: {  	[sflag:s4] =	ssyncset.done $0x0  }
0xd9: {  	[sflag:s4] =	ssyncadd.s32 $0xFFFFE000  }
0xda: {  	_ =	swait.ge [sflag:s12], $0x40  }
0xdb: {  	[sflag:s12] =	ssyncset.done $0x0  }
.Ltmp4:
0xdc: {  	[sflag:s12] =	ssyncadd.s32 $0xFFFFFFC0;
	(pc) =	sbr.rel @p0 .LBB2_7-.Ltmp4, $4  }
0xdd: {  	[spmem:s2] =	stream.indirect.scatter.add.f32 [tilespmem:s26], [sflag:$0x9], $0x80, s28, s18, $0xb8;
	[tilespmem:$0x1E600] =	vst v63  }
0xde: {  	_ =	swait.ge [sflag:s14], $0x2000  }
0xdf: {  	[sflag:s14] =	ssyncset.done $0x0  }
0xe0: {  	[sflag:s14] =	ssyncadd.s32 $0xFFFFE000  }
0xe1: {  	s7 =	sshra.s32 s23, $0x2  }
0xe2: {  	s8 =	sadd.s32 $0x180, s7  }
0xe3: {  	[tilespmem:s26], [sflag:$0x3] =	stream.indirect.gather [hbm4b:s11+s18], $0x80, s8, s18, $0xb8;
	[tilespmem:$0x1E600] =	vst v63  }
0xe4: {  	s24 =	sadd.s32 $0x10, s29  }
0xe5: {  	[tilespmem:s28], [sflag:$0x7] =	stream.linear.gather [hbm4b:s24+s3], $0x40, $0x38;
	[tilespmem:$0x1E600] =	vst v63  }
0xe6: {  	_ =	swait.ge [sflag:s15], $0x2000  }
0xe7: {  	[sflag:s15] =	ssyncset.done $0x0  }
0xe8: {  	[sflag:s15] =	ssyncadd.s32 $0xFFFFE000  }
0xe9: {  	_ =	swait.ge [sflag:s21], $0x40  }
0xea: {  	[sflag:s21] =	ssyncset.done $0x0  }
0xeb: {  	[sflag:s21] =	ssyncadd.s32 $0xFFFFFFC0  }
0xec: {  	[spmem:s2] =	stream.indirect.scatter.add.f32 [tilespmem:s30], [sflag:$0x9], $0x80, s31, s18, $0xb8;
	[tilespmem:$0x1E600] =	vst v63  }
0xed: {  	_ =	swait.ge [sflag:s14], $0x2000  }
.Ltmp5:
0xee: {  	[sflag:s14] =	ssyncset.done $0x0;
	(pc) =	sbr.rel .LBB2_5-.Ltmp5, $4  }
0xef: {  	s7 =	sadd.s32 $0x1C0, s7;
	[sflag:s14] =	ssyncadd.s32 $0xFFFFE000  }
0xf0: {  	[tilespmem:s30], [sflag:$0x4] =	stream.indirect.gather [hbm4b:s11+s18], $0x80, s7, s18, $0xb8;
	[tilespmem:$0x1E600] =	vst v63  }
0xf1: {  	s25 =	sadd.s32 $0x18, s29;
	s23 =	sadd.s32 $0x400, s23;
	s29 =	sadd.s32 $0x20, s29  }
0xf2: {  	[tilespmem:s31], [sflag:$0x8] =	stream.linear.gather [hbm4b:s25+s3], $0x40, $0x38;
	[tilespmem:$0x1E600] =	vst v63  }
.LBB2_8:
0xf3: {  	_ =	sfence.sel $0x180000  }
0xf4: {  	[bflag:$0x0] =	sbarrier.arrive $0xFFFF  }
0xf5: {  	_ =	strace $0x90000050  }
0xf6: {  	s0 =	stileid.u32;
	[bflag:$0x2] =	sbarrier.arrive $0xFFFF  }
0xf7: {  	p0 =	sne.s32 s0, $0x0;
	s0 =	rddreg [dreg:$0x2]  }
0xf8: {  	s0 =	sadd.s32 @!p0 $0x100000, s0  }
0xf9: {  	[sflag:s0] =	ssyncadd.tile.s32 @!p0 $0x1;
	_ =	shalt  }
.Lfunc_end2:
_tile_overlayer_lowered:
.L_overlay_start_2:
0xfa: {  	(tag) =	ssettag $0x2  }
0xfb: {  	s0 =	rddreg [dreg:$0x0];
	s2 =	stileid.u32  }
0xfc: {  	s1 =	rddreg [dreg:$0x1];
	p0 =	sne.s32 s2, $0x0  }
0xfd: {  	s3 =	rddreg [dreg:$0x2];
	[bflag:$0x3] =	sbarrier.arrive $0xFFFF;
	s2 =	simm.s32 @!p0 $0x1C09  }
0xfe: {  	[timem:s3], [sflag:s2] =	dma.local @!p0 [hbm:s0], s1  }
0xff: {  	s0 =	simm.s32 @!p0 $0x9  }
0x100: {  	_ =	swait.ge @!p0 [sflag:s0], s1  }
0x101: {  	s1 =	ssub.s32 @!p0 $0x0, s1;
	[sflag:s0] =	ssyncset.done @!p0 $0x0  }
0x102: {  	[sflag:s0] =	ssyncadd.s32 @!p0 s1  }
0x103: {  	[bflag:$0x3] =	sbarrier.arrive $0xFFFF  }
0x104: {  	_ =	shalt  }

// kernel: kernel.24.cloned.1.call-start
scs
__scs_entry_jumppad:
0x0: {  	(pc) =	sbr.rel $0x88, $3  }
0x1: {  	(tag) =	ssettag $0x0;
	lr =	simm.s32 $0x1  }
0x2: {  	[smem:$0x3F86] =	sst lr;
	_ =	strace $0xD0000000  }
0x3: {  	_ = 	snop  }
0x4: {  	_ = 	snop  }
0x5: {  	_ = 	snop  }
0x6: {  	_ = 	snop  }
0x7: {  	_ = 	snop  }
__scs_overlays_trampoline_lowered:
0x8: {  	[smem:$0x3F95] =	sst s0  }
0x9: {  	[smem:$0x3F96] =	sst s1  }
0xa: {  	[smem:$0x3F97] =	sst s2  }
0xb: {  	[smem:$0x3F98] =	sst s3  }
0xc: {  	[smem:$0x3F99] =	sst s4  }
0xd: {  	[smem:$0x3F9A] =	sst s5  }
0xe: {  	[smem:$0x3F9B] =	sst s6  }
0xf: {  	[smem:$0x3F9C] =	sst s7  }
0x10: {  	[smem:$0x3F9D] =	sst s8  }
0x11: {  	[smem:$0x3F9E] =	sst s9;
	s0 =	simm.s32 @!p0 $0x0  }
0x12: {  	s1 =	sld [smem:$0x3F84];
	s0 =	simm.s32 @p0 $0x1  }
0x13: {  	[smem:$0x3F9F] =	sst s0;
	s0 =	simm.s32 @!p1 $0x0  }
0x14: {  	s2 =	sld [smem:$0x3F83];
	s0 =	simm.s32 @p1 $0x1  }
0x15: {  	[smem:$0x3FA0] =	sst s0;
	s0 =	simm.s32 @!p2 $0x0  }
0x16: {  	s3 =	sld [smem:$0x3FDB];
	s0 =	simm.s32 @p2 $0x1  }
0x17: {  	s4 =	simm.s32 $0x1BF5;
	[smem:$0x3FA2] =	sst s0  }
0x18: {  	s0 =	sld [smem:$0x3F85];
	_ =	swait.ge [sflag:s4], $0x0  }
0x19: {  	s7 =	sld [smem:$0x3F86]  }
0x1a: {  	s8 =	sadd.s32 $0xFFFFE003, lr  }
0x1b: {  	s9 =	sadd.s32 $0xFFFFFEF7, lr;
	s5 =	simm.s32 $0xFFFFFFFF;
	p2 =	slt.u32 s8, $0xFFFFF086  }
0x1c: {  	p1 =	slt.u32 s9, $0xF7A;
	s5 =	simm.s32 @!p2 $0x0  }
0x1d: {  	s5 =	simm.s32 @p1 $0x1;
	p0 =	seq.s32 s7, s2  }
0x1e: {  	s7 =	smul.u32 @!p0 $0xF7A, s2;
	p2 =	seq.s32 @!p0 s5, $0x0  }
0x1f: {  	s9 =	smul.u32 $0xF7A, s1;
	s8 =	simm.s32 @!p0 $0x1BF5;
	p2 =	por !p2, p0  }
0x20: {  	[sflag:s8] =	ssyncset.s32 @!p0 $0xFFFFF086;
	s6 =	sadd.s32 @!p0 s3, s7;
	s7 =	simm.s32 @!p0 $0x108  }
0x21: {  	s3 =	sadd.s32 s3, s9;
	s6 =	sadd.s32 @!p0 $0x88, s6;
	s7 =	simm.s32 @p2 $0x1082  }
0x22: {  	[simem:s7], [sflag:s8] =	dma.local @!p0 [hbm:s6], $0xF7A  }
0x23: {  	s9 =	sor.u32 $0xD0000000, s2;
	s6 =	simm.s32 $0x108;
	_ =	swait.ge @!p0 [sflag:s8], $0x0  }
0x24: {  	s3 =	sadd.s32 $0x88, s3;
	s6 =	simm.s32 @!p1 $0x1082;
	[sflag:s4] =	ssyncset.s32 $0xFFFFF086  }
0x25: {  	[simem:s6], [sflag:s4] =	dma.local [hbm:s3], $0xF7A  }
0x26: {  	[smem:$0x3F86] =	sst s1;
	(tag) =	ssettag s2;
	_ =	strace s9  }
0x27: {  	s1 =	sld [smem:$0x3F96]  }
0x28: {  	s2 =	sld [smem:$0x3F97]  }
0x29: {  	s4 =	sld [smem:$0x3F99]  }
0x2a: {  	p0 =	seq.s32 s5, $0x0;
	s5 =	sld [smem:$0x3F9A]  }
0x2b: {  	s6 =	sld [smem:$0x3F9B]  }
0x2c: {  	s7 =	sld [smem:$0x3F9C]  }
0x2d: {  	s3 =	simm.s32 $0x108;
	s8 =	sld [smem:$0x3F9D]  }
0x2e: {  	s3 =	simm.s32 @!p0 $0x1082;
	s9 =	sld [smem:$0x3F9E]  }
0x2f: {  	lr =	sadd.s32 s0, s3;
	s0 =	sld [smem:$0x3F95]  }
0x30: {  	s3 =	sld [smem:$0x3F98]  }
0x31: {  	[smem:$0x3FA1] =	sst s10  }
0x32: {  	s10 =	sld [smem:$0x3F9F];
	_ =	sdelay $0x3  }
0x33: {  	p0 =	seq.s32 s10, $0x1;
	s10 =	sld [smem:$0x3FA1];
	_ =	sdelay $0x3  }
0x34: {  	[smem:$0x3FA1] =	sst s10  }
0x35: {  	s10 =	sld [smem:$0x3FA0];
	_ =	sdelay $0x3  }
0x36: {  	p1 =	seq.s32 s10, $0x1;
	s10 =	sld [smem:$0x3FA1];
	_ =	sdelay $0x3  }
0x37: {  	[smem:$0x3FA1] =	sst s10  }
0x38: {  	s10 =	sld [smem:$0x3FA2]  }
0x39: {  	_ = 	snop;
	(pc) =	sbr.ind lr, $3  }
0x3a: {  	_ = 	snop  }
0x3b: {  	_ = 	snop  }
0x3c: {  	p2 =	seq.s32 s10, $0x1;
	s10 =	sld [smem:$0x3FA1]  }
0x3d: {  	_ =	shalt  }
0x3e: {  	_ =	shalt  }
0x3f: {  	_ =	shalt  }
0x40: {  	_ =	shalt  }
0x41: {  	_ =	shalt  }
0x42: {  	_ =	shalt  }
0x43: {  	_ =	shalt  }
0x44: {  	_ =	shalt  }
0x45: {  	_ =	shalt  }
0x46: {  	_ =	shalt  }
0x47: {  	_ =	shalt  }
0x48: {  	_ =	shalt  }
0x49: {  	_ =	shalt  }
0x4a: {  	_ =	shalt  }
0x4b: {  	_ =	shalt  }
0x4c: {  	_ =	shalt  }
0x4d: {  	_ =	shalt  }
0x4e: {  	_ =	shalt  }
0x4f: {  	_ =	shalt  }
0x50: {  	_ =	shalt  }
0x51: {  	_ =	shalt  }
0x52: {  	_ =	shalt  }
0x53: {  	_ =	shalt  }
0x54: {  	_ =	shalt  }
0x55: {  	_ =	shalt  }
0x56: {  	_ =	shalt  }
0x57: {  	_ =	shalt  }
0x58: {  	_ =	shalt  }
0x59: {  	_ =	shalt  }
0x5a: {  	_ =	shalt  }
0x5b: {  	_ =	shalt  }
0x5c: {  	_ =	shalt  }
0x5d: {  	_ =	shalt  }
0x5e: {  	_ =	shalt  }
0x5f: {  	_ =	shalt  }
0x60: {  	_ =	shalt  }
0x61: {  	_ =	shalt  }
0x62: {  	_ =	shalt  }
0x63: {  	_ =	shalt  }
0x64: {  	_ =	shalt  }
0x65: {  	_ =	shalt  }
0x66: {  	_ =	shalt  }
0x67: {  	_ =	shalt  }
0x68: {  	_ =	shalt  }
0x69: {  	_ =	shalt  }
0x6a: {  	_ =	shalt  }
0x6b: {  	_ =	shalt  }
0x6c: {  	_ =	shalt  }
0x6d: {  	_ =	shalt  }
0x6e: {  	_ =	shalt  }
0x6f: {  	_ =	shalt  }
0x70: {  	_ =	shalt  }
0x71: {  	_ =	shalt  }
0x72: {  	_ =	shalt  }
0x73: {  	_ =	shalt  }
0x74: {  	_ =	shalt  }
0x75: {  	_ =	shalt  }
0x76: {  	_ =	shalt  }
0x77: {  	_ =	shalt  }
0x78: {  	_ =	shalt  }
0x79: {  	_ =	shalt  }
0x7a: {  	_ =	shalt  }
0x7b: {  	_ =	shalt  }
0x7c: {  	_ =	shalt  }
0x7d: {  	_ =	shalt  }
0x7e: {  	_ =	shalt  }
0x7f: {  	_ =	shalt  }
0x80: {  	_ =	shalt  }
0x81: {  	_ =	shalt  }
0x82: {  	_ =	shalt  }
0x83: {  	_ =	shalt  }
0x84: {  	_ =	shalt  }
0x85: {  	_ =	shalt  }
0x86: {  	_ =	shalt  }
0x87: {  	_ =	shalt  }
.Lfunc_end0:
.L_simem_size_0:
called_computation.4_lowered:
.L_overlay_start_0:
0x88: {  	s2 =	sld [smem:$0x3FD9]  }
0x89: {  	s3 =	sld [smem:$0x3FFE];
	_ =	sdelay $0x1  }
0x8a: {  	s1 =	srdreg.scid  }
0x8b: {  	s0 =	sand.u32 $0x1, s1  }
0x8c: {  	s16 =	sshll.u32 s0, $0xA;
	s2 =	sadd.s32 s3, s2  }
0x8d: {  	s2 =	sadd.s32 s2, s16  }
0x8e: {  	[smem:$0x3FAD] =	sst s2  }
0x8f: {  	_ = 	snop  }
0x90: {  	(tm) =	ssettm $0x1  }
0x91: {  	s17 =	sld [smem:$0x3FFB];
	_ =	sdelay $0x3  }
0x92: {  	_ =	strace s17  }
0x93: {  	s2 =	sld [smem:$0x3FFC];
	_ =	sdelay $0x3  }
0x94: {  	_ =	strace s2  }
0x95: {  	s2 =	sld [smem:$0x3FFD];
	_ =	sdelay $0x3  }
0x96: {  	_ =	strace s2  }
0x97: {  	_ =	strace $0x8FFFFFFF  }
0x98: {  	s18 =	sld [smem:$0x3FDB];
	_ =	sdelay $0x1  }
0x99: {  	s19 =	simm.s32 $_scs_section_size  }
0x9a: {  	s4 =	simm.s32 $_size__tile_overlayer_lowered;
	s5 =	simm.s32 $_tile_overlayer_lowered  }
0x9b: {  	s22 =	simm.s32 $0x1BFF;
	s21 =	sshll.u32 s5, $0x1;
	s2 =	sadd.s32 s19, s18  }
0x9c: {  	s6 =	simm.s32 $0x0;
	s20 =	sshll.u32 s4, $0x1;
	s4 =	sadd.s32 s21, s2  }
0x9d: {  	[timem:s6], [sflag:s22] =	dma.local [hbm:s4], s20  }
0x9e: {  	_ =	swait.ge [sflag:s22], s20  }
0x9f: {  	s3 =	ssub.s32 $0x0, s20;
	[sflag:s22] =	ssyncset.done $0x0  }
0xa0: {  	[sflag:s22] =	ssyncadd.s32 s3;
	_ =	sdelay $0x1  }
0xa1: {  	s23 =	simm.s32 $0x1B8B  }
0xa2: {  	_ =	swait.ge [sflag:s23], $0x1  }
0xa3: {  	[sflag:s23] =	ssyncset.done $0x0  }
0xa4: {  	s25 =	simm.s32 $0x1B8E;
	s24 =	sld [smem:$0x3FFE];
	[sflag:s23] =	ssyncadd.s32 $0xFFFFFFFF  }
0xa5: {  	s26 =	simm.s32 $execute0_lowered;
	[smem:$0x3FD2] =	sst s25  }
0xa6: {  	s4 =	sshll.u32 s26, $0x1;
	_ =	strace $0x80000052;
	[dreg:$0x1] =	wrdreg $0xFFFFFFFF  }
0xa7: {  	s28 =	simm.s32 $_size_execute0_lowered;
	s2 =	sadd.s32 s2, s4;
	[dreg:$0x0] =	wrdreg $0x0  }
0xa8: {  	s4 =	sshll.u32 s28, $0x1;
	[dreg:$0x2] =	wrdreg s2  }
0xa9: {  	[dreg:$0x3] =	wrdreg s4  }
0xaa: {  	[dreg:$0x4] =	wrdreg $0xC0  }
0xab: {  	_ =	task [dreg:s6], $0x5FFFF  }
0xac: {  	[dreg:$0x1] =	wrdreg $0xFFFFFFFF  }
0xad: {  	[dreg:$0x0] =	wrdreg $0x60  }
0xae: {  	[dreg:$0x2] =	wrdreg s24  }
0xaf: {  	[dreg:$0x3] =	wrdreg $0xAA000  }
0xb0: {  	[dreg:$0x4] =	wrdreg $0x9  }
0xb1: {  	_ =	task.clear_ibuf [dreg:s6], $0x5FFFF;
	_ =	strace $0x90000052  }
0xb2: {  	s29 =	simm.s32 $0x9;
	_ =	strace $0x80000054  }
0xb3: {  	_ =	swait.ge [sflag:s29], $0x1  }
0xb4: {  	[sflag:s29] =	ssyncadd.s32 $0xFFFFFFFF  }
0xb5: {  	_ =	strace $0x90000054  }
0xb6: {  	_ =	sfence  }
0xb7: {  	s30 =	sld [smem:$0x0];
	_ =	sdelay $0x2  }
0xb8: {  	s31 =	sshll.u32 s1, $0xD;
	s1 =	sshrl.u32 s1, $0x2  }
0xb9: {  	s3 =	sand.u32 $0x4000, s31;
	s1 =	sadd.s32 s1, s30  }
0xba: {  	s0 =	sor.u32 s3, s0;
	s1 =	sshll.u32 s1, $0x11  }
0xbb: {  	s0 =	sor.u32 s1, s0  }
0xbc: {  	s0 =	sadd.s32 $0x8F2B, s0  }
0xbd: {  	[sflag:s0] =	ssyncadd.remote.s32 $0x1  }
0xbe: {  	_ =	sfence.sel $0xFFFF  }
0xbf: {  	[dreg:$0x0] =	wrdreg $0xFFFFFFFF;
	(pc) =	sbr.abs _section_cstart, $3  }
0xc0: {  	[dreg:$0x1] =	wrdreg $0xFFFFFFFF  }
0xc1: {  	_ =	task.clear_ibuf [dreg:s6], $0x2FFFF;
	_ =	strace $0x9FFFFFFF  }
0xc2: {  	(tm) =	ssettm $0x7FFFFFFF  }
0xc3: {  	_ =	shalt  }
tec
execute0_lowered:
.L_overlay_start_1:
0x0: {  	(tag) =	ssettag $0x1  }
0x1: {  	s0 =	rddreg [dreg:$0x0]  }
0x2: {  	s2 =	rddreg [dreg:$0x1]  }
0x3: {  	s8 =	stileid.u32;
	s3 =	simm.s32 $0x0;
	s4 =	srdreg.scid  }
0x4: {  	s12 =	simm.s32 $0x9;
	s16 =	simm.s32 $0x40;
	s17 =	simm.s32 $0x2A00  }
0x5: {  	s28 =	simm.s32 $0x2980;
	s29 =	simm.s32 $0x1;
	s30 =	simm.s32 $0x5  }
0x6: {  	s31 =	simm.s32 $0x3;
	s1 =	smul.u32 $0x2800, s8;
	[smem:$0x7FF] =	sst s3  }
0x7: {  	s4 =	sand.u32 $0x1, s4;
	s7 =	smul.u32 $0x4F000, s8;
	s10 =	sadd.s32 $0xA200, s0  }
0x8: {  	s21 =	smul.u32 $0x500, s8;
	s26 =	sshll.u32 s8, $0x6;
	_ =	strace $0x80000053  }
0x9: {  	s5 =	smul.u32 $0x28000, s4;
	s4 =	ssub.s32 $0x2, s4;
	s14 =	sor.u32 $0x1C09, s26  }
0xa: {  	s26 =	simm.s32 $0x8A00;
	s1 =	sshrl.u32 s1, $0x3;
	s18 =	sshrl.u32 s4, $0x1  }
0xb: {  	s20 =	sshrl.u32 s7, $0x2;
	s6 =	sadd.s32 s1, s0;
	s0 =	sadd.s32 s5, s0  }
0xc: {  	s11 =	ssub.s32 s4, s18;
	s15 =	sadd.s32 s20, s2;
	s5 =	sadd.s32 s10, s1  }
0xd: {  	s1 =	sadd.s32 s21, s10;
	s18 =	simm.s32 $0x2800;
	s19 =	sadd.s32 $0x5FA00, s6  }
0xe: {  	s20 =	simm.s32 $0x0;
	s22 =	sadd.s32 $0x8, s5;
	[dreg:$0x3] =	wrdreg s19  }
0xf: {  	s6 =	sadd.s32 $0xF200, s0;
	s23 =	sadd.s32 $0x10, s5;
	[dreg:$0x4] =	wrdreg s22  }
0x10: {  	s24 =	sadd.s32 $0x18, s5;
	s0 =	sadd.s32 $0x64A00, s0;
	[dreg:$0x5] =	wrdreg s23  }
.Ltmp0:
0x11: {  	s25 =	smax.u32 s11, $0x1;
	[dreg:$0x6] =	wrdreg s24;
	(pc) =	sbr.rel .LBB2_1-.Ltmp0, $4  }
0x12: {  	s1 =	sadd.s32 $0x20, s1;
	s19 =	smul.u32 $0x2780, s8;
	[dreg:$0x7] =	wrdreg s25  }
0x13: {  	s15 =	sshrl.u32 s15, $0x3;
	[dreg:$0x8] =	wrdreg s1;
	s22 =	simm.s32 $0x6A00  }
0x14: {  	s23 =	simm.s32 $0x2900;
	s1 =	simm.s32 $0x4;
	s13 =	sadd.s32 s19, s6  }
0x15: {  	s24 =	sadd.s32 s19, s0;
	s0 =	simm.s32 $0x7;
	s19 =	simm.s32 $0x8  }
.LBB2_4:
0x16: {  	_ =	swait.ge [sflag:s1], $0x2000  }
0x17: {  	[sflag:s1] =	ssyncset.done $0x0  }
0x18: {  	[sflag:s1] =	ssyncadd.s32 $0xFFFFE000  }
0x19: {  	_ =	swait.ge [sflag:s19], $0x40  }
0x1a: {  	[sflag:s19] =	ssyncset.done $0x0  }
0x1b: {  	[sflag:s19] =	ssyncadd.s32 $0xFFFFFFC0  }
0x1c: {  	[spmem:s2] =	stream.indirect.scatter.add.f32 [tilespmem:s26], [sflag:$0x9], $0x80, s28, s16, $0xb8;
	[tilespmem:$0x1E600] =	vst v63  }
0x1d: {  	_ =	swait.ge [sflag:s12], $0x2000  }
0x1e: {  	[sflag:s12] =	ssyncset.done $0x0  }
0x1f: {  	[sflag:s12] =	ssyncadd.s32 $0xFFFFE000  }
0x20: {  	[bflag:$0x0] =	sbarrier.arrive $0xFFFF  }
0x21: {  	[hbm:s24], [sflag:s14] =	dma.local [spmem:s15], $0x2780  }
0x22: {  	_ =	swait.ge [sflag:s12], $0x2780  }
0x23: {  	s20 =	sadd.s32 $0x1, s20;
	s4 =	rddreg [dreg:$0x7]  }
0x24: {  	p0 =	sne.s32 s20, s4  }
.Ltmp1:
0x25: {  	_ = 	snop;
	(pc) =	sbr.rel @!p0 .LBB2_5-.Ltmp1, $3  }
0x26: {  	[sflag:s12] =	ssyncset.done $0x0  }
0x27: {  	[sflag:s12] =	ssyncadd.s32 $0xFFFFD880  }
0x28: {  	[bflag:$0x0] =	sbarrier.arrive $0xFFFF;
	_ =	sdelay $0x1  }
.LBB2_1:
0x29: {  	s4 =	rddreg [dreg:$0x3]  }
0x2a: {  	[tilespmem:s3], [sflag:$0x9] =	stream.linear.gather [hbm4b:s4+s3], $0x2800, $0x38;
	[tilespmem:$0x1E600] =	vst v63  }
0x2b: {  	_ =	swait.ge [sflag:s12], $0x2800  }
0x2c: {  	[sflag:s12] =	ssyncset.done $0x0  }
0x2d: {  	[sflag:s12] =	ssyncadd.s32 $0xFFFFD800  }
0x2e: {  	[spmem:s15], [sflag:s14] =	dma.local [hbm:s13], $0x2780  }
0x2f: {  	_ =	swait.ge [sflag:s12], $0x2780  }
0x30: {  	[sflag:s12] =	ssyncset.done $0x0  }
0x31: {  	[sflag:s12] =	ssyncadd.s32 $0xFFFFD880  }
0x32: {  	[bflag:$0x0] =	sbarrier.arrive $0xFFFF  }
0x33: {  	[tilespmem:s17], [sflag:$0x1] =	stream.indirect.gather [hbm4b:s6+s16], $0x80, s3, s16, $0xb8;
	[tilespmem:$0x1E600] =	vst v63  }
0x34: {  	_ = 	snop  }
0x35: {  	[tilespmem:s18], [sflag:$0x5] =	stream.linear.gather [hbm4b:s5+s3], $0x40, $0x38;
	[tilespmem:$0x1E600] =	vst v63  }
0x36: {  	s8 =	simm.s32 $0x4A00  }
0x37: {  	[tilespmem:s8], [sflag:$0x2] =	stream.indirect.gather [hbm4b:s6+s16], $0x80, s16, s16, $0xb8;
	[tilespmem:$0x1E600] =	vst v63  }
0x38: {  	s7 =	simm.s32 $0x2880;
	s9 =	rddreg [dreg:$0x4]  }
0x39: {  	[tilespmem:s7], [sflag:$0x6] =	stream.linear.gather [hbm4b:s9+s3], $0x40, $0x38;
	[tilespmem:$0x1E600] =	vst v63  }
0x3a: {  	s10 =	simm.s32 $0x80  }
0x3b: {  	[tilespmem:s22], [sflag:$0x3] =	stream.indirect.gather [hbm4b:s6+s16], $0x80, s10, s16, $0xb8;
	[tilespmem:$0x1E600] =	vst v63  }
0x3c: {  	s11 =	rddreg [dreg:$0x5]  }
0x3d: {  	[tilespmem:s23], [sflag:$0x7] =	stream.linear.gather [hbm4b:s11+s3], $0x40, $0x38;
	[tilespmem:$0x1E600] =	vst v63  }
0x3e: {  	s21 =	simm.s32 $0xC0  }
0x3f: {  	[tilespmem:s26], [sflag:$0x4] =	stream.indirect.gather [hbm4b:s6+s16], $0x80, s21, s16, $0xb8;
	[tilespmem:$0x1E600] =	vst v63  }
0x40: {  	s25 =	rddreg [dreg:$0x6]  }
0x41: {  	[tilespmem:s28], [sflag:$0x8] =	stream.linear.gather [hbm4b:s25+s3], $0x40, $0x38;
	[tilespmem:$0x1E600] =	vst v63  }
0x42: {  	s11 =	rddreg [dreg:$0x8];
	s25 =	simm.s32 $0x0  }
.LBB2_2:
0x43: {  	_ =	swait.ge [sflag:s29], $0x2000  }
0x44: {  	[sflag:s29] =	ssyncset.done $0x0  }
0x45: {  	[sflag:s29] =	ssyncadd.s32 $0xFFFFE000  }
0x46: {  	_ =	swait.ge [sflag:s30], $0x40  }
0x47: {  	[sflag:s30] =	ssyncset.done $0x0  }
0x48: {  	[sflag:s30] =	ssyncadd.s32 $0xFFFFFFC0  }
0x49: {  	[spmem:s2] =	stream.indirect.scatter.add.f32 [tilespmem:s17], [sflag:$0x9], $0x80, s18, s16, $0xb8;
	[tilespmem:$0x1E600] =	vst v63  }
0x4a: {  	_ =	swait.ge [sflag:s12], $0x2000  }
0x4b: {  	p0 =	seq.s32 s25, $0x9C00;
	[sflag:s12] =	ssyncset.done $0x0  }
0x4c: {  	s4 =	simm.s32 @p0 $0x2;
	[sflag:s12] =	ssyncadd.s32 $0xFFFFE000  }
0x4d: {  	_ =	swait.ge @p0 [sflag:s4], $0x2000  }
0x4e: {  	[sflag:s4] =	ssyncset.done @p0 $0x0  }
0x4f: {  	[sflag:s4] =	ssyncadd.s32 @p0 $0xFFFFE000;
	s4 =	simm.s32 @p0 $0x6  }
0x50: {  	_ =	swait.ge @p0 [sflag:s4], $0x40  }
0x51: {  	s7 =	simm.s32 @p0 $0x2880;
	[sflag:s4] =	ssyncset.done @p0 $0x0  }
0x52: {  	s8 =	simm.s32 @p0 $0x4A00;
	[sflag:s4] =	ssyncadd.s32 @p0 $0xFFFFFFC0;
	s4 =	simm.s32 @p0 $0x40  }
0x53: {  	[spmem:s2] =	stream.indirect.scatter.add.f32 @p0 [tilespmem:s8], [sflag:$0x9], $0x80, s7, s4, $0xb8;
	[tilespmem:$0x1E600] =	vst v63  }
0x54: {  	s4 =	simm.s32 @p0 $0x9  }
0x55: {  	_ =	swait.ge @p0 [sflag:s4], $0x2000  }
0x56: {  	[sflag:s4] =	ssyncset.done @p0 $0x0  }
0x57: {  	[sflag:s4] =	ssyncadd.s32 @p0 $0xFFFFE000;
	s4 =	sshra.s32 @!p0 s25, $0x2  }
0x58: {  	s9 =	simm.s32 @!p0 $0x2A00;
	s8 =	simm.s32 @!p0 $0x40;
	s7 =	sadd.s32 @!p0 $0x100, s4  }
0x59: {  	[tilespmem:s9], [sflag:$0x1] =	stream.indirect.gather @!p0 [hbm4b:s6+s8], $0x80, s7, s8, $0xb8;
	[tilespmem:$0x1E600] =	vst v63  }
0x5a: {  	s7 =	simm.s32 @!p0 $0x0;
	s9 =	simm.s32 @!p0 $0x2800  }
0x5b: {  	[tilespmem:s9], [sflag:$0x5] =	stream.linear.gather @!p0 [hbm4b:s11+s7], $0x40, $0x38;
	[tilespmem:$0x1E600] =	vst v63  }
0x5c: {  	s9 =	simm.s32 @!p0 $0x2  }
0x5d: {  	_ =	swait.ge @!p0 [sflag:s9], $0x2000  }
0x5e: {  	[sflag:s9] =	ssyncset.done @!p0 $0x0  }
0x5f: {  	[sflag:s9] =	ssyncadd.s32 @!p0 $0xFFFFE000;
	s9 =	simm.s32 @!p0 $0x6  }
0x60: {  	_ =	swait.ge @!p0 [sflag:s9], $0x40  }
0x61: {  	s10 =	simm.s32 @!p0 $0x4A00;
	[sflag:s9] =	ssyncset.done @!p0 $0x0  }
0x62: {  	s21 =	simm.s32 @!p0 $0x9;
	[sflag:s9] =	ssyncadd.s32 @!p0 $0xFFFFFFC0;
	s9 =	simm.s32 @!p0 $0x2880  }
0x63: {  	[spmem:s2] =	stream.indirect.scatter.add.f32 @!p0 [tilespmem:s10], [sflag:$0x9], $0x80, s9, s8, $0xb8;
	[tilespmem:$0x1E600] =	vst v63  }
0x64: {  	_ =	swait.ge @!p0 [sflag:s21], $0x2000  }
0x65: {  	[sflag:s21] =	ssyncset.done @!p0 $0x0  }
0x66: {  	s4 =	sadd.s32 @!p0 $0x140, s4;
	[sflag:s21] =	ssyncadd.s32 @!p0 $0xFFFFE000  }
0x67: {  	[tilespmem:s10], [sflag:$0x2] =	stream.indirect.gather @!p0 [hbm4b:s6+s8], $0x80, s4, s8, $0xb8;
	[tilespmem:$0x1E600] =	vst v63  }
0x68: {  	s4 =	sadd.s32 @!p0 $0x8, s11  }
0x69: {  	[tilespmem:s9], [sflag:$0x6] =	stream.linear.gather @!p0 [hbm4b:s4+s7], $0x40, $0x38;
	[tilespmem:$0x1E600] =	vst v63  }
0x6a: {  	_ =	swait.ge [sflag:s31], $0x2000  }
0x6b: {  	[sflag:s31] =	ssyncset.done $0x0  }
0x6c: {  	[sflag:s31] =	ssyncadd.s32 $0xFFFFE000  }
0x6d: {  	_ =	swait.ge [sflag:s0], $0x40  }
0x6e: {  	[sflag:s0] =	ssyncset.done $0x0  }
.Ltmp2:
0x6f: {  	[sflag:s0] =	ssyncadd.s32 $0xFFFFFFC0;
	(pc) =	sbr.rel @p0 .LBB2_4-.Ltmp2, $4  }
0x70: {  	[spmem:s2] =	stream.indirect.scatter.add.f32 [tilespmem:s22], [sflag:$0x9], $0x80, s23, s16, $0xb8;
	[tilespmem:$0x1E600] =	vst v63  }
0x71: {  	_ =	swait.ge [sflag:s12], $0x2000  }
0x72: {  	[sflag:s12] =	ssyncset.done $0x0  }
0x73: {  	[sflag:s12] =	ssyncadd.s32 $0xFFFFE000  }
0x74: {  	s4 =	sshra.s32 s25, $0x2  }
0x75: {  	s7 =	sadd.s32 $0x180, s4  }
0x76: {  	[tilespmem:s22], [sflag:$0x3] =	stream.indirect.gather [hbm4b:s6+s16], $0x80, s7, s16, $0xb8;
	[tilespmem:$0x1E600] =	vst v63  }
0x77: {  	s10 =	sadd.s32 $0x10, s11  }
0x78: {  	[tilespmem:s23], [sflag:$0x7] =	stream.linear.gather [hbm4b:s10+s3], $0x40, $0x38;
	[tilespmem:$0x1E600] =	vst v63  }
0x79: {  	_ =	swait.ge [sflag:s1], $0x2000  }
0x7a: {  	[sflag:s1] =	ssyncset.done $0x0  }
0x7b: {  	[sflag:s1] =	ssyncadd.s32 $0xFFFFE000  }
0x7c: {  	_ =	swait.ge [sflag:s19], $0x40  }
0x7d: {  	[sflag:s19] =	ssyncset.done $0x0  }
0x7e: {  	[sflag:s19] =	ssyncadd.s32 $0xFFFFFFC0  }
0x7f: {  	[spmem:s2] =	stream.indirect.scatter.add.f32 [tilespmem:s26], [sflag:$0x9], $0x80, s28, s16, $0xb8;
	[tilespmem:$0x1E600] =	vst v63  }
0x80: {  	_ =	swait.ge [sflag:s12], $0x2000  }
.Ltmp3:
0x81: {  	[sflag:s12] =	ssyncset.done $0x0;
	(pc) =	sbr.rel .LBB2_2-.Ltmp3, $4  }
0x82: {  	s4 =	sadd.s32 $0x1C0, s4;
	[sflag:s12] =	ssyncadd.s32 $0xFFFFE000  }
0x83: {  	[tilespmem:s26], [sflag:$0x4] =	stream.indirect.gather [hbm4b:s6+s16], $0x80, s4, s16, $0xb8;
	[tilespmem:$0x1E600] =	vst v63  }
0x84: {  	s21 =	sadd.s32 $0x18, s11;
	s25 =	sadd.s32 $0x400, s25;
	s11 =	sadd.s32 $0x20, s11  }
0x85: {  	[tilespmem:s28], [sflag:$0x8] =	stream.linear.gather [hbm4b:s21+s3], $0x40, $0x38;
	[tilespmem:$0x1E600] =	vst v63  }
.LBB2_5:
0x86: {  	_ =	sfence.sel $0x180000  }
0x87: {  	[bflag:$0x0] =	sbarrier.arrive $0xFFFF  }
0x88: {  	_ =	strace $0x90000053  }
0x89: {  	s0 =	stileid.u32;
	[bflag:$0x2] =	sbarrier.arrive $0xFFFF  }
0x8a: {  	p0 =	sne.s32 s0, $0x0;
	s0 =	rddreg [dreg:$0x2]  }
0x8b: {  	s0 =	sadd.s32 @!p0 $0x100000, s0  }
0x8c: {  	[sflag:s0] =	ssyncadd.tile.s32 @!p0 $0x1;
	_ =	shalt  }
.Lfunc_end2:
_tile_overlayer_lowered:
.L_overlay_start_2:
0x8d: {  	(tag) =	ssettag $0x2  }
0x8e: {  	s0 =	rddreg [dreg:$0x0];
	s2 =	stileid.u32  }
0x8f: {  	s1 =	rddreg [dreg:$0x1];
	p0 =	sne.s32 s2, $0x0  }
0x90: {  	s3 =	rddreg [dreg:$0x2];
	[bflag:$0x3] =	sbarrier.arrive $0xFFFF;
	s2 =	simm.s32 @!p0 $0x1C09  }
0x91: {  	[timem:s3], [sflag:s2] =	dma.local @!p0 [hbm:s0], s1  }
0x92: {  	s0 =	simm.s32 @!p0 $0x9  }
0x93: {  	_ =	swait.ge @!p0 [sflag:s0], s1  }
0x94: {  	s1 =	ssub.s32 @!p0 $0x0, s1;
	[sflag:s0] =	ssyncset.done @!p0 $0x0  }
0x95: {  	[sflag:s0] =	ssyncadd.s32 @!p0 s1  }
0x96: {  	[bflag:$0x3] =	sbarrier.arrive $0xFFFF  }
0x97: {  	_ =	shalt  }

</sc_bundles>
